<compile_context>
chip_gen: v7x
topology: tpu7x:2x2x1
jax: 0.10.2.dev20260603
libtpu: 0.0.44.dev20260713+nightly
codegen_flags: <defaults>
</compile_context>

<pallas_src>
import functools

import jax
import jax.numpy as jnp
from jax import lax
from jax.experimental import pallas as pl
from jax.experimental.pallas import tpu as pltpu
from jax.experimental.pallas import tpu_sc as plsc

N_NODES = 10000
N_EDGES = 320000
D = 128
D_EDGE = 16

NC = 2
NS = 16
NW = NC * NS
CH = 128
NCH = 80
EPW = NCH * CH
E_PAD = NW * EPW
NBUF = 4
GBUF = 5
N_PAD = 10240

_mesh = plsc.VectorSubcoreMesh(
    core_axis_name="c", subcore_axis_name="s", num_cores=NC, num_subcores=NS)


@functools.partial(
    pl.kernel,
    out_type=jax.ShapeDtypeStruct((E_PAD, D), jnp.float32),
    mesh=_mesh,
    scratch_types=[pltpu.VMEM((NCH, CH), jnp.int32),
                   pltpu.VMEM((GBUF, CH, D), jnp.float32)]
                  + [pltpu.SemaphoreType.DMA] * (2 * GBUF),
)
def _sc_gather(p_hbm, idx_hbm, out_hbm, idx_v, rows_v, *sems):
    gsems = sems[:GBUF]
    wsems = sems[GBUF:]
    cid = lax.axis_index("c")
    sid = lax.axis_index("s")
    wid = sid * NC + cid
    base = wid * EPW
    pltpu.sync_copy(idx_hbm.at[pl.ds(wid * NCH, NCH)], idx_v)

    for b in range(GBUF):
        pltpu.async_copy(p_hbm.at[idx_v.at[b]], rows_v.at[b], gsems[b])

    @pl.loop(0, NCH, step=GBUF)
    def _group(t):
        for b in range(GBUF):
            pltpu.make_async_copy(
                p_hbm.at[idx_v.at[0]], rows_v.at[b], gsems[b]).wait()
            pltpu.async_copy(
                rows_v.at[b], out_hbm.at[pl.ds(base + (t + b) * CH, CH)],
                wsems[b])
        for b in range(GBUF):
            @pl.when(t + b + GBUF < NCH)
            def _(b=b):
                pltpu.make_async_copy(
                    rows_v.at[b], out_hbm.at[pl.ds(0, CH)], wsems[b]).wait()
                pltpu.async_copy(
                    p_hbm.at[idx_v.at[t + b + GBUF]], rows_v.at[b], gsems[b])

    for b in range(GBUF):
        pltpu.make_async_copy(
            rows_v.at[b], out_hbm.at[pl.ds(0, CH)], wsems[b]).wait()


HALF = N_PAD // NC
ZR = HALF // NS


@functools.partial(
    pl.kernel,
    out_type=jax.ShapeDtypeStruct((N_PAD, D), jnp.float32),
    mesh=_mesh,
    scratch_types=[pltpu.VMEM((NC * NCH, CH), jnp.int32)]
                  + [pltpu.VMEM((CH, D), jnp.float32)] * NBUF
                  + [pltpu.VMEM((CH,), jnp.int32)] * NBUF
                  + [pltpu.VMEM_SHARED((HALF + 8, D), jnp.float32)]
                  + [pltpu.SemaphoreType.DMA] * (NBUF + 1),
)
def _sc_scatter(msg_hbm, idx_hbm, out_hbm, idx_v, *scratch):
    rows = scratch[:NBUF]
    widx = scratch[NBUF:2 * NBUF]
    agg_sh = scratch[2 * NBUF]
    lsems = scratch[2 * NBUF + 1:]
    cid = lax.axis_index("c")
    sid = lax.axis_index("s")
    lo = cid * HALF
    pltpu.async_copy(msg_hbm.at[pl.ds(N_EDGES, ZR)],
                     agg_sh.at[pl.ds(sid * ZR, ZR)], lsems[0]).wait()

    @pl.when(sid == 0)
    def _():
        pltpu.async_copy(msg_hbm.at[pl.ds(N_EDGES, 8)],
                         agg_sh.at[pl.ds(HALF, 8)], lsems[0]).wait()

    pltpu.async_copy(idx_hbm.at[pl.ds(sid * NC * NCH, NC * NCH)], idx_v,
                     lsems[0]).wait()
    plsc.subcore_barrier()

    for k in range(NC):
        base = (sid * NC + k) * EPW

        @pl.loop(0, NCH, step=NBUF)
        def _group(t, k=k, base=base):
            descs = []
            for b in range(NBUF):
                descs.append(pltpu.async_copy(
                    msg_hbm.at[pl.ds(base + (t + b) * CH, CH)],
                    rows[b], lsems[b]))
            for b in range(NBUF):
                r = k * NCH + t + b
                for j in range(CH // 16):
                    v = idx_v[r, pl.ds(j * 16, 16)] - lo
                    ok = jnp.logical_and(v >= 0, v < HALF)
                    widx[b][pl.ds(j * 16, 16)] = jnp.where(ok, v, HALF)
                descs[b].wait()
                pltpu.sync_copy(rows[b], agg_sh.at[widx[b]], add=True)

    plsc.subcore_barrier()
    pltpu.async_copy(agg_sh.at[pl.ds(sid * ZR, ZR)],
                     out_hbm.at[pl.ds(cid * HALF + sid * ZR, ZR)],
                     lsems[0]).wait()


_RB = 1000
_NBLK = N_NODES // _RB
_RBE = 2560
_NBLK_E = E_PAD // _RBE
_NBLK_REAL = N_EDGES // _RBE


def _stage_a_body(x_ref, w1_ref, b1_ref, a1_ref, h_ref, p_ref):
    h = jax.nn.gelu(
        jnp.dot(x_ref[...], w1_ref[...], preferred_element_type=jnp.float32)
        + b1_ref[...])
    h_ref[...] = h
    p_ref[...] = jnp.dot(h, a1_ref[...], preferred_element_type=jnp.float32)


def _stage_a(x, W1, b1, A1):
    return pl.pallas_call(
        _stage_a_body,
        grid=(_NBLK,),
        in_specs=[pl.BlockSpec((_RB, D), lambda i: (i, 0)),
                  pl.BlockSpec((D, D), lambda i: (0, 0)),
                  pl.BlockSpec((1, D), lambda i: (0, 0)),
                  pl.BlockSpec((D, D), lambda i: (0, 0))],
        out_specs=[pl.BlockSpec((_RB, D), lambda i: (i, 0)),
                   pl.BlockSpec((_RB, D), lambda i: (i, 0))],
        out_shape=[jax.ShapeDtypeStruct((N_NODES, D), jnp.float32),
                   jax.ShapeDtypeStruct((N_NODES, D), jnp.float32)],
    )(x, W1, b1.reshape(1, D), A1)


def _stage_b_body(g_ref, e_ref, bmat_ref, bm_ref, out_ref):
    i = pl.program_id(0)
    q = jnp.dot(e_ref[...], bmat_ref[...],
                preferred_element_type=jnp.float32) + bm_ref[...]
    m = jax.nn.gelu(g_ref[...] + q)
    out_ref[...] = jnp.where(i < _NBLK_REAL, m, 0.0)


def _stage_b(g, e_pad, Bm, bm):
    return pl.pallas_call(
        _stage_b_body,
        grid=(_NBLK_E,),
        in_specs=[pl.BlockSpec((_RBE, D), lambda i: (i, 0)),
                  pl.BlockSpec((_RBE, D_EDGE), lambda i: (i, 0)),
                  pl.BlockSpec((D_EDGE, D), lambda i: (0, 0)),
                  pl.BlockSpec((1, D), lambda i: (0, 0))],
        out_specs=pl.BlockSpec((_RBE, D), lambda i: (i, 0)),
        out_shape=jax.ShapeDtypeStruct((E_PAD, D), jnp.float32),
    )(g, e_pad, Bm, bm.reshape(1, D))


def _stage_c1_body(h_ref, part_ref, a2_ref, h1_ref, p2_ref):
    h1 = h_ref[...] + part_ref[...]
    h1_ref[...] = h1
    p2_ref[...] = jnp.dot(h1, a2_ref[...], preferred_element_type=jnp.float32)


def _stage_c1(h0, part, A2):
    return pl.pallas_call(
        _stage_c1_body,
        grid=(_NBLK,),
        in_specs=[pl.BlockSpec((_RB, D), lambda i: (i, 0)),
                  pl.BlockSpec((_RB, D), lambda i: (i, 0)),
                  pl.BlockSpec((D, D), lambda i: (0, 0))],
        out_specs=[pl.BlockSpec((_RB, D), lambda i: (i, 0)),
                   pl.BlockSpec((_RB, D), lambda i: (i, 0))],
        out_shape=[jax.ShapeDtypeStruct((N_NODES, D), jnp.float32),
                   jax.ShapeDtypeStruct((N_NODES, D), jnp.float32)],
    )(h0, part, A2)


def _stage_c2_body(x_ref, h1_ref, part_ref, w2_ref, b2_ref, out_ref):
    h2 = h1_ref[...] + part_ref[...]
    out_ref[...] = (x_ref[...]
                    + jnp.dot(h2, w2_ref[...],
                              preferred_element_type=jnp.float32)
                    + b2_ref[...])


def _stage_c2(x, h1, part, W2, b2):
    return pl.pallas_call(
        _stage_c2_body,
        grid=(_NBLK,),
        in_specs=[pl.BlockSpec((_RB, D), lambda i: (i, 0)),
                  pl.BlockSpec((_RB, D), lambda i: (i, 0)),
                  pl.BlockSpec((_RB, D), lambda i: (i, 0)),
                  pl.BlockSpec((D, D), lambda i: (0, 0)),
                  pl.BlockSpec((1, D), lambda i: (0, 0))],
        out_specs=pl.BlockSpec((_RB, D), lambda i: (i, 0)),
        out_shape=jax.ShapeDtypeStruct((N_NODES, D), jnp.float32),
    )(x, h1, part, W2, b2.reshape(1, D))


def kernel(x, edge_index, edge_features, W1, b1, Wm1, bm1, Wm2, bm2, W2, b2):
    pad = E_PAD - N_EDGES
    src = jnp.pad(edge_index[0].astype(jnp.int32), (0, pad))
    dst = jnp.pad(edge_index[1].astype(jnp.int32), (0, pad))
    src_r = src.reshape(NW * NCH, CH)
    dst_r = dst.reshape(NW * NCH, CH)
    e_pad = jnp.pad(edge_features, ((0, pad), (0, 0)))

    A1, B1 = Wm1[:D, :], Wm1[D:, :]
    A2, B2 = Wm2[:D, :], Wm2[D:, :]

    h0, p1 = _stage_a(x, W1, b1, A1)
    g1 = _sc_gather(p1, src_r)
    msg1 = _stage_b(g1, e_pad, B1, bm1)
    part1 = _sc_scatter(msg1, dst_r)
    h1, p2 = _stage_c1(h0, part1, A2)
    g2 = _sc_gather(p2, src_r)
    msg2 = _stage_b(g2, e_pad, B2, bm2)
    part2 = _sc_scatter(msg2, dst_r)
    return _stage_c2(x, h1, part2, W2, b2)

# --- scband reference (transcript-rebuilt; emitter-appended) ---
"""Pipeline reference for scband-res-block-2327872274545 (READ-ONLY COPY).

The authoritative reference and input builder live on the scoring server;
editing this copy changes nothing except your own understanding.
"""

import jax, jax.numpy as jnp
import numpy as np

N_NODES = 10000
N_EDGES = 320000
D_FEAT = 128
D_HID = 128
D_EDGE = 16


def setup_inputs(seed: int = 0) -> dict:
    key = jax.random.key(seed)
    ks = jax.random.split(key, 12)
    x = jax.random.normal(ks[0], (N_NODES, D_FEAT), dtype=jnp.float32)
    edge_index = jax.random.randint(ks[1], (2, N_EDGES), 0, N_NODES, dtype=jnp.int64)
    edge_features = jax.random.normal(ks[2], (N_EDGES, D_EDGE), dtype=jnp.float32)
    s1 = 1.0 / np.sqrt(D_FEAT)
    sm = 1.0 / np.sqrt(D_HID + D_EDGE)
    s2 = 1.0 / np.sqrt(D_HID)
    W1 = jax.random.uniform(ks[3], (D_FEAT, D_HID), jnp.float32, -s1, s1)
    b1 = jax.random.uniform(ks[4], (D_HID,), jnp.float32, -s1, s1)
    Wm1 = jax.random.uniform(ks[5], (D_HID + D_EDGE, D_HID), jnp.float32, -sm, sm)
    bm1 = jax.random.uniform(ks[6], (D_HID,), jnp.float32, -sm, sm)
    Wm2 = jax.random.uniform(ks[7], (D_HID + D_EDGE, D_HID), jnp.float32, -sm, sm)
    bm2 = jax.random.uniform(ks[8], (D_HID,), jnp.float32, -sm, sm)
    W2 = jax.random.uniform(ks[9], (D_HID, D_FEAT), jnp.float32, -s2, s2)
    b2 = jax.random.uniform(ks[10], (D_FEAT,), jnp.float32, -s2, s2)
    return {"x": x, "edge_index": edge_index, "edge_features": edge_features,
            "W1": W1, "b1": b1, "Wm1": Wm1, "bm1": bm1,
            "Wm2": Wm2, "bm2": bm2, "W2": W2, "b2": b2}


def _message_passing(h, edge_index, edge_features, W, b):
    src = edge_index[0]
    dst = edge_index[1]
    h_src = jnp.take(h, src, axis=0)
    msg_in = jnp.concatenate([h_src, edge_features], axis=-1)
    msg = jax.nn.gelu(msg_in @ W + b)
    agg = jax.ops.segment_sum(msg, dst, num_segments=N_NODES)
    return h + agg


def reference(x, edge_index, edge_features, W1, b1, Wm1, bm1, Wm2, bm2, W2, b2):
    residual = x
    h = jax.nn.gelu(x @ W1 + b1)
    h = _message_passing(h, edge_index, edge_features, Wm1, bm1)
    h = _message_passing(h, edge_index, edge_features, Wm2, bm2)
    return residual + h @ W2 + b2

if __name__ == "__main__":
    import jax
    _d = setup_inputs()
    print(jax.jit(kernel)(*tuple(_d.values())))

</pallas_src>

<mosaic_0001>
#map = affine_map<(d0, d1) -> (0, 0)>
module attributes {stable_mosaic.version = 14 : i64} {
  func.func @_sc_gather(%arg0: i32, %arg1: i32, %arg2: memref<10000x128xf32, #tpu.memory_space<hbm>>, %arg3: memref<2560x128xi32, #tpu.memory_space<hbm>>, %arg4: memref<327680x128xf32, #tpu.memory_space<hbm>>, %arg5: memref<80x128xi32, #tpu.memory_space<vmem>>, %arg6: memref<5x128x128xf32, #tpu.memory_space<vmem>>, %arg7: memref<!tpu.dma_semaphore, #tpu.memory_space<semaphore_mem>>, %arg8: memref<!tpu.dma_semaphore, #tpu.memory_space<semaphore_mem>>, %arg9: memref<!tpu.dma_semaphore, #tpu.memory_space<semaphore_mem>>, %arg10: memref<!tpu.dma_semaphore, #tpu.memory_space<semaphore_mem>>, %arg11: memref<!tpu.dma_semaphore, #tpu.memory_space<semaphore_mem>>, %arg12: memref<!tpu.dma_semaphore, #tpu.memory_space<semaphore_mem>>, %arg13: memref<!tpu.dma_semaphore, #tpu.memory_space<semaphore_mem>>, %arg14: memref<!tpu.dma_semaphore, #tpu.memory_space<semaphore_mem>>, %arg15: memref<!tpu.dma_semaphore, #tpu.memory_space<semaphore_mem>>, %arg16: memref<!tpu.dma_semaphore, #tpu.memory_space<semaphore_mem>>) attributes {dimension_semantics = [#tpu.dimension_semantics<core_parallel>, #tpu.dimension_semantics<subcore_parallel>], iteration_bounds = array<i64: 2, 16>, scalar_prefetch = 0 : i64, scratch_operands = 12 : i64, tpu.core_type = #tpu.core_type<sc_vector_subcore>, window_params = [{transform_indices = #map}, {transform_indices = #map}, {transform_indices = #map}]} {
    %mul3A = arith.constant 2 : i32
    %mul3A_0 = arith.muli %arg1, %mul3A : i32
    %add3A = arith.addi %mul3A_0, %arg0 : i32
    %mul3A_1 = arith.constant 10240 : i32
    %mul3A_2 = arith.muli %add3A, %mul3A_1 : i32
    %mul3A_3 = arith.constant 80 : i32
    %mul3A_4 = arith.muli %add3A, %mul3A_3 : i32
    "tpu.region"() ({
      %run_scoped3A = tpu.sem_alloc : memref<!tpu.dma_semaphore, #tpu.memory_space<semaphore_mem>>
      %dma_start3A_142 = arith.constant 0 : i32
      %dma_start3A_143 = tpu.memref_slice %arg3[%mul3A_4, %dma_start3A_142] : memref<2560x128xi32, #tpu.memory_space<hbm>> -> memref<80x128xi32, #tpu.memory_space<hbm>>
      %dma_start3A_144 = arith.constant 0 : i32
      %dma_start3A_145 = tpu.memref_slice %arg3[%mul3A_4, %dma_start3A_144] : memref<2560x128xi32, #tpu.memory_space<hbm>> -> memref<80x128xi32, #tpu.memory_space<hbm>>
      tpu.enqueue_dma source(%dma_start3A_145 : memref<80x128xi32, #tpu.memory_space<hbm>>) target(%arg5 : memref<80x128xi32, #tpu.memory_space<vmem>>) target_semaphore(%run_scoped3A : memref<!tpu.dma_semaphore, #tpu.memory_space<semaphore_mem>>)
      %dma_wait3A_146 = arith.constant 0 : i32
      %dma_wait3A_147 = tpu.memref_slice %arg3[%mul3A_4, %dma_wait3A_146] : memref<2560x128xi32, #tpu.memory_space<hbm>> -> memref<80x128xi32, #tpu.memory_space<hbm>>
      %dma_wait3A_148 = arith.constant 0 : i32
      %dma_wait3A_149 = tpu.memref_slice %arg3[%mul3A_4, %dma_wait3A_148] : memref<2560x128xi32, #tpu.memory_space<hbm>> -> memref<80x128xi32, #tpu.memory_space<hbm>>
      tpu.wait_dma2 semaphore(%run_scoped3A : memref<!tpu.dma_semaphore, #tpu.memory_space<semaphore_mem>>) src(%dma_wait3A_149 : memref<80x128xi32, #tpu.memory_space<hbm>>) dst(%arg5 : memref<80x128xi32, #tpu.memory_space<vmem>>)
      tpu.yield
    }) : () -> ()
    %dma_start3A = arith.constant 0 : i32
    %dma_start3A_5 = arith.constant 0 : i32
    %dma_start3A_6 = arith.constant 0 : i32
    %dma_start3A_7 = arith.constant 0 : i32
    %dma_start3A_8 = tpu.memref_slice %arg6[%dma_start3A_5, %dma_start3A_6, %dma_start3A_7] : memref<5x128x128xf32, #tpu.memory_space<vmem>> -> memref<1x128x128xf32, #tpu.memory_space<vmem>>
    %dma_start3A_9 = tpu.memref_squeeze %dma_start3A_8 : memref<1x128x128xf32, #tpu.memory_space<vmem>> -> memref<128x128xf32, #tpu.memory_space<vmem>>
    %dma_start3A_10 = arith.constant 0 : i32
    %dma_start3A_11 = tpu.memref_slice %arg5[%dma_start3A, %dma_start3A_10] : memref<80x128xi32, #tpu.memory_space<vmem>> -> memref<1x128xi32, #tpu.memory_space<vmem>>
    %dma_start3A_12 = tpu.memref_squeeze %dma_start3A_11 : memref<1x128xi32, #tpu.memory_space<vmem>> -> memref<128xi32, #tpu.memory_space<vmem>>
    %dma_start3A_13 = arith.constant 0 : i32
    %dma_start3A_14 = arith.constant 0 : i32
    %dma_start3A_15 = tpu.memref_slice %arg2[%dma_start3A_13, %dma_start3A_14] : memref<10000x128xf32, #tpu.memory_space<hbm>> -> memref<10000x128xf32, #tpu.memory_space<hbm>>
    tpu.enqueue_indirect_dma source(%dma_start3A_15 : memref<10000x128xf32, #tpu.memory_space<hbm>>) target(%dma_start3A_9 : memref<128x128xf32, #tpu.memory_space<vmem>>) offsets(%dma_start3A_12 : memref<128xi32, #tpu.memory_space<vmem>>) semaphore(%arg7 : memref<!tpu.dma_semaphore, #tpu.memory_space<semaphore_mem>>)
    %dma_start3A_16 = arith.constant 1 : i32
    %dma_start3A_17 = arith.constant 1 : i32
    %dma_start3A_18 = arith.constant 0 : i32
    %dma_start3A_19 = arith.constant 0 : i32
    %dma_start3A_20 = tpu.memref_slice %arg6[%dma_start3A_17, %dma_start3A_18, %dma_start3A_19] : memref<5x128x128xf32, #tpu.memory_space<vmem>> -> memref<1x128x128xf32, #tpu.memory_space<vmem>>
    %dma_start3A_21 = tpu.memref_squeeze %dma_start3A_20 : memref<1x128x128xf32, #tpu.memory_space<vmem>> -> memref<128x128xf32, #tpu.memory_space<vmem>>
    %dma_start3A_22 = arith.constant 0 : i32
    %dma_start3A_23 = tpu.memref_slice %arg5[%dma_start3A_16, %dma_start3A_22] : memref<80x128xi32, #tpu.memory_space<vmem>> -> memref<1x128xi32, #tpu.memory_space<vmem>>
    %dma_start3A_24 = tpu.memref_squeeze %dma_start3A_23 : memref<1x128xi32, #tpu.memory_space<vmem>> -> memref<128xi32, #tpu.memory_space<vmem>>
    %dma_start3A_25 = arith.constant 0 : i32
    %dma_start3A_26 = arith.constant 0 : i32
    %dma_start3A_27 = tpu.memref_slice %arg2[%dma_start3A_25, %dma_start3A_26] : memref<10000x128xf32, #tpu.memory_space<hbm>> -> memref<10000x128xf32, #tpu.memory_space<hbm>>
    tpu.enqueue_indirect_dma source(%dma_start3A_27 : memref<10000x128xf32, #tpu.memory_space<hbm>>) target(%dma_start3A_21 : memref<128x128xf32, #tpu.memory_space<vmem>>) offsets(%dma_start3A_24 : memref<128xi32, #tpu.memory_space<vmem>>) semaphore(%arg8 : memref<!tpu.dma_semaphore, #tpu.memory_space<semaphore_mem>>)
    %dma_start3A_28 = arith.constant 2 : i32
    %dma_start3A_29 = arith.constant 2 : i32
    %dma_start3A_30 = arith.constant 0 : i32
    %dma_start3A_31 = arith.constant 0 : i32
    %dma_start3A_32 = tpu.memref_slice %arg6[%dma_start3A_29, %dma_start3A_30, %dma_start3A_31] : memref<5x128x128xf32, #tpu.memory_space<vmem>> -> memref<1x128x128xf32, #tpu.memory_space<vmem>>
    %dma_start3A_33 = tpu.memref_squeeze %dma_start3A_32 : memref<1x128x128xf32, #tpu.memory_space<vmem>> -> memref<128x128xf32, #tpu.memory_space<vmem>>
    %dma_start3A_34 = arith.constant 0 : i32
    %dma_start3A_35 = tpu.memref_slice %arg5[%dma_start3A_28, %dma_start3A_34] : memref<80x128xi32, #tpu.memory_space<vmem>> -> memref<1x128xi32, #tpu.memory_space<vmem>>
    %dma_start3A_36 = tpu.memref_squeeze %dma_start3A_35 : memref<1x128xi32, #tpu.memory_space<vmem>> -> memref<128xi32, #tpu.memory_space<vmem>>
    %dma_start3A_37 = arith.constant 0 : i32
    %dma_start3A_38 = arith.constant 0 : i32
    %dma_start3A_39 = tpu.memref_slice %arg2[%dma_start3A_37, %dma_start3A_38] : memref<10000x128xf32, #tpu.memory_space<hbm>> -> memref<10000x128xf32, #tpu.memory_space<hbm>>
    tpu.enqueue_indirect_dma source(%dma_start3A_39 : memref<10000x128xf32, #tpu.memory_space<hbm>>) target(%dma_start3A_33 : memref<128x128xf32, #tpu.memory_space<vmem>>) offsets(%dma_start3A_36 : memref<128xi32, #tpu.memory_space<vmem>>) semaphore(%arg9 : memref<!tpu.dma_semaphore, #tpu.memory_space<semaphore_mem>>)
    %dma_start3A_40 = arith.constant 3 : i32
    %dma_start3A_41 = arith.constant 3 : i32
    %dma_start3A_42 = arith.constant 0 : i32
    %dma_start3A_43 = arith.constant 0 : i32
    %dma_start3A_44 = tpu.memref_slice %arg6[%dma_start3A_41, %dma_start3A_42, %dma_start3A_43] : memref<5x128x128xf32, #tpu.memory_space<vmem>> -> memref<1x128x128xf32, #tpu.memory_space<vmem>>
    %dma_start3A_45 = tpu.memref_squeeze %dma_start3A_44 : memref<1x128x128xf32, #tpu.memory_space<vmem>> -> memref<128x128xf32, #tpu.memory_space<vmem>>
    %dma_start3A_46 = arith.constant 0 : i32
    %dma_start3A_47 = tpu.memref_slice %arg5[%dma_start3A_40, %dma_start3A_46] : memref<80x128xi32, #tpu.memory_space<vmem>> -> memref<1x128xi32, #tpu.memory_space<vmem>>
    %dma_start3A_48 = tpu.memref_squeeze %dma_start3A_47 : memref<1x128xi32, #tpu.memory_space<vmem>> -> memref<128xi32, #tpu.memory_space<vmem>>
    %dma_start3A_49 = arith.constant 0 : i32
    %dma_start3A_50 = arith.constant 0 : i32
    %dma_start3A_51 = tpu.memref_slice %arg2[%dma_start3A_49, %dma_start3A_50] : memref<10000x128xf32, #tpu.memory_space<hbm>> -> memref<10000x128xf32, #tpu.memory_space<hbm>>
    tpu.enqueue_indirect_dma source(%dma_start3A_51 : memref<10000x128xf32, #tpu.memory_space<hbm>>) target(%dma_start3A_45 : memref<128x128xf32, #tpu.memory_space<vmem>>) offsets(%dma_start3A_48 : memref<128xi32, #tpu.memory_space<vmem>>) semaphore(%arg10 : memref<!tpu.dma_semaphore, #tpu.memory_space<semaphore_mem>>)
    %dma_start3A_52 = arith.constant 4 : i32
    %dma_start3A_53 = arith.constant 4 : i32
    %dma_start3A_54 = arith.constant 0 : i32
    %dma_start3A_55 = arith.constant 0 : i32
    %dma_start3A_56 = tpu.memref_slice %arg6[%dma_start3A_53, %dma_start3A_54, %dma_start3A_55] : memref<5x128x128xf32, #tpu.memory_space<vmem>> -> memref<1x128x128xf32, #tpu.memory_space<vmem>>
    %dma_start3A_57 = tpu.memref_squeeze %dma_start3A_56 : memref<1x128x128xf32, #tpu.memory_space<vmem>> -> memref<128x128xf32, #tpu.memory_space<vmem>>
    %dma_start3A_58 = arith.constant 0 : i32
    %dma_start3A_59 = tpu.memref_slice %arg5[%dma_start3A_52, %dma_start3A_58] : memref<80x128xi32, #tpu.memory_space<vmem>> -> memref<1x128xi32, #tpu.memory_space<vmem>>
    %dma_start3A_60 = tpu.memref_squeeze %dma_start3A_59 : memref<1x128xi32, #tpu.memory_space<vmem>> -> memref<128xi32, #tpu.memory_space<vmem>>
    %dma_start3A_61 = arith.constant 0 : i32
    %dma_start3A_62 = arith.constant 0 : i32
    %dma_start3A_63 = tpu.memref_slice %arg2[%dma_start3A_61, %dma_start3A_62] : memref<10000x128xf32, #tpu.memory_space<hbm>> -> memref<10000x128xf32, #tpu.memory_space<hbm>>
    tpu.enqueue_indirect_dma source(%dma_start3A_63 : memref<10000x128xf32, #tpu.memory_space<hbm>>) target(%dma_start3A_57 : memref<128x128xf32, #tpu.memory_space<vmem>>) offsets(%dma_start3A_60 : memref<128xi32, #tpu.memory_space<vmem>>) semaphore(%arg11 : memref<!tpu.dma_semaphore, #tpu.memory_space<semaphore_mem>>)
    %scan3A = arith.constant 0 : i32
    %scan3A_64 = arith.constant 16 : i32
    %scan3A_65 = arith.addi %scan3A, %scan3A_64 : i32
    %scan3A_66 = arith.constant 1 : i32
    scf.for %scan3A_142 = %scan3A to %scan3A_65 step %scan3A_66  : i32 {
      %mul3A_143 = arith.constant 5 : i32
      %mul3A_144 = arith.muli %scan3A_142, %mul3A_143 : i32
      %add3A_145 = arith.constant 0 : i32
      %add3A_146 = arith.addi %add3A_145, %mul3A_144 : i32
      %dma_wait3A_147 = arith.constant 0 : i32
      %dma_wait3A_148 = arith.constant 0 : i32
      %dma_wait3A_149 = arith.constant 0 : i32
      %dma_wait3A_150 = arith.constant 0 : i32
      %dma_wait3A_151 = tpu.memref_slice %arg6[%dma_wait3A_148, %dma_wait3A_149, %dma_wait3A_150] : memref<5x128x128xf32, #tpu.memory_space<vmem>> -> memref<1x128x128xf32, #tpu.memory_space<vmem>>
      %dma_wait3A_152 = tpu.memref_squeeze %dma_wait3A_151 : memref<1x128x128xf32, #tpu.memory_space<vmem>> -> memref<128x128xf32, #tpu.memory_space<vmem>>
      %dma_wait3A_153 = arith.constant 0 : i32
      %dma_wait3A_154 = tpu.memref_slice %arg5[%dma_wait3A_147, %dma_wait3A_153] : memref<80x128xi32, #tpu.memory_space<vmem>> -> memref<1x128xi32, #tpu.memory_space<vmem>>
      %dma_wait3A_155 = tpu.memref_squeeze %dma_wait3A_154 : memref<1x128xi32, #tpu.memory_space<vmem>> -> memref<128xi32, #tpu.memory_space<vmem>>
      %dma_wait3A_156 = arith.constant 0 : i32
      %dma_wait3A_157 = arith.constant 0 : i32
      %dma_wait3A_158 = tpu.memref_slice %arg2[%dma_wait3A_156, %dma_wait3A_157] : memref<10000x128xf32, #tpu.memory_space<hbm>> -> memref<10000x128xf32, #tpu.memory_space<hbm>>
      tpu.wait_indirect_dma semaphore(%arg7 : memref<!tpu.dma_semaphore, #tpu.memory_space<semaphore_mem>>) src(%dma_wait3A_158 : memref<10000x128xf32, #tpu.memory_space<hbm>>) dst(%dma_wait3A_152 : memref<128x128xf32, #tpu.memory_space<vmem>>)
      %add3A_159 = arith.constant 0 : i32
      %add3A_160 = arith.addi %add3A_146, %add3A_159 : i32
      %mul3A_161 = arith.constant 128 : i32
      %mul3A_162 = arith.muli %add3A_160, %mul3A_161 : i32
      %add3A_163 = arith.addi %mul3A_2, %mul3A_162 : i32
      %dma_start3A_164 = arith.constant 0 : i32
      %dma_start3A_165 = arith.constant 0 : i32
      %dma_start3A_166 = arith.constant 0 : i32
      %dma_start3A_167 = tpu.memref_slice %arg6[%dma_start3A_164, %dma_start3A_165, %dma_start3A_166] : memref<5x128x128xf32, #tpu.memory_space<vmem>> -> memref<1x128x128xf32, #tpu.memory_space<vmem>>
      %dma_start3A_168 = tpu.memref_squeeze %dma_start3A_167 : memref<1x128x128xf32, #tpu.memory_space<vmem>> -> memref<128x128xf32, #tpu.memory_space<vmem>>
      %dma_start3A_169 = arith.constant 0 : i32
      %dma_start3A_170 = tpu.memref_slice %arg4[%add3A_163, %dma_start3A_169] : memref<327680x128xf32, #tpu.memory_space<hbm>> -> memref<128x128xf32, #tpu.memory_space<hbm>>
      %dma_start3A_171 = arith.constant 0 : i32
      %dma_start3A_172 = tpu.memref_slice %arg4[%add3A_163, %dma_start3A_171] : memref<327680x128xf32, #tpu.memory_space<hbm>> -> memref<128x128xf32, #tpu.memory_space<hbm>>
      %dma_start3A_173 = arith.constant 0 : i32
      %dma_start3A_174 = arith.constant 0 : i32
      %dma_start3A_175 = tpu.memref_slice %arg6[%dma_start3A_164, %dma_start3A_173, %dma_start3A_174] : memref<5x128x128xf32, #tpu.memory_space<vmem>> -> memref<1x128x128xf32, #tpu.memory_space<vmem>>
      %dma_start3A_176 = tpu.memref_squeeze %dma_start3A_175 : memref<1x128x128xf32, #tpu.memory_space<vmem>> -> memref<128x128xf32, #tpu.memory_space<vmem>>
      tpu.enqueue_dma source(%dma_start3A_176 : memref<128x128xf32, #tpu.memory_space<vmem>>) target(%dma_start3A_172 : memref<128x128xf32, #tpu.memory_space<hbm>>) target_semaphore(%arg12 : memref<!tpu.dma_semaphore, #tpu.memory_space<semaphore_mem>>)
      %dma_wait3A_177 = arith.constant 0 : i32
      %dma_wait3A_178 = arith.constant 1 : i32
      %dma_wait3A_179 = arith.constant 0 : i32
      %dma_wait3A_180 = arith.constant 0 : i32
      %dma_wait3A_181 = tpu.memref_slice %arg6[%dma_wait3A_178, %dma_wait3A_179, %dma_wait3A_180] : memref<5x128x128xf32, #tpu.memory_space<vmem>> -> memref<1x128x128xf32, #tpu.memory_space<vmem>>
      %dma_wait3A_182 = tpu.memref_squeeze %dma_wait3A_181 : memref<1x128x128xf32, #tpu.memory_space<vmem>> -> memref<128x128xf32, #tpu.memory_space<vmem>>
      %dma_wait3A_183 = arith.constant 0 : i32
      %dma_wait3A_184 = tpu.memref_slice %arg5[%dma_wait3A_177, %dma_wait3A_183] : memref<80x128xi32, #tpu.memory_space<vmem>> -> memref<1x128xi32, #tpu.memory_space<vmem>>
      %dma_wait3A_185 = tpu.memref_squeeze %dma_wait3A_184 : memref<1x128xi32, #tpu.memory_space<vmem>> -> memref<128xi32, #tpu.memory_space<vmem>>
      %dma_wait3A_186 = arith.constant 0 : i32
      %dma_wait3A_187 = arith.constant 0 : i32
      %dma_wait3A_188 = tpu.memref_slice %arg2[%dma_wait3A_186, %dma_wait3A_187] : memref<10000x128xf32, #tpu.memory_space<hbm>> -> memref<10000x128xf32, #tpu.memory_space<hbm>>
      tpu.wait_indirect_dma semaphore(%arg8 : memref<!tpu.dma_semaphore, #tpu.memory_space<semaphore_mem>>) src(%dma_wait3A_188 : memref<10000x128xf32, #tpu.memory_space<hbm>>) dst(%dma_wait3A_182 : memref<128x128xf32, #tpu.memory_space<vmem>>)
      %add3A_189 = arith.constant 1 : i32
      %add3A_190 = arith.addi %add3A_146, %add3A_189 : i32
      %mul3A_191 = arith.constant 128 : i32
      %mul3A_192 = arith.muli %add3A_190, %mul3A_191 : i32
      %add3A_193 = arith.addi %mul3A_2, %mul3A_192 : i32
      %dma_start3A_194 = arith.constant 1 : i32
      %dma_start3A_195 = arith.constant 0 : i32
      %dma_start3A_196 = arith.constant 0 : i32
      %dma_start3A_197 = tpu.memref_slice %arg6[%dma_start3A_194, %dma_start3A_195, %dma_start3A_196] : memref<5x128x128xf32, #tpu.memory_space<vmem>> -> memref<1x128x128xf32, #tpu.memory_space<vmem>>
      %dma_start3A_198 = tpu.memref_squeeze %dma_start3A_197 : memref<1x128x128xf32, #tpu.memory_space<vmem>> -> memref<128x128xf32, #tpu.memory_space<vmem>>
      %dma_start3A_199 = arith.constant 0 : i32
      %dma_start3A_200 = tpu.memref_slice %arg4[%add3A_193, %dma_start3A_199] : memref<327680x128xf32, #tpu.memory_space<hbm>> -> memref<128x128xf32, #tpu.memory_space<hbm>>
      %dma_start3A_201 = arith.constant 0 : i32
      %dma_start3A_202 = tpu.memref_slice %arg4[%add3A_193, %dma_start3A_201] : memref<327680x128xf32, #tpu.memory_space<hbm>> -> memref<128x128xf32, #tpu.memory_space<hbm>>
      %dma_start3A_203 = arith.constant 0 : i32
      %dma_start3A_204 = arith.constant 0 : i32
      %dma_start3A_205 = tpu.memref_slice %arg6[%dma_start3A_194, %dma_start3A_203, %dma_start3A_204] : memref<5x128x128xf32, #tpu.memory_space<vmem>> -> memref<1x128x128xf32, #tpu.memory_space<vmem>>
      %dma_start3A_206 = tpu.memref_squeeze %dma_start3A_205 : memref<1x128x128xf32, #tpu.memory_space<vmem>> -> memref<128x128xf32, #tpu.memory_space<vmem>>
      tpu.enqueue_dma source(%dma_start3A_206 : memref<128x128xf32, #tpu.memory_space<vmem>>) target(%dma_start3A_202 : memref<128x128xf32, #tpu.memory_space<hbm>>) target_semaphore(%arg13 : memref<!tpu.dma_semaphore, #tpu.memory_space<semaphore_mem>>)
      %dma_wait3A_207 = arith.constant 0 : i32
      %dma_wait3A_208 = arith.constant 2 : i32
      %dma_wait3A_209 = arith.constant 0 : i32
      %dma_wait3A_210 = arith.constant 0 : i32
      %dma_wait3A_211 = tpu.memref_slice %arg6[%dma_wait3A_208, %dma_wait3A_209, %dma_wait3A_210] : memref<5x128x128xf32, #tpu.memory_space<vmem>> -> memref<1x128x128xf32, #tpu.memory_space<vmem>>
      %dma_wait3A_212 = tpu.memref_squeeze %dma_wait3A_211 : memref<1x128x128xf32, #tpu.memory_space<vmem>> -> memref<128x128xf32, #tpu.memory_space<vmem>>
      %dma_wait3A_213 = arith.constant 0 : i32
      %dma_wait3A_214 = tpu.memref_slice %arg5[%dma_wait3A_207, %dma_wait3A_213] : memref<80x128xi32, #tpu.memory_space<vmem>> -> memref<1x128xi32, #tpu.memory_space<vmem>>
      %dma_wait3A_215 = tpu.memref_squeeze %dma_wait3A_214 : memref<1x128xi32, #tpu.memory_space<vmem>> -> memref<128xi32, #tpu.memory_space<vmem>>
      %dma_wait3A_216 = arith.constant 0 : i32
      %dma_wait3A_217 = arith.constant 0 : i32
      %dma_wait3A_218 = tpu.memref_slice %arg2[%dma_wait3A_216, %dma_wait3A_217] : memref<10000x128xf32, #tpu.memory_space<hbm>> -> memref<10000x128xf32, #tpu.memory_space<hbm>>
      tpu.wait_indirect_dma semaphore(%arg9 : memref<!tpu.dma_semaphore, #tpu.memory_space<semaphore_mem>>) src(%dma_wait3A_218 : memref<10000x128xf32, #tpu.memory_space<hbm>>) dst(%dma_wait3A_212 : memref<128x128xf32, #tpu.memory_space<vmem>>)
      %add3A_219 = arith.constant 2 : i32
      %add3A_220 = arith.addi %add3A_146, %add3A_219 : i32
      %mul3A_221 = arith.constant 128 : i32
      %mul3A_222 = arith.muli %add3A_220, %mul3A_221 : i32
      %add3A_223 = arith.addi %mul3A_2, %mul3A_222 : i32
      %dma_start3A_224 = arith.constant 2 : i32
      %dma_start3A_225 = arith.constant 0 : i32
      %dma_start3A_226 = arith.constant 0 : i32
      %dma_start3A_227 = tpu.memref_slice %arg6[%dma_start3A_224, %dma_start3A_225, %dma_start3A_226] : memref<5x128x128xf32, #tpu.memory_space<vmem>> -> memref<1x128x128xf32, #tpu.memory_space<vmem>>
      %dma_start3A_228 = tpu.memref_squeeze %dma_start3A_227 : memref<1x128x128xf32, #tpu.memory_space<vmem>> -> memref<128x128xf32, #tpu.memory_space<vmem>>
      %dma_start3A_229 = arith.constant 0 : i32
      %dma_start3A_230 = tpu.memref_slice %arg4[%add3A_223, %dma_start3A_229] : memref<327680x128xf32, #tpu.memory_space<hbm>> -> memref<128x128xf32, #tpu.memory_space<hbm>>
      %dma_start3A_231 = arith.constant 0 : i32
      %dma_start3A_232 = tpu.memref_slice %arg4[%add3A_223, %dma_start3A_231] : memref<327680x128xf32, #tpu.memory_space<hbm>> -> memref<128x128xf32, #tpu.memory_space<hbm>>
      %dma_start3A_233 = arith.constant 0 : i32
      %dma_start3A_234 = arith.constant 0 : i32
      %dma_start3A_235 = tpu.memref_slice %arg6[%dma_start3A_224, %dma_start3A_233, %dma_start3A_234] : memref<5x128x128xf32, #tpu.memory_space<vmem>> -> memref<1x128x128xf32, #tpu.memory_space<vmem>>
      %dma_start3A_236 = tpu.memref_squeeze %dma_start3A_235 : memref<1x128x128xf32, #tpu.memory_space<vmem>> -> memref<128x128xf32, #tpu.memory_space<vmem>>
      tpu.enqueue_dma source(%dma_start3A_236 : memref<128x128xf32, #tpu.memory_space<vmem>>) target(%dma_start3A_232 : memref<128x128xf32, #tpu.memory_space<hbm>>) target_semaphore(%arg14 : memref<!tpu.dma_semaphore, #tpu.memory_space<semaphore_mem>>)
      %dma_wait3A_237 = arith.constant 0 : i32
      %dma_wait3A_238 = arith.constant 3 : i32
      %dma_wait3A_239 = arith.constant 0 : i32
      %dma_wait3A_240 = arith.constant 0 : i32
      %dma_wait3A_241 = tpu.memref_slice %arg6[%dma_wait3A_238, %dma_wait3A_239, %dma_wait3A_240] : memref<5x128x128xf32, #tpu.memory_space<vmem>> -> memref<1x128x128xf32, #tpu.memory_space<vmem>>
      %dma_wait3A_242 = tpu.memref_squeeze %dma_wait3A_241 : memref<1x128x128xf32, #tpu.memory_space<vmem>> -> memref<128x128xf32, #tpu.memory_space<vmem>>
      %dma_wait3A_243 = arith.constant 0 : i32
      %dma_wait3A_244 = tpu.memref_slice %arg5[%dma_wait3A_237, %dma_wait3A_243] : memref<80x128xi32, #tpu.memory_space<vmem>> -> memref<1x128xi32, #tpu.memory_space<vmem>>
      %dma_wait3A_245 = tpu.memref_squeeze %dma_wait3A_244 : memref<1x128xi32, #tpu.memory_space<vmem>> -> memref<128xi32, #tpu.memory_space<vmem>>
      %dma_wait3A_246 = arith.constant 0 : i32
      %dma_wait3A_247 = arith.constant 0 : i32
      %dma_wait3A_248 = tpu.memref_slice %arg2[%dma_wait3A_246, %dma_wait3A_247] : memref<10000x128xf32, #tpu.memory_space<hbm>> -> memref<10000x128xf32, #tpu.memory_space<hbm>>
      tpu.wait_indirect_dma semaphore(%arg10 : memref<!tpu.dma_semaphore, #tpu.memory_space<semaphore_mem>>) src(%dma_wait3A_248 : memref<10000x128xf32, #tpu.memory_space<hbm>>) dst(%dma_wait3A_242 : memref<128x128xf32, #tpu.memory_space<vmem>>)
      %add3A_249 = arith.constant 3 : i32
      %add3A_250 = arith.addi %add3A_146, %add3A_249 : i32
      %mul3A_251 = arith.constant 128 : i32
      %mul3A_252 = arith.muli %add3A_250, %mul3A_251 : i32
      %add3A_253 = arith.addi %mul3A_2, %mul3A_252 : i32
      %dma_start3A_254 = arith.constant 3 : i32
      %dma_start3A_255 = arith.constant 0 : i32
      %dma_start3A_256 = arith.constant 0 : i32
      %dma_start3A_257 = tpu.memref_slice %arg6[%dma_start3A_254, %dma_start3A_255, %dma_start3A_256] : memref<5x128x128xf32, #tpu.memory_space<vmem>> -> memref<1x128x128xf32, #tpu.memory_space<vmem>>
      %dma_start3A_258 = tpu.memref_squeeze %dma_start3A_257 : memref<1x128x128xf32, #tpu.memory_space<vmem>> -> memref<128x128xf32, #tpu.memory_space<vmem>>
      %dma_start3A_259 = arith.constant 0 : i32
      %dma_start3A_260 = tpu.memref_slice %arg4[%add3A_253, %dma_start3A_259] : memref<327680x128xf32, #tpu.memory_space<hbm>> -> memref<128x128xf32, #tpu.memory_space<hbm>>
      %dma_start3A_261 = arith.constant 0 : i32
      %dma_start3A_262 = tpu.memref_slice %arg4[%add3A_253, %dma_start3A_261] : memref<327680x128xf32, #tpu.memory_space<hbm>> -> memref<128x128xf32, #tpu.memory_space<hbm>>
      %dma_start3A_263 = arith.constant 0 : i32
      %dma_start3A_264 = arith.constant 0 : i32
      %dma_start3A_265 = tpu.memref_slice %arg6[%dma_start3A_254, %dma_start3A_263, %dma_start3A_264] : memref<5x128x128xf32, #tpu.memory_space<vmem>> -> memref<1x128x128xf32, #tpu.memory_space<vmem>>
      %dma_start3A_266 = tpu.memref_squeeze %dma_start3A_265 : memref<1x128x128xf32, #tpu.memory_space<vmem>> -> memref<128x128xf32, #tpu.memory_space<vmem>>
      tpu.enqueue_dma source(%dma_start3A_266 : memref<128x128xf32, #tpu.memory_space<vmem>>) target(%dma_start3A_262 : memref<128x128xf32, #tpu.memory_space<hbm>>) target_semaphore(%arg15 : memref<!tpu.dma_semaphore, #tpu.memory_space<semaphore_mem>>)
      %dma_wait3A_267 = arith.constant 0 : i32
      %dma_wait3A_268 = arith.constant 4 : i32
      %dma_wait3A_269 = arith.constant 0 : i32
      %dma_wait3A_270 = arith.constant 0 : i32
      %dma_wait3A_271 = tpu.memref_slice %arg6[%dma_wait3A_268, %dma_wait3A_269, %dma_wait3A_270] : memref<5x128x128xf32, #tpu.memory_space<vmem>> -> memref<1x128x128xf32, #tpu.memory_space<vmem>>
      %dma_wait3A_272 = tpu.memref_squeeze %dma_wait3A_271 : memref<1x128x128xf32, #tpu.memory_space<vmem>> -> memref<128x128xf32, #tpu.memory_space<vmem>>
      %dma_wait3A_273 = arith.constant 0 : i32
      %dma_wait3A_274 = tpu.memref_slice %arg5[%dma_wait3A_267, %dma_wait3A_273] : memref<80x128xi32, #tpu.memory_space<vmem>> -> memref<1x128xi32, #tpu.memory_space<vmem>>
      %dma_wait3A_275 = tpu.memref_squeeze %dma_wait3A_274 : memref<1x128xi32, #tpu.memory_space<vmem>> -> memref<128xi32, #tpu.memory_space<vmem>>
      %dma_wait3A_276 = arith.constant 0 : i32
      %dma_wait3A_277 = arith.constant 0 : i32
      %dma_wait3A_278 = tpu.memref_slice %arg2[%dma_wait3A_276, %dma_wait3A_277] : memref<10000x128xf32, #tpu.memory_space<hbm>> -> memref<10000x128xf32, #tpu.memory_space<hbm>>
      tpu.wait_indirect_dma semaphore(%arg11 : memref<!tpu.dma_semaphore, #tpu.memory_space<semaphore_mem>>) src(%dma_wait3A_278 : memref<10000x128xf32, #tpu.memory_space<hbm>>) dst(%dma_wait3A_272 : memref<128x128xf32, #tpu.memory_space<vmem>>)
      %add3A_279 = arith.constant 4 : i32
      %add3A_280 = arith.addi %add3A_146, %add3A_279 : i32
      %mul3A_281 = arith.constant 128 : i32
      %mul3A_282 = arith.muli %add3A_280, %mul3A_281 : i32
      %add3A_283 = arith.addi %mul3A_2, %mul3A_282 : i32
      %dma_start3A_284 = arith.constant 4 : i32
      %dma_start3A_285 = arith.constant 0 : i32
      %dma_start3A_286 = arith.constant 0 : i32
      %dma_start3A_287 = tpu.memref_slice %arg6[%dma_start3A_284, %dma_start3A_285, %dma_start3A_286] : memref<5x128x128xf32, #tpu.memory_space<vmem>> -> memref<1x128x128xf32, #tpu.memory_space<vmem>>
      %dma_start3A_288 = tpu.memref_squeeze %dma_start3A_287 : memref<1x128x128xf32, #tpu.memory_space<vmem>> -> memref<128x128xf32, #tpu.memory_space<vmem>>
      %dma_start3A_289 = arith.constant 0 : i32
      %dma_start3A_290 = tpu.memref_slice %arg4[%add3A_283, %dma_start3A_289] : memref<327680x128xf32, #tpu.memory_space<hbm>> -> memref<128x128xf32, #tpu.memory_space<hbm>>
      %dma_start3A_291 = arith.constant 0 : i32
      %dma_start3A_292 = tpu.memref_slice %arg4[%add3A_283, %dma_start3A_291] : memref<327680x128xf32, #tpu.memory_space<hbm>> -> memref<128x128xf32, #tpu.memory_space<hbm>>
      %dma_start3A_293 = arith.constant 0 : i32
      %dma_start3A_294 = arith.constant 0 : i32
      %dma_start3A_295 = tpu.memref_slice %arg6[%dma_start3A_284, %dma_start3A_293, %dma_start3A_294] : memref<5x128x128xf32, #tpu.memory_space<vmem>> -> memref<1x128x128xf32, #tpu.memory_space<vmem>>
      %dma_start3A_296 = tpu.memref_squeeze %dma_start3A_295 : memref<1x128x128xf32, #tpu.memory_space<vmem>> -> memref<128x128xf32, #tpu.memory_space<vmem>>
      tpu.enqueue_dma source(%dma_start3A_296 : memref<128x128xf32, #tpu.memory_space<vmem>>) target(%dma_start3A_292 : memref<128x128xf32, #tpu.memory_space<hbm>>) target_semaphore(%arg16 : memref<!tpu.dma_semaphore, #tpu.memory_space<semaphore_mem>>)
      %add3A_297 = arith.constant 0 : i32
      %add3A_298 = arith.addi %add3A_146, %add3A_297 : i32
      %add3A_299 = arith.constant 5 : i32
      %add3A_300 = arith.addi %add3A_298, %add3A_299 : i32
      %lt3A = arith.constant 80 : i32
      %lt3A_301 = arith.cmpi slt, %add3A_300, %lt3A : i32
      %convert_element_type3A = arith.extui %lt3A_301 : i1 to i32
      %cond3A = arith.constant 0 : i32
      %cond3A_302 = arith.cmpi ne, %convert_element_type3A, %cond3A : i32
      scf.if %cond3A_302 {
        %dma_wait3A_339 = arith.constant 0 : i32
        %dma_wait3A_340 = arith.constant 0 : i32
        %dma_wait3A_341 = arith.constant 0 : i32
        %dma_wait3A_342 = tpu.memref_slice %arg6[%dma_wait3A_339, %dma_wait3A_340, %dma_wait3A_341] : memref<5x128x128xf32, #tpu.memory_space<vmem>> -> memref<1x128x128xf32, #tpu.memory_space<vmem>>
        %dma_wait3A_343 = tpu.memref_squeeze %dma_wait3A_342 : memref<1x128x128xf32, #tpu.memory_space<vmem>> -> memref<128x128xf32, #tpu.memory_space<vmem>>
        %dma_wait3A_344 = arith.constant 0 : i32
        %dma_wait3A_345 = arith.constant 0 : i32
        %dma_wait3A_346 = tpu.memref_slice %arg4[%dma_wait3A_344, %dma_wait3A_345] : memref<327680x128xf32, #tpu.memory_space<hbm>> -> memref<128x128xf32, #tpu.memory_space<hbm>>
        %dma_wait3A_347 = arith.constant 0 : i32
        %dma_wait3A_348 = arith.constant 0 : i32
        %dma_wait3A_349 = tpu.memref_slice %arg4[%dma_wait3A_347, %dma_wait3A_348] : memref<327680x128xf32, #tpu.memory_space<hbm>> -> memref<128x128xf32, #tpu.memory_space<hbm>>
        %dma_wait3A_350 = arith.constant 0 : i32
        %dma_wait3A_351 = arith.constant 0 : i32
        %dma_wait3A_352 = tpu.memref_slice %arg6[%dma_wait3A_339, %dma_wait3A_350, %dma_wait3A_351] : memref<5x128x128xf32, #tpu.memory_space<vmem>> -> memref<1x128x128xf32, #tpu.memory_space<vmem>>
        %dma_wait3A_353 = tpu.memref_squeeze %dma_wait3A_352 : memref<1x128x128xf32, #tpu.memory_space<vmem>> -> memref<128x128xf32, #tpu.memory_space<vmem>>
        tpu.wait_dma2 semaphore(%arg12 : memref<!tpu.dma_semaphore, #tpu.memory_space<semaphore_mem>>) src(%dma_wait3A_353 : memref<128x128xf32, #tpu.memory_space<vmem>>) dst(%dma_wait3A_349 : memref<128x128xf32, #tpu.memory_space<hbm>>)
        %add3A_354 = arith.constant 0 : i32
        %add3A_355 = arith.addi %add3A_146, %add3A_354 : i32
        %add3A_356 = arith.constant 5 : i32
        %add3A_357 = arith.addi %add3A_355, %add3A_356 : i32
        %dma_start3A_358 = arith.constant 0 : i32
        %dma_start3A_359 = arith.constant 0 : i32
        %dma_start3A_360 = arith.constant 0 : i32
        %dma_start3A_361 = tpu.memref_slice %arg6[%dma_start3A_358, %dma_start3A_359, %dma_start3A_360] : memref<5x128x128xf32, #tpu.memory_space<vmem>> -> memref<1x128x128xf32, #tpu.memory_space<vmem>>
        %dma_start3A_362 = tpu.memref_squeeze %dma_start3A_361 : memref<1x128x128xf32, #tpu.memory_space<vmem>> -> memref<128x128xf32, #tpu.memory_space<vmem>>
        %dma_start3A_363 = arith.constant 0 : i32
        %dma_start3A_364 = tpu.memref_slice %arg5[%add3A_357, %dma_start3A_363] : memref<80x128xi32, #tpu.memory_space<vmem>> -> memref<1x128xi32, #tpu.memory_space<vmem>>
        %dma_start3A_365 = tpu.memref_squeeze %dma_start3A_364 : memref<1x128xi32, #tpu.memory_space<vmem>> -> memref<128xi32, #tpu.memory_space<vmem>>
        %dma_start3A_366 = arith.constant 0 : i32
        %dma_start3A_367 = arith.constant 0 : i32
        %dma_start3A_368 = tpu.memref_slice %arg2[%dma_start3A_366, %dma_start3A_367] : memref<10000x128xf32, #tpu.memory_space<hbm>> -> memref<10000x128xf32, #tpu.memory_space<hbm>>
        tpu.enqueue_indirect_dma source(%dma_start3A_368 : memref<10000x128xf32, #tpu.memory_space<hbm>>) target(%dma_start3A_362 : memref<128x128xf32, #tpu.memory_space<vmem>>) offsets(%dma_start3A_365 : memref<128xi32, #tpu.memory_space<vmem>>) semaphore(%arg7 : memref<!tpu.dma_semaphore, #tpu.memory_space<semaphore_mem>>)
      } else {
      }
      %add3A_303 = arith.constant 1 : i32
      %add3A_304 = arith.addi %add3A_146, %add3A_303 : i32
      %add3A_305 = arith.constant 5 : i32
      %add3A_306 = arith.addi %add3A_304, %add3A_305 : i32
      %lt3A_307 = arith.constant 80 : i32
      %lt3A_308 = arith.cmpi slt, %add3A_306, %lt3A_307 : i32
      %convert_element_type3A_309 = arith.extui %lt3A_308 : i1 to i32
      %cond3A_310 = arith.constant 0 : i32
      %cond3A_311 = arith.cmpi ne, %convert_element_type3A_309, %cond3A_310 : i32
      scf.if %cond3A_311 {
        %dma_wait3A_339 = arith.constant 1 : i32
        %dma_wait3A_340 = arith.constant 0 : i32
        %dma_wait3A_341 = arith.constant 0 : i32
        %dma_wait3A_342 = tpu.memref_slice %arg6[%dma_wait3A_339, %dma_wait3A_340, %dma_wait3A_341] : memref<5x128x128xf32, #tpu.memory_space<vmem>> -> memref<1x128x128xf32, #tpu.memory_space<vmem>>
        %dma_wait3A_343 = tpu.memref_squeeze %dma_wait3A_342 : memref<1x128x128xf32, #tpu.memory_space<vmem>> -> memref<128x128xf32, #tpu.memory_space<vmem>>
        %dma_wait3A_344 = arith.constant 0 : i32
        %dma_wait3A_345 = arith.constant 0 : i32
        %dma_wait3A_346 = tpu.memref_slice %arg4[%dma_wait3A_344, %dma_wait3A_345] : memref<327680x128xf32, #tpu.memory_space<hbm>> -> memref<128x128xf32, #tpu.memory_space<hbm>>
        %dma_wait3A_347 = arith.constant 0 : i32
        %dma_wait3A_348 = arith.constant 0 : i32
        %dma_wait3A_349 = tpu.memref_slice %arg4[%dma_wait3A_347, %dma_wait3A_348] : memref<327680x128xf32, #tpu.memory_space<hbm>> -> memref<128x128xf32, #tpu.memory_space<hbm>>
        %dma_wait3A_350 = arith.constant 0 : i32
        %dma_wait3A_351 = arith.constant 0 : i32
        %dma_wait3A_352 = tpu.memref_slice %arg6[%dma_wait3A_339, %dma_wait3A_350, %dma_wait3A_351] : memref<5x128x128xf32, #tpu.memory_space<vmem>> -> memref<1x128x128xf32, #tpu.memory_space<vmem>>
        %dma_wait3A_353 = tpu.memref_squeeze %dma_wait3A_352 : memref<1x128x128xf32, #tpu.memory_space<vmem>> -> memref<128x128xf32, #tpu.memory_space<vmem>>
        tpu.wait_dma2 semaphore(%arg13 : memref<!tpu.dma_semaphore, #tpu.memory_space<semaphore_mem>>) src(%dma_wait3A_353 : memref<128x128xf32, #tpu.memory_space<vmem>>) dst(%dma_wait3A_349 : memref<128x128xf32, #tpu.memory_space<hbm>>)
        %add3A_354 = arith.constant 1 : i32
        %add3A_355 = arith.addi %add3A_146, %add3A_354 : i32
        %add3A_356 = arith.constant 5 : i32
        %add3A_357 = arith.addi %add3A_355, %add3A_356 : i32
        %dma_start3A_358 = arith.constant 1 : i32
        %dma_start3A_359 = arith.constant 0 : i32
        %dma_start3A_360 = arith.constant 0 : i32
        %dma_start3A_361 = tpu.memref_slice %arg6[%dma_start3A_358, %dma_start3A_359, %dma_start3A_360] : memref<5x128x128xf32, #tpu.memory_space<vmem>> -> memref<1x128x128xf32, #tpu.memory_space<vmem>>
        %dma_start3A_362 = tpu.memref_squeeze %dma_start3A_361 : memref<1x128x128xf32, #tpu.memory_space<vmem>> -> memref<128x128xf32, #tpu.memory_space<vmem>>
        %dma_start3A_363 = arith.constant 0 : i32
        %dma_start3A_364 = tpu.memref_slice %arg5[%add3A_357, %dma_start3A_363] : memref<80x128xi32, #tpu.memory_space<vmem>> -> memref<1x128xi32, #tpu.memory_space<vmem>>
        %dma_start3A_365 = tpu.memref_squeeze %dma_start3A_364 : memref<1x128xi32, #tpu.memory_space<vmem>> -> memref<128xi32, #tpu.memory_space<vmem>>
        %dma_start3A_366 = arith.constant 0 : i32
        %dma_start3A_367 = arith.constant 0 : i32
        %dma_start3A_368 = tpu.memref_slice %arg2[%dma_start3A_366, %dma_start3A_367] : memref<10000x128xf32, #tpu.memory_space<hbm>> -> memref<10000x128xf32, #tpu.memory_space<hbm>>
        tpu.enqueue_indirect_dma source(%dma_start3A_368 : memref<10000x128xf32, #tpu.memory_space<hbm>>) target(%dma_start3A_362 : memref<128x128xf32, #tpu.memory_space<vmem>>) offsets(%dma_start3A_365 : memref<128xi32, #tpu.memory_space<vmem>>) semaphore(%arg8 : memref<!tpu.dma_semaphore, #tpu.memory_space<semaphore_mem>>)
      } else {
      }
      %add3A_312 = arith.constant 2 : i32
      %add3A_313 = arith.addi %add3A_146, %add3A_312 : i32
      %add3A_314 = arith.constant 5 : i32
      %add3A_315 = arith.addi %add3A_313, %add3A_314 : i32
      %lt3A_316 = arith.constant 80 : i32
      %lt3A_317 = arith.cmpi slt, %add3A_315, %lt3A_316 : i32
      %convert_element_type3A_318 = arith.extui %lt3A_317 : i1 to i32
      %cond3A_319 = arith.constant 0 : i32
      %cond3A_320 = arith.cmpi ne, %convert_element_type3A_318, %cond3A_319 : i32
      scf.if %cond3A_320 {
        %dma_wait3A_339 = arith.constant 2 : i32
        %dma_wait3A_340 = arith.constant 0 : i32
        %dma_wait3A_341 = arith.constant 0 : i32
        %dma_wait3A_342 = tpu.memref_slice %arg6[%dma_wait3A_339, %dma_wait3A_340, %dma_wait3A_341] : memref<5x128x128xf32, #tpu.memory_space<vmem>> -> memref<1x128x128xf32, #tpu.memory_space<vmem>>
        %dma_wait3A_343 = tpu.memref_squeeze %dma_wait3A_342 : memref<1x128x128xf32, #tpu.memory_space<vmem>> -> memref<128x128xf32, #tpu.memory_space<vmem>>
        %dma_wait3A_344 = arith.constant 0 : i32
        %dma_wait3A_345 = arith.constant 0 : i32
        %dma_wait3A_346 = tpu.memref_slice %arg4[%dma_wait3A_344, %dma_wait3A_345] : memref<327680x128xf32, #tpu.memory_space<hbm>> -> memref<128x128xf32, #tpu.memory_space<hbm>>
        %dma_wait3A_347 = arith.constant 0 : i32
        %dma_wait3A_348 = arith.constant 0 : i32
        %dma_wait3A_349 = tpu.memref_slice %arg4[%dma_wait3A_347, %dma_wait3A_348] : memref<327680x128xf32, #tpu.memory_space<hbm>> -> memref<128x128xf32, #tpu.memory_space<hbm>>
        %dma_wait3A_350 = arith.constant 0 : i32
        %dma_wait3A_351 = arith.constant 0 : i32
        %dma_wait3A_352 = tpu.memref_slice %arg6[%dma_wait3A_339, %dma_wait3A_350, %dma_wait3A_351] : memref<5x128x128xf32, #tpu.memory_space<vmem>> -> memref<1x128x128xf32, #tpu.memory_space<vmem>>
        %dma_wait3A_353 = tpu.memref_squeeze %dma_wait3A_352 : memref<1x128x128xf32, #tpu.memory_space<vmem>> -> memref<128x128xf32, #tpu.memory_space<vmem>>
        tpu.wait_dma2 semaphore(%arg14 : memref<!tpu.dma_semaphore, #tpu.memory_space<semaphore_mem>>) src(%dma_wait3A_353 : memref<128x128xf32, #tpu.memory_space<vmem>>) dst(%dma_wait3A_349 : memref<128x128xf32, #tpu.memory_space<hbm>>)
        %add3A_354 = arith.constant 2 : i32
        %add3A_355 = arith.addi %add3A_146, %add3A_354 : i32
        %add3A_356 = arith.constant 5 : i32
        %add3A_357 = arith.addi %add3A_355, %add3A_356 : i32
        %dma_start3A_358 = arith.constant 2 : i32
        %dma_start3A_359 = arith.constant 0 : i32
        %dma_start3A_360 = arith.constant 0 : i32
        %dma_start3A_361 = tpu.memref_slice %arg6[%dma_start3A_358, %dma_start3A_359, %dma_start3A_360] : memref<5x128x128xf32, #tpu.memory_space<vmem>> -> memref<1x128x128xf32, #tpu.memory_space<vmem>>
        %dma_start3A_362 = tpu.memref_squeeze %dma_start3A_361 : memref<1x128x128xf32, #tpu.memory_space<vmem>> -> memref<128x128xf32, #tpu.memory_space<vmem>>
        %dma_start3A_363 = arith.constant 0 : i32
        %dma_start3A_364 = tpu.memref_slice %arg5[%add3A_357, %dma_start3A_363] : memref<80x128xi32, #tpu.memory_space<vmem>> -> memref<1x128xi32, #tpu.memory_space<vmem>>
        %dma_start3A_365 = tpu.memref_squeeze %dma_start3A_364 : memref<1x128xi32, #tpu.memory_space<vmem>> -> memref<128xi32, #tpu.memory_space<vmem>>
        %dma_start3A_366 = arith.constant 0 : i32
        %dma_start3A_367 = arith.constant 0 : i32
        %dma_start3A_368 = tpu.memref_slice %arg2[%dma_start3A_366, %dma_start3A_367] : memref<10000x128xf32, #tpu.memory_space<hbm>> -> memref<10000x128xf32, #tpu.memory_space<hbm>>
        tpu.enqueue_indirect_dma source(%dma_start3A_368 : memref<10000x128xf32, #tpu.memory_space<hbm>>) target(%dma_start3A_362 : memref<128x128xf32, #tpu.memory_space<vmem>>) offsets(%dma_start3A_365 : memref<128xi32, #tpu.memory_space<vmem>>) semaphore(%arg9 : memref<!tpu.dma_semaphore, #tpu.memory_space<semaphore_mem>>)
      } else {
      }
      %add3A_321 = arith.constant 3 : i32
      %add3A_322 = arith.addi %add3A_146, %add3A_321 : i32
      %add3A_323 = arith.constant 5 : i32
      %add3A_324 = arith.addi %add3A_322, %add3A_323 : i32
      %lt3A_325 = arith.constant 80 : i32
      %lt3A_326 = arith.cmpi slt, %add3A_324, %lt3A_325 : i32
      %convert_element_type3A_327 = arith.extui %lt3A_326 : i1 to i32
      %cond3A_328 = arith.constant 0 : i32
      %cond3A_329 = arith.cmpi ne, %convert_element_type3A_327, %cond3A_328 : i32
      scf.if %cond3A_329 {
        %dma_wait3A_339 = arith.constant 3 : i32
        %dma_wait3A_340 = arith.constant 0 : i32
        %dma_wait3A_341 = arith.constant 0 : i32
        %dma_wait3A_342 = tpu.memref_slice %arg6[%dma_wait3A_339, %dma_wait3A_340, %dma_wait3A_341] : memref<5x128x128xf32, #tpu.memory_space<vmem>> -> memref<1x128x128xf32, #tpu.memory_space<vmem>>
        %dma_wait3A_343 = tpu.memref_squeeze %dma_wait3A_342 : memref<1x128x128xf32, #tpu.memory_space<vmem>> -> memref<128x128xf32, #tpu.memory_space<vmem>>
        %dma_wait3A_344 = arith.constant 0 : i32
        %dma_wait3A_345 = arith.constant 0 : i32
        %dma_wait3A_346 = tpu.memref_slice %arg4[%dma_wait3A_344, %dma_wait3A_345] : memref<327680x128xf32, #tpu.memory_space<hbm>> -> memref<128x128xf32, #tpu.memory_space<hbm>>
        %dma_wait3A_347 = arith.constant 0 : i32
        %dma_wait3A_348 = arith.constant 0 : i32
        %dma_wait3A_349 = tpu.memref_slice %arg4[%dma_wait3A_347, %dma_wait3A_348] : memref<327680x128xf32, #tpu.memory_space<hbm>> -> memref<128x128xf32, #tpu.memory_space<hbm>>
        %dma_wait3A_350 = arith.constant 0 : i32
        %dma_wait3A_351 = arith.constant 0 : i32
        %dma_wait3A_352 = tpu.memref_slice %arg6[%dma_wait3A_339, %dma_wait3A_350, %dma_wait3A_351] : memref<5x128x128xf32, #tpu.memory_space<vmem>> -> memref<1x128x128xf32, #tpu.memory_space<vmem>>
        %dma_wait3A_353 = tpu.memref_squeeze %dma_wait3A_352 : memref<1x128x128xf32, #tpu.memory_space<vmem>> -> memref<128x128xf32, #tpu.memory_space<vmem>>
        tpu.wait_dma2 semaphore(%arg15 : memref<!tpu.dma_semaphore, #tpu.memory_space<semaphore_mem>>) src(%dma_wait3A_353 : memref<128x128xf32, #tpu.memory_space<vmem>>) dst(%dma_wait3A_349 : memref<128x128xf32, #tpu.memory_space<hbm>>)
        %add3A_354 = arith.constant 3 : i32
        %add3A_355 = arith.addi %add3A_146, %add3A_354 : i32
        %add3A_356 = arith.constant 5 : i32
        %add3A_357 = arith.addi %add3A_355, %add3A_356 : i32
        %dma_start3A_358 = arith.constant 3 : i32
        %dma_start3A_359 = arith.constant 0 : i32
        %dma_start3A_360 = arith.constant 0 : i32
        %dma_start3A_361 = tpu.memref_slice %arg6[%dma_start3A_358, %dma_start3A_359, %dma_start3A_360] : memref<5x128x128xf32, #tpu.memory_space<vmem>> -> memref<1x128x128xf32, #tpu.memory_space<vmem>>
        %dma_start3A_362 = tpu.memref_squeeze %dma_start3A_361 : memref<1x128x128xf32, #tpu.memory_space<vmem>> -> memref<128x128xf32, #tpu.memory_space<vmem>>
        %dma_start3A_363 = arith.constant 0 : i32
        %dma_start3A_364 = tpu.memref_slice %arg5[%add3A_357, %dma_start3A_363] : memref<80x128xi32, #tpu.memory_space<vmem>> -> memref<1x128xi32, #tpu.memory_space<vmem>>
        %dma_start3A_365 = tpu.memref_squeeze %dma_start3A_364 : memref<1x128xi32, #tpu.memory_space<vmem>> -> memref<128xi32, #tpu.memory_space<vmem>>
        %dma_start3A_366 = arith.constant 0 : i32
        %dma_start3A_367 = arith.constant 0 : i32
        %dma_start3A_368 = tpu.memref_slice %arg2[%dma_start3A_366, %dma_start3A_367] : memref<10000x128xf32, #tpu.memory_space<hbm>> -> memref<10000x128xf32, #tpu.memory_space<hbm>>
        tpu.enqueue_indirect_dma source(%dma_start3A_368 : memref<10000x128xf32, #tpu.memory_space<hbm>>) target(%dma_start3A_362 : memref<128x128xf32, #tpu.memory_space<vmem>>) offsets(%dma_start3A_365 : memref<128xi32, #tpu.memory_space<vmem>>) semaphore(%arg10 : memref<!tpu.dma_semaphore, #tpu.memory_space<semaphore_mem>>)
      } else {
      }
      %add3A_330 = arith.constant 4 : i32
      %add3A_331 = arith.addi %add3A_146, %add3A_330 : i32
      %add3A_332 = arith.constant 5 : i32
      %add3A_333 = arith.addi %add3A_331, %add3A_332 : i32
      %lt3A_334 = arith.constant 80 : i32
      %lt3A_335 = arith.cmpi slt, %add3A_333, %lt3A_334 : i32
      %convert_element_type3A_336 = arith.extui %lt3A_335 : i1 to i32
      %cond3A_337 = arith.constant 0 : i32
      %cond3A_338 = arith.cmpi ne, %convert_element_type3A_336, %cond3A_337 : i32
      scf.if %cond3A_338 {
        %dma_wait3A_339 = arith.constant 4 : i32
        %dma_wait3A_340 = arith.constant 0 : i32
        %dma_wait3A_341 = arith.constant 0 : i32
        %dma_wait3A_342 = tpu.memref_slice %arg6[%dma_wait3A_339, %dma_wait3A_340, %dma_wait3A_341] : memref<5x128x128xf32, #tpu.memory_space<vmem>> -> memref<1x128x128xf32, #tpu.memory_space<vmem>>
        %dma_wait3A_343 = tpu.memref_squeeze %dma_wait3A_342 : memref<1x128x128xf32, #tpu.memory_space<vmem>> -> memref<128x128xf32, #tpu.memory_space<vmem>>
        %dma_wait3A_344 = arith.constant 0 : i32
        %dma_wait3A_345 = arith.constant 0 : i32
        %dma_wait3A_346 = tpu.memref_slice %arg4[%dma_wait3A_344, %dma_wait3A_345] : memref<327680x128xf32, #tpu.memory_space<hbm>> -> memref<128x128xf32, #tpu.memory_space<hbm>>
        %dma_wait3A_347 = arith.constant 0 : i32
        %dma_wait3A_348 = arith.constant 0 : i32
        %dma_wait3A_349 = tpu.memref_slice %arg4[%dma_wait3A_347, %dma_wait3A_348] : memref<327680x128xf32, #tpu.memory_space<hbm>> -> memref<128x128xf32, #tpu.memory_space<hbm>>
        %dma_wait3A_350 = arith.constant 0 : i32
        %dma_wait3A_351 = arith.constant 0 : i32
        %dma_wait3A_352 = tpu.memref_slice %arg6[%dma_wait3A_339, %dma_wait3A_350, %dma_wait3A_351] : memref<5x128x128xf32, #tpu.memory_space<vmem>> -> memref<1x128x128xf32, #tpu.memory_space<vmem>>
        %dma_wait3A_353 = tpu.memref_squeeze %dma_wait3A_352 : memref<1x128x128xf32, #tpu.memory_space<vmem>> -> memref<128x128xf32, #tpu.memory_space<vmem>>
        tpu.wait_dma2 semaphore(%arg16 : memref<!tpu.dma_semaphore, #tpu.memory_space<semaphore_mem>>) src(%dma_wait3A_353 : memref<128x128xf32, #tpu.memory_space<vmem>>) dst(%dma_wait3A_349 : memref<128x128xf32, #tpu.memory_space<hbm>>)
        %add3A_354 = arith.constant 4 : i32
        %add3A_355 = arith.addi %add3A_146, %add3A_354 : i32
        %add3A_356 = arith.constant 5 : i32
        %add3A_357 = arith.addi %add3A_355, %add3A_356 : i32
        %dma_start3A_358 = arith.constant 4 : i32
        %dma_start3A_359 = arith.constant 0 : i32
        %dma_start3A_360 = arith.constant 0 : i32
        %dma_start3A_361 = tpu.memref_slice %arg6[%dma_start3A_358, %dma_start3A_359, %dma_start3A_360] : memref<5x128x128xf32, #tpu.memory_space<vmem>> -> memref<1x128x128xf32, #tpu.memory_space<vmem>>
        %dma_start3A_362 = tpu.memref_squeeze %dma_start3A_361 : memref<1x128x128xf32, #tpu.memory_space<vmem>> -> memref<128x128xf32, #tpu.memory_space<vmem>>
        %dma_start3A_363 = arith.constant 0 : i32
        %dma_start3A_364 = tpu.memref_slice %arg5[%add3A_357, %dma_start3A_363] : memref<80x128xi32, #tpu.memory_space<vmem>> -> memref<1x128xi32, #tpu.memory_space<vmem>>
        %dma_start3A_365 = tpu.memref_squeeze %dma_start3A_364 : memref<1x128xi32, #tpu.memory_space<vmem>> -> memref<128xi32, #tpu.memory_space<vmem>>
        %dma_start3A_366 = arith.constant 0 : i32
        %dma_start3A_367 = arith.constant 0 : i32
        %dma_start3A_368 = tpu.memref_slice %arg2[%dma_start3A_366, %dma_start3A_367] : memref<10000x128xf32, #tpu.memory_space<hbm>> -> memref<10000x128xf32, #tpu.memory_space<hbm>>
        tpu.enqueue_indirect_dma source(%dma_start3A_368 : memref<10000x128xf32, #tpu.memory_space<hbm>>) target(%dma_start3A_362 : memref<128x128xf32, #tpu.memory_space<vmem>>) offsets(%dma_start3A_365 : memref<128xi32, #tpu.memory_space<vmem>>) semaphore(%arg11 : memref<!tpu.dma_semaphore, #tpu.memory_space<semaphore_mem>>)
      } else {
      }
    }
    %scan3A_67 = arith.constant 16 : i32
    %dma_wait3A = arith.constant 0 : i32
    %dma_wait3A_68 = arith.constant 0 : i32
    %dma_wait3A_69 = arith.constant 0 : i32
    %dma_wait3A_70 = tpu.memref_slice %arg6[%dma_wait3A, %dma_wait3A_68, %dma_wait3A_69] : memref<5x128x128xf32, #tpu.memory_space<vmem>> -> memref<1x128x128xf32, #tpu.memory_space<vmem>>
    %dma_wait3A_71 = tpu.memref_squeeze %dma_wait3A_70 : memref<1x128x128xf32, #tpu.memory_space<vmem>> -> memref<128x128xf32, #tpu.memory_space<vmem>>
    %dma_wait3A_72 = arith.constant 0 : i32
    %dma_wait3A_73 = arith.constant 0 : i32
    %dma_wait3A_74 = tpu.memref_slice %arg4[%dma_wait3A_72, %dma_wait3A_73] : memref<327680x128xf32, #tpu.memory_space<hbm>> -> memref<128x128xf32, #tpu.memory_space<hbm>>
    %dma_wait3A_75 = arith.constant 0 : i32
    %dma_wait3A_76 = arith.constant 0 : i32
    %dma_wait3A_77 = tpu.memref_slice %arg4[%dma_wait3A_75, %dma_wait3A_76] : memref<327680x128xf32, #tpu.memory_space<hbm>> -> memref<128x128xf32, #tpu.memory_space<hbm>>
    %dma_wait3A_78 = arith.constant 0 : i32
    %dma_wait3A_79 = arith.constant 0 : i32
    %dma_wait3A_80 = tpu.memref_slice %arg6[%dma_wait3A, %dma_wait3A_78, %dma_wait3A_79] : memref<5x128x128xf32, #tpu.memory_space<vmem>> -> memref<1x128x128xf32, #tpu.memory_space<vmem>>
    %dma_wait3A_81 = tpu.memref_squeeze %dma_wait3A_80 : memref<1x128x128xf32, #tpu.memory_space<vmem>> -> memref<128x128xf32, #tpu.memory_space<vmem>>
    tpu.wait_dma2 semaphore(%arg12 : memref<!tpu.dma_semaphore, #tpu.memory_space<semaphore_mem>>) src(%dma_wait3A_81 : memref<128x128xf32, #tpu.memory_space<vmem>>) dst(%dma_wait3A_77 : memref<128x128xf32, #tpu.memory_space<hbm>>)
    %dma_wait3A_82 = arith.constant 1 : i32
    %dma_wait3A_83 = arith.constant 0 : i32
    %dma_wait3A_84 = arith.constant 0 : i32
    %dma_wait3A_85 = tpu.memref_slice %arg6[%dma_wait3A_82, %dma_wait3A_83, %dma_wait3A_84] : memref<5x128x128xf32, #tpu.memory_space<vmem>> -> memref<1x128x128xf32, #tpu.memory_space<vmem>>
    %dma_wait3A_86 = tpu.memref_squeeze %dma_wait3A_85 : memref<1x128x128xf32, #tpu.memory_space<vmem>> -> memref<128x128xf32, #tpu.memory_space<vmem>>
    %dma_wait3A_87 = arith.constant 0 : i32
    %dma_wait3A_88 = arith.constant 0 : i32
    %dma_wait3A_89 = tpu.memref_slice %arg4[%dma_wait3A_87, %dma_wait3A_88] : memref<327680x128xf32, #tpu.memory_space<hbm>> -> memref<128x128xf32, #tpu.memory_space<hbm>>
    %dma_wait3A_90 = arith.constant 0 : i32
    %dma_wait3A_91 = arith.constant 0 : i32
    %dma_wait3A_92 = tpu.memref_slice %arg4[%dma_wait3A_90, %dma_wait3A_91] : memref<327680x128xf32, #tpu.memory_space<hbm>> -> memref<128x128xf32, #tpu.memory_space<hbm>>
    %dma_wait3A_93 = arith.constant 0 : i32
    %dma_wait3A_94 = arith.constant 0 : i32
    %dma_wait3A_95 = tpu.memref_slice %arg6[%dma_wait3A_82, %dma_wait3A_93, %dma_wait3A_94] : memref<5x128x128xf32, #tpu.memory_space<vmem>> -> memref<1x128x128xf32, #tpu.memory_space<vmem>>
    %dma_wait3A_96 = tpu.memref_squeeze %dma_wait3A_95 : memref<1x128x128xf32, #tpu.memory_space<vmem>> -> memref<128x128xf32, #tpu.memory_space<vmem>>
    tpu.wait_dma2 semaphore(%arg13 : memref<!tpu.dma_semaphore, #tpu.memory_space<semaphore_mem>>) src(%dma_wait3A_96 : memref<128x128xf32, #tpu.memory_space<vmem>>) dst(%dma_wait3A_92 : memref<128x128xf32, #tpu.memory_space<hbm>>)
    %dma_wait3A_97 = arith.constant 2 : i32
    %dma_wait3A_98 = arith.constant 0 : i32
    %dma_wait3A_99 = arith.constant 0 : i32
    %dma_wait3A_100 = tpu.memref_slice %arg6[%dma_wait3A_97, %dma_wait3A_98, %dma_wait3A_99] : memref<5x128x128xf32, #tpu.memory_space<vmem>> -> memref<1x128x128xf32, #tpu.memory_space<vmem>>
    %dma_wait3A_101 = tpu.memref_squeeze %dma_wait3A_100 : memref<1x128x128xf32, #tpu.memory_space<vmem>> -> memref<128x128xf32, #tpu.memory_space<vmem>>
    %dma_wait3A_102 = arith.constant 0 : i32
    %dma_wait3A_103 = arith.constant 0 : i32
    %dma_wait3A_104 = tpu.memref_slice %arg4[%dma_wait3A_102, %dma_wait3A_103] : memref<327680x128xf32, #tpu.memory_space<hbm>> -> memref<128x128xf32, #tpu.memory_space<hbm>>
    %dma_wait3A_105 = arith.constant 0 : i32
    %dma_wait3A_106 = arith.constant 0 : i32
    %dma_wait3A_107 = tpu.memref_slice %arg4[%dma_wait3A_105, %dma_wait3A_106] : memref<327680x128xf32, #tpu.memory_space<hbm>> -> memref<128x128xf32, #tpu.memory_space<hbm>>
    %dma_wait3A_108 = arith.constant 0 : i32
    %dma_wait3A_109 = arith.constant 0 : i32
    %dma_wait3A_110 = tpu.memref_slice %arg6[%dma_wait3A_97, %dma_wait3A_108, %dma_wait3A_109] : memref<5x128x128xf32, #tpu.memory_space<vmem>> -> memref<1x128x128xf32, #tpu.memory_space<vmem>>
    %dma_wait3A_111 = tpu.memref_squeeze %dma_wait3A_110 : memref<1x128x128xf32, #tpu.memory_space<vmem>> -> memref<128x128xf32, #tpu.memory_space<vmem>>
    tpu.wait_dma2 semaphore(%arg14 : memref<!tpu.dma_semaphore, #tpu.memory_space<semaphore_mem>>) src(%dma_wait3A_111 : memref<128x128xf32, #tpu.memory_space<vmem>>) dst(%dma_wait3A_107 : memref<128x128xf32, #tpu.memory_space<hbm>>)
    %dma_wait3A_112 = arith.constant 3 : i32
    %dma_wait3A_113 = arith.constant 0 : i32
    %dma_wait3A_114 = arith.constant 0 : i32
    %dma_wait3A_115 = tpu.memref_slice %arg6[%dma_wait3A_112, %dma_wait3A_113, %dma_wait3A_114] : memref<5x128x128xf32, #tpu.memory_space<vmem>> -> memref<1x128x128xf32, #tpu.memory_space<vmem>>
    %dma_wait3A_116 = tpu.memref_squeeze %dma_wait3A_115 : memref<1x128x128xf32, #tpu.memory_space<vmem>> -> memref<128x128xf32, #tpu.memory_space<vmem>>
    %dma_wait3A_117 = arith.constant 0 : i32
    %dma_wait3A_118 = arith.constant 0 : i32
    %dma_wait3A_119 = tpu.memref_slice %arg4[%dma_wait3A_117, %dma_wait3A_118] : memref<327680x128xf32, #tpu.memory_space<hbm>> -> memref<128x128xf32, #tpu.memory_space<hbm>>
    %dma_wait3A_120 = arith.constant 0 : i32
    %dma_wait3A_121 = arith.constant 0 : i32
    %dma_wait3A_122 = tpu.memref_slice %arg4[%dma_wait3A_120, %dma_wait3A_121] : memref<327680x128xf32, #tpu.memory_space<hbm>> -> memref<128x128xf32, #tpu.memory_space<hbm>>
    %dma_wait3A_123 = arith.constant 0 : i32
    %dma_wait3A_124 = arith.constant 0 : i32
    %dma_wait3A_125 = tpu.memref_slice %arg6[%dma_wait3A_112, %dma_wait3A_123, %dma_wait3A_124] : memref<5x128x128xf32, #tpu.memory_space<vmem>> -> memref<1x128x128xf32, #tpu.memory_space<vmem>>
    %dma_wait3A_126 = tpu.memref_squeeze %dma_wait3A_125 : memref<1x128x128xf32, #tpu.memory_space<vmem>> -> memref<128x128xf32, #tpu.memory_space<vmem>>
    tpu.wait_dma2 semaphore(%arg15 : memref<!tpu.dma_semaphore, #tpu.memory_space<semaphore_mem>>) src(%dma_wait3A_126 : memref<128x128xf32, #tpu.memory_space<vmem>>) dst(%dma_wait3A_122 : memref<128x128xf32, #tpu.memory_space<hbm>>)
    %dma_wait3A_127 = arith.constant 4 : i32
    %dma_wait3A_128 = arith.constant 0 : i32
    %dma_wait3A_129 = arith.constant 0 : i32
    %dma_wait3A_130 = tpu.memref_slice %arg6[%dma_wait3A_127, %dma_wait3A_128, %dma_wait3A_129] : memref<5x128x128xf32, #tpu.memory_space<vmem>> -> memref<1x128x128xf32, #tpu.memory_space<vmem>>
    %dma_wait3A_131 = tpu.memref_squeeze %dma_wait3A_130 : memref<1x128x128xf32, #tpu.memory_space<vmem>> -> memref<128x128xf32, #tpu.memory_space<vmem>>
    %dma_wait3A_132 = arith.constant 0 : i32
    %dma_wait3A_133 = arith.constant 0 : i32
    %dma_wait3A_134 = tpu.memref_slice %arg4[%dma_wait3A_132, %dma_wait3A_133] : memref<327680x128xf32, #tpu.memory_space<hbm>> -> memref<128x128xf32, #tpu.memory_space<hbm>>
    %dma_wait3A_135 = arith.constant 0 : i32
    %dma_wait3A_136 = arith.constant 0 : i32
    %dma_wait3A_137 = tpu.memref_slice %arg4[%dma_wait3A_135, %dma_wait3A_136] : memref<327680x128xf32, #tpu.memory_space<hbm>> -> memref<128x128xf32, #tpu.memory_space<hbm>>
    %dma_wait3A_138 = arith.constant 0 : i32
    %dma_wait3A_139 = arith.constant 0 : i32
    %dma_wait3A_140 = tpu.memref_slice %arg6[%dma_wait3A_127, %dma_wait3A_138, %dma_wait3A_139] : memref<5x128x128xf32, #tpu.memory_space<vmem>> -> memref<1x128x128xf32, #tpu.memory_space<vmem>>
    %dma_wait3A_141 = tpu.memref_squeeze %dma_wait3A_140 : memref<1x128x128xf32, #tpu.memory_space<vmem>> -> memref<128x128xf32, #tpu.memory_space<vmem>>
    tpu.wait_dma2 semaphore(%arg16 : memref<!tpu.dma_semaphore, #tpu.memory_space<semaphore_mem>>) src(%dma_wait3A_141 : memref<128x128xf32, #tpu.memory_space<vmem>>) dst(%dma_wait3A_137 : memref<128x128xf32, #tpu.memory_space<hbm>>)
    return
  }
}

#map = affine_map<(d0, d1) -> (0, 0)>
module attributes {stable_mosaic.version = 14 : i64} {
  func.func @_sc_scatter(%arg0: i32, %arg1: i32, %arg2: memref<327680x128xf32, #tpu.memory_space<hbm>>, %arg3: memref<2560x128xi32, #tpu.memory_space<hbm>>, %arg4: memref<10240x128xf32, #tpu.memory_space<hbm>>, %arg5: memref<160x128xi32, #tpu.memory_space<vmem>>, %arg6: memref<128x128xf32, #tpu.memory_space<vmem>>, %arg7: memref<128x128xf32, #tpu.memory_space<vmem>>, %arg8: memref<128x128xf32, #tpu.memory_space<vmem>>, %arg9: memref<128x128xf32, #tpu.memory_space<vmem>>, %arg10: memref<128xi32, #tpu.memory_space<vmem>>, %arg11: memref<128xi32, #tpu.memory_space<vmem>>, %arg12: memref<128xi32, #tpu.memory_space<vmem>>, %arg13: memref<128xi32, #tpu.memory_space<vmem>>, %arg14: memref<5128x128xf32, #tpu.memory_space<vmem_shared>>, %arg15: memref<!tpu.dma_semaphore, #tpu.memory_space<semaphore_mem>>, %arg16: memref<!tpu.dma_semaphore, #tpu.memory_space<semaphore_mem>>, %arg17: memref<!tpu.dma_semaphore, #tpu.memory_space<semaphore_mem>>, %arg18: memref<!tpu.dma_semaphore, #tpu.memory_space<semaphore_mem>>, %arg19: memref<!tpu.dma_semaphore, #tpu.memory_space<semaphore_mem>>) attributes {dimension_semantics = [#tpu.dimension_semantics<core_parallel>, #tpu.dimension_semantics<subcore_parallel>], iteration_bounds = array<i64: 2, 16>, scalar_prefetch = 0 : i64, scratch_operands = 15 : i64, tpu.core_type = #tpu.core_type<sc_vector_subcore>, window_params = [{transform_indices = #map}, {transform_indices = #map}, {transform_indices = #map}]} {
    %mul3A = arith.constant 5120 : i32
    %mul3A_0 = arith.muli %arg0, %mul3A : i32
    %mul3A_1 = arith.constant 320 : i32
    %mul3A_2 = arith.muli %arg1, %mul3A_1 : i32
    %dma_start3A = arith.constant 0 : i32
    %dma_start3A_3 = tpu.memref_slice %arg14[%mul3A_2, %dma_start3A] : memref<5128x128xf32, #tpu.memory_space<vmem_shared>> -> memref<320x128xf32, #tpu.memory_space<vmem_shared>>
    %dma_start3A_4 = arith.constant 320000 : i32
    %dma_start3A_5 = arith.constant 0 : i32
    %dma_start3A_6 = tpu.memref_slice %arg2[%dma_start3A_4, %dma_start3A_5] : memref<327680x128xf32, #tpu.memory_space<hbm>> -> memref<320x128xf32, #tpu.memory_space<hbm>>
    tpu.enqueue_dma source(%dma_start3A_6 : memref<320x128xf32, #tpu.memory_space<hbm>>) target(%dma_start3A_3 : memref<320x128xf32, #tpu.memory_space<vmem_shared>>) target_semaphore(%arg15 : memref<!tpu.dma_semaphore, #tpu.memory_space<semaphore_mem>>)
    %dma_wait3A = arith.constant 0 : i32
    %dma_wait3A_7 = tpu.memref_slice %arg14[%mul3A_2, %dma_wait3A] : memref<5128x128xf32, #tpu.memory_space<vmem_shared>> -> memref<320x128xf32, #tpu.memory_space<vmem_shared>>
    %dma_wait3A_8 = arith.constant 320000 : i32
    %dma_wait3A_9 = arith.constant 0 : i32
    %dma_wait3A_10 = tpu.memref_slice %arg2[%dma_wait3A_8, %dma_wait3A_9] : memref<327680x128xf32, #tpu.memory_space<hbm>> -> memref<320x128xf32, #tpu.memory_space<hbm>>
    tpu.wait_dma2 semaphore(%arg15 : memref<!tpu.dma_semaphore, #tpu.memory_space<semaphore_mem>>) src(%dma_wait3A_10 : memref<320x128xf32, #tpu.memory_space<hbm>>) dst(%dma_wait3A_7 : memref<320x128xf32, #tpu.memory_space<vmem_shared>>)
    %eq3A = arith.constant 0 : i32
    %eq3A_11 = arith.cmpi eq, %arg1, %eq3A : i32
    %convert_element_type3A = arith.extui %eq3A_11 : i1 to i32
    %cond3A = arith.constant 0 : i32
    %cond3A_12 = arith.cmpi ne, %convert_element_type3A, %cond3A : i32
    scf.if %cond3A_12 {
      %dma_start3A_61 = arith.constant 5120 : i32
      %dma_start3A_62 = arith.constant 0 : i32
      %dma_start3A_63 = tpu.memref_slice %arg14[%dma_start3A_61, %dma_start3A_62] : memref<5128x128xf32, #tpu.memory_space<vmem_shared>> -> memref<8x128xf32, #tpu.memory_space<vmem_shared>>
      %dma_start3A_64 = arith.constant 320000 : i32
      %dma_start3A_65 = arith.constant 0 : i32
      %dma_start3A_66 = tpu.memref_slice %arg2[%dma_start3A_64, %dma_start3A_65] : memref<327680x128xf32, #tpu.memory_space<hbm>> -> memref<8x128xf32, #tpu.memory_space<hbm>>
      tpu.enqueue_dma source(%dma_start3A_66 : memref<8x128xf32, #tpu.memory_space<hbm>>) target(%dma_start3A_63 : memref<8x128xf32, #tpu.memory_space<vmem_shared>>) target_semaphore(%arg15 : memref<!tpu.dma_semaphore, #tpu.memory_space<semaphore_mem>>)
      %dma_wait3A_67 = arith.constant 5120 : i32
      %dma_wait3A_68 = arith.constant 0 : i32
      %dma_wait3A_69 = tpu.memref_slice %arg14[%dma_wait3A_67, %dma_wait3A_68] : memref<5128x128xf32, #tpu.memory_space<vmem_shared>> -> memref<8x128xf32, #tpu.memory_space<vmem_shared>>
      %dma_wait3A_70 = arith.constant 320000 : i32
      %dma_wait3A_71 = arith.constant 0 : i32
      %dma_wait3A_72 = tpu.memref_slice %arg2[%dma_wait3A_70, %dma_wait3A_71] : memref<327680x128xf32, #tpu.memory_space<hbm>> -> memref<8x128xf32, #tpu.memory_space<hbm>>
      tpu.wait_dma2 semaphore(%arg15 : memref<!tpu.dma_semaphore, #tpu.memory_space<semaphore_mem>>) src(%dma_wait3A_72 : memref<8x128xf32, #tpu.memory_space<hbm>>) dst(%dma_wait3A_69 : memref<8x128xf32, #tpu.memory_space<vmem_shared>>)
    } else {
    }
    %mul3A_13 = arith.constant 2 : i32
    %mul3A_14 = arith.muli %arg1, %mul3A_13 : i32
    %mul3A_15 = arith.constant 80 : i32
    %mul3A_16 = arith.muli %mul3A_14, %mul3A_15 : i32
    %dma_start3A_17 = arith.constant 0 : i32
    %dma_start3A_18 = tpu.memref_slice %arg3[%mul3A_16, %dma_start3A_17] : memref<2560x128xi32, #tpu.memory_space<hbm>> -> memref<160x128xi32, #tpu.memory_space<hbm>>
    %dma_start3A_19 = arith.constant 0 : i32
    %dma_start3A_20 = tpu.memref_slice %arg3[%mul3A_16, %dma_start3A_19] : memref<2560x128xi32, #tpu.memory_space<hbm>> -> memref<160x128xi32, #tpu.memory_space<hbm>>
    tpu.enqueue_dma source(%dma_start3A_20 : memref<160x128xi32, #tpu.memory_space<hbm>>) target(%arg5 : memref<160x128xi32, #tpu.memory_space<vmem>>) target_semaphore(%arg15 : memref<!tpu.dma_semaphore, #tpu.memory_space<semaphore_mem>>)
    %dma_wait3A_21 = arith.constant 0 : i32
    %dma_wait3A_22 = tpu.memref_slice %arg3[%mul3A_16, %dma_wait3A_21] : memref<2560x128xi32, #tpu.memory_space<hbm>> -> memref<160x128xi32, #tpu.memory_space<hbm>>
    %dma_wait3A_23 = arith.constant 0 : i32
    %dma_wait3A_24 = tpu.memref_slice %arg3[%mul3A_16, %dma_wait3A_23] : memref<2560x128xi32, #tpu.memory_space<hbm>> -> memref<160x128xi32, #tpu.memory_space<hbm>>
    tpu.wait_dma2 semaphore(%arg15 : memref<!tpu.dma_semaphore, #tpu.memory_space<semaphore_mem>>) src(%dma_wait3A_24 : memref<160x128xi32, #tpu.memory_space<hbm>>) dst(%arg5 : memref<160x128xi32, #tpu.memory_space<vmem>>)
    %barrier3A = arith.constant 0 : index
    tpu.barrier barrier_id(%barrier3A)
    %mul3A_25 = arith.constant 2 : i32
    %mul3A_26 = arith.muli %arg1, %mul3A_25 : i32
    %add3A = arith.constant 0 : i32
    %add3A_27 = arith.addi %mul3A_26, %add3A : i32
    %mul3A_28 = arith.constant 10240 : i32
    %mul3A_29 = arith.muli %add3A_27, %mul3A_28 : i32
    %scan3A = arith.constant 0 : i32
    %scan3A_30 = arith.constant 20 : i32
    %scan3A_31 = arith.addi %scan3A, %scan3A_30 : i32
    %scan3A_32 = arith.constant 1 : i32
    scf.for %scan3A_61 = %scan3A to %scan3A_31 step %scan3A_32  : i32 {
      %mul3A_62 = arith.constant 4 : i32
      %mul3A_63 = arith.muli %scan3A_61, %mul3A_62 : i32
      %add3A_64 = arith.constant 0 : i32
      %add3A_65 = arith.addi %add3A_64, %mul3A_63 : i32
      %add3A_66 = arith.constant 0 : i32
      %add3A_67 = arith.addi %add3A_65, %add3A_66 : i32
      %mul3A_68 = arith.constant 128 : i32
      %mul3A_69 = arith.muli %add3A_67, %mul3A_68 : i32
      %add3A_70 = arith.addi %mul3A_29, %mul3A_69 : i32
      %dma_start3A_71 = arith.constant 0 : i32
      %dma_start3A_72 = tpu.memref_slice %arg2[%add3A_70, %dma_start3A_71] : memref<327680x128xf32, #tpu.memory_space<hbm>> -> memref<128x128xf32, #tpu.memory_space<hbm>>
      %dma_start3A_73 = arith.constant 0 : i32
      %dma_start3A_74 = tpu.memref_slice %arg2[%add3A_70, %dma_start3A_73] : memref<327680x128xf32, #tpu.memory_space<hbm>> -> memref<128x128xf32, #tpu.memory_space<hbm>>
      tpu.enqueue_dma source(%dma_start3A_74 : memref<128x128xf32, #tpu.memory_space<hbm>>) target(%arg6 : memref<128x128xf32, #tpu.memory_space<vmem>>) target_semaphore(%arg15 : memref<!tpu.dma_semaphore, #tpu.memory_space<semaphore_mem>>)
      %add3A_75 = arith.constant 1 : i32
      %add3A_76 = arith.addi %add3A_65, %add3A_75 : i32
      %mul3A_77 = arith.constant 128 : i32
      %mul3A_78 = arith.muli %add3A_76, %mul3A_77 : i32
      %add3A_79 = arith.addi %mul3A_29, %mul3A_78 : i32
      %dma_start3A_80 = arith.constant 0 : i32
      %dma_start3A_81 = tpu.memref_slice %arg2[%add3A_79, %dma_start3A_80] : memref<327680x128xf32, #tpu.memory_space<hbm>> -> memref<128x128xf32, #tpu.memory_space<hbm>>
      %dma_start3A_82 = arith.constant 0 : i32
      %dma_start3A_83 = tpu.memref_slice %arg2[%add3A_79, %dma_start3A_82] : memref<327680x128xf32, #tpu.memory_space<hbm>> -> memref<128x128xf32, #tpu.memory_space<hbm>>
      tpu.enqueue_dma source(%dma_start3A_83 : memref<128x128xf32, #tpu.memory_space<hbm>>) target(%arg7 : memref<128x128xf32, #tpu.memory_space<vmem>>) target_semaphore(%arg16 : memref<!tpu.dma_semaphore, #tpu.memory_space<semaphore_mem>>)
      %add3A_84 = arith.constant 2 : i32
      %add3A_85 = arith.addi %add3A_65, %add3A_84 : i32
      %mul3A_86 = arith.constant 128 : i32
      %mul3A_87 = arith.muli %add3A_85, %mul3A_86 : i32
      %add3A_88 = arith.addi %mul3A_29, %mul3A_87 : i32
      %dma_start3A_89 = arith.constant 0 : i32
      %dma_start3A_90 = tpu.memref_slice %arg2[%add3A_88, %dma_start3A_89] : memref<327680x128xf32, #tpu.memory_space<hbm>> -> memref<128x128xf32, #tpu.memory_space<hbm>>
      %dma_start3A_91 = arith.constant 0 : i32
      %dma_start3A_92 = tpu.memref_slice %arg2[%add3A_88, %dma_start3A_91] : memref<327680x128xf32, #tpu.memory_space<hbm>> -> memref<128x128xf32, #tpu.memory_space<hbm>>
      tpu.enqueue_dma source(%dma_start3A_92 : memref<128x128xf32, #tpu.memory_space<hbm>>) target(%arg8 : memref<128x128xf32, #tpu.memory_space<vmem>>) target_semaphore(%arg17 : memref<!tpu.dma_semaphore, #tpu.memory_space<semaphore_mem>>)
      %add3A_93 = arith.constant 3 : i32
      %add3A_94 = arith.addi %add3A_65, %add3A_93 : i32
      %mul3A_95 = arith.constant 128 : i32
      %mul3A_96 = arith.muli %add3A_94, %mul3A_95 : i32
      %add3A_97 = arith.addi %mul3A_29, %mul3A_96 : i32
      %dma_start3A_98 = arith.constant 0 : i32
      %dma_start3A_99 = tpu.memref_slice %arg2[%add3A_97, %dma_start3A_98] : memref<327680x128xf32, #tpu.memory_space<hbm>> -> memref<128x128xf32, #tpu.memory_space<hbm>>
      %dma_start3A_100 = arith.constant 0 : i32
      %dma_start3A_101 = tpu.memref_slice %arg2[%add3A_97, %dma_start3A_100] : memref<327680x128xf32, #tpu.memory_space<hbm>> -> memref<128x128xf32, #tpu.memory_space<hbm>>
      tpu.enqueue_dma source(%dma_start3A_101 : memref<128x128xf32, #tpu.memory_space<hbm>>) target(%arg9 : memref<128x128xf32, #tpu.memory_space<vmem>>) target_semaphore(%arg18 : memref<!tpu.dma_semaphore, #tpu.memory_space<semaphore_mem>>)
      %add3A_102 = arith.constant 0 : i32
      %add3A_103 = arith.addi %add3A_102, %add3A_65 : i32
      %add3A_104 = arith.constant 0 : i32
      %add3A_105 = arith.addi %add3A_103, %add3A_104 : i32
      %get3A = arith.index_cast %add3A_105 : i32 to index
      %get3A_106 = arith.constant 0 : index
      %get3A_107 = tpu.vector_load %arg5[%get3A, %get3A_106] {strides = array<i32>} : memref<160x128xi32, #tpu.memory_space<vmem>>, vector<1x16xi32>,
      %get3A_108 = vector.shape_cast %get3A_107 : vector<1x16xi32> to vector<16xi32>
      %sub3A = vector.broadcast %mul3A_0 : i32 to vector<16xi32>
      %sub3A_109 = arith.subi %get3A_108, %sub3A : vector<16xi32>
      %ge3A = arith.constant 0 : i32
      %ge3A_110 = vector.broadcast %ge3A : i32 to vector<16xi32>
      %ge3A_111 = arith.cmpi sge, %sub3A_109, %ge3A_110 : vector<16xi32>
      %lt3A = arith.constant 5120 : i32
      %lt3A_112 = vector.broadcast %lt3A : i32 to vector<16xi32>
      %lt3A_113 = arith.cmpi slt, %sub3A_109, %lt3A_112 : vector<16xi32>
      %and3A = arith.andi %ge3A_111, %lt3A_113 : vector<16xi1>
      %jit3A = arith.constant 5120 : i32
      %broadcast_in_dim3A = vector.broadcast %jit3A : i32 to vector<16xi32>
      %select_n3A = arith.select %and3A, %sub3A_109, %broadcast_in_dim3A : vector<16xi1>, vector<16xi32>
      %swap3A = arith.constant 0 : index
      %swap3A_114 = tpu.vector_load %arg10[%swap3A] {strides = array<i32>} : memref<128xi32, #tpu.memory_space<vmem>>, vector<16xi32>,
      %swap3A_115 = vector.shape_cast %swap3A_114 : vector<16xi32> to vector<16xi32>
      %swap3A_116 = vector.shape_cast %select_n3A : vector<16xi32> to vector<16xi32>
      tpu.vector_store %arg10[%swap3A], %swap3A_116 {strides = array<i32>} : memref<128xi32, #tpu.memory_space<vmem>>, vector<16xi32>,
      %get3A_117 = arith.index_cast %add3A_105 : i32 to index
      %get3A_118 = arith.constant 16 : index
      %get3A_119 = tpu.vector_load %arg5[%get3A_117, %get3A_118] {strides = array<i32>} : memref<160x128xi32, #tpu.memory_space<vmem>>, vector<1x16xi32>,
      %get3A_120 = vector.shape_cast %get3A_119 : vector<1x16xi32> to vector<16xi32>
      %sub3A_121 = vector.broadcast %mul3A_0 : i32 to vector<16xi32>
      %sub3A_122 = arith.subi %get3A_120, %sub3A_121 : vector<16xi32>
      %ge3A_123 = arith.constant 0 : i32
      %ge3A_124 = vector.broadcast %ge3A_123 : i32 to vector<16xi32>
      %ge3A_125 = arith.cmpi sge, %sub3A_122, %ge3A_124 : vector<16xi32>
      %lt3A_126 = arith.constant 5120 : i32
      %lt3A_127 = vector.broadcast %lt3A_126 : i32 to vector<16xi32>
      %lt3A_128 = arith.cmpi slt, %sub3A_122, %lt3A_127 : vector<16xi32>
      %and3A_129 = arith.andi %ge3A_125, %lt3A_128 : vector<16xi1>
      %jit3A_130 = arith.constant 5120 : i32
      %broadcast_in_dim3A_131 = vector.broadcast %jit3A_130 : i32 to vector<16xi32>
      %select_n3A_132 = arith.select %and3A_129, %sub3A_122, %broadcast_in_dim3A_131 : vector<16xi1>, vector<16xi32>
      %swap3A_133 = arith.constant 16 : index
      %swap3A_134 = tpu.vector_load %arg10[%swap3A_133] {strides = array<i32>} : memref<128xi32, #tpu.memory_space<vmem>>, vector<16xi32>,
      %swap3A_135 = vector.shape_cast %swap3A_134 : vector<16xi32> to vector<16xi32>
      %swap3A_136 = vector.shape_cast %select_n3A_132 : vector<16xi32> to vector<16xi32>
      tpu.vector_store %arg10[%swap3A_133], %swap3A_136 {strides = array<i32>} : memref<128xi32, #tpu.memory_space<vmem>>, vector<16xi32>,
      %get3A_137 = arith.index_cast %add3A_105 : i32 to index
      %get3A_138 = arith.constant 32 : index
      %get3A_139 = tpu.vector_load %arg5[%get3A_137, %get3A_138] {strides = array<i32>} : memref<160x128xi32, #tpu.memory_space<vmem>>, vector<1x16xi32>,
      %get3A_140 = vector.shape_cast %get3A_139 : vector<1x16xi32> to vector<16xi32>
      %sub3A_141 = vector.broadcast %mul3A_0 : i32 to vector<16xi32>
      %sub3A_142 = arith.subi %get3A_140, %sub3A_141 : vector<16xi32>
      %ge3A_143 = arith.constant 0 : i32
      %ge3A_144 = vector.broadcast %ge3A_143 : i32 to vector<16xi32>
      %ge3A_145 = arith.cmpi sge, %sub3A_142, %ge3A_144 : vector<16xi32>
      %lt3A_146 = arith.constant 5120 : i32
      %lt3A_147 = vector.broadcast %lt3A_146 : i32 to vector<16xi32>
      %lt3A_148 = arith.cmpi slt, %sub3A_142, %lt3A_147 : vector<16xi32>
      %and3A_149 = arith.andi %ge3A_145, %lt3A_148 : vector<16xi1>
      %jit3A_150 = arith.constant 5120 : i32
      %broadcast_in_dim3A_151 = vector.broadcast %jit3A_150 : i32 to vector<16xi32>
      %select_n3A_152 = arith.select %and3A_149, %sub3A_142, %broadcast_in_dim3A_151 : vector<16xi1>, vector<16xi32>
      %swap3A_153 = arith.constant 32 : index
      %swap3A_154 = tpu.vector_load %arg10[%swap3A_153] {strides = array<i32>} : memref<128xi32, #tpu.memory_space<vmem>>, vector<16xi32>,
      %swap3A_155 = vector.shape_cast %swap3A_154 : vector<16xi32> to vector<16xi32>
      %swap3A_156 = vector.shape_cast %select_n3A_152 : vector<16xi32> to vector<16xi32>
      tpu.vector_store %arg10[%swap3A_153], %swap3A_156 {strides = array<i32>} : memref<128xi32, #tpu.memory_space<vmem>>, vector<16xi32>,
      %get3A_157 = arith.index_cast %add3A_105 : i32 to index
      %get3A_158 = arith.constant 48 : index
      %get3A_159 = tpu.vector_load %arg5[%get3A_157, %get3A_158] {strides = array<i32>} : memref<160x128xi32, #tpu.memory_space<vmem>>, vector<1x16xi32>,
      %get3A_160 = vector.shape_cast %get3A_159 : vector<1x16xi32> to vector<16xi32>
      %sub3A_161 = vector.broadcast %mul3A_0 : i32 to vector<16xi32>
      %sub3A_162 = arith.subi %get3A_160, %sub3A_161 : vector<16xi32>
      %ge3A_163 = arith.constant 0 : i32
      %ge3A_164 = vector.broadcast %ge3A_163 : i32 to vector<16xi32>
      %ge3A_165 = arith.cmpi sge, %sub3A_162, %ge3A_164 : vector<16xi32>
      %lt3A_166 = arith.constant 5120 : i32
      %lt3A_167 = vector.broadcast %lt3A_166 : i32 to vector<16xi32>
      %lt3A_168 = arith.cmpi slt, %sub3A_162, %lt3A_167 : vector<16xi32>
      %and3A_169 = arith.andi %ge3A_165, %lt3A_168 : vector<16xi1>
      %jit3A_170 = arith.constant 5120 : i32
      %broadcast_in_dim3A_171 = vector.broadcast %jit3A_170 : i32 to vector<16xi32>
      %select_n3A_172 = arith.select %and3A_169, %sub3A_162, %broadcast_in_dim3A_171 : vector<16xi1>, vector<16xi32>
      %swap3A_173 = arith.constant 48 : index
      %swap3A_174 = tpu.vector_load %arg10[%swap3A_173] {strides = array<i32>} : memref<128xi32, #tpu.memory_space<vmem>>, vector<16xi32>,
      %swap3A_175 = vector.shape_cast %swap3A_174 : vector<16xi32> to vector<16xi32>
      %swap3A_176 = vector.shape_cast %select_n3A_172 : vector<16xi32> to vector<16xi32>
      tpu.vector_store %arg10[%swap3A_173], %swap3A_176 {strides = array<i32>} : memref<128xi32, #tpu.memory_space<vmem>>, vector<16xi32>,
      %get3A_177 = arith.index_cast %add3A_105 : i32 to index
      %get3A_178 = arith.constant 64 : index
      %get3A_179 = tpu.vector_load %arg5[%get3A_177, %get3A_178] {strides = array<i32>} : memref<160x128xi32, #tpu.memory_space<vmem>>, vector<1x16xi32>,
      %get3A_180 = vector.shape_cast %get3A_179 : vector<1x16xi32> to vector<16xi32>
      %sub3A_181 = vector.broadcast %mul3A_0 : i32 to vector<16xi32>
      %sub3A_182 = arith.subi %get3A_180, %sub3A_181 : vector<16xi32>
      %ge3A_183 = arith.constant 0 : i32
      %ge3A_184 = vector.broadcast %ge3A_183 : i32 to vector<16xi32>
      %ge3A_185 = arith.cmpi sge, %sub3A_182, %ge3A_184 : vector<16xi32>
      %lt3A_186 = arith.constant 5120 : i32
      %lt3A_187 = vector.broadcast %lt3A_186 : i32 to vector<16xi32>
      %lt3A_188 = arith.cmpi slt, %sub3A_182, %lt3A_187 : vector<16xi32>
      %and3A_189 = arith.andi %ge3A_185, %lt3A_188 : vector<16xi1>
      %jit3A_190 = arith.constant 5120 : i32
      %broadcast_in_dim3A_191 = vector.broadcast %jit3A_190 : i32 to vector<16xi32>
      %select_n3A_192 = arith.select %and3A_189, %sub3A_182, %broadcast_in_dim3A_191 : vector<16xi1>, vector<16xi32>
      %swap3A_193 = arith.constant 64 : index
      %swap3A_194 = tpu.vector_load %arg10[%swap3A_193] {strides = array<i32>} : memref<128xi32, #tpu.memory_space<vmem>>, vector<16xi32>,
      %swap3A_195 = vector.shape_cast %swap3A_194 : vector<16xi32> to vector<16xi32>
      %swap3A_196 = vector.shape_cast %select_n3A_192 : vector<16xi32> to vector<16xi32>
      tpu.vector_store %arg10[%swap3A_193], %swap3A_196 {strides = array<i32>} : memref<128xi32, #tpu.memory_space<vmem>>, vector<16xi32>,
      %get3A_197 = arith.index_cast %add3A_105 : i32 to index
      %get3A_198 = arith.constant 80 : index
      %get3A_199 = tpu.vector_load %arg5[%get3A_197, %get3A_198] {strides = array<i32>} : memref<160x128xi32, #tpu.memory_space<vmem>>, vector<1x16xi32>,
      %get3A_200 = vector.shape_cast %get3A_199 : vector<1x16xi32> to vector<16xi32>
      %sub3A_201 = vector.broadcast %mul3A_0 : i32 to vector<16xi32>
      %sub3A_202 = arith.subi %get3A_200, %sub3A_201 : vector<16xi32>
      %ge3A_203 = arith.constant 0 : i32
      %ge3A_204 = vector.broadcast %ge3A_203 : i32 to vector<16xi32>
      %ge3A_205 = arith.cmpi sge, %sub3A_202, %ge3A_204 : vector<16xi32>
      %lt3A_206 = arith.constant 5120 : i32
      %lt3A_207 = vector.broadcast %lt3A_206 : i32 to vector<16xi32>
      %lt3A_208 = arith.cmpi slt, %sub3A_202, %lt3A_207 : vector<16xi32>
      %and3A_209 = arith.andi %ge3A_205, %lt3A_208 : vector<16xi1>
      %jit3A_210 = arith.constant 5120 : i32
      %broadcast_in_dim3A_211 = vector.broadcast %jit3A_210 : i32 to vector<16xi32>
      %select_n3A_212 = arith.select %and3A_209, %sub3A_202, %broadcast_in_dim3A_211 : vector<16xi1>, vector<16xi32>
      %swap3A_213 = arith.constant 80 : index
      %swap3A_214 = tpu.vector_load %arg10[%swap3A_213] {strides = array<i32>} : memref<128xi32, #tpu.memory_space<vmem>>, vector<16xi32>,
      %swap3A_215 = vector.shape_cast %swap3A_214 : vector<16xi32> to vector<16xi32>
      %swap3A_216 = vector.shape_cast %select_n3A_212 : vector<16xi32> to vector<16xi32>
      tpu.vector_store %arg10[%swap3A_213], %swap3A_216 {strides = array<i32>} : memref<128xi32, #tpu.memory_space<vmem>>, vector<16xi32>,
      %get3A_217 = arith.index_cast %add3A_105 : i32 to index
      %get3A_218 = arith.constant 96 : index
      %get3A_219 = tpu.vector_load %arg5[%get3A_217, %get3A_218] {strides = array<i32>} : memref<160x128xi32, #tpu.memory_space<vmem>>, vector<1x16xi32>,
      %get3A_220 = vector.shape_cast %get3A_219 : vector<1x16xi32> to vector<16xi32>
      %sub3A_221 = vector.broadcast %mul3A_0 : i32 to vector<16xi32>
      %sub3A_222 = arith.subi %get3A_220, %sub3A_221 : vector<16xi32>
      %ge3A_223 = arith.constant 0 : i32
      %ge3A_224 = vector.broadcast %ge3A_223 : i32 to vector<16xi32>
      %ge3A_225 = arith.cmpi sge, %sub3A_222, %ge3A_224 : vector<16xi32>
      %lt3A_226 = arith.constant 5120 : i32
      %lt3A_227 = vector.broadcast %lt3A_226 : i32 to vector<16xi32>
      %lt3A_228 = arith.cmpi slt, %sub3A_222, %lt3A_227 : vector<16xi32>
      %and3A_229 = arith.andi %ge3A_225, %lt3A_228 : vector<16xi1>
      %jit3A_230 = arith.constant 5120 : i32
      %broadcast_in_dim3A_231 = vector.broadcast %jit3A_230 : i32 to vector<16xi32>
      %select_n3A_232 = arith.select %and3A_229, %sub3A_222, %broadcast_in_dim3A_231 : vector<16xi1>, vector<16xi32>
      %swap3A_233 = arith.constant 96 : index
      %swap3A_234 = tpu.vector_load %arg10[%swap3A_233] {strides = array<i32>} : memref<128xi32, #tpu.memory_space<vmem>>, vector<16xi32>,
      %swap3A_235 = vector.shape_cast %swap3A_234 : vector<16xi32> to vector<16xi32>
      %swap3A_236 = vector.shape_cast %select_n3A_232 : vector<16xi32> to vector<16xi32>
      tpu.vector_store %arg10[%swap3A_233], %swap3A_236 {strides = array<i32>} : memref<128xi32, #tpu.memory_space<vmem>>, vector<16xi32>,
      %get3A_237 = arith.index_cast %add3A_105 : i32 to index
      %get3A_238 = arith.constant 112 : index
      %get3A_239 = tpu.vector_load %arg5[%get3A_237, %get3A_238] {strides = array<i32>} : memref<160x128xi32, #tpu.memory_space<vmem>>, vector<1x16xi32>,
      %get3A_240 = vector.shape_cast %get3A_239 : vector<1x16xi32> to vector<16xi32>
      %sub3A_241 = vector.broadcast %mul3A_0 : i32 to vector<16xi32>
      %sub3A_242 = arith.subi %get3A_240, %sub3A_241 : vector<16xi32>
      %ge3A_243 = arith.constant 0 : i32
      %ge3A_244 = vector.broadcast %ge3A_243 : i32 to vector<16xi32>
      %ge3A_245 = arith.cmpi sge, %sub3A_242, %ge3A_244 : vector<16xi32>
      %lt3A_246 = arith.constant 5120 : i32
      %lt3A_247 = vector.broadcast %lt3A_246 : i32 to vector<16xi32>
      %lt3A_248 = arith.cmpi slt, %sub3A_242, %lt3A_247 : vector<16xi32>
      %and3A_249 = arith.andi %ge3A_245, %lt3A_248 : vector<16xi1>
      %jit3A_250 = arith.constant 5120 : i32
      %broadcast_in_dim3A_251 = vector.broadcast %jit3A_250 : i32 to vector<16xi32>
      %select_n3A_252 = arith.select %and3A_249, %sub3A_242, %broadcast_in_dim3A_251 : vector<16xi1>, vector<16xi32>
      %swap3A_253 = arith.constant 112 : index
      %swap3A_254 = tpu.vector_load %arg10[%swap3A_253] {strides = array<i32>} : memref<128xi32, #tpu.memory_space<vmem>>, vector<16xi32>,
      %swap3A_255 = vector.shape_cast %swap3A_254 : vector<16xi32> to vector<16xi32>
      %swap3A_256 = vector.shape_cast %select_n3A_252 : vector<16xi32> to vector<16xi32>
      tpu.vector_store %arg10[%swap3A_253], %swap3A_256 {strides = array<i32>} : memref<128xi32, #tpu.memory_space<vmem>>, vector<16xi32>,
      %dma_wait3A_257 = arith.constant 0 : i32
      %dma_wait3A_258 = tpu.memref_slice %arg2[%add3A_70, %dma_wait3A_257] : memref<327680x128xf32, #tpu.memory_space<hbm>> -> memref<128x128xf32, #tpu.memory_space<hbm>>
      %dma_wait3A_259 = arith.constant 0 : i32
      %dma_wait3A_260 = tpu.memref_slice %arg2[%add3A_70, %dma_wait3A_259] : memref<327680x128xf32, #tpu.memory_space<hbm>> -> memref<128x128xf32, #tpu.memory_space<hbm>>
      tpu.wait_dma2 semaphore(%arg15 : memref<!tpu.dma_semaphore, #tpu.memory_space<semaphore_mem>>) src(%dma_wait3A_260 : memref<128x128xf32, #tpu.memory_space<hbm>>) dst(%arg6 : memref<128x128xf32, #tpu.memory_space<vmem>>)
      "tpu.region"() ({
        %run_scoped3A = tpu.sem_alloc : memref<!tpu.dma_semaphore, #tpu.memory_space<semaphore_mem>>
        %dma_start3A_765 = arith.constant 0 : i32
        %dma_start3A_766 = arith.constant 0 : i32
        %dma_start3A_767 = tpu.memref_slice %arg14[%dma_start3A_765, %dma_start3A_766] : memref<5128x128xf32, #tpu.memory_space<vmem_shared>> -> memref<5128x128xf32, #tpu.memory_space<vmem_shared>>
        tpu.enqueue_indirect_dma source(%arg6 : memref<128x128xf32, #tpu.memory_space<vmem>>) target(%dma_start3A_767 : memref<5128x128xf32, #tpu.memory_space<vmem_shared>>) offsets(%arg10 : memref<128xi32, #tpu.memory_space<vmem>>) semaphore(%run_scoped3A : memref<!tpu.dma_semaphore, #tpu.memory_space<semaphore_mem>>) {add = true}
        %dma_wait3A_768 = arith.constant 0 : i32
        %dma_wait3A_769 = arith.constant 0 : i32
        %dma_wait3A_770 = tpu.memref_slice %arg14[%dma_wait3A_768, %dma_wait3A_769] : memref<5128x128xf32, #tpu.memory_space<vmem_shared>> -> memref<5128x128xf32, #tpu.memory_space<vmem_shared>>
        tpu.wait_indirect_dma semaphore(%run_scoped3A : memref<!tpu.dma_semaphore, #tpu.memory_space<semaphore_mem>>) src(%arg6 : memref<128x128xf32, #tpu.memory_space<vmem>>) dst(%dma_wait3A_770 : memref<5128x128xf32, #tpu.memory_space<vmem_shared>>)
        tpu.yield
      }) : () -> ()
      %add3A_261 = arith.constant 0 : i32
      %add3A_262 = arith.addi %add3A_261, %add3A_65 : i32
      %add3A_263 = arith.constant 1 : i32
      %add3A_264 = arith.addi %add3A_262, %add3A_263 : i32
      %get3A_265 = arith.index_cast %add3A_264 : i32 to index
      %get3A_266 = arith.constant 0 : index
      %get3A_267 = tpu.vector_load %arg5[%get3A_265, %get3A_266] {strides = array<i32>} : memref<160x128xi32, #tpu.memory_space<vmem>>, vector<1x16xi32>,
      %get3A_268 = vector.shape_cast %get3A_267 : vector<1x16xi32> to vector<16xi32>
      %sub3A_269 = vector.broadcast %mul3A_0 : i32 to vector<16xi32>
      %sub3A_270 = arith.subi %get3A_268, %sub3A_269 : vector<16xi32>
      %ge3A_271 = arith.constant 0 : i32
      %ge3A_272 = vector.broadcast %ge3A_271 : i32 to vector<16xi32>
      %ge3A_273 = arith.cmpi sge, %sub3A_270, %ge3A_272 : vector<16xi32>
      %lt3A_274 = arith.constant 5120 : i32
      %lt3A_275 = vector.broadcast %lt3A_274 : i32 to vector<16xi32>
      %lt3A_276 = arith.cmpi slt, %sub3A_270, %lt3A_275 : vector<16xi32>
      %and3A_277 = arith.andi %ge3A_273, %lt3A_276 : vector<16xi1>
      %jit3A_278 = arith.constant 5120 : i32
      %broadcast_in_dim3A_279 = vector.broadcast %jit3A_278 : i32 to vector<16xi32>
      %select_n3A_280 = arith.select %and3A_277, %sub3A_270, %broadcast_in_dim3A_279 : vector<16xi1>, vector<16xi32>
      %swap3A_281 = arith.constant 0 : index
      %swap3A_282 = tpu.vector_load %arg11[%swap3A_281] {strides = array<i32>} : memref<128xi32, #tpu.memory_space<vmem>>, vector<16xi32>,
      %swap3A_283 = vector.shape_cast %swap3A_282 : vector<16xi32> to vector<16xi32>
      %swap3A_284 = vector.shape_cast %select_n3A_280 : vector<16xi32> to vector<16xi32>
      tpu.vector_store %arg11[%swap3A_281], %swap3A_284 {strides = array<i32>} : memref<128xi32, #tpu.memory_space<vmem>>, vector<16xi32>,
      %get3A_285 = arith.index_cast %add3A_264 : i32 to index
      %get3A_286 = arith.constant 16 : index
      %get3A_287 = tpu.vector_load %arg5[%get3A_285, %get3A_286] {strides = array<i32>} : memref<160x128xi32, #tpu.memory_space<vmem>>, vector<1x16xi32>,
      %get3A_288 = vector.shape_cast %get3A_287 : vector<1x16xi32> to vector<16xi32>
      %sub3A_289 = vector.broadcast %mul3A_0 : i32 to vector<16xi32>
      %sub3A_290 = arith.subi %get3A_288, %sub3A_289 : vector<16xi32>
      %ge3A_291 = arith.constant 0 : i32
      %ge3A_292 = vector.broadcast %ge3A_291 : i32 to vector<16xi32>
      %ge3A_293 = arith.cmpi sge, %sub3A_290, %ge3A_292 : vector<16xi32>
      %lt3A_294 = arith.constant 5120 : i32
      %lt3A_295 = vector.broadcast %lt3A_294 : i32 to vector<16xi32>
      %lt3A_296 = arith.cmpi slt, %sub3A_290, %lt3A_295 : vector<16xi32>
      %and3A_297 = arith.andi %ge3A_293, %lt3A_296 : vector<16xi1>
      %jit3A_298 = arith.constant 5120 : i32
      %broadcast_in_dim3A_299 = vector.broadcast %jit3A_298 : i32 to vector<16xi32>
      %select_n3A_300 = arith.select %and3A_297, %sub3A_290, %broadcast_in_dim3A_299 : vector<16xi1>, vector<16xi32>
      %swap3A_301 = arith.constant 16 : index
      %swap3A_302 = tpu.vector_load %arg11[%swap3A_301] {strides = array<i32>} : memref<128xi32, #tpu.memory_space<vmem>>, vector<16xi32>,
      %swap3A_303 = vector.shape_cast %swap3A_302 : vector<16xi32> to vector<16xi32>
      %swap3A_304 = vector.shape_cast %select_n3A_300 : vector<16xi32> to vector<16xi32>
      tpu.vector_store %arg11[%swap3A_301], %swap3A_304 {strides = array<i32>} : memref<128xi32, #tpu.memory_space<vmem>>, vector<16xi32>,
      %get3A_305 = arith.index_cast %add3A_264 : i32 to index
      %get3A_306 = arith.constant 32 : index
      %get3A_307 = tpu.vector_load %arg5[%get3A_305, %get3A_306] {strides = array<i32>} : memref<160x128xi32, #tpu.memory_space<vmem>>, vector<1x16xi32>,
      %get3A_308 = vector.shape_cast %get3A_307 : vector<1x16xi32> to vector<16xi32>
      %sub3A_309 = vector.broadcast %mul3A_0 : i32 to vector<16xi32>
      %sub3A_310 = arith.subi %get3A_308, %sub3A_309 : vector<16xi32>
      %ge3A_311 = arith.constant 0 : i32
      %ge3A_312 = vector.broadcast %ge3A_311 : i32 to vector<16xi32>
      %ge3A_313 = arith.cmpi sge, %sub3A_310, %ge3A_312 : vector<16xi32>
      %lt3A_314 = arith.constant 5120 : i32
      %lt3A_315 = vector.broadcast %lt3A_314 : i32 to vector<16xi32>
      %lt3A_316 = arith.cmpi slt, %sub3A_310, %lt3A_315 : vector<16xi32>
      %and3A_317 = arith.andi %ge3A_313, %lt3A_316 : vector<16xi1>
      %jit3A_318 = arith.constant 5120 : i32
      %broadcast_in_dim3A_319 = vector.broadcast %jit3A_318 : i32 to vector<16xi32>
      %select_n3A_320 = arith.select %and3A_317, %sub3A_310, %broadcast_in_dim3A_319 : vector<16xi1>, vector<16xi32>
      %swap3A_321 = arith.constant 32 : index
      %swap3A_322 = tpu.vector_load %arg11[%swap3A_321] {strides = array<i32>} : memref<128xi32, #tpu.memory_space<vmem>>, vector<16xi32>,
      %swap3A_323 = vector.shape_cast %swap3A_322 : vector<16xi32> to vector<16xi32>
      %swap3A_324 = vector.shape_cast %select_n3A_320 : vector<16xi32> to vector<16xi32>
      tpu.vector_store %arg11[%swap3A_321], %swap3A_324 {strides = array<i32>} : memref<128xi32, #tpu.memory_space<vmem>>, vector<16xi32>,
      %get3A_325 = arith.index_cast %add3A_264 : i32 to index
      %get3A_326 = arith.constant 48 : index
      %get3A_327 = tpu.vector_load %arg5[%get3A_325, %get3A_326] {strides = array<i32>} : memref<160x128xi32, #tpu.memory_space<vmem>>, vector<1x16xi32>,
      %get3A_328 = vector.shape_cast %get3A_327 : vector<1x16xi32> to vector<16xi32>
      %sub3A_329 = vector.broadcast %mul3A_0 : i32 to vector<16xi32>
      %sub3A_330 = arith.subi %get3A_328, %sub3A_329 : vector<16xi32>
      %ge3A_331 = arith.constant 0 : i32
      %ge3A_332 = vector.broadcast %ge3A_331 : i32 to vector<16xi32>
      %ge3A_333 = arith.cmpi sge, %sub3A_330, %ge3A_332 : vector<16xi32>
      %lt3A_334 = arith.constant 5120 : i32
      %lt3A_335 = vector.broadcast %lt3A_334 : i32 to vector<16xi32>
      %lt3A_336 = arith.cmpi slt, %sub3A_330, %lt3A_335 : vector<16xi32>
      %and3A_337 = arith.andi %ge3A_333, %lt3A_336 : vector<16xi1>
      %jit3A_338 = arith.constant 5120 : i32
      %broadcast_in_dim3A_339 = vector.broadcast %jit3A_338 : i32 to vector<16xi32>
      %select_n3A_340 = arith.select %and3A_337, %sub3A_330, %broadcast_in_dim3A_339 : vector<16xi1>, vector<16xi32>
      %swap3A_341 = arith.constant 48 : index
      %swap3A_342 = tpu.vector_load %arg11[%swap3A_341] {strides = array<i32>} : memref<128xi32, #tpu.memory_space<vmem>>, vector<16xi32>,
      %swap3A_343 = vector.shape_cast %swap3A_342 : vector<16xi32> to vector<16xi32>
      %swap3A_344 = vector.shape_cast %select_n3A_340 : vector<16xi32> to vector<16xi32>
      tpu.vector_store %arg11[%swap3A_341], %swap3A_344 {strides = array<i32>} : memref<128xi32, #tpu.memory_space<vmem>>, vector<16xi32>,
      %get3A_345 = arith.index_cast %add3A_264 : i32 to index
      %get3A_346 = arith.constant 64 : index
      %get3A_347 = tpu.vector_load %arg5[%get3A_345, %get3A_346] {strides = array<i32>} : memref<160x128xi32, #tpu.memory_space<vmem>>, vector<1x16xi32>,
      %get3A_348 = vector.shape_cast %get3A_347 : vector<1x16xi32> to vector<16xi32>
      %sub3A_349 = vector.broadcast %mul3A_0 : i32 to vector<16xi32>
      %sub3A_350 = arith.subi %get3A_348, %sub3A_349 : vector<16xi32>
      %ge3A_351 = arith.constant 0 : i32
      %ge3A_352 = vector.broadcast %ge3A_351 : i32 to vector<16xi32>
      %ge3A_353 = arith.cmpi sge, %sub3A_350, %ge3A_352 : vector<16xi32>
      %lt3A_354 = arith.constant 5120 : i32
      %lt3A_355 = vector.broadcast %lt3A_354 : i32 to vector<16xi32>
      %lt3A_356 = arith.cmpi slt, %sub3A_350, %lt3A_355 : vector<16xi32>
      %and3A_357 = arith.andi %ge3A_353, %lt3A_356 : vector<16xi1>
      %jit3A_358 = arith.constant 5120 : i32
      %broadcast_in_dim3A_359 = vector.broadcast %jit3A_358 : i32 to vector<16xi32>
      %select_n3A_360 = arith.select %and3A_357, %sub3A_350, %broadcast_in_dim3A_359 : vector<16xi1>, vector<16xi32>
      %swap3A_361 = arith.constant 64 : index
      %swap3A_362 = tpu.vector_load %arg11[%swap3A_361] {strides = array<i32>} : memref<128xi32, #tpu.memory_space<vmem>>, vector<16xi32>,
      %swap3A_363 = vector.shape_cast %swap3A_362 : vector<16xi32> to vector<16xi32>
      %swap3A_364 = vector.shape_cast %select_n3A_360 : vector<16xi32> to vector<16xi32>
      tpu.vector_store %arg11[%swap3A_361], %swap3A_364 {strides = array<i32>} : memref<128xi32, #tpu.memory_space<vmem>>, vector<16xi32>,
      %get3A_365 = arith.index_cast %add3A_264 : i32 to index
      %get3A_366 = arith.constant 80 : index
      %get3A_367 = tpu.vector_load %arg5[%get3A_365, %get3A_366] {strides = array<i32>} : memref<160x128xi32, #tpu.memory_space<vmem>>, vector<1x16xi32>,
      %get3A_368 = vector.shape_cast %get3A_367 : vector<1x16xi32> to vector<16xi32>
      %sub3A_369 = vector.broadcast %mul3A_0 : i32 to vector<16xi32>
      %sub3A_370 = arith.subi %get3A_368, %sub3A_369 : vector<16xi32>
      %ge3A_371 = arith.constant 0 : i32
      %ge3A_372 = vector.broadcast %ge3A_371 : i32 to vector<16xi32>
      %ge3A_373 = arith.cmpi sge, %sub3A_370, %ge3A_372 : vector<16xi32>
      %lt3A_374 = arith.constant 5120 : i32
      %lt3A_375 = vector.broadcast %lt3A_374 : i32 to vector<16xi32>
      %lt3A_376 = arith.cmpi slt, %sub3A_370, %lt3A_375 : vector<16xi32>
      %and3A_377 = arith.andi %ge3A_373, %lt3A_376 : vector<16xi1>
      %jit3A_378 = arith.constant 5120 : i32
      %broadcast_in_dim3A_379 = vector.broadcast %jit3A_378 : i32 to vector<16xi32>
      %select_n3A_380 = arith.select %and3A_377, %sub3A_370, %broadcast_in_dim3A_379 : vector<16xi1>, vector<16xi32>
      %swap3A_381 = arith.constant 80 : index
      %swap3A_382 = tpu.vector_load %arg11[%swap3A_381] {strides = array<i32>} : memref<128xi32, #tpu.memory_space<vmem>>, vector<16xi32>,
      %swap3A_383 = vector.shape_cast %swap3A_382 : vector<16xi32> to vector<16xi32>
      %swap3A_384 = vector.shape_cast %select_n3A_380 : vector<16xi32> to vector<16xi32>
      tpu.vector_store %arg11[%swap3A_381], %swap3A_384 {strides = array<i32>} : memref<128xi32, #tpu.memory_space<vmem>>, vector<16xi32>,
      %get3A_385 = arith.index_cast %add3A_264 : i32 to index
      %get3A_386 = arith.constant 96 : index
      %get3A_387 = tpu.vector_load %arg5[%get3A_385, %get3A_386] {strides = array<i32>} : memref<160x128xi32, #tpu.memory_space<vmem>>, vector<1x16xi32>,
      %get3A_388 = vector.shape_cast %get3A_387 : vector<1x16xi32> to vector<16xi32>
      %sub3A_389 = vector.broadcast %mul3A_0 : i32 to vector<16xi32>
      %sub3A_390 = arith.subi %get3A_388, %sub3A_389 : vector<16xi32>
      %ge3A_391 = arith.constant 0 : i32
      %ge3A_392 = vector.broadcast %ge3A_391 : i32 to vector<16xi32>
      %ge3A_393 = arith.cmpi sge, %sub3A_390, %ge3A_392 : vector<16xi32>
      %lt3A_394 = arith.constant 5120 : i32
      %lt3A_395 = vector.broadcast %lt3A_394 : i32 to vector<16xi32>
      %lt3A_396 = arith.cmpi slt, %sub3A_390, %lt3A_395 : vector<16xi32>
      %and3A_397 = arith.andi %ge3A_393, %lt3A_396 : vector<16xi1>
      %jit3A_398 = arith.constant 5120 : i32
      %broadcast_in_dim3A_399 = vector.broadcast %jit3A_398 : i32 to vector<16xi32>
      %select_n3A_400 = arith.select %and3A_397, %sub3A_390, %broadcast_in_dim3A_399 : vector<16xi1>, vector<16xi32>
      %swap3A_401 = arith.constant 96 : index
      %swap3A_402 = tpu.vector_load %arg11[%swap3A_401] {strides = array<i32>} : memref<128xi32, #tpu.memory_space<vmem>>, vector<16xi32>,
      %swap3A_403 = vector.shape_cast %swap3A_402 : vector<16xi32> to vector<16xi32>
      %swap3A_404 = vector.shape_cast %select_n3A_400 : vector<16xi32> to vector<16xi32>
      tpu.vector_store %arg11[%swap3A_401], %swap3A_404 {strides = array<i32>} : memref<128xi32, #tpu.memory_space<vmem>>, vector<16xi32>,
      %get3A_405 = arith.index_cast %add3A_264 : i32 to index
      %get3A_406 = arith.constant 112 : index
      %get3A_407 = tpu.vector_load %arg5[%get3A_405, %get3A_406] {strides = array<i32>} : memref<160x128xi32, #tpu.memory_space<vmem>>, vector<1x16xi32>,
      %get3A_408 = vector.shape_cast %get3A_407 : vector<1x16xi32> to vector<16xi32>
      %sub3A_409 = vector.broadcast %mul3A_0 : i32 to vector<16xi32>
      %sub3A_410 = arith.subi %get3A_408, %sub3A_409 : vector<16xi32>
      %ge3A_411 = arith.constant 0 : i32
      %ge3A_412 = vector.broadcast %ge3A_411 : i32 to vector<16xi32>
      %ge3A_413 = arith.cmpi sge, %sub3A_410, %ge3A_412 : vector<16xi32>
      %lt3A_414 = arith.constant 5120 : i32
      %lt3A_415 = vector.broadcast %lt3A_414 : i32 to vector<16xi32>
      %lt3A_416 = arith.cmpi slt, %sub3A_410, %lt3A_415 : vector<16xi32>
      %and3A_417 = arith.andi %ge3A_413, %lt3A_416 : vector<16xi1>
      %jit3A_418 = arith.constant 5120 : i32
      %broadcast_in_dim3A_419 = vector.broadcast %jit3A_418 : i32 to vector<16xi32>
      %select_n3A_420 = arith.select %and3A_417, %sub3A_410, %broadcast_in_dim3A_419 : vector<16xi1>, vector<16xi32>
      %swap3A_421 = arith.constant 112 : index
      %swap3A_422 = tpu.vector_load %arg11[%swap3A_421] {strides = array<i32>} : memref<128xi32, #tpu.memory_space<vmem>>, vector<16xi32>,
      %swap3A_423 = vector.shape_cast %swap3A_422 : vector<16xi32> to vector<16xi32>
      %swap3A_424 = vector.shape_cast %select_n3A_420 : vector<16xi32> to vector<16xi32>
      tpu.vector_store %arg11[%swap3A_421], %swap3A_424 {strides = array<i32>} : memref<128xi32, #tpu.memory_space<vmem>>, vector<16xi32>,
      %dma_wait3A_425 = arith.constant 0 : i32
      %dma_wait3A_426 = tpu.memref_slice %arg2[%add3A_79, %dma_wait3A_425] : memref<327680x128xf32, #tpu.memory_space<hbm>> -> memref<128x128xf32, #tpu.memory_space<hbm>>
      %dma_wait3A_427 = arith.constant 0 : i32
      %dma_wait3A_428 = tpu.memref_slice %arg2[%add3A_79, %dma_wait3A_427] : memref<327680x128xf32, #tpu.memory_space<hbm>> -> memref<128x128xf32, #tpu.memory_space<hbm>>
      tpu.wait_dma2 semaphore(%arg16 : memref<!tpu.dma_semaphore, #tpu.memory_space<semaphore_mem>>) src(%dma_wait3A_428 : memref<128x128xf32, #tpu.memory_space<hbm>>) dst(%arg7 : memref<128x128xf32, #tpu.memory_space<vmem>>)
      "tpu.region"() ({
        %run_scoped3A = tpu.sem_alloc : memref<!tpu.dma_semaphore, #tpu.memory_space<semaphore_mem>>
        %dma_start3A_765 = arith.constant 0 : i32
        %dma_start3A_766 = arith.constant 0 : i32
        %dma_start3A_767 = tpu.memref_slice %arg14[%dma_start3A_765, %dma_start3A_766] : memref<5128x128xf32, #tpu.memory_space<vmem_shared>> -> memref<5128x128xf32, #tpu.memory_space<vmem_shared>>
        tpu.enqueue_indirect_dma source(%arg7 : memref<128x128xf32, #tpu.memory_space<vmem>>) target(%dma_start3A_767 : memref<5128x128xf32, #tpu.memory_space<vmem_shared>>) offsets(%arg11 : memref<128xi32, #tpu.memory_space<vmem>>) semaphore(%run_scoped3A : memref<!tpu.dma_semaphore, #tpu.memory_space<semaphore_mem>>) {add = true}
        %dma_wait3A_768 = arith.constant 0 : i32
        %dma_wait3A_769 = arith.constant 0 : i32
        %dma_wait3A_770 = tpu.memref_slice %arg14[%dma_wait3A_768, %dma_wait3A_769] : memref<5128x128xf32, #tpu.memory_space<vmem_shared>> -> memref<5128x128xf32, #tpu.memory_space<vmem_shared>>
        tpu.wait_indirect_dma semaphore(%run_scoped3A : memref<!tpu.dma_semaphore, #tpu.memory_space<semaphore_mem>>) src(%arg7 : memref<128x128xf32, #tpu.memory_space<vmem>>) dst(%dma_wait3A_770 : memref<5128x128xf32, #tpu.memory_space<vmem_shared>>)
        tpu.yield
      }) : () -> ()
      %add3A_429 = arith.constant 0 : i32
      %add3A_430 = arith.addi %add3A_429, %add3A_65 : i32
      %add3A_431 = arith.constant 2 : i32
      %add3A_432 = arith.addi %add3A_430, %add3A_431 : i32
      %get3A_433 = arith.index_cast %add3A_432 : i32 to index
      %get3A_434 = arith.constant 0 : index
      %get3A_435 = tpu.vector_load %arg5[%get3A_433, %get3A_434] {strides = array<i32>} : memref<160x128xi32, #tpu.memory_space<vmem>>, vector<1x16xi32>,
      %get3A_436 = vector.shape_cast %get3A_435 : vector<1x16xi32> to vector<16xi32>
      %sub3A_437 = vector.broadcast %mul3A_0 : i32 to vector<16xi32>
      %sub3A_438 = arith.subi %get3A_436, %sub3A_437 : vector<16xi32>
      %ge3A_439 = arith.constant 0 : i32
      %ge3A_440 = vector.broadcast %ge3A_439 : i32 to vector<16xi32>
      %ge3A_441 = arith.cmpi sge, %sub3A_438, %ge3A_440 : vector<16xi32>
      %lt3A_442 = arith.constant 5120 : i32
      %lt3A_443 = vector.broadcast %lt3A_442 : i32 to vector<16xi32>
      %lt3A_444 = arith.cmpi slt, %sub3A_438, %lt3A_443 : vector<16xi32>
      %and3A_445 = arith.andi %ge3A_441, %lt3A_444 : vector<16xi1>
      %jit3A_446 = arith.constant 5120 : i32
      %broadcast_in_dim3A_447 = vector.broadcast %jit3A_446 : i32 to vector<16xi32>
      %select_n3A_448 = arith.select %and3A_445, %sub3A_438, %broadcast_in_dim3A_447 : vector<16xi1>, vector<16xi32>
      %swap3A_449 = arith.constant 0 : index
      %swap3A_450 = tpu.vector_load %arg12[%swap3A_449] {strides = array<i32>} : memref<128xi32, #tpu.memory_space<vmem>>, vector<16xi32>,
      %swap3A_451 = vector.shape_cast %swap3A_450 : vector<16xi32> to vector<16xi32>
      %swap3A_452 = vector.shape_cast %select_n3A_448 : vector<16xi32> to vector<16xi32>
      tpu.vector_store %arg12[%swap3A_449], %swap3A_452 {strides = array<i32>} : memref<128xi32, #tpu.memory_space<vmem>>, vector<16xi32>,
      %get3A_453 = arith.index_cast %add3A_432 : i32 to index
      %get3A_454 = arith.constant 16 : index
      %get3A_455 = tpu.vector_load %arg5[%get3A_453, %get3A_454] {strides = array<i32>} : memref<160x128xi32, #tpu.memory_space<vmem>>, vector<1x16xi32>,
      %get3A_456 = vector.shape_cast %get3A_455 : vector<1x16xi32> to vector<16xi32>
      %sub3A_457 = vector.broadcast %mul3A_0 : i32 to vector<16xi32>
      %sub3A_458 = arith.subi %get3A_456, %sub3A_457 : vector<16xi32>
      %ge3A_459 = arith.constant 0 : i32
      %ge3A_460 = vector.broadcast %ge3A_459 : i32 to vector<16xi32>
      %ge3A_461 = arith.cmpi sge, %sub3A_458, %ge3A_460 : vector<16xi32>
      %lt3A_462 = arith.constant 5120 : i32
      %lt3A_463 = vector.broadcast %lt3A_462 : i32 to vector<16xi32>
      %lt3A_464 = arith.cmpi slt, %sub3A_458, %lt3A_463 : vector<16xi32>
      %and3A_465 = arith.andi %ge3A_461, %lt3A_464 : vector<16xi1>
      %jit3A_466 = arith.constant 5120 : i32
      %broadcast_in_dim3A_467 = vector.broadcast %jit3A_466 : i32 to vector<16xi32>
      %select_n3A_468 = arith.select %and3A_465, %sub3A_458, %broadcast_in_dim3A_467 : vector<16xi1>, vector<16xi32>
      %swap3A_469 = arith.constant 16 : index
      %swap3A_470 = tpu.vector_load %arg12[%swap3A_469] {strides = array<i32>} : memref<128xi32, #tpu.memory_space<vmem>>, vector<16xi32>,
      %swap3A_471 = vector.shape_cast %swap3A_470 : vector<16xi32> to vector<16xi32>
      %swap3A_472 = vector.shape_cast %select_n3A_468 : vector<16xi32> to vector<16xi32>
      tpu.vector_store %arg12[%swap3A_469], %swap3A_472 {strides = array<i32>} : memref<128xi32, #tpu.memory_space<vmem>>, vector<16xi32>,
      %get3A_473 = arith.index_cast %add3A_432 : i32 to index
      %get3A_474 = arith.constant 32 : index
      %get3A_475 = tpu.vector_load %arg5[%get3A_473, %get3A_474] {strides = array<i32>} : memref<160x128xi32, #tpu.memory_space<vmem>>, vector<1x16xi32>,
      %get3A_476 = vector.shape_cast %get3A_475 : vector<1x16xi32> to vector<16xi32>
      %sub3A_477 = vector.broadcast %mul3A_0 : i32 to vector<16xi32>
      %sub3A_478 = arith.subi %get3A_476, %sub3A_477 : vector<16xi32>
      %ge3A_479 = arith.constant 0 : i32
      %ge3A_480 = vector.broadcast %ge3A_479 : i32 to vector<16xi32>
      %ge3A_481 = arith.cmpi sge, %sub3A_478, %ge3A_480 : vector<16xi32>
      %lt3A_482 = arith.constant 5120 : i32
      %lt3A_483 = vector.broadcast %lt3A_482 : i32 to vector<16xi32>
      %lt3A_484 = arith.cmpi slt, %sub3A_478, %lt3A_483 : vector<16xi32>
      %and3A_485 = arith.andi %ge3A_481, %lt3A_484 : vector<16xi1>
      %jit3A_486 = arith.constant 5120 : i32
      %broadcast_in_dim3A_487 = vector.broadcast %jit3A_486 : i32 to vector<16xi32>
      %select_n3A_488 = arith.select %and3A_485, %sub3A_478, %broadcast_in_dim3A_487 : vector<16xi1>, vector<16xi32>
      %swap3A_489 = arith.constant 32 : index
      %swap3A_490 = tpu.vector_load %arg12[%swap3A_489] {strides = array<i32>} : memref<128xi32, #tpu.memory_space<vmem>>, vector<16xi32>,
      %swap3A_491 = vector.shape_cast %swap3A_490 : vector<16xi32> to vector<16xi32>
      %swap3A_492 = vector.shape_cast %select_n3A_488 : vector<16xi32> to vector<16xi32>
      tpu.vector_store %arg12[%swap3A_489], %swap3A_492 {strides = array<i32>} : memref<128xi32, #tpu.memory_space<vmem>>, vector<16xi32>,
      %get3A_493 = arith.index_cast %add3A_432 : i32 to index
      %get3A_494 = arith.constant 48 : index
      %get3A_495 = tpu.vector_load %arg5[%get3A_493, %get3A_494] {strides = array<i32>} : memref<160x128xi32, #tpu.memory_space<vmem>>, vector<1x16xi32>,
      %get3A_496 = vector.shape_cast %get3A_495 : vector<1x16xi32> to vector<16xi32>
      %sub3A_497 = vector.broadcast %mul3A_0 : i32 to vector<16xi32>
      %sub3A_498 = arith.subi %get3A_496, %sub3A_497 : vector<16xi32>
      %ge3A_499 = arith.constant 0 : i32
      %ge3A_500 = vector.broadcast %ge3A_499 : i32 to vector<16xi32>
      %ge3A_501 = arith.cmpi sge, %sub3A_498, %ge3A_500 : vector<16xi32>
      %lt3A_502 = arith.constant 5120 : i32
      %lt3A_503 = vector.broadcast %lt3A_502 : i32 to vector<16xi32>
      %lt3A_504 = arith.cmpi slt, %sub3A_498, %lt3A_503 : vector<16xi32>
      %and3A_505 = arith.andi %ge3A_501, %lt3A_504 : vector<16xi1>
      %jit3A_506 = arith.constant 5120 : i32
      %broadcast_in_dim3A_507 = vector.broadcast %jit3A_506 : i32 to vector<16xi32>
      %select_n3A_508 = arith.select %and3A_505, %sub3A_498, %broadcast_in_dim3A_507 : vector<16xi1>, vector<16xi32>
      %swap3A_509 = arith.constant 48 : index
      %swap3A_510 = tpu.vector_load %arg12[%swap3A_509] {strides = array<i32>} : memref<128xi32, #tpu.memory_space<vmem>>, vector<16xi32>,
      %swap3A_511 = vector.shape_cast %swap3A_510 : vector<16xi32> to vector<16xi32>
      %swap3A_512 = vector.shape_cast %select_n3A_508 : vector<16xi32> to vector<16xi32>
      tpu.vector_store %arg12[%swap3A_509], %swap3A_512 {strides = array<i32>} : memref<128xi32, #tpu.memory_space<vmem>>, vector<16xi32>,
      %get3A_513 = arith.index_cast %add3A_432 : i32 to index
      %get3A_514 = arith.constant 64 : index
      %get3A_515 = tpu.vector_load %arg5[%get3A_513, %get3A_514] {strides = array<i32>} : memref<160x128xi32, #tpu.memory_space<vmem>>, vector<1x16xi32>,
      %get3A_516 = vector.shape_cast %get3A_515 : vector<1x16xi32> to vector<16xi32>
      %sub3A_517 = vector.broadcast %mul3A_0 : i32 to vector<16xi32>
      %sub3A_518 = arith.subi %get3A_516, %sub3A_517 : vector<16xi32>
      %ge3A_519 = arith.constant 0 : i32
      %ge3A_520 = vector.broadcast %ge3A_519 : i32 to vector<16xi32>
      %ge3A_521 = arith.cmpi sge, %sub3A_518, %ge3A_520 : vector<16xi32>
      %lt3A_522 = arith.constant 5120 : i32
      %lt3A_523 = vector.broadcast %lt3A_522 : i32 to vector<16xi32>
      %lt3A_524 = arith.cmpi slt, %sub3A_518, %lt3A_523 : vector<16xi32>
      %and3A_525 = arith.andi %ge3A_521, %lt3A_524 : vector<16xi1>
      %jit3A_526 = arith.constant 5120 : i32
      %broadcast_in_dim3A_527 = vector.broadcast %jit3A_526 : i32 to vector<16xi32>
      %select_n3A_528 = arith.select %and3A_525, %sub3A_518, %broadcast_in_dim3A_527 : vector<16xi1>, vector<16xi32>
      %swap3A_529 = arith.constant 64 : index
      %swap3A_530 = tpu.vector_load %arg12[%swap3A_529] {strides = array<i32>} : memref<128xi32, #tpu.memory_space<vmem>>, vector<16xi32>,
      %swap3A_531 = vector.shape_cast %swap3A_530 : vector<16xi32> to vector<16xi32>
      %swap3A_532 = vector.shape_cast %select_n3A_528 : vector<16xi32> to vector<16xi32>
      tpu.vector_store %arg12[%swap3A_529], %swap3A_532 {strides = array<i32>} : memref<128xi32, #tpu.memory_space<vmem>>, vector<16xi32>,
      %get3A_533 = arith.index_cast %add3A_432 : i32 to index
      %get3A_534 = arith.constant 80 : index
      %get3A_535 = tpu.vector_load %arg5[%get3A_533, %get3A_534] {strides = array<i32>} : memref<160x128xi32, #tpu.memory_space<vmem>>, vector<1x16xi32>,
      %get3A_536 = vector.shape_cast %get3A_535 : vector<1x16xi32> to vector<16xi32>
      %sub3A_537 = vector.broadcast %mul3A_0 : i32 to vector<16xi32>
      %sub3A_538 = arith.subi %get3A_536, %sub3A_537 : vector<16xi32>
      %ge3A_539 = arith.constant 0 : i32
      %ge3A_540 = vector.broadcast %ge3A_539 : i32 to vector<16xi32>
      %ge3A_541 = arith.cmpi sge, %sub3A_538, %ge3A_540 : vector<16xi32>
      %lt3A_542 = arith.constant 5120 : i32
      %lt3A_543 = vector.broadcast %lt3A_542 : i32 to vector<16xi32>
      %lt3A_544 = arith.cmpi slt, %sub3A_538, %lt3A_543 : vector<16xi32>
      %and3A_545 = arith.andi %ge3A_541, %lt3A_544 : vector<16xi1>
      %jit3A_546 = arith.constant 5120 : i32
      %broadcast_in_dim3A_547 = vector.broadcast %jit3A_546 : i32 to vector<16xi32>
      %select_n3A_548 = arith.select %and3A_545, %sub3A_538, %broadcast_in_dim3A_547 : vector<16xi1>, vector<16xi32>
      %swap3A_549 = arith.constant 80 : index
      %swap3A_550 = tpu.vector_load %arg12[%swap3A_549] {strides = array<i32>} : memref<128xi32, #tpu.memory_space<vmem>>, vector<16xi32>,
      %swap3A_551 = vector.shape_cast %swap3A_550 : vector<16xi32> to vector<16xi32>
      %swap3A_552 = vector.shape_cast %select_n3A_548 : vector<16xi32> to vector<16xi32>
      tpu.vector_store %arg12[%swap3A_549], %swap3A_552 {strides = array<i32>} : memref<128xi32, #tpu.memory_space<vmem>>, vector<16xi32>,
      %get3A_553 = arith.index_cast %add3A_432 : i32 to index
      %get3A_554 = arith.constant 96 : index
      %get3A_555 = tpu.vector_load %arg5[%get3A_553, %get3A_554] {strides = array<i32>} : memref<160x128xi32, #tpu.memory_space<vmem>>, vector<1x16xi32>,
      %get3A_556 = vector.shape_cast %get3A_555 : vector<1x16xi32> to vector<16xi32>
      %sub3A_557 = vector.broadcast %mul3A_0 : i32 to vector<16xi32>
      %sub3A_558 = arith.subi %get3A_556, %sub3A_557 : vector<16xi32>
      %ge3A_559 = arith.constant 0 : i32
      %ge3A_560 = vector.broadcast %ge3A_559 : i32 to vector<16xi32>
      %ge3A_561 = arith.cmpi sge, %sub3A_558, %ge3A_560 : vector<16xi32>
      %lt3A_562 = arith.constant 5120 : i32
      %lt3A_563 = vector.broadcast %lt3A_562 : i32 to vector<16xi32>
      %lt3A_564 = arith.cmpi slt, %sub3A_558, %lt3A_563 : vector<16xi32>
      %and3A_565 = arith.andi %ge3A_561, %lt3A_564 : vector<16xi1>
      %jit3A_566 = arith.constant 5120 : i32
      %broadcast_in_dim3A_567 = vector.broadcast %jit3A_566 : i32 to vector<16xi32>
      %select_n3A_568 = arith.select %and3A_565, %sub3A_558, %broadcast_in_dim3A_567 : vector<16xi1>, vector<16xi32>
      %swap3A_569 = arith.constant 96 : index
      %swap3A_570 = tpu.vector_load %arg12[%swap3A_569] {strides = array<i32>} : memref<128xi32, #tpu.memory_space<vmem>>, vector<16xi32>,
      %swap3A_571 = vector.shape_cast %swap3A_570 : vector<16xi32> to vector<16xi32>
      %swap3A_572 = vector.shape_cast %select_n3A_568 : vector<16xi32> to vector<16xi32>
      tpu.vector_store %arg12[%swap3A_569], %swap3A_572 {strides = array<i32>} : memref<128xi32, #tpu.memory_space<vmem>>, vector<16xi32>,
      %get3A_573 = arith.index_cast %add3A_432 : i32 to index
      %get3A_574 = arith.constant 112 : index
      %get3A_575 = tpu.vector_load %arg5[%get3A_573, %get3A_574] {strides = array<i32>} : memref<160x128xi32, #tpu.memory_space<vmem>>, vector<1x16xi32>,
      %get3A_576 = vector.shape_cast %get3A_575 : vector<1x16xi32> to vector<16xi32>
      %sub3A_577 = vector.broadcast %mul3A_0 : i32 to vector<16xi32>
      %sub3A_578 = arith.subi %get3A_576, %sub3A_577 : vector<16xi32>
      %ge3A_579 = arith.constant 0 : i32
      %ge3A_580 = vector.broadcast %ge3A_579 : i32 to vector<16xi32>
      %ge3A_581 = arith.cmpi sge, %sub3A_578, %ge3A_580 : vector<16xi32>
      %lt3A_582 = arith.constant 5120 : i32
      %lt3A_583 = vector.broadcast %lt3A_582 : i32 to vector<16xi32>
      %lt3A_584 = arith.cmpi slt, %sub3A_578, %lt3A_583 : vector<16xi32>
      %and3A_585 = arith.andi %ge3A_581, %lt3A_584 : vector<16xi1>
      %jit3A_586 = arith.constant 5120 : i32
      %broadcast_in_dim3A_587 = vector.broadcast %jit3A_586 : i32 to vector<16xi32>
      %select_n3A_588 = arith.select %and3A_585, %sub3A_578, %broadcast_in_dim3A_587 : vector<16xi1>, vector<16xi32>
      %swap3A_589 = arith.constant 112 : index
      %swap3A_590 = tpu.vector_load %arg12[%swap3A_589] {strides = array<i32>} : memref<128xi32, #tpu.memory_space<vmem>>, vector<16xi32>,
      %swap3A_591 = vector.shape_cast %swap3A_590 : vector<16xi32> to vector<16xi32>
      %swap3A_592 = vector.shape_cast %select_n3A_588 : vector<16xi32> to vector<16xi32>
      tpu.vector_store %arg12[%swap3A_589], %swap3A_592 {strides = array<i32>} : memref<128xi32, #tpu.memory_space<vmem>>, vector<16xi32>,
      %dma_wait3A_593 = arith.constant 0 : i32
      %dma_wait3A_594 = tpu.memref_slice %arg2[%add3A_88, %dma_wait3A_593] : memref<327680x128xf32, #tpu.memory_space<hbm>> -> memref<128x128xf32, #tpu.memory_space<hbm>>
      %dma_wait3A_595 = arith.constant 0 : i32
      %dma_wait3A_596 = tpu.memref_slice %arg2[%add3A_88, %dma_wait3A_595] : memref<327680x128xf32, #tpu.memory_space<hbm>> -> memref<128x128xf32, #tpu.memory_space<hbm>>
      tpu.wait_dma2 semaphore(%arg17 : memref<!tpu.dma_semaphore, #tpu.memory_space<semaphore_mem>>) src(%dma_wait3A_596 : memref<128x128xf32, #tpu.memory_space<hbm>>) dst(%arg8 : memref<128x128xf32, #tpu.memory_space<vmem>>)
      "tpu.region"() ({
        %run_scoped3A = tpu.sem_alloc : memref<!tpu.dma_semaphore, #tpu.memory_space<semaphore_mem>>
        %dma_start3A_765 = arith.constant 0 : i32
        %dma_start3A_766 = arith.constant 0 : i32
        %dma_start3A_767 = tpu.memref_slice %arg14[%dma_start3A_765, %dma_start3A_766] : memref<5128x128xf32, #tpu.memory_space<vmem_shared>> -> memref<5128x128xf32, #tpu.memory_space<vmem_shared>>
        tpu.enqueue_indirect_dma source(%arg8 : memref<128x128xf32, #tpu.memory_space<vmem>>) target(%dma_start3A_767 : memref<5128x128xf32, #tpu.memory_space<vmem_shared>>) offsets(%arg12 : memref<128xi32, #tpu.memory_space<vmem>>) semaphore(%run_scoped3A : memref<!tpu.dma_semaphore, #tpu.memory_space<semaphore_mem>>) {add = true}
        %dma_wait3A_768 = arith.constant 0 : i32
        %dma_wait3A_769 = arith.constant 0 : i32
        %dma_wait3A_770 = tpu.memref_slice %arg14[%dma_wait3A_768, %dma_wait3A_769] : memref<5128x128xf32, #tpu.memory_space<vmem_shared>> -> memref<5128x128xf32, #tpu.memory_space<vmem_shared>>
        tpu.wait_indirect_dma semaphore(%run_scoped3A : memref<!tpu.dma_semaphore, #tpu.memory_space<semaphore_mem>>) src(%arg8 : memref<128x128xf32, #tpu.memory_space<vmem>>) dst(%dma_wait3A_770 : memref<5128x128xf32, #tpu.memory_space<vmem_shared>>)
        tpu.yield
      }) : () -> ()
      %add3A_597 = arith.constant 0 : i32
      %add3A_598 = arith.addi %add3A_597, %add3A_65 : i32
      %add3A_599 = arith.constant 3 : i32
      %add3A_600 = arith.addi %add3A_598, %add3A_599 : i32
      %get3A_601 = arith.index_cast %add3A_600 : i32 to index
      %get3A_602 = arith.constant 0 : index
      %get3A_603 = tpu.vector_load %arg5[%get3A_601, %get3A_602] {strides = array<i32>} : memref<160x128xi32, #tpu.memory_space<vmem>>, vector<1x16xi32>,
      %get3A_604 = vector.shape_cast %get3A_603 : vector<1x16xi32> to vector<16xi32>
      %sub3A_605 = vector.broadcast %mul3A_0 : i32 to vector<16xi32>
      %sub3A_606 = arith.subi %get3A_604, %sub3A_605 : vector<16xi32>
      %ge3A_607 = arith.constant 0 : i32
      %ge3A_608 = vector.broadcast %ge3A_607 : i32 to vector<16xi32>
      %ge3A_609 = arith.cmpi sge, %sub3A_606, %ge3A_608 : vector<16xi32>
      %lt3A_610 = arith.constant 5120 : i32
      %lt3A_611 = vector.broadcast %lt3A_610 : i32 to vector<16xi32>
      %lt3A_612 = arith.cmpi slt, %sub3A_606, %lt3A_611 : vector<16xi32>
      %and3A_613 = arith.andi %ge3A_609, %lt3A_612 : vector<16xi1>
      %jit3A_614 = arith.constant 5120 : i32
      %broadcast_in_dim3A_615 = vector.broadcast %jit3A_614 : i32 to vector<16xi32>
      %select_n3A_616 = arith.select %and3A_613, %sub3A_606, %broadcast_in_dim3A_615 : vector<16xi1>, vector<16xi32>
      %swap3A_617 = arith.constant 0 : index
      %swap3A_618 = tpu.vector_load %arg13[%swap3A_617] {strides = array<i32>} : memref<128xi32, #tpu.memory_space<vmem>>, vector<16xi32>,
      %swap3A_619 = vector.shape_cast %swap3A_618 : vector<16xi32> to vector<16xi32>
      %swap3A_620 = vector.shape_cast %select_n3A_616 : vector<16xi32> to vector<16xi32>
      tpu.vector_store %arg13[%swap3A_617], %swap3A_620 {strides = array<i32>} : memref<128xi32, #tpu.memory_space<vmem>>, vector<16xi32>,
      %get3A_621 = arith.index_cast %add3A_600 : i32 to index
      %get3A_622 = arith.constant 16 : index
      %get3A_623 = tpu.vector_load %arg5[%get3A_621, %get3A_622] {strides = array<i32>} : memref<160x128xi32, #tpu.memory_space<vmem>>, vector<1x16xi32>,
      %get3A_624 = vector.shape_cast %get3A_623 : vector<1x16xi32> to vector<16xi32>
      %sub3A_625 = vector.broadcast %mul3A_0 : i32 to vector<16xi32>
      %sub3A_626 = arith.subi %get3A_624, %sub3A_625 : vector<16xi32>
      %ge3A_627 = arith.constant 0 : i32
      %ge3A_628 = vector.broadcast %ge3A_627 : i32 to vector<16xi32>
      %ge3A_629 = arith.cmpi sge, %sub3A_626, %ge3A_628 : vector<16xi32>
      %lt3A_630 = arith.constant 5120 : i32
      %lt3A_631 = vector.broadcast %lt3A_630 : i32 to vector<16xi32>
      %lt3A_632 = arith.cmpi slt, %sub3A_626, %lt3A_631 : vector<16xi32>
      %and3A_633 = arith.andi %ge3A_629, %lt3A_632 : vector<16xi1>
      %jit3A_634 = arith.constant 5120 : i32
      %broadcast_in_dim3A_635 = vector.broadcast %jit3A_634 : i32 to vector<16xi32>
      %select_n3A_636 = arith.select %and3A_633, %sub3A_626, %broadcast_in_dim3A_635 : vector<16xi1>, vector<16xi32>
      %swap3A_637 = arith.constant 16 : index
      %swap3A_638 = tpu.vector_load %arg13[%swap3A_637] {strides = array<i32>} : memref<128xi32, #tpu.memory_space<vmem>>, vector<16xi32>,
      %swap3A_639 = vector.shape_cast %swap3A_638 : vector<16xi32> to vector<16xi32>
      %swap3A_640 = vector.shape_cast %select_n3A_636 : vector<16xi32> to vector<16xi32>
      tpu.vector_store %arg13[%swap3A_637], %swap3A_640 {strides = array<i32>} : memref<128xi32, #tpu.memory_space<vmem>>, vector<16xi32>,
      %get3A_641 = arith.index_cast %add3A_600 : i32 to index
      %get3A_642 = arith.constant 32 : index
      %get3A_643 = tpu.vector_load %arg5[%get3A_641, %get3A_642] {strides = array<i32>} : memref<160x128xi32, #tpu.memory_space<vmem>>, vector<1x16xi32>,
      %get3A_644 = vector.shape_cast %get3A_643 : vector<1x16xi32> to vector<16xi32>
      %sub3A_645 = vector.broadcast %mul3A_0 : i32 to vector<16xi32>
      %sub3A_646 = arith.subi %get3A_644, %sub3A_645 : vector<16xi32>
      %ge3A_647 = arith.constant 0 : i32
      %ge3A_648 = vector.broadcast %ge3A_647 : i32 to vector<16xi32>
      %ge3A_649 = arith.cmpi sge, %sub3A_646, %ge3A_648 : vector<16xi32>
      %lt3A_650 = arith.constant 5120 : i32
      %lt3A_651 = vector.broadcast %lt3A_650 : i32 to vector<16xi32>
      %lt3A_652 = arith.cmpi slt, %sub3A_646, %lt3A_651 : vector<16xi32>
      %and3A_653 = arith.andi %ge3A_649, %lt3A_652 : vector<16xi1>
      %jit3A_654 = arith.constant 5120 : i32
      %broadcast_in_dim3A_655 = vector.broadcast %jit3A_654 : i32 to vector<16xi32>
      %select_n3A_656 = arith.select %and3A_653, %sub3A_646, %broadcast_in_dim3A_655 : vector<16xi1>, vector<16xi32>
      %swap3A_657 = arith.constant 32 : index
      %swap3A_658 = tpu.vector_load %arg13[%swap3A_657] {strides = array<i32>} : memref<128xi32, #tpu.memory_space<vmem>>, vector<16xi32>,
      %swap3A_659 = vector.shape_cast %swap3A_658 : vector<16xi32> to vector<16xi32>
      %swap3A_660 = vector.shape_cast %select_n3A_656 : vector<16xi32> to vector<16xi32>
      tpu.vector_store %arg13[%swap3A_657], %swap3A_660 {strides = array<i32>} : memref<128xi32, #tpu.memory_space<vmem>>, vector<16xi32>,
      %get3A_661 = arith.index_cast %add3A_600 : i32 to index
      %get3A_662 = arith.constant 48 : index
      %get3A_663 = tpu.vector_load %arg5[%get3A_661, %get3A_662] {strides = array<i32>} : memref<160x128xi32, #tpu.memory_space<vmem>>, vector<1x16xi32>,
      %get3A_664 = vector.shape_cast %get3A_663 : vector<1x16xi32> to vector<16xi32>
      %sub3A_665 = vector.broadcast %mul3A_0 : i32 to vector<16xi32>
      %sub3A_666 = arith.subi %get3A_664, %sub3A_665 : vector<16xi32>
      %ge3A_667 = arith.constant 0 : i32
      %ge3A_668 = vector.broadcast %ge3A_667 : i32 to vector<16xi32>
      %ge3A_669 = arith.cmpi sge, %sub3A_666, %ge3A_668 : vector<16xi32>
      %lt3A_670 = arith.constant 5120 : i32
      %lt3A_671 = vector.broadcast %lt3A_670 : i32 to vector<16xi32>
      %lt3A_672 = arith.cmpi slt, %sub3A_666, %lt3A_671 : vector<16xi32>
      %and3A_673 = arith.andi %ge3A_669, %lt3A_672 : vector<16xi1>
      %jit3A_674 = arith.constant 5120 : i32
      %broadcast_in_dim3A_675 = vector.broadcast %jit3A_674 : i32 to vector<16xi32>
      %select_n3A_676 = arith.select %and3A_673, %sub3A_666, %broadcast_in_dim3A_675 : vector<16xi1>, vector<16xi32>
      %swap3A_677 = arith.constant 48 : index
      %swap3A_678 = tpu.vector_load %arg13[%swap3A_677] {strides = array<i32>} : memref<128xi32, #tpu.memory_space<vmem>>, vector<16xi32>,
      %swap3A_679 = vector.shape_cast %swap3A_678 : vector<16xi32> to vector<16xi32>
      %swap3A_680 = vector.shape_cast %select_n3A_676 : vector<16xi32> to vector<16xi32>
      tpu.vector_store %arg13[%swap3A_677], %swap3A_680 {strides = array<i32>} : memref<128xi32, #tpu.memory_space<vmem>>, vector<16xi32>,
      %get3A_681 = arith.index_cast %add3A_600 : i32 to index
      %get3A_682 = arith.constant 64 : index
      %get3A_683 = tpu.vector_load %arg5[%get3A_681, %get3A_682] {strides = array<i32>} : memref<160x128xi32, #tpu.memory_space<vmem>>, vector<1x16xi32>,
      %get3A_684 = vector.shape_cast %get3A_683 : vector<1x16xi32> to vector<16xi32>
      %sub3A_685 = vector.broadcast %mul3A_0 : i32 to vector<16xi32>
      %sub3A_686 = arith.subi %get3A_684, %sub3A_685 : vector<16xi32>
      %ge3A_687 = arith.constant 0 : i32
      %ge3A_688 = vector.broadcast %ge3A_687 : i32 to vector<16xi32>
      %ge3A_689 = arith.cmpi sge, %sub3A_686, %ge3A_688 : vector<16xi32>
      %lt3A_690 = arith.constant 5120 : i32
      %lt3A_691 = vector.broadcast %lt3A_690 : i32 to vector<16xi32>
      %lt3A_692 = arith.cmpi slt, %sub3A_686, %lt3A_691 : vector<16xi32>
      %and3A_693 = arith.andi %ge3A_689, %lt3A_692 : vector<16xi1>
      %jit3A_694 = arith.constant 5120 : i32
      %broadcast_in_dim3A_695 = vector.broadcast %jit3A_694 : i32 to vector<16xi32>
      %select_n3A_696 = arith.select %and3A_693, %sub3A_686, %broadcast_in_dim3A_695 : vector<16xi1>, vector<16xi32>
      %swap3A_697 = arith.constant 64 : index
      %swap3A_698 = tpu.vector_load %arg13[%swap3A_697] {strides = array<i32>} : memref<128xi32, #tpu.memory_space<vmem>>, vector<16xi32>,
      %swap3A_699 = vector.shape_cast %swap3A_698 : vector<16xi32> to vector<16xi32>
      %swap3A_700 = vector.shape_cast %select_n3A_696 : vector<16xi32> to vector<16xi32>
      tpu.vector_store %arg13[%swap3A_697], %swap3A_700 {strides = array<i32>} : memref<128xi32, #tpu.memory_space<vmem>>, vector<16xi32>,
      %get3A_701 = arith.index_cast %add3A_600 : i32 to index
      %get3A_702 = arith.constant 80 : index
      %get3A_703 = tpu.vector_load %arg5[%get3A_701, %get3A_702] {strides = array<i32>} : memref<160x128xi32, #tpu.memory_space<vmem>>, vector<1x16xi32>,
      %get3A_704 = vector.shape_cast %get3A_703 : vector<1x16xi32> to vector<16xi32>
      %sub3A_705 = vector.broadcast %mul3A_0 : i32 to vector<16xi32>
      %sub3A_706 = arith.subi %get3A_704, %sub3A_705 : vector<16xi32>
      %ge3A_707 = arith.constant 0 : i32
      %ge3A_708 = vector.broadcast %ge3A_707 : i32 to vector<16xi32>
      %ge3A_709 = arith.cmpi sge, %sub3A_706, %ge3A_708 : vector<16xi32>
      %lt3A_710 = arith.constant 5120 : i32
      %lt3A_711 = vector.broadcast %lt3A_710 : i32 to vector<16xi32>
      %lt3A_712 = arith.cmpi slt, %sub3A_706, %lt3A_711 : vector<16xi32>
      %and3A_713 = arith.andi %ge3A_709, %lt3A_712 : vector<16xi1>
      %jit3A_714 = arith.constant 5120 : i32
      %broadcast_in_dim3A_715 = vector.broadcast %jit3A_714 : i32 to vector<16xi32>
      %select_n3A_716 = arith.select %and3A_713, %sub3A_706, %broadcast_in_dim3A_715 : vector<16xi1>, vector<16xi32>
      %swap3A_717 = arith.constant 80 : index
      %swap3A_718 = tpu.vector_load %arg13[%swap3A_717] {strides = array<i32>} : memref<128xi32, #tpu.memory_space<vmem>>, vector<16xi32>,
      %swap3A_719 = vector.shape_cast %swap3A_718 : vector<16xi32> to vector<16xi32>
      %swap3A_720 = vector.shape_cast %select_n3A_716 : vector<16xi32> to vector<16xi32>
      tpu.vector_store %arg13[%swap3A_717], %swap3A_720 {strides = array<i32>} : memref<128xi32, #tpu.memory_space<vmem>>, vector<16xi32>,
      %get3A_721 = arith.index_cast %add3A_600 : i32 to index
      %get3A_722 = arith.constant 96 : index
      %get3A_723 = tpu.vector_load %arg5[%get3A_721, %get3A_722] {strides = array<i32>} : memref<160x128xi32, #tpu.memory_space<vmem>>, vector<1x16xi32>,
      %get3A_724 = vector.shape_cast %get3A_723 : vector<1x16xi32> to vector<16xi32>
      %sub3A_725 = vector.broadcast %mul3A_0 : i32 to vector<16xi32>
      %sub3A_726 = arith.subi %get3A_724, %sub3A_725 : vector<16xi32>
      %ge3A_727 = arith.constant 0 : i32
      %ge3A_728 = vector.broadcast %ge3A_727 : i32 to vector<16xi32>
      %ge3A_729 = arith.cmpi sge, %sub3A_726, %ge3A_728 : vector<16xi32>
      %lt3A_730 = arith.constant 5120 : i32
      %lt3A_731 = vector.broadcast %lt3A_730 : i32 to vector<16xi32>
      %lt3A_732 = arith.cmpi slt, %sub3A_726, %lt3A_731 : vector<16xi32>
      %and3A_733 = arith.andi %ge3A_729, %lt3A_732 : vector<16xi1>
      %jit3A_734 = arith.constant 5120 : i32
      %broadcast_in_dim3A_735 = vector.broadcast %jit3A_734 : i32 to vector<16xi32>
      %select_n3A_736 = arith.select %and3A_733, %sub3A_726, %broadcast_in_dim3A_735 : vector<16xi1>, vector<16xi32>
      %swap3A_737 = arith.constant 96 : index
      %swap3A_738 = tpu.vector_load %arg13[%swap3A_737] {strides = array<i32>} : memref<128xi32, #tpu.memory_space<vmem>>, vector<16xi32>,
      %swap3A_739 = vector.shape_cast %swap3A_738 : vector<16xi32> to vector<16xi32>
      %swap3A_740 = vector.shape_cast %select_n3A_736 : vector<16xi32> to vector<16xi32>
      tpu.vector_store %arg13[%swap3A_737], %swap3A_740 {strides = array<i32>} : memref<128xi32, #tpu.memory_space<vmem>>, vector<16xi32>,
      %get3A_741 = arith.index_cast %add3A_600 : i32 to index
      %get3A_742 = arith.constant 112 : index
      %get3A_743 = tpu.vector_load %arg5[%get3A_741, %get3A_742] {strides = array<i32>} : memref<160x128xi32, #tpu.memory_space<vmem>>, vector<1x16xi32>,
      %get3A_744 = vector.shape_cast %get3A_743 : vector<1x16xi32> to vector<16xi32>
      %sub3A_745 = vector.broadcast %mul3A_0 : i32 to vector<16xi32>
      %sub3A_746 = arith.subi %get3A_744, %sub3A_745 : vector<16xi32>
      %ge3A_747 = arith.constant 0 : i32
      %ge3A_748 = vector.broadcast %ge3A_747 : i32 to vector<16xi32>
      %ge3A_749 = arith.cmpi sge, %sub3A_746, %ge3A_748 : vector<16xi32>
      %lt3A_750 = arith.constant 5120 : i32
      %lt3A_751 = vector.broadcast %lt3A_750 : i32 to vector<16xi32>
      %lt3A_752 = arith.cmpi slt, %sub3A_746, %lt3A_751 : vector<16xi32>
      %and3A_753 = arith.andi %ge3A_749, %lt3A_752 : vector<16xi1>
      %jit3A_754 = arith.constant 5120 : i32
      %broadcast_in_dim3A_755 = vector.broadcast %jit3A_754 : i32 to vector<16xi32>
      %select_n3A_756 = arith.select %and3A_753, %sub3A_746, %broadcast_in_dim3A_755 : vector<16xi1>, vector<16xi32>
      %swap3A_757 = arith.constant 112 : index
      %swap3A_758 = tpu.vector_load %arg13[%swap3A_757] {strides = array<i32>} : memref<128xi32, #tpu.memory_space<vmem>>, vector<16xi32>,
      %swap3A_759 = vector.shape_cast %swap3A_758 : vector<16xi32> to vector<16xi32>
      %swap3A_760 = vector.shape_cast %select_n3A_756 : vector<16xi32> to vector<16xi32>
      tpu.vector_store %arg13[%swap3A_757], %swap3A_760 {strides = array<i32>} : memref<128xi32, #tpu.memory_space<vmem>>, vector<16xi32>,
      %dma_wait3A_761 = arith.constant 0 : i32
      %dma_wait3A_762 = tpu.memref_slice %arg2[%add3A_97, %dma_wait3A_761] : memref<327680x128xf32, #tpu.memory_space<hbm>> -> memref<128x128xf32, #tpu.memory_space<hbm>>
      %dma_wait3A_763 = arith.constant 0 : i32
      %dma_wait3A_764 = tpu.memref_slice %arg2[%add3A_97, %dma_wait3A_763] : memref<327680x128xf32, #tpu.memory_space<hbm>> -> memref<128x128xf32, #tpu.memory_space<hbm>>
      tpu.wait_dma2 semaphore(%arg18 : memref<!tpu.dma_semaphore, #tpu.memory_space<semaphore_mem>>) src(%dma_wait3A_764 : memref<128x128xf32, #tpu.memory_space<hbm>>) dst(%arg9 : memref<128x128xf32, #tpu.memory_space<vmem>>)
      "tpu.region"() ({
        %run_scoped3A = tpu.sem_alloc : memref<!tpu.dma_semaphore, #tpu.memory_space<semaphore_mem>>
        %dma_start3A_765 = arith.constant 0 : i32
        %dma_start3A_766 = arith.constant 0 : i32
        %dma_start3A_767 = tpu.memref_slice %arg14[%dma_start3A_765, %dma_start3A_766] : memref<5128x128xf32, #tpu.memory_space<vmem_shared>> -> memref<5128x128xf32, #tpu.memory_space<vmem_shared>>
        tpu.enqueue_indirect_dma source(%arg9 : memref<128x128xf32, #tpu.memory_space<vmem>>) target(%dma_start3A_767 : memref<5128x128xf32, #tpu.memory_space<vmem_shared>>) offsets(%arg13 : memref<128xi32, #tpu.memory_space<vmem>>) semaphore(%run_scoped3A : memref<!tpu.dma_semaphore, #tpu.memory_space<semaphore_mem>>) {add = true}
        %dma_wait3A_768 = arith.constant 0 : i32
        %dma_wait3A_769 = arith.constant 0 : i32
        %dma_wait3A_770 = tpu.memref_slice %arg14[%dma_wait3A_768, %dma_wait3A_769] : memref<5128x128xf32, #tpu.memory_space<vmem_shared>> -> memref<5128x128xf32, #tpu.memory_space<vmem_shared>>
        tpu.wait_indirect_dma semaphore(%run_scoped3A : memref<!tpu.dma_semaphore, #tpu.memory_space<semaphore_mem>>) src(%arg9 : memref<128x128xf32, #tpu.memory_space<vmem>>) dst(%dma_wait3A_770 : memref<5128x128xf32, #tpu.memory_space<vmem_shared>>)
        tpu.yield
      }) : () -> ()
    }
    %scan3A_33 = arith.constant 20 : i32
    %mul3A_34 = arith.constant 2 : i32
    %mul3A_35 = arith.muli %arg1, %mul3A_34 : i32
    %add3A_36 = arith.constant 1 : i32
    %add3A_37 = arith.addi %mul3A_35, %add3A_36 : i32
    %mul3A_38 = arith.constant 10240 : i32
    %mul3A_39 = arith.muli %add3A_37, %mul3A_38 : i32
    %scan3A_40 = arith.constant 0 : i32
    %scan3A_41 = arith.constant 20 : i32
    %scan3A_42 = arith.addi %scan3A_40, %scan3A_41 : i32
    %scan3A_43 = arith.constant 1 : i32
    scf.for %scan3A_61 = %scan3A_40 to %scan3A_42 step %scan3A_43  : i32 {
      %mul3A_62 = arith.constant 4 : i32
      %mul3A_63 = arith.muli %scan3A_61, %mul3A_62 : i32
      %add3A_64 = arith.constant 0 : i32
      %add3A_65 = arith.addi %add3A_64, %mul3A_63 : i32
      %add3A_66 = arith.constant 0 : i32
      %add3A_67 = arith.addi %add3A_65, %add3A_66 : i32
      %mul3A_68 = arith.constant 128 : i32
      %mul3A_69 = arith.muli %add3A_67, %mul3A_68 : i32
      %add3A_70 = arith.addi %mul3A_39, %mul3A_69 : i32
      %dma_start3A_71 = arith.constant 0 : i32
      %dma_start3A_72 = tpu.memref_slice %arg2[%add3A_70, %dma_start3A_71] : memref<327680x128xf32, #tpu.memory_space<hbm>> -> memref<128x128xf32, #tpu.memory_space<hbm>>
      %dma_start3A_73 = arith.constant 0 : i32
      %dma_start3A_74 = tpu.memref_slice %arg2[%add3A_70, %dma_start3A_73] : memref<327680x128xf32, #tpu.memory_space<hbm>> -> memref<128x128xf32, #tpu.memory_space<hbm>>
      tpu.enqueue_dma source(%dma_start3A_74 : memref<128x128xf32, #tpu.memory_space<hbm>>) target(%arg6 : memref<128x128xf32, #tpu.memory_space<vmem>>) target_semaphore(%arg15 : memref<!tpu.dma_semaphore, #tpu.memory_space<semaphore_mem>>)
      %add3A_75 = arith.constant 1 : i32
      %add3A_76 = arith.addi %add3A_65, %add3A_75 : i32
      %mul3A_77 = arith.constant 128 : i32
      %mul3A_78 = arith.muli %add3A_76, %mul3A_77 : i32
      %add3A_79 = arith.addi %mul3A_39, %mul3A_78 : i32
      %dma_start3A_80 = arith.constant 0 : i32
      %dma_start3A_81 = tpu.memref_slice %arg2[%add3A_79, %dma_start3A_80] : memref<327680x128xf32, #tpu.memory_space<hbm>> -> memref<128x128xf32, #tpu.memory_space<hbm>>
      %dma_start3A_82 = arith.constant 0 : i32
      %dma_start3A_83 = tpu.memref_slice %arg2[%add3A_79, %dma_start3A_82] : memref<327680x128xf32, #tpu.memory_space<hbm>> -> memref<128x128xf32, #tpu.memory_space<hbm>>
      tpu.enqueue_dma source(%dma_start3A_83 : memref<128x128xf32, #tpu.memory_space<hbm>>) target(%arg7 : memref<128x128xf32, #tpu.memory_space<vmem>>) target_semaphore(%arg16 : memref<!tpu.dma_semaphore, #tpu.memory_space<semaphore_mem>>)
      %add3A_84 = arith.constant 2 : i32
      %add3A_85 = arith.addi %add3A_65, %add3A_84 : i32
      %mul3A_86 = arith.constant 128 : i32
      %mul3A_87 = arith.muli %add3A_85, %mul3A_86 : i32
      %add3A_88 = arith.addi %mul3A_39, %mul3A_87 : i32
      %dma_start3A_89 = arith.constant 0 : i32
      %dma_start3A_90 = tpu.memref_slice %arg2[%add3A_88, %dma_start3A_89] : memref<327680x128xf32, #tpu.memory_space<hbm>> -> memref<128x128xf32, #tpu.memory_space<hbm>>
      %dma_start3A_91 = arith.constant 0 : i32
      %dma_start3A_92 = tpu.memref_slice %arg2[%add3A_88, %dma_start3A_91] : memref<327680x128xf32, #tpu.memory_space<hbm>> -> memref<128x128xf32, #tpu.memory_space<hbm>>
      tpu.enqueue_dma source(%dma_start3A_92 : memref<128x128xf32, #tpu.memory_space<hbm>>) target(%arg8 : memref<128x128xf32, #tpu.memory_space<vmem>>) target_semaphore(%arg17 : memref<!tpu.dma_semaphore, #tpu.memory_space<semaphore_mem>>)
      %add3A_93 = arith.constant 3 : i32
      %add3A_94 = arith.addi %add3A_65, %add3A_93 : i32
      %mul3A_95 = arith.constant 128 : i32
      %mul3A_96 = arith.muli %add3A_94, %mul3A_95 : i32
      %add3A_97 = arith.addi %mul3A_39, %mul3A_96 : i32
      %dma_start3A_98 = arith.constant 0 : i32
      %dma_start3A_99 = tpu.memref_slice %arg2[%add3A_97, %dma_start3A_98] : memref<327680x128xf32, #tpu.memory_space<hbm>> -> memref<128x128xf32, #tpu.memory_space<hbm>>
      %dma_start3A_100 = arith.constant 0 : i32
      %dma_start3A_101 = tpu.memref_slice %arg2[%add3A_97, %dma_start3A_100] : memref<327680x128xf32, #tpu.memory_space<hbm>> -> memref<128x128xf32, #tpu.memory_space<hbm>>
      tpu.enqueue_dma source(%dma_start3A_101 : memref<128x128xf32, #tpu.memory_space<hbm>>) target(%arg9 : memref<128x128xf32, #tpu.memory_space<vmem>>) target_semaphore(%arg18 : memref<!tpu.dma_semaphore, #tpu.memory_space<semaphore_mem>>)
      %add3A_102 = arith.constant 80 : i32
      %add3A_103 = arith.addi %add3A_102, %add3A_65 : i32
      %add3A_104 = arith.constant 0 : i32
      %add3A_105 = arith.addi %add3A_103, %add3A_104 : i32
      %get3A = arith.index_cast %add3A_105 : i32 to index
      %get3A_106 = arith.constant 0 : index
      %get3A_107 = tpu.vector_load %arg5[%get3A, %get3A_106] {strides = array<i32>} : memref<160x128xi32, #tpu.memory_space<vmem>>, vector<1x16xi32>,
      %get3A_108 = vector.shape_cast %get3A_107 : vector<1x16xi32> to vector<16xi32>
      %sub3A = vector.broadcast %mul3A_0 : i32 to vector<16xi32>
      %sub3A_109 = arith.subi %get3A_108, %sub3A : vector<16xi32>
      %ge3A = arith.constant 0 : i32
      %ge3A_110 = vector.broadcast %ge3A : i32 to vector<16xi32>
      %ge3A_111 = arith.cmpi sge, %sub3A_109, %ge3A_110 : vector<16xi32>
      %lt3A = arith.constant 5120 : i32
      %lt3A_112 = vector.broadcast %lt3A : i32 to vector<16xi32>
      %lt3A_113 = arith.cmpi slt, %sub3A_109, %lt3A_112 : vector<16xi32>
      %and3A = arith.andi %ge3A_111, %lt3A_113 : vector<16xi1>
      %jit3A = arith.constant 5120 : i32
      %broadcast_in_dim3A = vector.broadcast %jit3A : i32 to vector<16xi32>
      %select_n3A = arith.select %and3A, %sub3A_109, %broadcast_in_dim3A : vector<16xi1>, vector<16xi32>
      %swap3A = arith.constant 0 : index
      %swap3A_114 = tpu.vector_load %arg10[%swap3A] {strides = array<i32>} : memref<128xi32, #tpu.memory_space<vmem>>, vector<16xi32>,
      %swap3A_115 = vector.shape_cast %swap3A_114 : vector<16xi32> to vector<16xi32>
      %swap3A_116 = vector.shape_cast %select_n3A : vector<16xi32> to vector<16xi32>
      tpu.vector_store %arg10[%swap3A], %swap3A_116 {strides = array<i32>} : memref<128xi32, #tpu.memory_space<vmem>>, vector<16xi32>,
      %get3A_117 = arith.index_cast %add3A_105 : i32 to index
      %get3A_118 = arith.constant 16 : index
      %get3A_119 = tpu.vector_load %arg5[%get3A_117, %get3A_118] {strides = array<i32>} : memref<160x128xi32, #tpu.memory_space<vmem>>, vector<1x16xi32>,
      %get3A_120 = vector.shape_cast %get3A_119 : vector<1x16xi32> to vector<16xi32>
      %sub3A_121 = vector.broadcast %mul3A_0 : i32 to vector<16xi32>
      %sub3A_122 = arith.subi %get3A_120, %sub3A_121 : vector<16xi32>
      %ge3A_123 = arith.constant 0 : i32
      %ge3A_124 = vector.broadcast %ge3A_123 : i32 to vector<16xi32>
      %ge3A_125 = arith.cmpi sge, %sub3A_122, %ge3A_124 : vector<16xi32>
      %lt3A_126 = arith.constant 5120 : i32
      %lt3A_127 = vector.broadcast %lt3A_126 : i32 to vector<16xi32>
      %lt3A_128 = arith.cmpi slt, %sub3A_122, %lt3A_127 : vector<16xi32>
      %and3A_129 = arith.andi %ge3A_125, %lt3A_128 : vector<16xi1>
      %jit3A_130 = arith.constant 5120 : i32
      %broadcast_in_dim3A_131 = vector.broadcast %jit3A_130 : i32 to vector<16xi32>
      %select_n3A_132 = arith.select %and3A_129, %sub3A_122, %broadcast_in_dim3A_131 : vector<16xi1>, vector<16xi32>
      %swap3A_133 = arith.constant 16 : index
      %swap3A_134 = tpu.vector_load %arg10[%swap3A_133] {strides = array<i32>} : memref<128xi32, #tpu.memory_space<vmem>>, vector<16xi32>,
      %swap3A_135 = vector.shape_cast %swap3A_134 : vector<16xi32> to vector<16xi32>
      %swap3A_136 = vector.shape_cast %select_n3A_132 : vector<16xi32> to vector<16xi32>
      tpu.vector_store %arg10[%swap3A_133], %swap3A_136 {strides = array<i32>} : memref<128xi32, #tpu.memory_space<vmem>>, vector<16xi32>,
      %get3A_137 = arith.index_cast %add3A_105 : i32 to index
      %get3A_138 = arith.constant 32 : index
      %get3A_139 = tpu.vector_load %arg5[%get3A_137, %get3A_138] {strides = array<i32>} : memref<160x128xi32, #tpu.memory_space<vmem>>, vector<1x16xi32>,
      %get3A_140 = vector.shape_cast %get3A_139 : vector<1x16xi32> to vector<16xi32>
      %sub3A_141 = vector.broadcast %mul3A_0 : i32 to vector<16xi32>
      %sub3A_142 = arith.subi %get3A_140, %sub3A_141 : vector<16xi32>
      %ge3A_143 = arith.constant 0 : i32
      %ge3A_144 = vector.broadcast %ge3A_143 : i32 to vector<16xi32>
      %ge3A_145 = arith.cmpi sge, %sub3A_142, %ge3A_144 : vector<16xi32>
      %lt3A_146 = arith.constant 5120 : i32
      %lt3A_147 = vector.broadcast %lt3A_146 : i32 to vector<16xi32>
      %lt3A_148 = arith.cmpi slt, %sub3A_142, %lt3A_147 : vector<16xi32>
      %and3A_149 = arith.andi %ge3A_145, %lt3A_148 : vector<16xi1>
      %jit3A_150 = arith.constant 5120 : i32
      %broadcast_in_dim3A_151 = vector.broadcast %jit3A_150 : i32 to vector<16xi32>
      %select_n3A_152 = arith.select %and3A_149, %sub3A_142, %broadcast_in_dim3A_151 : vector<16xi1>, vector<16xi32>
      %swap3A_153 = arith.constant 32 : index
      %swap3A_154 = tpu.vector_load %arg10[%swap3A_153] {strides = array<i32>} : memref<128xi32, #tpu.memory_space<vmem>>, vector<16xi32>,
      %swap3A_155 = vector.shape_cast %swap3A_154 : vector<16xi32> to vector<16xi32>
      %swap3A_156 = vector.shape_cast %select_n3A_152 : vector<16xi32> to vector<16xi32>
      tpu.vector_store %arg10[%swap3A_153], %swap3A_156 {strides = array<i32>} : memref<128xi32, #tpu.memory_space<vmem>>, vector<16xi32>,
      %get3A_157 = arith.index_cast %add3A_105 : i32 to index
      %get3A_158 = arith.constant 48 : index
      %get3A_159 = tpu.vector_load %arg5[%get3A_157, %get3A_158] {strides = array<i32>} : memref<160x128xi32, #tpu.memory_space<vmem>>, vector<1x16xi32>,
      %get3A_160 = vector.shape_cast %get3A_159 : vector<1x16xi32> to vector<16xi32>
      %sub3A_161 = vector.broadcast %mul3A_0 : i32 to vector<16xi32>
      %sub3A_162 = arith.subi %get3A_160, %sub3A_161 : vector<16xi32>
      %ge3A_163 = arith.constant 0 : i32
      %ge3A_164 = vector.broadcast %ge3A_163 : i32 to vector<16xi32>
      %ge3A_165 = arith.cmpi sge, %sub3A_162, %ge3A_164 : vector<16xi32>
      %lt3A_166 = arith.constant 5120 : i32
      %lt3A_167 = vector.broadcast %lt3A_166 : i32 to vector<16xi32>
      %lt3A_168 = arith.cmpi slt, %sub3A_162, %lt3A_167 : vector<16xi32>
      %and3A_169 = arith.andi %ge3A_165, %lt3A_168 : vector<16xi1>
      %jit3A_170 = arith.constant 5120 : i32
      %broadcast_in_dim3A_171 = vector.broadcast %jit3A_170 : i32 to vector<16xi32>
      %select_n3A_172 = arith.select %and3A_169, %sub3A_162, %broadcast_in_dim3A_171 : vector<16xi1>, vector<16xi32>
      %swap3A_173 = arith.constant 48 : index
      %swap3A_174 = tpu.vector_load %arg10[%swap3A_173] {strides = array<i32>} : memref<128xi32, #tpu.memory_space<vmem>>, vector<16xi32>,
      %swap3A_175 = vector.shape_cast %swap3A_174 : vector<16xi32> to vector<16xi32>
      %swap3A_176 = vector.shape_cast %select_n3A_172 : vector<16xi32> to vector<16xi32>
      tpu.vector_store %arg10[%swap3A_173], %swap3A_176 {strides = array<i32>} : memref<128xi32, #tpu.memory_space<vmem>>, vector<16xi32>,
      %get3A_177 = arith.index_cast %add3A_105 : i32 to index
      %get3A_178 = arith.constant 64 : index
      %get3A_179 = tpu.vector_load %arg5[%get3A_177, %get3A_178] {strides = array<i32>} : memref<160x128xi32, #tpu.memory_space<vmem>>, vector<1x16xi32>,
      %get3A_180 = vector.shape_cast %get3A_179 : vector<1x16xi32> to vector<16xi32>
      %sub3A_181 = vector.broadcast %mul3A_0 : i32 to vector<16xi32>
      %sub3A_182 = arith.subi %get3A_180, %sub3A_181 : vector<16xi32>
      %ge3A_183 = arith.constant 0 : i32
      %ge3A_184 = vector.broadcast %ge3A_183 : i32 to vector<16xi32>
      %ge3A_185 = arith.cmpi sge, %sub3A_182, %ge3A_184 : vector<16xi32>
      %lt3A_186 = arith.constant 5120 : i32
      %lt3A_187 = vector.broadcast %lt3A_186 : i32 to vector<16xi32>
      %lt3A_188 = arith.cmpi slt, %sub3A_182, %lt3A_187 : vector<16xi32>
      %and3A_189 = arith.andi %ge3A_185, %lt3A_188 : vector<16xi1>
      %jit3A_190 = arith.constant 5120 : i32
      %broadcast_in_dim3A_191 = vector.broadcast %jit3A_190 : i32 to vector<16xi32>
      %select_n3A_192 = arith.select %and3A_189, %sub3A_182, %broadcast_in_dim3A_191 : vector<16xi1>, vector<16xi32>
      %swap3A_193 = arith.constant 64 : index
      %swap3A_194 = tpu.vector_load %arg10[%swap3A_193] {strides = array<i32>} : memref<128xi32, #tpu.memory_space<vmem>>, vector<16xi32>,
      %swap3A_195 = vector.shape_cast %swap3A_194 : vector<16xi32> to vector<16xi32>
      %swap3A_196 = vector.shape_cast %select_n3A_192 : vector<16xi32> to vector<16xi32>
      tpu.vector_store %arg10[%swap3A_193], %swap3A_196 {strides = array<i32>} : memref<128xi32, #tpu.memory_space<vmem>>, vector<16xi32>,
      %get3A_197 = arith.index_cast %add3A_105 : i32 to index
      %get3A_198 = arith.constant 80 : index
      %get3A_199 = tpu.vector_load %arg5[%get3A_197, %get3A_198] {strides = array<i32>} : memref<160x128xi32, #tpu.memory_space<vmem>>, vector<1x16xi32>,
      %get3A_200 = vector.shape_cast %get3A_199 : vector<1x16xi32> to vector<16xi32>
      %sub3A_201 = vector.broadcast %mul3A_0 : i32 to vector<16xi32>
      %sub3A_202 = arith.subi %get3A_200, %sub3A_201 : vector<16xi32>
      %ge3A_203 = arith.constant 0 : i32
      %ge3A_204 = vector.broadcast %ge3A_203 : i32 to vector<16xi32>
      %ge3A_205 = arith.cmpi sge, %sub3A_202, %ge3A_204 : vector<16xi32>
      %lt3A_206 = arith.constant 5120 : i32
      %lt3A_207 = vector.broadcast %lt3A_206 : i32 to vector<16xi32>
      %lt3A_208 = arith.cmpi slt, %sub3A_202, %lt3A_207 : vector<16xi32>
      %and3A_209 = arith.andi %ge3A_205, %lt3A_208 : vector<16xi1>
      %jit3A_210 = arith.constant 5120 : i32
      %broadcast_in_dim3A_211 = vector.broadcast %jit3A_210 : i32 to vector<16xi32>
      %select_n3A_212 = arith.select %and3A_209, %sub3A_202, %broadcast_in_dim3A_211 : vector<16xi1>, vector<16xi32>
      %swap3A_213 = arith.constant 80 : index
      %swap3A_214 = tpu.vector_load %arg10[%swap3A_213] {strides = array<i32>} : memref<128xi32, #tpu.memory_space<vmem>>, vector<16xi32>,
      %swap3A_215 = vector.shape_cast %swap3A_214 : vector<16xi32> to vector<16xi32>
      %swap3A_216 = vector.shape_cast %select_n3A_212 : vector<16xi32> to vector<16xi32>
      tpu.vector_store %arg10[%swap3A_213], %swap3A_216 {strides = array<i32>} : memref<128xi32, #tpu.memory_space<vmem>>, vector<16xi32>,
      %get3A_217 = arith.index_cast %add3A_105 : i32 to index
      %get3A_218 = arith.constant 96 : index
      %get3A_219 = tpu.vector_load %arg5[%get3A_217, %get3A_218] {strides = array<i32>} : memref<160x128xi32, #tpu.memory_space<vmem>>, vector<1x16xi32>,
      %get3A_220 = vector.shape_cast %get3A_219 : vector<1x16xi32> to vector<16xi32>
      %sub3A_221 = vector.broadcast %mul3A_0 : i32 to vector<16xi32>
      %sub3A_222 = arith.subi %get3A_220, %sub3A_221 : vector<16xi32>
      %ge3A_223 = arith.constant 0 : i32
      %ge3A_224 = vector.broadcast %ge3A_223 : i32 to vector<16xi32>
      %ge3A_225 = arith.cmpi sge, %sub3A_222, %ge3A_224 : vector<16xi32>
      %lt3A_226 = arith.constant 5120 : i32
      %lt3A_227 = vector.broadcast %lt3A_226 : i32 to vector<16xi32>
      %lt3A_228 = arith.cmpi slt, %sub3A_222, %lt3A_227 : vector<16xi32>
      %and3A_229 = arith.andi %ge3A_225, %lt3A_228 : vector<16xi1>
      %jit3A_230 = arith.constant 5120 : i32
      %broadcast_in_dim3A_231 = vector.broadcast %jit3A_230 : i32 to vector<16xi32>
      %select_n3A_232 = arith.select %and3A_229, %sub3A_222, %broadcast_in_dim3A_231 : vector<16xi1>, vector<16xi32>
      %swap3A_233 = arith.constant 96 : index
      %swap3A_234 = tpu.vector_load %arg10[%swap3A_233] {strides = array<i32>} : memref<128xi32, #tpu.memory_space<vmem>>, vector<16xi32>,
      %swap3A_235 = vector.shape_cast %swap3A_234 : vector<16xi32> to vector<16xi32>
      %swap3A_236 = vector.shape_cast %select_n3A_232 : vector<16xi32> to vector<16xi32>
      tpu.vector_store %arg10[%swap3A_233], %swap3A_236 {strides = array<i32>} : memref<128xi32, #tpu.memory_space<vmem>>, vector<16xi32>,
      %get3A_237 = arith.index_cast %add3A_105 : i32 to index
      %get3A_238 = arith.constant 112 : index
      %get3A_239 = tpu.vector_load %arg5[%get3A_237, %get3A_238] {strides = array<i32>} : memref<160x128xi32, #tpu.memory_space<vmem>>, vector<1x16xi32>,
      %get3A_240 = vector.shape_cast %get3A_239 : vector<1x16xi32> to vector<16xi32>
      %sub3A_241 = vector.broadcast %mul3A_0 : i32 to vector<16xi32>
      %sub3A_242 = arith.subi %get3A_240, %sub3A_241 : vector<16xi32>
      %ge3A_243 = arith.constant 0 : i32
      %ge3A_244 = vector.broadcast %ge3A_243 : i32 to vector<16xi32>
      %ge3A_245 = arith.cmpi sge, %sub3A_242, %ge3A_244 : vector<16xi32>
      %lt3A_246 = arith.constant 5120 : i32
      %lt3A_247 = vector.broadcast %lt3A_246 : i32 to vector<16xi32>
      %lt3A_248 = arith.cmpi slt, %sub3A_242, %lt3A_247 : vector<16xi32>
      %and3A_249 = arith.andi %ge3A_245, %lt3A_248 : vector<16xi1>
      %jit3A_250 = arith.constant 5120 : i32
      %broadcast_in_dim3A_251 = vector.broadcast %jit3A_250 : i32 to vector<16xi32>
      %select_n3A_252 = arith.select %and3A_249, %sub3A_242, %broadcast_in_dim3A_251 : vector<16xi1>, vector<16xi32>
      %swap3A_253 = arith.constant 112 : index
      %swap3A_254 = tpu.vector_load %arg10[%swap3A_253] {strides = array<i32>} : memref<128xi32, #tpu.memory_space<vmem>>, vector<16xi32>,
      %swap3A_255 = vector.shape_cast %swap3A_254 : vector<16xi32> to vector<16xi32>
      %swap3A_256 = vector.shape_cast %select_n3A_252 : vector<16xi32> to vector<16xi32>
      tpu.vector_store %arg10[%swap3A_253], %swap3A_256 {strides = array<i32>} : memref<128xi32, #tpu.memory_space<vmem>>, vector<16xi32>,
      %dma_wait3A_257 = arith.constant 0 : i32
      %dma_wait3A_258 = tpu.memref_slice %arg2[%add3A_70, %dma_wait3A_257] : memref<327680x128xf32, #tpu.memory_space<hbm>> -> memref<128x128xf32, #tpu.memory_space<hbm>>
      %dma_wait3A_259 = arith.constant 0 : i32
      %dma_wait3A_260 = tpu.memref_slice %arg2[%add3A_70, %dma_wait3A_259] : memref<327680x128xf32, #tpu.memory_space<hbm>> -> memref<128x128xf32, #tpu.memory_space<hbm>>
      tpu.wait_dma2 semaphore(%arg15 : memref<!tpu.dma_semaphore, #tpu.memory_space<semaphore_mem>>) src(%dma_wait3A_260 : memref<128x128xf32, #tpu.memory_space<hbm>>) dst(%arg6 : memref<128x128xf32, #tpu.memory_space<vmem>>)
      "tpu.region"() ({
        %run_scoped3A = tpu.sem_alloc : memref<!tpu.dma_semaphore, #tpu.memory_space<semaphore_mem>>
        %dma_start3A_765 = arith.constant 0 : i32
        %dma_start3A_766 = arith.constant 0 : i32
        %dma_start3A_767 = tpu.memref_slice %arg14[%dma_start3A_765, %dma_start3A_766] : memref<5128x128xf32, #tpu.memory_space<vmem_shared>> -> memref<5128x128xf32, #tpu.memory_space<vmem_shared>>
        tpu.enqueue_indirect_dma source(%arg6 : memref<128x128xf32, #tpu.memory_space<vmem>>) target(%dma_start3A_767 : memref<5128x128xf32, #tpu.memory_space<vmem_shared>>) offsets(%arg10 : memref<128xi32, #tpu.memory_space<vmem>>) semaphore(%run_scoped3A : memref<!tpu.dma_semaphore, #tpu.memory_space<semaphore_mem>>) {add = true}
        %dma_wait3A_768 = arith.constant 0 : i32
        %dma_wait3A_769 = arith.constant 0 : i32
        %dma_wait3A_770 = tpu.memref_slice %arg14[%dma_wait3A_768, %dma_wait3A_769] : memref<5128x128xf32, #tpu.memory_space<vmem_shared>> -> memref<5128x128xf32, #tpu.memory_space<vmem_shared>>
        tpu.wait_indirect_dma semaphore(%run_scoped3A : memref<!tpu.dma_semaphore, #tpu.memory_space<semaphore_mem>>) src(%arg6 : memref<128x128xf32, #tpu.memory_space<vmem>>) dst(%dma_wait3A_770 : memref<5128x128xf32, #tpu.memory_space<vmem_shared>>)
        tpu.yield
      }) : () -> ()
      %add3A_261 = arith.constant 80 : i32
      %add3A_262 = arith.addi %add3A_261, %add3A_65 : i32
      %add3A_263 = arith.constant 1 : i32
      %add3A_264 = arith.addi %add3A_262, %add3A_263 : i32
      %get3A_265 = arith.index_cast %add3A_264 : i32 to index
      %get3A_266 = arith.constant 0 : index
      %get3A_267 = tpu.vector_load %arg5[%get3A_265, %get3A_266] {strides = array<i32>} : memref<160x128xi32, #tpu.memory_space<vmem>>, vector<1x16xi32>,
      %get3A_268 = vector.shape_cast %get3A_267 : vector<1x16xi32> to vector<16xi32>
      %sub3A_269 = vector.broadcast %mul3A_0 : i32 to vector<16xi32>
      %sub3A_270 = arith.subi %get3A_268, %sub3A_269 : vector<16xi32>
      %ge3A_271 = arith.constant 0 : i32
      %ge3A_272 = vector.broadcast %ge3A_271 : i32 to vector<16xi32>
      %ge3A_273 = arith.cmpi sge, %sub3A_270, %ge3A_272 : vector<16xi32>
      %lt3A_274 = arith.constant 5120 : i32
      %lt3A_275 = vector.broadcast %lt3A_274 : i32 to vector<16xi32>
      %lt3A_276 = arith.cmpi slt, %sub3A_270, %lt3A_275 : vector<16xi32>
      %and3A_277 = arith.andi %ge3A_273, %lt3A_276 : vector<16xi1>
      %jit3A_278 = arith.constant 5120 : i32
      %broadcast_in_dim3A_279 = vector.broadcast %jit3A_278 : i32 to vector<16xi32>
      %select_n3A_280 = arith.select %and3A_277, %sub3A_270, %broadcast_in_dim3A_279 : vector<16xi1>, vector<16xi32>
      %swap3A_281 = arith.constant 0 : index
      %swap3A_282 = tpu.vector_load %arg11[%swap3A_281] {strides = array<i32>} : memref<128xi32, #tpu.memory_space<vmem>>, vector<16xi32>,
      %swap3A_283 = vector.shape_cast %swap3A_282 : vector<16xi32> to vector<16xi32>
      %swap3A_284 = vector.shape_cast %select_n3A_280 : vector<16xi32> to vector<16xi32>
      tpu.vector_store %arg11[%swap3A_281], %swap3A_284 {strides = array<i32>} : memref<128xi32, #tpu.memory_space<vmem>>, vector<16xi32>,
      %get3A_285 = arith.index_cast %add3A_264 : i32 to index
      %get3A_286 = arith.constant 16 : index
      %get3A_287 = tpu.vector_load %arg5[%get3A_285, %get3A_286] {strides = array<i32>} : memref<160x128xi32, #tpu.memory_space<vmem>>, vector<1x16xi32>,
      %get3A_288 = vector.shape_cast %get3A_287 : vector<1x16xi32> to vector<16xi32>
      %sub3A_289 = vector.broadcast %mul3A_0 : i32 to vector<16xi32>
      %sub3A_290 = arith.subi %get3A_288, %sub3A_289 : vector<16xi32>
      %ge3A_291 = arith.constant 0 : i32
      %ge3A_292 = vector.broadcast %ge3A_291 : i32 to vector<16xi32>
      %ge3A_293 = arith.cmpi sge, %sub3A_290, %ge3A_292 : vector<16xi32>
      %lt3A_294 = arith.constant 5120 : i32
      %lt3A_295 = vector.broadcast %lt3A_294 : i32 to vector<16xi32>
      %lt3A_296 = arith.cmpi slt, %sub3A_290, %lt3A_295 : vector<16xi32>
      %and3A_297 = arith.andi %ge3A_293, %lt3A_296 : vector<16xi1>
      %jit3A_298 = arith.constant 5120 : i32
      %broadcast_in_dim3A_299 = vector.broadcast %jit3A_298 : i32 to vector<16xi32>
      %select_n3A_300 = arith.select %and3A_297, %sub3A_290, %broadcast_in_dim3A_299 : vector<16xi1>, vector<16xi32>
      %swap3A_301 = arith.constant 16 : index
      %swap3A_302 = tpu.vector_load %arg11[%swap3A_301] {strides = array<i32>} : memref<128xi32, #tpu.memory_space<vmem>>, vector<16xi32>,
      %swap3A_303 = vector.shape_cast %swap3A_302 : vector<16xi32> to vector<16xi32>
      %swap3A_304 = vector.shape_cast %select_n3A_300 : vector<16xi32> to vector<16xi32>
      tpu.vector_store %arg11[%swap3A_301], %swap3A_304 {strides = array<i32>} : memref<128xi32, #tpu.memory_space<vmem>>, vector<16xi32>,
      %get3A_305 = arith.index_cast %add3A_264 : i32 to index
      %get3A_306 = arith.constant 32 : index
      %get3A_307 = tpu.vector_load %arg5[%get3A_305, %get3A_306] {strides = array<i32>} : memref<160x128xi32, #tpu.memory_space<vmem>>, vector<1x16xi32>,
      %get3A_308 = vector.shape_cast %get3A_307 : vector<1x16xi32> to vector<16xi32>
      %sub3A_309 = vector.broadcast %mul3A_0 : i32 to vector<16xi32>
      %sub3A_310 = arith.subi %get3A_308, %sub3A_309 : vector<16xi32>
      %ge3A_311 = arith.constant 0 : i32
      %ge3A_312 = vector.broadcast %ge3A_311 : i32 to vector<16xi32>
      %ge3A_313 = arith.cmpi sge, %sub3A_310, %ge3A_312 : vector<16xi32>
      %lt3A_314 = arith.constant 5120 : i32
      %lt3A_315 = vector.broadcast %lt3A_314 : i32 to vector<16xi32>
      %lt3A_316 = arith.cmpi slt, %sub3A_310, %lt3A_315 : vector<16xi32>
      %and3A_317 = arith.andi %ge3A_313, %lt3A_316 : vector<16xi1>
      %jit3A_318 = arith.constant 5120 : i32
      %broadcast_in_dim3A_319 = vector.broadcast %jit3A_318 : i32 to vector<16xi32>
      %select_n3A_320 = arith.select %and3A_317, %sub3A_310, %broadcast_in_dim3A_319 : vector<16xi1>, vector<16xi32>
      %swap3A_321 = arith.constant 32 : index
      %swap3A_322 = tpu.vector_load %arg11[%swap3A_321] {strides = array<i32>} : memref<128xi32, #tpu.memory_space<vmem>>, vector<16xi32>,
      %swap3A_323 = vector.shape_cast %swap3A_322 : vector<16xi32> to vector<16xi32>
      %swap3A_324 = vector.shape_cast %select_n3A_320 : vector<16xi32> to vector<16xi32>
      tpu.vector_store %arg11[%swap3A_321], %swap3A_324 {strides = array<i32>} : memref<128xi32, #tpu.memory_space<vmem>>, vector<16xi32>,
      %get3A_325 = arith.index_cast %add3A_264 : i32 to index
      %get3A_326 = arith.constant 48 : index
      %get3A_327 = tpu.vector_load %arg5[%get3A_325, %get3A_326] {strides = array<i32>} : memref<160x128xi32, #tpu.memory_space<vmem>>, vector<1x16xi32>,
      %get3A_328 = vector.shape_cast %get3A_327 : vector<1x16xi32> to vector<16xi32>
      %sub3A_329 = vector.broadcast %mul3A_0 : i32 to vector<16xi32>
      %sub3A_330 = arith.subi %get3A_328, %sub3A_329 : vector<16xi32>
      %ge3A_331 = arith.constant 0 : i32
      %ge3A_332 = vector.broadcast %ge3A_331 : i32 to vector<16xi32>
      %ge3A_333 = arith.cmpi sge, %sub3A_330, %ge3A_332 : vector<16xi32>
      %lt3A_334 = arith.constant 5120 : i32
      %lt3A_335 = vector.broadcast %lt3A_334 : i32 to vector<16xi32>
      %lt3A_336 = arith.cmpi slt, %sub3A_330, %lt3A_335 : vector<16xi32>
      %and3A_337 = arith.andi %ge3A_333, %lt3A_336 : vector<16xi1>
      %jit3A_338 = arith.constant 5120 : i32
      %broadcast_in_dim3A_339 = vector.broadcast %jit3A_338 : i32 to vector<16xi32>
      %select_n3A_340 = arith.select %and3A_337, %sub3A_330, %broadcast_in_dim3A_339 : vector<16xi1>, vector<16xi32>
      %swap3A_341 = arith.constant 48 : index
      %swap3A_342 = tpu.vector_load %arg11[%swap3A_341] {strides = array<i32>} : memref<128xi32, #tpu.memory_space<vmem>>, vector<16xi32>,
      %swap3A_343 = vector.shape_cast %swap3A_342 : vector<16xi32> to vector<16xi32>
      %swap3A_344 = vector.shape_cast %select_n3A_340 : vector<16xi32> to vector<16xi32>
      tpu.vector_store %arg11[%swap3A_341], %swap3A_344 {strides = array<i32>} : memref<128xi32, #tpu.memory_space<vmem>>, vector<16xi32>,
      %get3A_345 = arith.index_cast %add3A_264 : i32 to index
      %get3A_346 = arith.constant 64 : index
      %get3A_347 = tpu.vector_load %arg5[%get3A_345, %get3A_346] {strides = array<i32>} : memref<160x128xi32, #tpu.memory_space<vmem>>, vector<1x16xi32>,
      %get3A_348 = vector.shape_cast %get3A_347 : vector<1x16xi32> to vector<16xi32>
      %sub3A_349 = vector.broadcast %mul3A_0 : i32 to vector<16xi32>
      %sub3A_350 = arith.subi %get3A_348, %sub3A_349 : vector<16xi32>
      %ge3A_351 = arith.constant 0 : i32
      %ge3A_352 = vector.broadcast %ge3A_351 : i32 to vector<16xi32>
      %ge3A_353 = arith.cmpi sge, %sub3A_350, %ge3A_352 : vector<16xi32>
      %lt3A_354 = arith.constant 5120 : i32
      %lt3A_355 = vector.broadcast %lt3A_354 : i32 to vector<16xi32>
      %lt3A_356 = arith.cmpi slt, %sub3A_350, %lt3A_355 : vector<16xi32>
      %and3A_357 = arith.andi %ge3A_353, %lt3A_356 : vector<16xi1>
      %jit3A_358 = arith.constant 5120 : i32
      %broadcast_in_dim3A_359 = vector.broadcast %jit3A_358 : i32 to vector<16xi32>
      %select_n3A_360 = arith.select %and3A_357, %sub3A_350, %broadcast_in_dim3A_359 : vector<16xi1>, vector<16xi32>
      %swap3A_361 = arith.constant 64 : index
      %swap3A_362 = tpu.vector_load %arg11[%swap3A_361] {strides = array<i32>} : memref<128xi32, #tpu.memory_space<vmem>>, vector<16xi32>,
      %swap3A_363 = vector.shape_cast %swap3A_362 : vector<16xi32> to vector<16xi32>
      %swap3A_364 = vector.shape_cast %select_n3A_360 : vector<16xi32> to vector<16xi32>
      tpu.vector_store %arg11[%swap3A_361], %swap3A_364 {strides = array<i32>} : memref<128xi32, #tpu.memory_space<vmem>>, vector<16xi32>,
      %get3A_365 = arith.index_cast %add3A_264 : i32 to index
      %get3A_366 = arith.constant 80 : index
      %get3A_367 = tpu.vector_load %arg5[%get3A_365, %get3A_366] {strides = array<i32>} : memref<160x128xi32, #tpu.memory_space<vmem>>, vector<1x16xi32>,
      %get3A_368 = vector.shape_cast %get3A_367 : vector<1x16xi32> to vector<16xi32>
      %sub3A_369 = vector.broadcast %mul3A_0 : i32 to vector<16xi32>
      %sub3A_370 = arith.subi %get3A_368, %sub3A_369 : vector<16xi32>
      %ge3A_371 = arith.constant 0 : i32
      %ge3A_372 = vector.broadcast %ge3A_371 : i32 to vector<16xi32>
      %ge3A_373 = arith.cmpi sge, %sub3A_370, %ge3A_372 : vector<16xi32>
      %lt3A_374 = arith.constant 5120 : i32
      %lt3A_375 = vector.broadcast %lt3A_374 : i32 to vector<16xi32>
      %lt3A_376 = arith.cmpi slt, %sub3A_370, %lt3A_375 : vector<16xi32>
      %and3A_377 = arith.andi %ge3A_373, %lt3A_376 : vector<16xi1>
      %jit3A_378 = arith.constant 5120 : i32
      %broadcast_in_dim3A_379 = vector.broadcast %jit3A_378 : i32 to vector<16xi32>
      %select_n3A_380 = arith.select %and3A_377, %sub3A_370, %broadcast_in_dim3A_379 : vector<16xi1>, vector<16xi32>
      %swap3A_381 = arith.constant 80 : index
      %swap3A_382 = tpu.vector_load %arg11[%swap3A_381] {strides = array<i32>} : memref<128xi32, #tpu.memory_space<vmem>>, vector<16xi32>,
      %swap3A_383 = vector.shape_cast %swap3A_382 : vector<16xi32> to vector<16xi32>
      %swap3A_384 = vector.shape_cast %select_n3A_380 : vector<16xi32> to vector<16xi32>
      tpu.vector_store %arg11[%swap3A_381], %swap3A_384 {strides = array<i32>} : memref<128xi32, #tpu.memory_space<vmem>>, vector<16xi32>,
      %get3A_385 = arith.index_cast %add3A_264 : i32 to index
      %get3A_386 = arith.constant 96 : index
      %get3A_387 = tpu.vector_load %arg5[%get3A_385, %get3A_386] {strides = array<i32>} : memref<160x128xi32, #tpu.memory_space<vmem>>, vector<1x16xi32>,
      %get3A_388 = vector.shape_cast %get3A_387 : vector<1x16xi32> to vector<16xi32>
      %sub3A_389 = vector.broadcast %mul3A_0 : i32 to vector<16xi32>
      %sub3A_390 = arith.subi %get3A_388, %sub3A_389 : vector<16xi32>
      %ge3A_391 = arith.constant 0 : i32
      %ge3A_392 = vector.broadcast %ge3A_391 : i32 to vector<16xi32>
      %ge3A_393 = arith.cmpi sge, %sub3A_390, %ge3A_392 : vector<16xi32>
      %lt3A_394 = arith.constant 5120 : i32
      %lt3A_395 = vector.broadcast %lt3A_394 : i32 to vector<16xi32>
      %lt3A_396 = arith.cmpi slt, %sub3A_390, %lt3A_395 : vector<16xi32>
      %and3A_397 = arith.andi %ge3A_393, %lt3A_396 : vector<16xi1>
      %jit3A_398 = arith.constant 5120 : i32
      %broadcast_in_dim3A_399 = vector.broadcast %jit3A_398 : i32 to vector<16xi32>
      %select_n3A_400 = arith.select %and3A_397, %sub3A_390, %broadcast_in_dim3A_399 : vector<16xi1>, vector<16xi32>
      %swap3A_401 = arith.constant 96 : index
      %swap3A_402 = tpu.vector_load %arg11[%swap3A_401] {strides = array<i32>} : memref<128xi32, #tpu.memory_space<vmem>>, vector<16xi32>,
      %swap3A_403 = vector.shape_cast %swap3A_402 : vector<16xi32> to vector<16xi32>
      %swap3A_404 = vector.shape_cast %select_n3A_400 : vector<16xi32> to vector<16xi32>
      tpu.vector_store %arg11[%swap3A_401], %swap3A_404 {strides = array<i32>} : memref<128xi32, #tpu.memory_space<vmem>>, vector<16xi32>,
      %get3A_405 = arith.index_cast %add3A_264 : i32 to index
      %get3A_406 = arith.constant 112 : index
      %get3A_407 = tpu.vector_load %arg5[%get3A_405, %get3A_406] {strides = array<i32>} : memref<160x128xi32, #tpu.memory_space<vmem>>, vector<1x16xi32>,
      %get3A_408 = vector.shape_cast %get3A_407 : vector<1x16xi32> to vector<16xi32>
      %sub3A_409 = vector.broadcast %mul3A_0 : i32 to vector<16xi32>
      %sub3A_410 = arith.subi %get3A_408, %sub3A_409 : vector<16xi32>
      %ge3A_411 = arith.constant 0 : i32
      %ge3A_412 = vector.broadcast %ge3A_411 : i32 to vector<16xi32>
      %ge3A_413 = arith.cmpi sge, %sub3A_410, %ge3A_412 : vector<16xi32>
      %lt3A_414 = arith.constant 5120 : i32
      %lt3A_415 = vector.broadcast %lt3A_414 : i32 to vector<16xi32>
      %lt3A_416 = arith.cmpi slt, %sub3A_410, %lt3A_415 : vector<16xi32>
      %and3A_417 = arith.andi %ge3A_413, %lt3A_416 : vector<16xi1>
      %jit3A_418 = arith.constant 5120 : i32
      %broadcast_in_dim3A_419 = vector.broadcast %jit3A_418 : i32 to vector<16xi32>
      %select_n3A_420 = arith.select %and3A_417, %sub3A_410, %broadcast_in_dim3A_419 : vector<16xi1>, vector<16xi32>
      %swap3A_421 = arith.constant 112 : index
      %swap3A_422 = tpu.vector_load %arg11[%swap3A_421] {strides = array<i32>} : memref<128xi32, #tpu.memory_space<vmem>>, vector<16xi32>,
      %swap3A_423 = vector.shape_cast %swap3A_422 : vector<16xi32> to vector<16xi32>
      %swap3A_424 = vector.shape_cast %select_n3A_420 : vector<16xi32> to vector<16xi32>
      tpu.vector_store %arg11[%swap3A_421], %swap3A_424 {strides = array<i32>} : memref<128xi32, #tpu.memory_space<vmem>>, vector<16xi32>,
      %dma_wait3A_425 = arith.constant 0 : i32
      %dma_wait3A_426 = tpu.memref_slice %arg2[%add3A_79, %dma_wait3A_425] : memref<327680x128xf32, #tpu.memory_space<hbm>> -> memref<128x128xf32, #tpu.memory_space<hbm>>
      %dma_wait3A_427 = arith.constant 0 : i32
      %dma_wait3A_428 = tpu.memref_slice %arg2[%add3A_79, %dma_wait3A_427] : memref<327680x128xf32, #tpu.memory_space<hbm>> -> memref<128x128xf32, #tpu.memory_space<hbm>>
      tpu.wait_dma2 semaphore(%arg16 : memref<!tpu.dma_semaphore, #tpu.memory_space<semaphore_mem>>) src(%dma_wait3A_428 : memref<128x128xf32, #tpu.memory_space<hbm>>) dst(%arg7 : memref<128x128xf32, #tpu.memory_space<vmem>>)
      "tpu.region"() ({
        %run_scoped3A = tpu.sem_alloc : memref<!tpu.dma_semaphore, #tpu.memory_space<semaphore_mem>>
        %dma_start3A_765 = arith.constant 0 : i32
        %dma_start3A_766 = arith.constant 0 : i32
        %dma_start3A_767 = tpu.memref_slice %arg14[%dma_start3A_765, %dma_start3A_766] : memref<5128x128xf32, #tpu.memory_space<vmem_shared>> -> memref<5128x128xf32, #tpu.memory_space<vmem_shared>>
        tpu.enqueue_indirect_dma source(%arg7 : memref<128x128xf32, #tpu.memory_space<vmem>>) target(%dma_start3A_767 : memref<5128x128xf32, #tpu.memory_space<vmem_shared>>) offsets(%arg11 : memref<128xi32, #tpu.memory_space<vmem>>) semaphore(%run_scoped3A : memref<!tpu.dma_semaphore, #tpu.memory_space<semaphore_mem>>) {add = true}
        %dma_wait3A_768 = arith.constant 0 : i32
        %dma_wait3A_769 = arith.constant 0 : i32
        %dma_wait3A_770 = tpu.memref_slice %arg14[%dma_wait3A_768, %dma_wait3A_769] : memref<5128x128xf32, #tpu.memory_space<vmem_shared>> -> memref<5128x128xf32, #tpu.memory_space<vmem_shared>>
        tpu.wait_indirect_dma semaphore(%run_scoped3A : memref<!tpu.dma_semaphore, #tpu.memory_space<semaphore_mem>>) src(%arg7 : memref<128x128xf32, #tpu.memory_space<vmem>>) dst(%dma_wait3A_770 : memref<5128x128xf32, #tpu.memory_space<vmem_shared>>)
        tpu.yield
      }) : () -> ()
      %add3A_429 = arith.constant 80 : i32
      %add3A_430 = arith.addi %add3A_429, %add3A_65 : i32
      %add3A_431 = arith.constant 2 : i32
      %add3A_432 = arith.addi %add3A_430, %add3A_431 : i32
      %get3A_433 = arith.index_cast %add3A_432 : i32 to index
      %get3A_434 = arith.constant 0 : index
      %get3A_435 = tpu.vector_load %arg5[%get3A_433, %get3A_434] {strides = array<i32>} : memref<160x128xi32, #tpu.memory_space<vmem>>, vector<1x16xi32>,
      %get3A_436 = vector.shape_cast %get3A_435 : vector<1x16xi32> to vector<16xi32>
      %sub3A_437 = vector.broadcast %mul3A_0 : i32 to vector<16xi32>
      %sub3A_438 = arith.subi %get3A_436, %sub3A_437 : vector<16xi32>
      %ge3A_439 = arith.constant 0 : i32
      %ge3A_440 = vector.broadcast %ge3A_439 : i32 to vector<16xi32>
      %ge3A_441 = arith.cmpi sge, %sub3A_438, %ge3A_440 : vector<16xi32>
      %lt3A_442 = arith.constant 5120 : i32
      %lt3A_443 = vector.broadcast %lt3A_442 : i32 to vector<16xi32>
      %lt3A_444 = arith.cmpi slt, %sub3A_438, %lt3A_443 : vector<16xi32>
      %and3A_445 = arith.andi %ge3A_441, %lt3A_444 : vector<16xi1>
      %jit3A_446 = arith.constant 5120 : i32
      %broadcast_in_dim3A_447 = vector.broadcast %jit3A_446 : i32 to vector<16xi32>
      %select_n3A_448 = arith.select %and3A_445, %sub3A_438, %broadcast_in_dim3A_447 : vector<16xi1>, vector<16xi32>
      %swap3A_449 = arith.constant 0 : index
      %swap3A_450 = tpu.vector_load %arg12[%swap3A_449] {strides = array<i32>} : memref<128xi32, #tpu.memory_space<vmem>>, vector<16xi32>,
      %swap3A_451 = vector.shape_cast %swap3A_450 : vector<16xi32> to vector<16xi32>
      %swap3A_452 = vector.shape_cast %select_n3A_448 : vector<16xi32> to vector<16xi32>
      tpu.vector_store %arg12[%swap3A_449], %swap3A_452 {strides = array<i32>} : memref<128xi32, #tpu.memory_space<vmem>>, vector<16xi32>,
      %get3A_453 = arith.index_cast %add3A_432 : i32 to index
      %get3A_454 = arith.constant 16 : index
      %get3A_455 = tpu.vector_load %arg5[%get3A_453, %get3A_454] {strides = array<i32>} : memref<160x128xi32, #tpu.memory_space<vmem>>, vector<1x16xi32>,
      %get3A_456 = vector.shape_cast %get3A_455 : vector<1x16xi32> to vector<16xi32>
      %sub3A_457 = vector.broadcast %mul3A_0 : i32 to vector<16xi32>
      %sub3A_458 = arith.subi %get3A_456, %sub3A_457 : vector<16xi32>
      %ge3A_459 = arith.constant 0 : i32
      %ge3A_460 = vector.broadcast %ge3A_459 : i32 to vector<16xi32>
      %ge3A_461 = arith.cmpi sge, %sub3A_458, %ge3A_460 : vector<16xi32>
      %lt3A_462 = arith.constant 5120 : i32
      %lt3A_463 = vector.broadcast %lt3A_462 : i32 to vector<16xi32>
      %lt3A_464 = arith.cmpi slt, %sub3A_458, %lt3A_463 : vector<16xi32>
      %and3A_465 = arith.andi %ge3A_461, %lt3A_464 : vector<16xi1>
      %jit3A_466 = arith.constant 5120 : i32
      %broadcast_in_dim3A_467 = vector.broadcast %jit3A_466 : i32 to vector<16xi32>
      %select_n3A_468 = arith.select %and3A_465, %sub3A_458, %broadcast_in_dim3A_467 : vector<16xi1>, vector<16xi32>
      %swap3A_469 = arith.constant 16 : index
      %swap3A_470 = tpu.vector_load %arg12[%swap3A_469] {strides = array<i32>} : memref<128xi32, #tpu.memory_space<vmem>>, vector<16xi32>,
      %swap3A_471 = vector.shape_cast %swap3A_470 : vector<16xi32> to vector<16xi32>
      %swap3A_472 = vector.shape_cast %select_n3A_468 : vector<16xi32> to vector<16xi32>
      tpu.vector_store %arg12[%swap3A_469], %swap3A_472 {strides = array<i32>} : memref<128xi32, #tpu.memory_space<vmem>>, vector<16xi32>,
      %get3A_473 = arith.index_cast %add3A_432 : i32 to index
      %get3A_474 = arith.constant 32 : index
      %get3A_475 = tpu.vector_load %arg5[%get3A_473, %get3A_474] {strides = array<i32>} : memref<160x128xi32, #tpu.memory_space<vmem>>, vector<1x16xi32>,
      %get3A_476 = vector.shape_cast %get3A_475 : vector<1x16xi32> to vector<16xi32>
      %sub3A_477 = vector.broadcast %mul3A_0 : i32 to vector<16xi32>
      %sub3A_478 = arith.subi %get3A_476, %sub3A_477 : vector<16xi32>
      %ge3A_479 = arith.constant 0 : i32
      %ge3A_480 = vector.broadcast %ge3A_479 : i32 to vector<16xi32>
      %ge3A_481 = arith.cmpi sge, %sub3A_478, %ge3A_480 : vector<16xi32>
      %lt3A_482 = arith.constant 5120 : i32
      %lt3A_483 = vector.broadcast %lt3A_482 : i32 to vector<16xi32>
      %lt3A_484 = arith.cmpi slt, %sub3A_478, %lt3A_483 : vector<16xi32>
      %and3A_485 = arith.andi %ge3A_481, %lt3A_484 : vector<16xi1>
      %jit3A_486 = arith.constant 5120 : i32
      %broadcast_in_dim3A_487 = vector.broadcast %jit3A_486 : i32 to vector<16xi32>
      %select_n3A_488 = arith.select %and3A_485, %sub3A_478, %broadcast_in_dim3A_487 : vector<16xi1>, vector<16xi32>
      %swap3A_489 = arith.constant 32 : index
      %swap3A_490 = tpu.vector_load %arg12[%swap3A_489] {strides = array<i32>} : memref<128xi32, #tpu.memory_space<vmem>>, vector<16xi32>,
      %swap3A_491 = vector.shape_cast %swap3A_490 : vector<16xi32> to vector<16xi32>
      %swap3A_492 = vector.shape_cast %select_n3A_488 : vector<16xi32> to vector<16xi32>
      tpu.vector_store %arg12[%swap3A_489], %swap3A_492 {strides = array<i32>} : memref<128xi32, #tpu.memory_space<vmem>>, vector<16xi32>,
      %get3A_493 = arith.index_cast %add3A_432 : i32 to index
      %get3A_494 = arith.constant 48 : index
      %get3A_495 = tpu.vector_load %arg5[%get3A_493, %get3A_494] {strides = array<i32>} : memref<160x128xi32, #tpu.memory_space<vmem>>, vector<1x16xi32>,
      %get3A_496 = vector.shape_cast %get3A_495 : vector<1x16xi32> to vector<16xi32>
      %sub3A_497 = vector.broadcast %mul3A_0 : i32 to vector<16xi32>
      %sub3A_498 = arith.subi %get3A_496, %sub3A_497 : vector<16xi32>
      %ge3A_499 = arith.constant 0 : i32
      %ge3A_500 = vector.broadcast %ge3A_499 : i32 to vector<16xi32>
      %ge3A_501 = arith.cmpi sge, %sub3A_498, %ge3A_500 : vector<16xi32>
      %lt3A_502 = arith.constant 5120 : i32
      %lt3A_503 = vector.broadcast %lt3A_502 : i32 to vector<16xi32>
      %lt3A_504 = arith.cmpi slt, %sub3A_498, %lt3A_503 : vector<16xi32>
      %and3A_505 = arith.andi %ge3A_501, %lt3A_504 : vector<16xi1>
      %jit3A_506 = arith.constant 5120 : i32
      %broadcast_in_dim3A_507 = vector.broadcast %jit3A_506 : i32 to vector<16xi32>
      %select_n3A_508 = arith.select %and3A_505, %sub3A_498, %broadcast_in_dim3A_507 : vector<16xi1>, vector<16xi32>
      %swap3A_509 = arith.constant 48 : index
      %swap3A_510 = tpu.vector_load %arg12[%swap3A_509] {strides = array<i32>} : memref<128xi32, #tpu.memory_space<vmem>>, vector<16xi32>,
      %swap3A_511 = vector.shape_cast %swap3A_510 : vector<16xi32> to vector<16xi32>
      %swap3A_512 = vector.shape_cast %select_n3A_508 : vector<16xi32> to vector<16xi32>
      tpu.vector_store %arg12[%swap3A_509], %swap3A_512 {strides = array<i32>} : memref<128xi32, #tpu.memory_space<vmem>>, vector<16xi32>,
      %get3A_513 = arith.index_cast %add3A_432 : i32 to index
      %get3A_514 = arith.constant 64 : index
      %get3A_515 = tpu.vector_load %arg5[%get3A_513, %get3A_514] {strides = array<i32>} : memref<160x128xi32, #tpu.memory_space<vmem>>, vector<1x16xi32>,
      %get3A_516 = vector.shape_cast %get3A_515 : vector<1x16xi32> to vector<16xi32>
      %sub3A_517 = vector.broadcast %mul3A_0 : i32 to vector<16xi32>
      %sub3A_518 = arith.subi %get3A_516, %sub3A_517 : vector<16xi32>
      %ge3A_519 = arith.constant 0 : i32
      %ge3A_520 = vector.broadcast %ge3A_519 : i32 to vector<16xi32>
      %ge3A_521 = arith.cmpi sge, %sub3A_518, %ge3A_520 : vector<16xi32>
      %lt3A_522 = arith.constant 5120 : i32
      %lt3A_523 = vector.broadcast %lt3A_522 : i32 to vector<16xi32>
      %lt3A_524 = arith.cmpi slt, %sub3A_518, %lt3A_523 : vector<16xi32>
      %and3A_525 = arith.andi %ge3A_521, %lt3A_524 : vector<16xi1>
      %jit3A_526 = arith.constant 5120 : i32
      %broadcast_in_dim3A_527 = vector.broadcast %jit3A_526 : i32 to vector<16xi32>
      %select_n3A_528 = arith.select %and3A_525, %sub3A_518, %broadcast_in_dim3A_527 : vector<16xi1>, vector<16xi32>
      %swap3A_529 = arith.constant 64 : index
      %swap3A_530 = tpu.vector_load %arg12[%swap3A_529] {strides = array<i32>} : memref<128xi32, #tpu.memory_space<vmem>>, vector<16xi32>,
      %swap3A_531 = vector.shape_cast %swap3A_530 : vector<16xi32> to vector<16xi32>
      %swap3A_532 = vector.shape_cast %select_n3A_528 : vector<16xi32> to vector<16xi32>
      tpu.vector_store %arg12[%swap3A_529], %swap3A_532 {strides = array<i32>} : memref<128xi32, #tpu.memory_space<vmem>>, vector<16xi32>,
      %get3A_533 = arith.index_cast %add3A_432 : i32 to index
      %get3A_534 = arith.constant 80 : index
      %get3A_535 = tpu.vector_load %arg5[%get3A_533, %get3A_534] {strides = array<i32>} : memref<160x128xi32, #tpu.memory_space<vmem>>, vector<1x16xi32>,
      %get3A_536 = vector.shape_cast %get3A_535 : vector<1x16xi32> to vector<16xi32>
      %sub3A_537 = vector.broadcast %mul3A_0 : i32 to vector<16xi32>
      %sub3A_538 = arith.subi %get3A_536, %sub3A_537 : vector<16xi32>
      %ge3A_539 = arith.constant 0 : i32
      %ge3A_540 = vector.broadcast %ge3A_539 : i32 to vector<16xi32>
      %ge3A_541 = arith.cmpi sge, %sub3A_538, %ge3A_540 : vector<16xi32>
      %lt3A_542 = arith.constant 5120 : i32
      %lt3A_543 = vector.broadcast %lt3A_542 : i32 to vector<16xi32>
      %lt3A_544 = arith.cmpi slt, %sub3A_538, %lt3A_543 : vector<16xi32>
      %and3A_545 = arith.andi %ge3A_541, %lt3A_544 : vector<16xi1>
      %jit3A_546 = arith.constant 5120 : i32
      %broadcast_in_dim3A_547 = vector.broadcast %jit3A_546 : i32 to vector<16xi32>
      %select_n3A_548 = arith.select %and3A_545, %sub3A_538, %broadcast_in_dim3A_547 : vector<16xi1>, vector<16xi32>
      %swap3A_549 = arith.constant 80 : index
      %swap3A_550 = tpu.vector_load %arg12[%swap3A_549] {strides = array<i32>} : memref<128xi32, #tpu.memory_space<vmem>>, vector<16xi32>,
      %swap3A_551 = vector.shape_cast %swap3A_550 : vector<16xi32> to vector<16xi32>
      %swap3A_552 = vector.shape_cast %select_n3A_548 : vector<16xi32> to vector<16xi32>
      tpu.vector_store %arg12[%swap3A_549], %swap3A_552 {strides = array<i32>} : memref<128xi32, #tpu.memory_space<vmem>>, vector<16xi32>,
      %get3A_553 = arith.index_cast %add3A_432 : i32 to index
      %get3A_554 = arith.constant 96 : index
      %get3A_555 = tpu.vector_load %arg5[%get3A_553, %get3A_554] {strides = array<i32>} : memref<160x128xi32, #tpu.memory_space<vmem>>, vector<1x16xi32>,
      %get3A_556 = vector.shape_cast %get3A_555 : vector<1x16xi32> to vector<16xi32>
      %sub3A_557 = vector.broadcast %mul3A_0 : i32 to vector<16xi32>
      %sub3A_558 = arith.subi %get3A_556, %sub3A_557 : vector<16xi32>
      %ge3A_559 = arith.constant 0 : i32
      %ge3A_560 = vector.broadcast %ge3A_559 : i32 to vector<16xi32>
      %ge3A_561 = arith.cmpi sge, %sub3A_558, %ge3A_560 : vector<16xi32>
      %lt3A_562 = arith.constant 5120 : i32
      %lt3A_563 = vector.broadcast %lt3A_562 : i32 to vector<16xi32>
      %lt3A_564 = arith.cmpi slt, %sub3A_558, %lt3A_563 : vector<16xi32>
      %and3A_565 = arith.andi %ge3A_561, %lt3A_564 : vector<16xi1>
      %jit3A_566 = arith.constant 5120 : i32
      %broadcast_in_dim3A_567 = vector.broadcast %jit3A_566 : i32 to vector<16xi32>
      %select_n3A_568 = arith.select %and3A_565, %sub3A_558, %broadcast_in_dim3A_567 : vector<16xi1>, vector<16xi32>
      %swap3A_569 = arith.constant 96 : index
      %swap3A_570 = tpu.vector_load %arg12[%swap3A_569] {strides = array<i32>} : memref<128xi32, #tpu.memory_space<vmem>>, vector<16xi32>,
      %swap3A_571 = vector.shape_cast %swap3A_570 : vector<16xi32> to vector<16xi32>
      %swap3A_572 = vector.shape_cast %select_n3A_568 : vector<16xi32> to vector<16xi32>
      tpu.vector_store %arg12[%swap3A_569], %swap3A_572 {strides = array<i32>} : memref<128xi32, #tpu.memory_space<vmem>>, vector<16xi32>,
      %get3A_573 = arith.index_cast %add3A_432 : i32 to index
      %get3A_574 = arith.constant 112 : index
      %get3A_575 = tpu.vector_load %arg5[%get3A_573, %get3A_574] {strides = array<i32>} : memref<160x128xi32, #tpu.memory_space<vmem>>, vector<1x16xi32>,
      %get3A_576 = vector.shape_cast %get3A_575 : vector<1x16xi32> to vector<16xi32>
      %sub3A_577 = vector.broadcast %mul3A_0 : i32 to vector<16xi32>
      %sub3A_578 = arith.subi %get3A_576, %sub3A_577 : vector<16xi32>
      %ge3A_579 = arith.constant 0 : i32
      %ge3A_580 = vector.broadcast %ge3A_579 : i32 to vector<16xi32>
      %ge3A_581 = arith.cmpi sge, %sub3A_578, %ge3A_580 : vector<16xi32>
      %lt3A_582 = arith.constant 5120 : i32
      %lt3A_583 = vector.broadcast %lt3A_582 : i32 to vector<16xi32>
      %lt3A_584 = arith.cmpi slt, %sub3A_578, %lt3A_583 : vector<16xi32>
      %and3A_585 = arith.andi %ge3A_581, %lt3A_584 : vector<16xi1>
      %jit3A_586 = arith.constant 5120 : i32
      %broadcast_in_dim3A_587 = vector.broadcast %jit3A_586 : i32 to vector<16xi32>
      %select_n3A_588 = arith.select %and3A_585, %sub3A_578, %broadcast_in_dim3A_587 : vector<16xi1>, vector<16xi32>
      %swap3A_589 = arith.constant 112 : index
      %swap3A_590 = tpu.vector_load %arg12[%swap3A_589] {strides = array<i32>} : memref<128xi32, #tpu.memory_space<vmem>>, vector<16xi32>,
      %swap3A_591 = vector.shape_cast %swap3A_590 : vector<16xi32> to vector<16xi32>
      %swap3A_592 = vector.shape_cast %select_n3A_588 : vector<16xi32> to vector<16xi32>
      tpu.vector_store %arg12[%swap3A_589], %swap3A_592 {strides = array<i32>} : memref<128xi32, #tpu.memory_space<vmem>>, vector<16xi32>,
      %dma_wait3A_593 = arith.constant 0 : i32
      %dma_wait3A_594 = tpu.memref_slice %arg2[%add3A_88, %dma_wait3A_593] : memref<327680x128xf32, #tpu.memory_space<hbm>> -> memref<128x128xf32, #tpu.memory_space<hbm>>
      %dma_wait3A_595 = arith.constant 0 : i32
      %dma_wait3A_596 = tpu.memref_slice %arg2[%add3A_88, %dma_wait3A_595] : memref<327680x128xf32, #tpu.memory_space<hbm>> -> memref<128x128xf32, #tpu.memory_space<hbm>>
      tpu.wait_dma2 semaphore(%arg17 : memref<!tpu.dma_semaphore, #tpu.memory_space<semaphore_mem>>) src(%dma_wait3A_596 : memref<128x128xf32, #tpu.memory_space<hbm>>) dst(%arg8 : memref<128x128xf32, #tpu.memory_space<vmem>>)
      "tpu.region"() ({
        %run_scoped3A = tpu.sem_alloc : memref<!tpu.dma_semaphore, #tpu.memory_space<semaphore_mem>>
        %dma_start3A_765 = arith.constant 0 : i32
        %dma_start3A_766 = arith.constant 0 : i32
        %dma_start3A_767 = tpu.memref_slice %arg14[%dma_start3A_765, %dma_start3A_766] : memref<5128x128xf32, #tpu.memory_space<vmem_shared>> -> memref<5128x128xf32, #tpu.memory_space<vmem_shared>>
        tpu.enqueue_indirect_dma source(%arg8 : memref<128x128xf32, #tpu.memory_space<vmem>>) target(%dma_start3A_767 : memref<5128x128xf32, #tpu.memory_space<vmem_shared>>) offsets(%arg12 : memref<128xi32, #tpu.memory_space<vmem>>) semaphore(%run_scoped3A : memref<!tpu.dma_semaphore, #tpu.memory_space<semaphore_mem>>) {add = true}
        %dma_wait3A_768 = arith.constant 0 : i32
        %dma_wait3A_769 = arith.constant 0 : i32
        %dma_wait3A_770 = tpu.memref_slice %arg14[%dma_wait3A_768, %dma_wait3A_769] : memref<5128x128xf32, #tpu.memory_space<vmem_shared>> -> memref<5128x128xf32, #tpu.memory_space<vmem_shared>>
        tpu.wait_indirect_dma semaphore(%run_scoped3A : memref<!tpu.dma_semaphore, #tpu.memory_space<semaphore_mem>>) src(%arg8 : memref<128x128xf32, #tpu.memory_space<vmem>>) dst(%dma_wait3A_770 : memref<5128x128xf32, #tpu.memory_space<vmem_shared>>)
        tpu.yield
      }) : () -> ()
      %add3A_597 = arith.constant 80 : i32
      %add3A_598 = arith.addi %add3A_597, %add3A_65 : i32
      %add3A_599 = arith.constant 3 : i32
      %add3A_600 = arith.addi %add3A_598, %add3A_599 : i32
      %get3A_601 = arith.index_cast %add3A_600 : i32 to index
      %get3A_602 = arith.constant 0 : index
      %get3A_603 = tpu.vector_load %arg5[%get3A_601, %get3A_602] {strides = array<i32>} : memref<160x128xi32, #tpu.memory_space<vmem>>, vector<1x16xi32>,
      %get3A_604 = vector.shape_cast %get3A_603 : vector<1x16xi32> to vector<16xi32>
      %sub3A_605 = vector.broadcast %mul3A_0 : i32 to vector<16xi32>
      %sub3A_606 = arith.subi %get3A_604, %sub3A_605 : vector<16xi32>
      %ge3A_607 = arith.constant 0 : i32
      %ge3A_608 = vector.broadcast %ge3A_607 : i32 to vector<16xi32>
      %ge3A_609 = arith.cmpi sge, %sub3A_606, %ge3A_608 : vector<16xi32>
      %lt3A_610 = arith.constant 5120 : i32
      %lt3A_611 = vector.broadcast %lt3A_610 : i32 to vector<16xi32>
      %lt3A_612 = arith.cmpi slt, %sub3A_606, %lt3A_611 : vector<16xi32>
      %and3A_613 = arith.andi %ge3A_609, %lt3A_612 : vector<16xi1>
      %jit3A_614 = arith.constant 5120 : i32
      %broadcast_in_dim3A_615 = vector.broadcast %jit3A_614 : i32 to vector<16xi32>
      %select_n3A_616 = arith.select %and3A_613, %sub3A_606, %broadcast_in_dim3A_615 : vector<16xi1>, vector<16xi32>
      %swap3A_617 = arith.constant 0 : index
      %swap3A_618 = tpu.vector_load %arg13[%swap3A_617] {strides = array<i32>} : memref<128xi32, #tpu.memory_space<vmem>>, vector<16xi32>,
      %swap3A_619 = vector.shape_cast %swap3A_618 : vector<16xi32> to vector<16xi32>
      %swap3A_620 = vector.shape_cast %select_n3A_616 : vector<16xi32> to vector<16xi32>
      tpu.vector_store %arg13[%swap3A_617], %swap3A_620 {strides = array<i32>} : memref<128xi32, #tpu.memory_space<vmem>>, vector<16xi32>,
      %get3A_621 = arith.index_cast %add3A_600 : i32 to index
      %get3A_622 = arith.constant 16 : index
      %get3A_623 = tpu.vector_load %arg5[%get3A_621, %get3A_622] {strides = array<i32>} : memref<160x128xi32, #tpu.memory_space<vmem>>, vector<1x16xi32>,
      %get3A_624 = vector.shape_cast %get3A_623 : vector<1x16xi32> to vector<16xi32>
      %sub3A_625 = vector.broadcast %mul3A_0 : i32 to vector<16xi32>
      %sub3A_626 = arith.subi %get3A_624, %sub3A_625 : vector<16xi32>
      %ge3A_627 = arith.constant 0 : i32
      %ge3A_628 = vector.broadcast %ge3A_627 : i32 to vector<16xi32>
      %ge3A_629 = arith.cmpi sge, %sub3A_626, %ge3A_628 : vector<16xi32>
      %lt3A_630 = arith.constant 5120 : i32
      %lt3A_631 = vector.broadcast %lt3A_630 : i32 to vector<16xi32>
      %lt3A_632 = arith.cmpi slt, %sub3A_626, %lt3A_631 : vector<16xi32>
      %and3A_633 = arith.andi %ge3A_629, %lt3A_632 : vector<16xi1>
      %jit3A_634 = arith.constant 5120 : i32
      %broadcast_in_dim3A_635 = vector.broadcast %jit3A_634 : i32 to vector<16xi32>
      %select_n3A_636 = arith.select %and3A_633, %sub3A_626, %broadcast_in_dim3A_635 : vector<16xi1>, vector<16xi32>
      %swap3A_637 = arith.constant 16 : index
      %swap3A_638 = tpu.vector_load %arg13[%swap3A_637] {strides = array<i32>} : memref<128xi32, #tpu.memory_space<vmem>>, vector<16xi32>,
      %swap3A_639 = vector.shape_cast %swap3A_638 : vector<16xi32> to vector<16xi32>
      %swap3A_640 = vector.shape_cast %select_n3A_636 : vector<16xi32> to vector<16xi32>
      tpu.vector_store %arg13[%swap3A_637], %swap3A_640 {strides = array<i32>} : memref<128xi32, #tpu.memory_space<vmem>>, vector<16xi32>,
      %get3A_641 = arith.index_cast %add3A_600 : i32 to index
      %get3A_642 = arith.constant 32 : index
      %get3A_643 = tpu.vector_load %arg5[%get3A_641, %get3A_642] {strides = array<i32>} : memref<160x128xi32, #tpu.memory_space<vmem>>, vector<1x16xi32>,
      %get3A_644 = vector.shape_cast %get3A_643 : vector<1x16xi32> to vector<16xi32>
      %sub3A_645 = vector.broadcast %mul3A_0 : i32 to vector<16xi32>
      %sub3A_646 = arith.subi %get3A_644, %sub3A_645 : vector<16xi32>
      %ge3A_647 = arith.constant 0 : i32
      %ge3A_648 = vector.broadcast %ge3A_647 : i32 to vector<16xi32>
      %ge3A_649 = arith.cmpi sge, %sub3A_646, %ge3A_648 : vector<16xi32>
      %lt3A_650 = arith.constant 5120 : i32
      %lt3A_651 = vector.broadcast %lt3A_650 : i32 to vector<16xi32>
      %lt3A_652 = arith.cmpi slt, %sub3A_646, %lt3A_651 : vector<16xi32>
      %and3A_653 = arith.andi %ge3A_649, %lt3A_652 : vector<16xi1>
      %jit3A_654 = arith.constant 5120 : i32
      %broadcast_in_dim3A_655 = vector.broadcast %jit3A_654 : i32 to vector<16xi32>
      %select_n3A_656 = arith.select %and3A_653, %sub3A_646, %broadcast_in_dim3A_655 : vector<16xi1>, vector<16xi32>
      %swap3A_657 = arith.constant 32 : index
      %swap3A_658 = tpu.vector_load %arg13[%swap3A_657] {strides = array<i32>} : memref<128xi32, #tpu.memory_space<vmem>>, vector<16xi32>,
      %swap3A_659 = vector.shape_cast %swap3A_658 : vector<16xi32> to vector<16xi32>
      %swap3A_660 = vector.shape_cast %select_n3A_656 : vector<16xi32> to vector<16xi32>
      tpu.vector_store %arg13[%swap3A_657], %swap3A_660 {strides = array<i32>} : memref<128xi32, #tpu.memory_space<vmem>>, vector<16xi32>,
      %get3A_661 = arith.index_cast %add3A_600 : i32 to index
      %get3A_662 = arith.constant 48 : index
      %get3A_663 = tpu.vector_load %arg5[%get3A_661, %get3A_662] {strides = array<i32>} : memref<160x128xi32, #tpu.memory_space<vmem>>, vector<1x16xi32>,
      %get3A_664 = vector.shape_cast %get3A_663 : vector<1x16xi32> to vector<16xi32>
      %sub3A_665 = vector.broadcast %mul3A_0 : i32 to vector<16xi32>
      %sub3A_666 = arith.subi %get3A_664, %sub3A_665 : vector<16xi32>
      %ge3A_667 = arith.constant 0 : i32
      %ge3A_668 = vector.broadcast %ge3A_667 : i32 to vector<16xi32>
      %ge3A_669 = arith.cmpi sge, %sub3A_666, %ge3A_668 : vector<16xi32>
      %lt3A_670 = arith.constant 5120 : i32
      %lt3A_671 = vector.broadcast %lt3A_670 : i32 to vector<16xi32>
      %lt3A_672 = arith.cmpi slt, %sub3A_666, %lt3A_671 : vector<16xi32>
      %and3A_673 = arith.andi %ge3A_669, %lt3A_672 : vector<16xi1>
      %jit3A_674 = arith.constant 5120 : i32
      %broadcast_in_dim3A_675 = vector.broadcast %jit3A_674 : i32 to vector<16xi32>
      %select_n3A_676 = arith.select %and3A_673, %sub3A_666, %broadcast_in_dim3A_675 : vector<16xi1>, vector<16xi32>
      %swap3A_677 = arith.constant 48 : index
      %swap3A_678 = tpu.vector_load %arg13[%swap3A_677] {strides = array<i32>} : memref<128xi32, #tpu.memory_space<vmem>>, vector<16xi32>,
      %swap3A_679 = vector.shape_cast %swap3A_678 : vector<16xi32> to vector<16xi32>
      %swap3A_680 = vector.shape_cast %select_n3A_676 : vector<16xi32> to vector<16xi32>
      tpu.vector_store %arg13[%swap3A_677], %swap3A_680 {strides = array<i32>} : memref<128xi32, #tpu.memory_space<vmem>>, vector<16xi32>,
      %get3A_681 = arith.index_cast %add3A_600 : i32 to index
      %get3A_682 = arith.constant 64 : index
      %get3A_683 = tpu.vector_load %arg5[%get3A_681, %get3A_682] {strides = array<i32>} : memref<160x128xi32, #tpu.memory_space<vmem>>, vector<1x16xi32>,
      %get3A_684 = vector.shape_cast %get3A_683 : vector<1x16xi32> to vector<16xi32>
      %sub3A_685 = vector.broadcast %mul3A_0 : i32 to vector<16xi32>
      %sub3A_686 = arith.subi %get3A_684, %sub3A_685 : vector<16xi32>
      %ge3A_687 = arith.constant 0 : i32
      %ge3A_688 = vector.broadcast %ge3A_687 : i32 to vector<16xi32>
      %ge3A_689 = arith.cmpi sge, %sub3A_686, %ge3A_688 : vector<16xi32>
      %lt3A_690 = arith.constant 5120 : i32
      %lt3A_691 = vector.broadcast %lt3A_690 : i32 to vector<16xi32>
      %lt3A_692 = arith.cmpi slt, %sub3A_686, %lt3A_691 : vector<16xi32>
      %and3A_693 = arith.andi %ge3A_689, %lt3A_692 : vector<16xi1>
      %jit3A_694 = arith.constant 5120 : i32
      %broadcast_in_dim3A_695 = vector.broadcast %jit3A_694 : i32 to vector<16xi32>
      %select_n3A_696 = arith.select %and3A_693, %sub3A_686, %broadcast_in_dim3A_695 : vector<16xi1>, vector<16xi32>
      %swap3A_697 = arith.constant 64 : index
      %swap3A_698 = tpu.vector_load %arg13[%swap3A_697] {strides = array<i32>} : memref<128xi32, #tpu.memory_space<vmem>>, vector<16xi32>,
      %swap3A_699 = vector.shape_cast %swap3A_698 : vector<16xi32> to vector<16xi32>
      %swap3A_700 = vector.shape_cast %select_n3A_696 : vector<16xi32> to vector<16xi32>
      tpu.vector_store %arg13[%swap3A_697], %swap3A_700 {strides = array<i32>} : memref<128xi32, #tpu.memory_space<vmem>>, vector<16xi32>,
      %get3A_701 = arith.index_cast %add3A_600 : i32 to index
      %get3A_702 = arith.constant 80 : index
      %get3A_703 = tpu.vector_load %arg5[%get3A_701, %get3A_702] {strides = array<i32>} : memref<160x128xi32, #tpu.memory_space<vmem>>, vector<1x16xi32>,
      %get3A_704 = vector.shape_cast %get3A_703 : vector<1x16xi32> to vector<16xi32>
      %sub3A_705 = vector.broadcast %mul3A_0 : i32 to vector<16xi32>
      %sub3A_706 = arith.subi %get3A_704, %sub3A_705 : vector<16xi32>
      %ge3A_707 = arith.constant 0 : i32
      %ge3A_708 = vector.broadcast %ge3A_707 : i32 to vector<16xi32>
      %ge3A_709 = arith.cmpi sge, %sub3A_706, %ge3A_708 : vector<16xi32>
      %lt3A_710 = arith.constant 5120 : i32
      %lt3A_711 = vector.broadcast %lt3A_710 : i32 to vector<16xi32>
      %lt3A_712 = arith.cmpi slt, %sub3A_706, %lt3A_711 : vector<16xi32>
      %and3A_713 = arith.andi %ge3A_709, %lt3A_712 : vector<16xi1>
      %jit3A_714 = arith.constant 5120 : i32
      %broadcast_in_dim3A_715 = vector.broadcast %jit3A_714 : i32 to vector<16xi32>
      %select_n3A_716 = arith.select %and3A_713, %sub3A_706, %broadcast_in_dim3A_715 : vector<16xi1>, vector<16xi32>
      %swap3A_717 = arith.constant 80 : index
      %swap3A_718 = tpu.vector_load %arg13[%swap3A_717] {strides = array<i32>} : memref<128xi32, #tpu.memory_space<vmem>>, vector<16xi32>,
      %swap3A_719 = vector.shape_cast %swap3A_718 : vector<16xi32> to vector<16xi32>
      %swap3A_720 = vector.shape_cast %select_n3A_716 : vector<16xi32> to vector<16xi32>
      tpu.vector_store %arg13[%swap3A_717], %swap3A_720 {strides = array<i32>} : memref<128xi32, #tpu.memory_space<vmem>>, vector<16xi32>,
      %get3A_721 = arith.index_cast %add3A_600 : i32 to index
      %get3A_722 = arith.constant 96 : index
      %get3A_723 = tpu.vector_load %arg5[%get3A_721, %get3A_722] {strides = array<i32>} : memref<160x128xi32, #tpu.memory_space<vmem>>, vector<1x16xi32>,
      %get3A_724 = vector.shape_cast %get3A_723 : vector<1x16xi32> to vector<16xi32>
      %sub3A_725 = vector.broadcast %mul3A_0 : i32 to vector<16xi32>
      %sub3A_726 = arith.subi %get3A_724, %sub3A_725 : vector<16xi32>
      %ge3A_727 = arith.constant 0 : i32
      %ge3A_728 = vector.broadcast %ge3A_727 : i32 to vector<16xi32>
      %ge3A_729 = arith.cmpi sge, %sub3A_726, %ge3A_728 : vector<16xi32>
      %lt3A_730 = arith.constant 5120 : i32
      %lt3A_731 = vector.broadcast %lt3A_730 : i32 to vector<16xi32>
      %lt3A_732 = arith.cmpi slt, %sub3A_726, %lt3A_731 : vector<16xi32>
      %and3A_733 = arith.andi %ge3A_729, %lt3A_732 : vector<16xi1>
      %jit3A_734 = arith.constant 5120 : i32
      %broadcast_in_dim3A_735 = vector.broadcast %jit3A_734 : i32 to vector<16xi32>
      %select_n3A_736 = arith.select %and3A_733, %sub3A_726, %broadcast_in_dim3A_735 : vector<16xi1>, vector<16xi32>
      %swap3A_737 = arith.constant 96 : index
      %swap3A_738 = tpu.vector_load %arg13[%swap3A_737] {strides = array<i32>} : memref<128xi32, #tpu.memory_space<vmem>>, vector<16xi32>,
      %swap3A_739 = vector.shape_cast %swap3A_738 : vector<16xi32> to vector<16xi32>
      %swap3A_740 = vector.shape_cast %select_n3A_736 : vector<16xi32> to vector<16xi32>
      tpu.vector_store %arg13[%swap3A_737], %swap3A_740 {strides = array<i32>} : memref<128xi32, #tpu.memory_space<vmem>>, vector<16xi32>,
      %get3A_741 = arith.index_cast %add3A_600 : i32 to index
      %get3A_742 = arith.constant 112 : index
      %get3A_743 = tpu.vector_load %arg5[%get3A_741, %get3A_742] {strides = array<i32>} : memref<160x128xi32, #tpu.memory_space<vmem>>, vector<1x16xi32>,
      %get3A_744 = vector.shape_cast %get3A_743 : vector<1x16xi32> to vector<16xi32>
      %sub3A_745 = vector.broadcast %mul3A_0 : i32 to vector<16xi32>
      %sub3A_746 = arith.subi %get3A_744, %sub3A_745 : vector<16xi32>
      %ge3A_747 = arith.constant 0 : i32
      %ge3A_748 = vector.broadcast %ge3A_747 : i32 to vector<16xi32>
      %ge3A_749 = arith.cmpi sge, %sub3A_746, %ge3A_748 : vector<16xi32>
      %lt3A_750 = arith.constant 5120 : i32
      %lt3A_751 = vector.broadcast %lt3A_750 : i32 to vector<16xi32>
      %lt3A_752 = arith.cmpi slt, %sub3A_746, %lt3A_751 : vector<16xi32>
      %and3A_753 = arith.andi %ge3A_749, %lt3A_752 : vector<16xi1>
      %jit3A_754 = arith.constant 5120 : i32
      %broadcast_in_dim3A_755 = vector.broadcast %jit3A_754 : i32 to vector<16xi32>
      %select_n3A_756 = arith.select %and3A_753, %sub3A_746, %broadcast_in_dim3A_755 : vector<16xi1>, vector<16xi32>
      %swap3A_757 = arith.constant 112 : index
      %swap3A_758 = tpu.vector_load %arg13[%swap3A_757] {strides = array<i32>} : memref<128xi32, #tpu.memory_space<vmem>>, vector<16xi32>,
      %swap3A_759 = vector.shape_cast %swap3A_758 : vector<16xi32> to vector<16xi32>
      %swap3A_760 = vector.shape_cast %select_n3A_756 : vector<16xi32> to vector<16xi32>
      tpu.vector_store %arg13[%swap3A_757], %swap3A_760 {strides = array<i32>} : memref<128xi32, #tpu.memory_space<vmem>>, vector<16xi32>,
      %dma_wait3A_761 = arith.constant 0 : i32
      %dma_wait3A_762 = tpu.memref_slice %arg2[%add3A_97, %dma_wait3A_761] : memref<327680x128xf32, #tpu.memory_space<hbm>> -> memref<128x128xf32, #tpu.memory_space<hbm>>
      %dma_wait3A_763 = arith.constant 0 : i32
      %dma_wait3A_764 = tpu.memref_slice %arg2[%add3A_97, %dma_wait3A_763] : memref<327680x128xf32, #tpu.memory_space<hbm>> -> memref<128x128xf32, #tpu.memory_space<hbm>>
      tpu.wait_dma2 semaphore(%arg18 : memref<!tpu.dma_semaphore, #tpu.memory_space<semaphore_mem>>) src(%dma_wait3A_764 : memref<128x128xf32, #tpu.memory_space<hbm>>) dst(%arg9 : memref<128x128xf32, #tpu.memory_space<vmem>>)
      "tpu.region"() ({
        %run_scoped3A = tpu.sem_alloc : memref<!tpu.dma_semaphore, #tpu.memory_space<semaphore_mem>>
        %dma_start3A_765 = arith.constant 0 : i32
        %dma_start3A_766 = arith.constant 0 : i32
        %dma_start3A_767 = tpu.memref_slice %arg14[%dma_start3A_765, %dma_start3A_766] : memref<5128x128xf32, #tpu.memory_space<vmem_shared>> -> memref<5128x128xf32, #tpu.memory_space<vmem_shared>>
        tpu.enqueue_indirect_dma source(%arg9 : memref<128x128xf32, #tpu.memory_space<vmem>>) target(%dma_start3A_767 : memref<5128x128xf32, #tpu.memory_space<vmem_shared>>) offsets(%arg13 : memref<128xi32, #tpu.memory_space<vmem>>) semaphore(%run_scoped3A : memref<!tpu.dma_semaphore, #tpu.memory_space<semaphore_mem>>) {add = true}
        %dma_wait3A_768 = arith.constant 0 : i32
        %dma_wait3A_769 = arith.constant 0 : i32
        %dma_wait3A_770 = tpu.memref_slice %arg14[%dma_wait3A_768, %dma_wait3A_769] : memref<5128x128xf32, #tpu.memory_space<vmem_shared>> -> memref<5128x128xf32, #tpu.memory_space<vmem_shared>>
        tpu.wait_indirect_dma semaphore(%run_scoped3A : memref<!tpu.dma_semaphore, #tpu.memory_space<semaphore_mem>>) src(%arg9 : memref<128x128xf32, #tpu.memory_space<vmem>>) dst(%dma_wait3A_770 : memref<5128x128xf32, #tpu.memory_space<vmem_shared>>)
        tpu.yield
      }) : () -> ()
    }
    %scan3A_44 = arith.constant 20 : i32
    %barrier3A_45 = arith.constant 0 : index
    tpu.barrier barrier_id(%barrier3A_45)
    %mul3A_46 = arith.constant 320 : i32
    %mul3A_47 = arith.muli %arg1, %mul3A_46 : i32
    %mul3A_48 = arith.constant 5120 : i32
    %mul3A_49 = arith.muli %arg0, %mul3A_48 : i32
    %mul3A_50 = arith.constant 320 : i32
    %mul3A_51 = arith.muli %arg1, %mul3A_50 : i32
    %add3A_52 = arith.addi %mul3A_49, %mul3A_51 : i32
    %dma_start3A_53 = arith.constant 0 : i32
    %dma_start3A_54 = tpu.memref_slice %arg4[%add3A_52, %dma_start3A_53] : memref<10240x128xf32, #tpu.memory_space<hbm>> -> memref<320x128xf32, #tpu.memory_space<hbm>>
    %dma_start3A_55 = arith.constant 0 : i32
    %dma_start3A_56 = tpu.memref_slice %arg14[%mul3A_47, %dma_start3A_55] : memref<5128x128xf32, #tpu.memory_space<vmem_shared>> -> memref<320x128xf32, #tpu.memory_space<vmem_shared>>
    tpu.enqueue_dma source(%dma_start3A_56 : memref<320x128xf32, #tpu.memory_space<vmem_shared>>) target(%dma_start3A_54 : memref<320x128xf32, #tpu.memory_space<hbm>>) target_semaphore(%arg15 : memref<!tpu.dma_semaphore, #tpu.memory_space<semaphore_mem>>)
    %dma_wait3A_57 = arith.constant 0 : i32
    %dma_wait3A_58 = tpu.memref_slice %arg4[%add3A_52, %dma_wait3A_57] : memref<10240x128xf32, #tpu.memory_space<hbm>> -> memref<320x128xf32, #tpu.memory_space<hbm>>
    %dma_wait3A_59 = arith.constant 0 : i32
    %dma_wait3A_60 = tpu.memref_slice %arg14[%mul3A_47, %dma_wait3A_59] : memref<5128x128xf32, #tpu.memory_space<vmem_shared>> -> memref<320x128xf32, #tpu.memory_space<vmem_shared>>
    tpu.wait_dma2 semaphore(%arg15 : memref<!tpu.dma_semaphore, #tpu.memory_space<semaphore_mem>>) src(%dma_wait3A_60 : memref<320x128xf32, #tpu.memory_space<vmem_shared>>) dst(%dma_wait3A_58 : memref<320x128xf32, #tpu.memory_space<hbm>>)
    return
  }
}

#map = affine_map<(d0, d1) -> (0, 0)>
module attributes {stable_mosaic.version = 14 : i64} {
  func.func @_sc_gather(%arg0: i32, %arg1: i32, %arg2: memref<10000x128xf32, #tpu.memory_space<hbm>>, %arg3: memref<2560x128xi32, #tpu.memory_space<hbm>>, %arg4: memref<327680x128xf32, #tpu.memory_space<hbm>>, %arg5: memref<80x128xi32, #tpu.memory_space<vmem>>, %arg6: memref<5x128x128xf32, #tpu.memory_space<vmem>>, %arg7: memref<!tpu.dma_semaphore, #tpu.memory_space<semaphore_mem>>, %arg8: memref<!tpu.dma_semaphore, #tpu.memory_space<semaphore_mem>>, %arg9: memref<!tpu.dma_semaphore, #tpu.memory_space<semaphore_mem>>, %arg10: memref<!tpu.dma_semaphore, #tpu.memory_space<semaphore_mem>>, %arg11: memref<!tpu.dma_semaphore, #tpu.memory_space<semaphore_mem>>, %arg12: memref<!tpu.dma_semaphore, #tpu.memory_space<semaphore_mem>>, %arg13: memref<!tpu.dma_semaphore, #tpu.memory_space<semaphore_mem>>, %arg14: memref<!tpu.dma_semaphore, #tpu.memory_space<semaphore_mem>>, %arg15: memref<!tpu.dma_semaphore, #tpu.memory_space<semaphore_mem>>, %arg16: memref<!tpu.dma_semaphore, #tpu.memory_space<semaphore_mem>>) attributes {dimension_semantics = [#tpu.dimension_semantics<core_parallel>, #tpu.dimension_semantics<subcore_parallel>], iteration_bounds = array<i64: 2, 16>, scalar_prefetch = 0 : i64, scratch_operands = 12 : i64, tpu.core_type = #tpu.core_type<sc_vector_subcore>, window_params = [{transform_indices = #map}, {transform_indices = #map}, {transform_indices = #map}]} {
    %mul3A = arith.constant 2 : i32
    %mul3A_0 = arith.muli %arg1, %mul3A : i32
    %add3A = arith.addi %mul3A_0, %arg0 : i32
    %mul3A_1 = arith.constant 10240 : i32
    %mul3A_2 = arith.muli %add3A, %mul3A_1 : i32
    %mul3A_3 = arith.constant 80 : i32
    %mul3A_4 = arith.muli %add3A, %mul3A_3 : i32
    "tpu.region"() ({
      %run_scoped3A = tpu.sem_alloc : memref<!tpu.dma_semaphore, #tpu.memory_space<semaphore_mem>>
      %dma_start3A_142 = arith.constant 0 : i32
      %dma_start3A_143 = tpu.memref_slice %arg3[%mul3A_4, %dma_start3A_142] : memref<2560x128xi32, #tpu.memory_space<hbm>> -> memref<80x128xi32, #tpu.memory_space<hbm>>
      %dma_start3A_144 = arith.constant 0 : i32
      %dma_start3A_145 = tpu.memref_slice %arg3[%mul3A_4, %dma_start3A_144] : memref<2560x128xi32, #tpu.memory_space<hbm>> -> memref<80x128xi32, #tpu.memory_space<hbm>>
      tpu.enqueue_dma source(%dma_start3A_145 : memref<80x128xi32, #tpu.memory_space<hbm>>) target(%arg5 : memref<80x128xi32, #tpu.memory_space<vmem>>) target_semaphore(%run_scoped3A : memref<!tpu.dma_semaphore, #tpu.memory_space<semaphore_mem>>)
      %dma_wait3A_146 = arith.constant 0 : i32
      %dma_wait3A_147 = tpu.memref_slice %arg3[%mul3A_4, %dma_wait3A_146] : memref<2560x128xi32, #tpu.memory_space<hbm>> -> memref<80x128xi32, #tpu.memory_space<hbm>>
      %dma_wait3A_148 = arith.constant 0 : i32
      %dma_wait3A_149 = tpu.memref_slice %arg3[%mul3A_4, %dma_wait3A_148] : memref<2560x128xi32, #tpu.memory_space<hbm>> -> memref<80x128xi32, #tpu.memory_space<hbm>>
      tpu.wait_dma2 semaphore(%run_scoped3A : memref<!tpu.dma_semaphore, #tpu.memory_space<semaphore_mem>>) src(%dma_wait3A_149 : memref<80x128xi32, #tpu.memory_space<hbm>>) dst(%arg5 : memref<80x128xi32, #tpu.memory_space<vmem>>)
      tpu.yield
    }) : () -> ()
    %dma_start3A = arith.constant 0 : i32
    %dma_start3A_5 = arith.constant 0 : i32
    %dma_start3A_6 = arith.constant 0 : i32
    %dma_start3A_7 = arith.constant 0 : i32
    %dma_start3A_8 = tpu.memref_slice %arg6[%dma_start3A_5, %dma_start3A_6, %dma_start3A_7] : memref<5x128x128xf32, #tpu.memory_space<vmem>> -> memref<1x128x128xf32, #tpu.memory_space<vmem>>
    %dma_start3A_9 = tpu.memref_squeeze %dma_start3A_8 : memref<1x128x128xf32, #tpu.memory_space<vmem>> -> memref<128x128xf32, #tpu.memory_space<vmem>>
    %dma_start3A_10 = arith.constant 0 : i32
    %dma_start3A_11 = tpu.memref_slice %arg5[%dma_start3A, %dma_start3A_10] : memref<80x128xi32, #tpu.memory_space<vmem>> -> memref<1x128xi32, #tpu.memory_space<vmem>>
    %dma_start3A_12 = tpu.memref_squeeze %dma_start3A_11 : memref<1x128xi32, #tpu.memory_space<vmem>> -> memref<128xi32, #tpu.memory_space<vmem>>
    %dma_start3A_13 = arith.constant 0 : i32
    %dma_start3A_14 = arith.constant 0 : i32
    %dma_start3A_15 = tpu.memref_slice %arg2[%dma_start3A_13, %dma_start3A_14] : memref<10000x128xf32, #tpu.memory_space<hbm>> -> memref<10000x128xf32, #tpu.memory_space<hbm>>
    tpu.enqueue_indirect_dma source(%dma_start3A_15 : memref<10000x128xf32, #tpu.memory_space<hbm>>) target(%dma_start3A_9 : memref<128x128xf32, #tpu.memory_space<vmem>>) offsets(%dma_start3A_12 : memref<128xi32, #tpu.memory_space<vmem>>) semaphore(%arg7 : memref<!tpu.dma_semaphore, #tpu.memory_space<semaphore_mem>>)
    %dma_start3A_16 = arith.constant 1 : i32
    %dma_start3A_17 = arith.constant 1 : i32
    %dma_start3A_18 = arith.constant 0 : i32
    %dma_start3A_19 = arith.constant 0 : i32
    %dma_start3A_20 = tpu.memref_slice %arg6[%dma_start3A_17, %dma_start3A_18, %dma_start3A_19] : memref<5x128x128xf32, #tpu.memory_space<vmem>> -> memref<1x128x128xf32, #tpu.memory_space<vmem>>
    %dma_start3A_21 = tpu.memref_squeeze %dma_start3A_20 : memref<1x128x128xf32, #tpu.memory_space<vmem>> -> memref<128x128xf32, #tpu.memory_space<vmem>>
    %dma_start3A_22 = arith.constant 0 : i32
    %dma_start3A_23 = tpu.memref_slice %arg5[%dma_start3A_16, %dma_start3A_22] : memref<80x128xi32, #tpu.memory_space<vmem>> -> memref<1x128xi32, #tpu.memory_space<vmem>>
    %dma_start3A_24 = tpu.memref_squeeze %dma_start3A_23 : memref<1x128xi32, #tpu.memory_space<vmem>> -> memref<128xi32, #tpu.memory_space<vmem>>
    %dma_start3A_25 = arith.constant 0 : i32
    %dma_start3A_26 = arith.constant 0 : i32
    %dma_start3A_27 = tpu.memref_slice %arg2[%dma_start3A_25, %dma_start3A_26] : memref<10000x128xf32, #tpu.memory_space<hbm>> -> memref<10000x128xf32, #tpu.memory_space<hbm>>
    tpu.enqueue_indirect_dma source(%dma_start3A_27 : memref<10000x128xf32, #tpu.memory_space<hbm>>) target(%dma_start3A_21 : memref<128x128xf32, #tpu.memory_space<vmem>>) offsets(%dma_start3A_24 : memref<128xi32, #tpu.memory_space<vmem>>) semaphore(%arg8 : memref<!tpu.dma_semaphore, #tpu.memory_space<semaphore_mem>>)
    %dma_start3A_28 = arith.constant 2 : i32
    %dma_start3A_29 = arith.constant 2 : i32
    %dma_start3A_30 = arith.constant 0 : i32
    %dma_start3A_31 = arith.constant 0 : i32
    %dma_start3A_32 = tpu.memref_slice %arg6[%dma_start3A_29, %dma_start3A_30, %dma_start3A_31] : memref<5x128x128xf32, #tpu.memory_space<vmem>> -> memref<1x128x128xf32, #tpu.memory_space<vmem>>
    %dma_start3A_33 = tpu.memref_squeeze %dma_start3A_32 : memref<1x128x128xf32, #tpu.memory_space<vmem>> -> memref<128x128xf32, #tpu.memory_space<vmem>>
    %dma_start3A_34 = arith.constant 0 : i32
    %dma_start3A_35 = tpu.memref_slice %arg5[%dma_start3A_28, %dma_start3A_34] : memref<80x128xi32, #tpu.memory_space<vmem>> -> memref<1x128xi32, #tpu.memory_space<vmem>>
    %dma_start3A_36 = tpu.memref_squeeze %dma_start3A_35 : memref<1x128xi32, #tpu.memory_space<vmem>> -> memref<128xi32, #tpu.memory_space<vmem>>
    %dma_start3A_37 = arith.constant 0 : i32
    %dma_start3A_38 = arith.constant 0 : i32
    %dma_start3A_39 = tpu.memref_slice %arg2[%dma_start3A_37, %dma_start3A_38] : memref<10000x128xf32, #tpu.memory_space<hbm>> -> memref<10000x128xf32, #tpu.memory_space<hbm>>
    tpu.enqueue_indirect_dma source(%dma_start3A_39 : memref<10000x128xf32, #tpu.memory_space<hbm>>) target(%dma_start3A_33 : memref<128x128xf32, #tpu.memory_space<vmem>>) offsets(%dma_start3A_36 : memref<128xi32, #tpu.memory_space<vmem>>) semaphore(%arg9 : memref<!tpu.dma_semaphore, #tpu.memory_space<semaphore_mem>>)
    %dma_start3A_40 = arith.constant 3 : i32
    %dma_start3A_41 = arith.constant 3 : i32
    %dma_start3A_42 = arith.constant 0 : i32
    %dma_start3A_43 = arith.constant 0 : i32
    %dma_start3A_44 = tpu.memref_slice %arg6[%dma_start3A_41, %dma_start3A_42, %dma_start3A_43] : memref<5x128x128xf32, #tpu.memory_space<vmem>> -> memref<1x128x128xf32, #tpu.memory_space<vmem>>
    %dma_start3A_45 = tpu.memref_squeeze %dma_start3A_44 : memref<1x128x128xf32, #tpu.memory_space<vmem>> -> memref<128x128xf32, #tpu.memory_space<vmem>>
    %dma_start3A_46 = arith.constant 0 : i32
    %dma_start3A_47 = tpu.memref_slice %arg5[%dma_start3A_40, %dma_start3A_46] : memref<80x128xi32, #tpu.memory_space<vmem>> -> memref<1x128xi32, #tpu.memory_space<vmem>>
    %dma_start3A_48 = tpu.memref_squeeze %dma_start3A_47 : memref<1x128xi32, #tpu.memory_space<vmem>> -> memref<128xi32, #tpu.memory_space<vmem>>
    %dma_start3A_49 = arith.constant 0 : i32
    %dma_start3A_50 = arith.constant 0 : i32
    %dma_start3A_51 = tpu.memref_slice %arg2[%dma_start3A_49, %dma_start3A_50] : memref<10000x128xf32, #tpu.memory_space<hbm>> -> memref<10000x128xf32, #tpu.memory_space<hbm>>
    tpu.enqueue_indirect_dma source(%dma_start3A_51 : memref<10000x128xf32, #tpu.memory_space<hbm>>) target(%dma_start3A_45 : memref<128x128xf32, #tpu.memory_space<vmem>>) offsets(%dma_start3A_48 : memref<128xi32, #tpu.memory_space<vmem>>) semaphore(%arg10 : memref<!tpu.dma_semaphore, #tpu.memory_space<semaphore_mem>>)
    %dma_start3A_52 = arith.constant 4 : i32
    %dma_start3A_53 = arith.constant 4 : i32
    %dma_start3A_54 = arith.constant 0 : i32
    %dma_start3A_55 = arith.constant 0 : i32
    %dma_start3A_56 = tpu.memref_slice %arg6[%dma_start3A_53, %dma_start3A_54, %dma_start3A_55] : memref<5x128x128xf32, #tpu.memory_space<vmem>> -> memref<1x128x128xf32, #tpu.memory_space<vmem>>
    %dma_start3A_57 = tpu.memref_squeeze %dma_start3A_56 : memref<1x128x128xf32, #tpu.memory_space<vmem>> -> memref<128x128xf32, #tpu.memory_space<vmem>>
    %dma_start3A_58 = arith.constant 0 : i32
    %dma_start3A_59 = tpu.memref_slice %arg5[%dma_start3A_52, %dma_start3A_58] : memref<80x128xi32, #tpu.memory_space<vmem>> -> memref<1x128xi32, #tpu.memory_space<vmem>>
    %dma_start3A_60 = tpu.memref_squeeze %dma_start3A_59 : memref<1x128xi32, #tpu.memory_space<vmem>> -> memref<128xi32, #tpu.memory_space<vmem>>
    %dma_start3A_61 = arith.constant 0 : i32
    %dma_start3A_62 = arith.constant 0 : i32
    %dma_start3A_63 = tpu.memref_slice %arg2[%dma_start3A_61, %dma_start3A_62] : memref<10000x128xf32, #tpu.memory_space<hbm>> -> memref<10000x128xf32, #tpu.memory_space<hbm>>
    tpu.enqueue_indirect_dma source(%dma_start3A_63 : memref<10000x128xf32, #tpu.memory_space<hbm>>) target(%dma_start3A_57 : memref<128x128xf32, #tpu.memory_space<vmem>>) offsets(%dma_start3A_60 : memref<128xi32, #tpu.memory_space<vmem>>) semaphore(%arg11 : memref<!tpu.dma_semaphore, #tpu.memory_space<semaphore_mem>>)
    %scan3A = arith.constant 0 : i32
    %scan3A_64 = arith.constant 16 : i32
    %scan3A_65 = arith.addi %scan3A, %scan3A_64 : i32
    %scan3A_66 = arith.constant 1 : i32
    scf.for %scan3A_142 = %scan3A to %scan3A_65 step %scan3A_66  : i32 {
      %mul3A_143 = arith.constant 5 : i32
      %mul3A_144 = arith.muli %scan3A_142, %mul3A_143 : i32
      %add3A_145 = arith.constant 0 : i32
      %add3A_146 = arith.addi %add3A_145, %mul3A_144 : i32
      %dma_wait3A_147 = arith.constant 0 : i32
      %dma_wait3A_148 = arith.constant 0 : i32
      %dma_wait3A_149 = arith.constant 0 : i32
      %dma_wait3A_150 = arith.constant 0 : i32
      %dma_wait3A_151 = tpu.memref_slice %arg6[%dma_wait3A_148, %dma_wait3A_149, %dma_wait3A_150] : memref<5x128x128xf32, #tpu.memory_space<vmem>> -> memref<1x128x128xf32, #tpu.memory_space<vmem>>
      %dma_wait3A_152 = tpu.memref_squeeze %dma_wait3A_151 : memref<1x128x128xf32, #tpu.memory_space<vmem>> -> memref<128x128xf32, #tpu.memory_space<vmem>>
      %dma_wait3A_153 = arith.constant 0 : i32
      %dma_wait3A_154 = tpu.memref_slice %arg5[%dma_wait3A_147, %dma_wait3A_153] : memref<80x128xi32, #tpu.memory_space<vmem>> -> memref<1x128xi32, #tpu.memory_space<vmem>>
      %dma_wait3A_155 = tpu.memref_squeeze %dma_wait3A_154 : memref<1x128xi32, #tpu.memory_space<vmem>> -> memref<128xi32, #tpu.memory_space<vmem>>
      %dma_wait3A_156 = arith.constant 0 : i32
      %dma_wait3A_157 = arith.constant 0 : i32
      %dma_wait3A_158 = tpu.memref_slice %arg2[%dma_wait3A_156, %dma_wait3A_157] : memref<10000x128xf32, #tpu.memory_space<hbm>> -> memref<10000x128xf32, #tpu.memory_space<hbm>>
      tpu.wait_indirect_dma semaphore(%arg7 : memref<!tpu.dma_semaphore, #tpu.memory_space<semaphore_mem>>) src(%dma_wait3A_158 : memref<10000x128xf32, #tpu.memory_space<hbm>>) dst(%dma_wait3A_152 : memref<128x128xf32, #tpu.memory_space<vmem>>)
      %add3A_159 = arith.constant 0 : i32
      %add3A_160 = arith.addi %add3A_146, %add3A_159 : i32
      %mul3A_161 = arith.constant 128 : i32
      %mul3A_162 = arith.muli %add3A_160, %mul3A_161 : i32
      %add3A_163 = arith.addi %mul3A_2, %mul3A_162 : i32
      %dma_start3A_164 = arith.constant 0 : i32
      %dma_start3A_165 = arith.constant 0 : i32
      %dma_start3A_166 = arith.constant 0 : i32
      %dma_start3A_167 = tpu.memref_slice %arg6[%dma_start3A_164, %dma_start3A_165, %dma_start3A_166] : memref<5x128x128xf32, #tpu.memory_space<vmem>> -> memref<1x128x128xf32, #tpu.memory_space<vmem>>
      %dma_start3A_168 = tpu.memref_squeeze %dma_start3A_167 : memref<1x128x128xf32, #tpu.memory_space<vmem>> -> memref<128x128xf32, #tpu.memory_space<vmem>>
      %dma_start3A_169 = arith.constant 0 : i32
      %dma_start3A_170 = tpu.memref_slice %arg4[%add3A_163, %dma_start3A_169] : memref<327680x128xf32, #tpu.memory_space<hbm>> -> memref<128x128xf32, #tpu.memory_space<hbm>>
      %dma_start3A_171 = arith.constant 0 : i32
      %dma_start3A_172 = tpu.memref_slice %arg4[%add3A_163, %dma_start3A_171] : memref<327680x128xf32, #tpu.memory_space<hbm>> -> memref<128x128xf32, #tpu.memory_space<hbm>>
      %dma_start3A_173 = arith.constant 0 : i32
      %dma_start3A_174 = arith.constant 0 : i32
      %dma_start3A_175 = tpu.memref_slice %arg6[%dma_start3A_164, %dma_start3A_173, %dma_start3A_174] : memref<5x128x128xf32, #tpu.memory_space<vmem>> -> memref<1x128x128xf32, #tpu.memory_space<vmem>>
      %dma_start3A_176 = tpu.memref_squeeze %dma_start3A_175 : memref<1x128x128xf32, #tpu.memory_space<vmem>> -> memref<128x128xf32, #tpu.memory_space<vmem>>
      tpu.enqueue_dma source(%dma_start3A_176 : memref<128x128xf32, #tpu.memory_space<vmem>>) target(%dma_start3A_172 : memref<128x128xf32, #tpu.memory_space<hbm>>) target_semaphore(%arg12 : memref<!tpu.dma_semaphore, #tpu.memory_space<semaphore_mem>>)
      %dma_wait3A_177 = arith.constant 0 : i32
      %dma_wait3A_178 = arith.constant 1 : i32
      %dma_wait3A_179 = arith.constant 0 : i32
      %dma_wait3A_180 = arith.constant 0 : i32
      %dma_wait3A_181 = tpu.memref_slice %arg6[%dma_wait3A_178, %dma_wait3A_179, %dma_wait3A_180] : memref<5x128x128xf32, #tpu.memory_space<vmem>> -> memref<1x128x128xf32, #tpu.memory_space<vmem>>
      %dma_wait3A_182 = tpu.memref_squeeze %dma_wait3A_181 : memref<1x128x128xf32, #tpu.memory_space<vmem>> -> memref<128x128xf32, #tpu.memory_space<vmem>>
      %dma_wait3A_183 = arith.constant 0 : i32
      %dma_wait3A_184 = tpu.memref_slice %arg5[%dma_wait3A_177, %dma_wait3A_183] : memref<80x128xi32, #tpu.memory_space<vmem>> -> memref<1x128xi32, #tpu.memory_space<vmem>>
      %dma_wait3A_185 = tpu.memref_squeeze %dma_wait3A_184 : memref<1x128xi32, #tpu.memory_space<vmem>> -> memref<128xi32, #tpu.memory_space<vmem>>
      %dma_wait3A_186 = arith.constant 0 : i32
      %dma_wait3A_187 = arith.constant 0 : i32
      %dma_wait3A_188 = tpu.memref_slice %arg2[%dma_wait3A_186, %dma_wait3A_187] : memref<10000x128xf32, #tpu.memory_space<hbm>> -> memref<10000x128xf32, #tpu.memory_space<hbm>>
      tpu.wait_indirect_dma semaphore(%arg8 : memref<!tpu.dma_semaphore, #tpu.memory_space<semaphore_mem>>) src(%dma_wait3A_188 : memref<10000x128xf32, #tpu.memory_space<hbm>>) dst(%dma_wait3A_182 : memref<128x128xf32, #tpu.memory_space<vmem>>)
      %add3A_189 = arith.constant 1 : i32
      %add3A_190 = arith.addi %add3A_146, %add3A_189 : i32
      %mul3A_191 = arith.constant 128 : i32
      %mul3A_192 = arith.muli %add3A_190, %mul3A_191 : i32
      %add3A_193 = arith.addi %mul3A_2, %mul3A_192 : i32
      %dma_start3A_194 = arith.constant 1 : i32
      %dma_start3A_195 = arith.constant 0 : i32
      %dma_start3A_196 = arith.constant 0 : i32
      %dma_start3A_197 = tpu.memref_slice %arg6[%dma_start3A_194, %dma_start3A_195, %dma_start3A_196] : memref<5x128x128xf32, #tpu.memory_space<vmem>> -> memref<1x128x128xf32, #tpu.memory_space<vmem>>
      %dma_start3A_198 = tpu.memref_squeeze %dma_start3A_197 : memref<1x128x128xf32, #tpu.memory_space<vmem>> -> memref<128x128xf32, #tpu.memory_space<vmem>>
      %dma_start3A_199 = arith.constant 0 : i32
      %dma_start3A_200 = tpu.memref_slice %arg4[%add3A_193, %dma_start3A_199] : memref<327680x128xf32, #tpu.memory_space<hbm>> -> memref<128x128xf32, #tpu.memory_space<hbm>>
      %dma_start3A_201 = arith.constant 0 : i32
      %dma_start3A_202 = tpu.memref_slice %arg4[%add3A_193, %dma_start3A_201] : memref<327680x128xf32, #tpu.memory_space<hbm>> -> memref<128x128xf32, #tpu.memory_space<hbm>>
      %dma_start3A_203 = arith.constant 0 : i32
      %dma_start3A_204 = arith.constant 0 : i32
      %dma_start3A_205 = tpu.memref_slice %arg6[%dma_start3A_194, %dma_start3A_203, %dma_start3A_204] : memref<5x128x128xf32, #tpu.memory_space<vmem>> -> memref<1x128x128xf32, #tpu.memory_space<vmem>>
      %dma_start3A_206 = tpu.memref_squeeze %dma_start3A_205 : memref<1x128x128xf32, #tpu.memory_space<vmem>> -> memref<128x128xf32, #tpu.memory_space<vmem>>
      tpu.enqueue_dma source(%dma_start3A_206 : memref<128x128xf32, #tpu.memory_space<vmem>>) target(%dma_start3A_202 : memref<128x128xf32, #tpu.memory_space<hbm>>) target_semaphore(%arg13 : memref<!tpu.dma_semaphore, #tpu.memory_space<semaphore_mem>>)
      %dma_wait3A_207 = arith.constant 0 : i32
      %dma_wait3A_208 = arith.constant 2 : i32
      %dma_wait3A_209 = arith.constant 0 : i32
      %dma_wait3A_210 = arith.constant 0 : i32
      %dma_wait3A_211 = tpu.memref_slice %arg6[%dma_wait3A_208, %dma_wait3A_209, %dma_wait3A_210] : memref<5x128x128xf32, #tpu.memory_space<vmem>> -> memref<1x128x128xf32, #tpu.memory_space<vmem>>
      %dma_wait3A_212 = tpu.memref_squeeze %dma_wait3A_211 : memref<1x128x128xf32, #tpu.memory_space<vmem>> -> memref<128x128xf32, #tpu.memory_space<vmem>>
      %dma_wait3A_213 = arith.constant 0 : i32
      %dma_wait3A_214 = tpu.memref_slice %arg5[%dma_wait3A_207, %dma_wait3A_213] : memref<80x128xi32, #tpu.memory_space<vmem>> -> memref<1x128xi32, #tpu.memory_space<vmem>>
      %dma_wait3A_215 = tpu.memref_squeeze %dma_wait3A_214 : memref<1x128xi32, #tpu.memory_space<vmem>> -> memref<128xi32, #tpu.memory_space<vmem>>
      %dma_wait3A_216 = arith.constant 0 : i32
      %dma_wait3A_217 = arith.constant 0 : i32
      %dma_wait3A_218 = tpu.memref_slice %arg2[%dma_wait3A_216, %dma_wait3A_217] : memref<10000x128xf32, #tpu.memory_space<hbm>> -> memref<10000x128xf32, #tpu.memory_space<hbm>>
      tpu.wait_indirect_dma semaphore(%arg9 : memref<!tpu.dma_semaphore, #tpu.memory_space<semaphore_mem>>) src(%dma_wait3A_218 : memref<10000x128xf32, #tpu.memory_space<hbm>>) dst(%dma_wait3A_212 : memref<128x128xf32, #tpu.memory_space<vmem>>)
      %add3A_219 = arith.constant 2 : i32
      %add3A_220 = arith.addi %add3A_146, %add3A_219 : i32
      %mul3A_221 = arith.constant 128 : i32
      %mul3A_222 = arith.muli %add3A_220, %mul3A_221 : i32
      %add3A_223 = arith.addi %mul3A_2, %mul3A_222 : i32
      %dma_start3A_224 = arith.constant 2 : i32
      %dma_start3A_225 = arith.constant 0 : i32
      %dma_start3A_226 = arith.constant 0 : i32
      %dma_start3A_227 = tpu.memref_slice %arg6[%dma_start3A_224, %dma_start3A_225, %dma_start3A_226] : memref<5x128x128xf32, #tpu.memory_space<vmem>> -> memref<1x128x128xf32, #tpu.memory_space<vmem>>
      %dma_start3A_228 = tpu.memref_squeeze %dma_start3A_227 : memref<1x128x128xf32, #tpu.memory_space<vmem>> -> memref<128x128xf32, #tpu.memory_space<vmem>>
      %dma_start3A_229 = arith.constant 0 : i32
      %dma_start3A_230 = tpu.memref_slice %arg4[%add3A_223, %dma_start3A_229] : memref<327680x128xf32, #tpu.memory_space<hbm>> -> memref<128x128xf32, #tpu.memory_space<hbm>>
      %dma_start3A_231 = arith.constant 0 : i32
      %dma_start3A_232 = tpu.memref_slice %arg4[%add3A_223, %dma_start3A_231] : memref<327680x128xf32, #tpu.memory_space<hbm>> -> memref<128x128xf32, #tpu.memory_space<hbm>>
      %dma_start3A_233 = arith.constant 0 : i32
      %dma_start3A_234 = arith.constant 0 : i32
      %dma_start3A_235 = tpu.memref_slice %arg6[%dma_start3A_224, %dma_start3A_233, %dma_start3A_234] : memref<5x128x128xf32, #tpu.memory_space<vmem>> -> memref<1x128x128xf32, #tpu.memory_space<vmem>>
      %dma_start3A_236 = tpu.memref_squeeze %dma_start3A_235 : memref<1x128x128xf32, #tpu.memory_space<vmem>> -> memref<128x128xf32, #tpu.memory_space<vmem>>
      tpu.enqueue_dma source(%dma_start3A_236 : memref<128x128xf32, #tpu.memory_space<vmem>>) target(%dma_start3A_232 : memref<128x128xf32, #tpu.memory_space<hbm>>) target_semaphore(%arg14 : memref<!tpu.dma_semaphore, #tpu.memory_space<semaphore_mem>>)
      %dma_wait3A_237 = arith.constant 0 : i32
      %dma_wait3A_238 = arith.constant 3 : i32
      %dma_wait3A_239 = arith.constant 0 : i32
      %dma_wait3A_240 = arith.constant 0 : i32
      %dma_wait3A_241 = tpu.memref_slice %arg6[%dma_wait3A_238, %dma_wait3A_239, %dma_wait3A_240] : memref<5x128x128xf32, #tpu.memory_space<vmem>> -> memref<1x128x128xf32, #tpu.memory_space<vmem>>
      %dma_wait3A_242 = tpu.memref_squeeze %dma_wait3A_241 : memref<1x128x128xf32, #tpu.memory_space<vmem>> -> memref<128x128xf32, #tpu.memory_space<vmem>>
      %dma_wait3A_243 = arith.constant 0 : i32
      %dma_wait3A_244 = tpu.memref_slice %arg5[%dma_wait3A_237, %dma_wait3A_243] : memref<80x128xi32, #tpu.memory_space<vmem>> -> memref<1x128xi32, #tpu.memory_space<vmem>>
      %dma_wait3A_245 = tpu.memref_squeeze %dma_wait3A_244 : memref<1x128xi32, #tpu.memory_space<vmem>> -> memref<128xi32, #tpu.memory_space<vmem>>
      %dma_wait3A_246 = arith.constant 0 : i32
      %dma_wait3A_247 = arith.constant 0 : i32
      %dma_wait3A_248 = tpu.memref_slice %arg2[%dma_wait3A_246, %dma_wait3A_247] : memref<10000x128xf32, #tpu.memory_space<hbm>> -> memref<10000x128xf32, #tpu.memory_space<hbm>>
      tpu.wait_indirect_dma semaphore(%arg10 : memref<!tpu.dma_semaphore, #tpu.memory_space<semaphore_mem>>) src(%dma_wait3A_248 : memref<10000x128xf32, #tpu.memory_space<hbm>>) dst(%dma_wait3A_242 : memref<128x128xf32, #tpu.memory_space<vmem>>)
      %add3A_249 = arith.constant 3 : i32
      %add3A_250 = arith.addi %add3A_146, %add3A_249 : i32
      %mul3A_251 = arith.constant 128 : i32
      %mul3A_252 = arith.muli %add3A_250, %mul3A_251 : i32
      %add3A_253 = arith.addi %mul3A_2, %mul3A_252 : i32
      %dma_start3A_254 = arith.constant 3 : i32
      %dma_start3A_255 = arith.constant 0 : i32
      %dma_start3A_256 = arith.constant 0 : i32
      %dma_start3A_257 = tpu.memref_slice %arg6[%dma_start3A_254, %dma_start3A_255, %dma_start3A_256] : memref<5x128x128xf32, #tpu.memory_space<vmem>> -> memref<1x128x128xf32, #tpu.memory_space<vmem>>
      %dma_start3A_258 = tpu.memref_squeeze %dma_start3A_257 : memref<1x128x128xf32, #tpu.memory_space<vmem>> -> memref<128x128xf32, #tpu.memory_space<vmem>>
      %dma_start3A_259 = arith.constant 0 : i32
      %dma_start3A_260 = tpu.memref_slice %arg4[%add3A_253, %dma_start3A_259] : memref<327680x128xf32, #tpu.memory_space<hbm>> -> memref<128x128xf32, #tpu.memory_space<hbm>>
      %dma_start3A_261 = arith.constant 0 : i32
      %dma_start3A_262 = tpu.memref_slice %arg4[%add3A_253, %dma_start3A_261] : memref<327680x128xf32, #tpu.memory_space<hbm>> -> memref<128x128xf32, #tpu.memory_space<hbm>>
      %dma_start3A_263 = arith.constant 0 : i32
      %dma_start3A_264 = arith.constant 0 : i32
      %dma_start3A_265 = tpu.memref_slice %arg6[%dma_start3A_254, %dma_start3A_263, %dma_start3A_264] : memref<5x128x128xf32, #tpu.memory_space<vmem>> -> memref<1x128x128xf32, #tpu.memory_space<vmem>>
      %dma_start3A_266 = tpu.memref_squeeze %dma_start3A_265 : memref<1x128x128xf32, #tpu.memory_space<vmem>> -> memref<128x128xf32, #tpu.memory_space<vmem>>
      tpu.enqueue_dma source(%dma_start3A_266 : memref<128x128xf32, #tpu.memory_space<vmem>>) target(%dma_start3A_262 : memref<128x128xf32, #tpu.memory_space<hbm>>) target_semaphore(%arg15 : memref<!tpu.dma_semaphore, #tpu.memory_space<semaphore_mem>>)
      %dma_wait3A_267 = arith.constant 0 : i32
      %dma_wait3A_268 = arith.constant 4 : i32
      %dma_wait3A_269 = arith.constant 0 : i32
      %dma_wait3A_270 = arith.constant 0 : i32
      %dma_wait3A_271 = tpu.memref_slice %arg6[%dma_wait3A_268, %dma_wait3A_269, %dma_wait3A_270] : memref<5x128x128xf32, #tpu.memory_space<vmem>> -> memref<1x128x128xf32, #tpu.memory_space<vmem>>
      %dma_wait3A_272 = tpu.memref_squeeze %dma_wait3A_271 : memref<1x128x128xf32, #tpu.memory_space<vmem>> -> memref<128x128xf32, #tpu.memory_space<vmem>>
      %dma_wait3A_273 = arith.constant 0 : i32
      %dma_wait3A_274 = tpu.memref_slice %arg5[%dma_wait3A_267, %dma_wait3A_273] : memref<80x128xi32, #tpu.memory_space<vmem>> -> memref<1x128xi32, #tpu.memory_space<vmem>>
      %dma_wait3A_275 = tpu.memref_squeeze %dma_wait3A_274 : memref<1x128xi32, #tpu.memory_space<vmem>> -> memref<128xi32, #tpu.memory_space<vmem>>
      %dma_wait3A_276 = arith.constant 0 : i32
      %dma_wait3A_277 = arith.constant 0 : i32
      %dma_wait3A_278 = tpu.memref_slice %arg2[%dma_wait3A_276, %dma_wait3A_277] : memref<10000x128xf32, #tpu.memory_space<hbm>> -> memref<10000x128xf32, #tpu.memory_space<hbm>>
      tpu.wait_indirect_dma semaphore(%arg11 : memref<!tpu.dma_semaphore, #tpu.memory_space<semaphore_mem>>) src(%dma_wait3A_278 : memref<10000x128xf32, #tpu.memory_space<hbm>>) dst(%dma_wait3A_272 : memref<128x128xf32, #tpu.memory_space<vmem>>)
      %add3A_279 = arith.constant 4 : i32
      %add3A_280 = arith.addi %add3A_146, %add3A_279 : i32
      %mul3A_281 = arith.constant 128 : i32
      %mul3A_282 = arith.muli %add3A_280, %mul3A_281 : i32
      %add3A_283 = arith.addi %mul3A_2, %mul3A_282 : i32
      %dma_start3A_284 = arith.constant 4 : i32
      %dma_start3A_285 = arith.constant 0 : i32
      %dma_start3A_286 = arith.constant 0 : i32
      %dma_start3A_287 = tpu.memref_slice %arg6[%dma_start3A_284, %dma_start3A_285, %dma_start3A_286] : memref<5x128x128xf32, #tpu.memory_space<vmem>> -> memref<1x128x128xf32, #tpu.memory_space<vmem>>
      %dma_start3A_288 = tpu.memref_squeeze %dma_start3A_287 : memref<1x128x128xf32, #tpu.memory_space<vmem>> -> memref<128x128xf32, #tpu.memory_space<vmem>>
      %dma_start3A_289 = arith.constant 0 : i32
      %dma_start3A_290 = tpu.memref_slice %arg4[%add3A_283, %dma_start3A_289] : memref<327680x128xf32, #tpu.memory_space<hbm>> -> memref<128x128xf32, #tpu.memory_space<hbm>>
      %dma_start3A_291 = arith.constant 0 : i32
      %dma_start3A_292 = tpu.memref_slice %arg4[%add3A_283, %dma_start3A_291] : memref<327680x128xf32, #tpu.memory_space<hbm>> -> memref<128x128xf32, #tpu.memory_space<hbm>>
      %dma_start3A_293 = arith.constant 0 : i32
      %dma_start3A_294 = arith.constant 0 : i32
      %dma_start3A_295 = tpu.memref_slice %arg6[%dma_start3A_284, %dma_start3A_293, %dma_start3A_294] : memref<5x128x128xf32, #tpu.memory_space<vmem>> -> memref<1x128x128xf32, #tpu.memory_space<vmem>>
      %dma_start3A_296 = tpu.memref_squeeze %dma_start3A_295 : memref<1x128x128xf32, #tpu.memory_space<vmem>> -> memref<128x128xf32, #tpu.memory_space<vmem>>
      tpu.enqueue_dma source(%dma_start3A_296 : memref<128x128xf32, #tpu.memory_space<vmem>>) target(%dma_start3A_292 : memref<128x128xf32, #tpu.memory_space<hbm>>) target_semaphore(%arg16 : memref<!tpu.dma_semaphore, #tpu.memory_space<semaphore_mem>>)
      %add3A_297 = arith.constant 0 : i32
      %add3A_298 = arith.addi %add3A_146, %add3A_297 : i32
      %add3A_299 = arith.constant 5 : i32
      %add3A_300 = arith.addi %add3A_298, %add3A_299 : i32
      %lt3A = arith.constant 80 : i32
      %lt3A_301 = arith.cmpi slt, %add3A_300, %lt3A : i32
      %convert_element_type3A = arith.extui %lt3A_301 : i1 to i32
      %cond3A = arith.constant 0 : i32
      %cond3A_302 = arith.cmpi ne, %convert_element_type3A, %cond3A : i32
      scf.if %cond3A_302 {
        %dma_wait3A_339 = arith.constant 0 : i32
        %dma_wait3A_340 = arith.constant 0 : i32
        %dma_wait3A_341 = arith.constant 0 : i32
        %dma_wait3A_342 = tpu.memref_slice %arg6[%dma_wait3A_339, %dma_wait3A_340, %dma_wait3A_341] : memref<5x128x128xf32, #tpu.memory_space<vmem>> -> memref<1x128x128xf32, #tpu.memory_space<vmem>>
        %dma_wait3A_343 = tpu.memref_squeeze %dma_wait3A_342 : memref<1x128x128xf32, #tpu.memory_space<vmem>> -> memref<128x128xf32, #tpu.memory_space<vmem>>
        %dma_wait3A_344 = arith.constant 0 : i32
        %dma_wait3A_345 = arith.constant 0 : i32
        %dma_wait3A_346 = tpu.memref_slice %arg4[%dma_wait3A_344, %dma_wait3A_345] : memref<327680x128xf32, #tpu.memory_space<hbm>> -> memref<128x128xf32, #tpu.memory_space<hbm>>
        %dma_wait3A_347 = arith.constant 0 : i32
        %dma_wait3A_348 = arith.constant 0 : i32
        %dma_wait3A_349 = tpu.memref_slice %arg4[%dma_wait3A_347, %dma_wait3A_348] : memref<327680x128xf32, #tpu.memory_space<hbm>> -> memref<128x128xf32, #tpu.memory_space<hbm>>
        %dma_wait3A_350 = arith.constant 0 : i32
        %dma_wait3A_351 = arith.constant 0 : i32
        %dma_wait3A_352 = tpu.memref_slice %arg6[%dma_wait3A_339, %dma_wait3A_350, %dma_wait3A_351] : memref<5x128x128xf32, #tpu.memory_space<vmem>> -> memref<1x128x128xf32, #tpu.memory_space<vmem>>
        %dma_wait3A_353 = tpu.memref_squeeze %dma_wait3A_352 : memref<1x128x128xf32, #tpu.memory_space<vmem>> -> memref<128x128xf32, #tpu.memory_space<vmem>>
        tpu.wait_dma2 semaphore(%arg12 : memref<!tpu.dma_semaphore, #tpu.memory_space<semaphore_mem>>) src(%dma_wait3A_353 : memref<128x128xf32, #tpu.memory_space<vmem>>) dst(%dma_wait3A_349 : memref<128x128xf32, #tpu.memory_space<hbm>>)
        %add3A_354 = arith.constant 0 : i32
        %add3A_355 = arith.addi %add3A_146, %add3A_354 : i32
        %add3A_356 = arith.constant 5 : i32
        %add3A_357 = arith.addi %add3A_355, %add3A_356 : i32
        %dma_start3A_358 = arith.constant 0 : i32
        %dma_start3A_359 = arith.constant 0 : i32
        %dma_start3A_360 = arith.constant 0 : i32
        %dma_start3A_361 = tpu.memref_slice %arg6[%dma_start3A_358, %dma_start3A_359, %dma_start3A_360] : memref<5x128x128xf32, #tpu.memory_space<vmem>> -> memref<1x128x128xf32, #tpu.memory_space<vmem>>
        %dma_start3A_362 = tpu.memref_squeeze %dma_start3A_361 : memref<1x128x128xf32, #tpu.memory_space<vmem>> -> memref<128x128xf32, #tpu.memory_space<vmem>>
        %dma_start3A_363 = arith.constant 0 : i32
        %dma_start3A_364 = tpu.memref_slice %arg5[%add3A_357, %dma_start3A_363] : memref<80x128xi32, #tpu.memory_space<vmem>> -> memref<1x128xi32, #tpu.memory_space<vmem>>
        %dma_start3A_365 = tpu.memref_squeeze %dma_start3A_364 : memref<1x128xi32, #tpu.memory_space<vmem>> -> memref<128xi32, #tpu.memory_space<vmem>>
        %dma_start3A_366 = arith.constant 0 : i32
        %dma_start3A_367 = arith.constant 0 : i32
        %dma_start3A_368 = tpu.memref_slice %arg2[%dma_start3A_366, %dma_start3A_367] : memref<10000x128xf32, #tpu.memory_space<hbm>> -> memref<10000x128xf32, #tpu.memory_space<hbm>>
        tpu.enqueue_indirect_dma source(%dma_start3A_368 : memref<10000x128xf32, #tpu.memory_space<hbm>>) target(%dma_start3A_362 : memref<128x128xf32, #tpu.memory_space<vmem>>) offsets(%dma_start3A_365 : memref<128xi32, #tpu.memory_space<vmem>>) semaphore(%arg7 : memref<!tpu.dma_semaphore, #tpu.memory_space<semaphore_mem>>)
      } else {
      }
      %add3A_303 = arith.constant 1 : i32
      %add3A_304 = arith.addi %add3A_146, %add3A_303 : i32
      %add3A_305 = arith.constant 5 : i32
      %add3A_306 = arith.addi %add3A_304, %add3A_305 : i32
      %lt3A_307 = arith.constant 80 : i32
      %lt3A_308 = arith.cmpi slt, %add3A_306, %lt3A_307 : i32
      %convert_element_type3A_309 = arith.extui %lt3A_308 : i1 to i32
      %cond3A_310 = arith.constant 0 : i32
      %cond3A_311 = arith.cmpi ne, %convert_element_type3A_309, %cond3A_310 : i32
      scf.if %cond3A_311 {
        %dma_wait3A_339 = arith.constant 1 : i32
        %dma_wait3A_340 = arith.constant 0 : i32
        %dma_wait3A_341 = arith.constant 0 : i32
        %dma_wait3A_342 = tpu.memref_slice %arg6[%dma_wait3A_339, %dma_wait3A_340, %dma_wait3A_341] : memref<5x128x128xf32, #tpu.memory_space<vmem>> -> memref<1x128x128xf32, #tpu.memory_space<vmem>>
        %dma_wait3A_343 = tpu.memref_squeeze %dma_wait3A_342 : memref<1x128x128xf32, #tpu.memory_space<vmem>> -> memref<128x128xf32, #tpu.memory_space<vmem>>
        %dma_wait3A_344 = arith.constant 0 : i32
        %dma_wait3A_345 = arith.constant 0 : i32
        %dma_wait3A_346 = tpu.memref_slice %arg4[%dma_wait3A_344, %dma_wait3A_345] : memref<327680x128xf32, #tpu.memory_space<hbm>> -> memref<128x128xf32, #tpu.memory_space<hbm>>
        %dma_wait3A_347 = arith.constant 0 : i32
        %dma_wait3A_348 = arith.constant 0 : i32
        %dma_wait3A_349 = tpu.memref_slice %arg4[%dma_wait3A_347, %dma_wait3A_348] : memref<327680x128xf32, #tpu.memory_space<hbm>> -> memref<128x128xf32, #tpu.memory_space<hbm>>
        %dma_wait3A_350 = arith.constant 0 : i32
        %dma_wait3A_351 = arith.constant 0 : i32
        %dma_wait3A_352 = tpu.memref_slice %arg6[%dma_wait3A_339, %dma_wait3A_350, %dma_wait3A_351] : memref<5x128x128xf32, #tpu.memory_space<vmem>> -> memref<1x128x128xf32, #tpu.memory_space<vmem>>
        %dma_wait3A_353 = tpu.memref_squeeze %dma_wait3A_352 : memref<1x128x128xf32, #tpu.memory_space<vmem>> -> memref<128x128xf32, #tpu.memory_space<vmem>>
        tpu.wait_dma2 semaphore(%arg13 : memref<!tpu.dma_semaphore, #tpu.memory_space<semaphore_mem>>) src(%dma_wait3A_353 : memref<128x128xf32, #tpu.memory_space<vmem>>) dst(%dma_wait3A_349 : memref<128x128xf32, #tpu.memory_space<hbm>>)
        %add3A_354 = arith.constant 1 : i32
        %add3A_355 = arith.addi %add3A_146, %add3A_354 : i32
        %add3A_356 = arith.constant 5 : i32
        %add3A_357 = arith.addi %add3A_355, %add3A_356 : i32
        %dma_start3A_358 = arith.constant 1 : i32
        %dma_start3A_359 = arith.constant 0 : i32
        %dma_start3A_360 = arith.constant 0 : i32
        %dma_start3A_361 = tpu.memref_slice %arg6[%dma_start3A_358, %dma_start3A_359, %dma_start3A_360] : memref<5x128x128xf32, #tpu.memory_space<vmem>> -> memref<1x128x128xf32, #tpu.memory_space<vmem>>
        %dma_start3A_362 = tpu.memref_squeeze %dma_start3A_361 : memref<1x128x128xf32, #tpu.memory_space<vmem>> -> memref<128x128xf32, #tpu.memory_space<vmem>>
        %dma_start3A_363 = arith.constant 0 : i32
        %dma_start3A_364 = tpu.memref_slice %arg5[%add3A_357, %dma_start3A_363] : memref<80x128xi32, #tpu.memory_space<vmem>> -> memref<1x128xi32, #tpu.memory_space<vmem>>
        %dma_start3A_365 = tpu.memref_squeeze %dma_start3A_364 : memref<1x128xi32, #tpu.memory_space<vmem>> -> memref<128xi32, #tpu.memory_space<vmem>>
        %dma_start3A_366 = arith.constant 0 : i32
        %dma_start3A_367 = arith.constant 0 : i32
        %dma_start3A_368 = tpu.memref_slice %arg2[%dma_start3A_366, %dma_start3A_367] : memref<10000x128xf32, #tpu.memory_space<hbm>> -> memref<10000x128xf32, #tpu.memory_space<hbm>>
        tpu.enqueue_indirect_dma source(%dma_start3A_368 : memref<10000x128xf32, #tpu.memory_space<hbm>>) target(%dma_start3A_362 : memref<128x128xf32, #tpu.memory_space<vmem>>) offsets(%dma_start3A_365 : memref<128xi32, #tpu.memory_space<vmem>>) semaphore(%arg8 : memref<!tpu.dma_semaphore, #tpu.memory_space<semaphore_mem>>)
      } else {
      }
      %add3A_312 = arith.constant 2 : i32
      %add3A_313 = arith.addi %add3A_146, %add3A_312 : i32
      %add3A_314 = arith.constant 5 : i32
      %add3A_315 = arith.addi %add3A_313, %add3A_314 : i32
      %lt3A_316 = arith.constant 80 : i32
      %lt3A_317 = arith.cmpi slt, %add3A_315, %lt3A_316 : i32
      %convert_element_type3A_318 = arith.extui %lt3A_317 : i1 to i32
      %cond3A_319 = arith.constant 0 : i32
      %cond3A_320 = arith.cmpi ne, %convert_element_type3A_318, %cond3A_319 : i32
      scf.if %cond3A_320 {
        %dma_wait3A_339 = arith.constant 2 : i32
        %dma_wait3A_340 = arith.constant 0 : i32
        %dma_wait3A_341 = arith.constant 0 : i32
        %dma_wait3A_342 = tpu.memref_slice %arg6[%dma_wait3A_339, %dma_wait3A_340, %dma_wait3A_341] : memref<5x128x128xf32, #tpu.memory_space<vmem>> -> memref<1x128x128xf32, #tpu.memory_space<vmem>>
        %dma_wait3A_343 = tpu.memref_squeeze %dma_wait3A_342 : memref<1x128x128xf32, #tpu.memory_space<vmem>> -> memref<128x128xf32, #tpu.memory_space<vmem>>
        %dma_wait3A_344 = arith.constant 0 : i32
        %dma_wait3A_345 = arith.constant 0 : i32
        %dma_wait3A_346 = tpu.memref_slice %arg4[%dma_wait3A_344, %dma_wait3A_345] : memref<327680x128xf32, #tpu.memory_space<hbm>> -> memref<128x128xf32, #tpu.memory_space<hbm>>
        %dma_wait3A_347 = arith.constant 0 : i32
        %dma_wait3A_348 = arith.constant 0 : i32
        %dma_wait3A_349 = tpu.memref_slice %arg4[%dma_wait3A_347, %dma_wait3A_348] : memref<327680x128xf32, #tpu.memory_space<hbm>> -> memref<128x128xf32, #tpu.memory_space<hbm>>
        %dma_wait3A_350 = arith.constant 0 : i32
        %dma_wait3A_351 = arith.constant 0 : i32
        %dma_wait3A_352 = tpu.memref_slice %arg6[%dma_wait3A_339, %dma_wait3A_350, %dma_wait3A_351] : memref<5x128x128xf32, #tpu.memory_space<vmem>> -> memref<1x128x128xf32, #tpu.memory_space<vmem>>
        %dma_wait3A_353 = tpu.memref_squeeze %dma_wait3A_352 : memref<1x128x128xf32, #tpu.memory_space<vmem>> -> memref<128x128xf32, #tpu.memory_space<vmem>>
        tpu.wait_dma2 semaphore(%arg14 : memref<!tpu.dma_semaphore, #tpu.memory_space<semaphore_mem>>) src(%dma_wait3A_353 : memref<128x128xf32, #tpu.memory_space<vmem>>) dst(%dma_wait3A_349 : memref<128x128xf32, #tpu.memory_space<hbm>>)
        %add3A_354 = arith.constant 2 : i32
        %add3A_355 = arith.addi %add3A_146, %add3A_354 : i32
        %add3A_356 = arith.constant 5 : i32
        %add3A_357 = arith.addi %add3A_355, %add3A_356 : i32
        %dma_start3A_358 = arith.constant 2 : i32
        %dma_start3A_359 = arith.constant 0 : i32
        %dma_start3A_360 = arith.constant 0 : i32
        %dma_start3A_361 = tpu.memref_slice %arg6[%dma_start3A_358, %dma_start3A_359, %dma_start3A_360] : memref<5x128x128xf32, #tpu.memory_space<vmem>> -> memref<1x128x128xf32, #tpu.memory_space<vmem>>
        %dma_start3A_362 = tpu.memref_squeeze %dma_start3A_361 : memref<1x128x128xf32, #tpu.memory_space<vmem>> -> memref<128x128xf32, #tpu.memory_space<vmem>>
        %dma_start3A_363 = arith.constant 0 : i32
        %dma_start3A_364 = tpu.memref_slice %arg5[%add3A_357, %dma_start3A_363] : memref<80x128xi32, #tpu.memory_space<vmem>> -> memref<1x128xi32, #tpu.memory_space<vmem>>
        %dma_start3A_365 = tpu.memref_squeeze %dma_start3A_364 : memref<1x128xi32, #tpu.memory_space<vmem>> -> memref<128xi32, #tpu.memory_space<vmem>>
        %dma_start3A_366 = arith.constant 0 : i32
        %dma_start3A_367 = arith.constant 0 : i32
        %dma_start3A_368 = tpu.memref_slice %arg2[%dma_start3A_366, %dma_start3A_367] : memref<10000x128xf32, #tpu.memory_space<hbm>> -> memref<10000x128xf32, #tpu.memory_space<hbm>>
        tpu.enqueue_indirect_dma source(%dma_start3A_368 : memref<10000x128xf32, #tpu.memory_space<hbm>>) target(%dma_start3A_362 : memref<128x128xf32, #tpu.memory_space<vmem>>) offsets(%dma_start3A_365 : memref<128xi32, #tpu.memory_space<vmem>>) semaphore(%arg9 : memref<!tpu.dma_semaphore, #tpu.memory_space<semaphore_mem>>)
      } else {
      }
      %add3A_321 = arith.constant 3 : i32
      %add3A_322 = arith.addi %add3A_146, %add3A_321 : i32
      %add3A_323 = arith.constant 5 : i32
      %add3A_324 = arith.addi %add3A_322, %add3A_323 : i32
      %lt3A_325 = arith.constant 80 : i32
      %lt3A_326 = arith.cmpi slt, %add3A_324, %lt3A_325 : i32
      %convert_element_type3A_327 = arith.extui %lt3A_326 : i1 to i32
      %cond3A_328 = arith.constant 0 : i32
      %cond3A_329 = arith.cmpi ne, %convert_element_type3A_327, %cond3A_328 : i32
      scf.if %cond3A_329 {
        %dma_wait3A_339 = arith.constant 3 : i32
        %dma_wait3A_340 = arith.constant 0 : i32
        %dma_wait3A_341 = arith.constant 0 : i32
        %dma_wait3A_342 = tpu.memref_slice %arg6[%dma_wait3A_339, %dma_wait3A_340, %dma_wait3A_341] : memref<5x128x128xf32, #tpu.memory_space<vmem>> -> memref<1x128x128xf32, #tpu.memory_space<vmem>>
        %dma_wait3A_343 = tpu.memref_squeeze %dma_wait3A_342 : memref<1x128x128xf32, #tpu.memory_space<vmem>> -> memref<128x128xf32, #tpu.memory_space<vmem>>
        %dma_wait3A_344 = arith.constant 0 : i32
        %dma_wait3A_345 = arith.constant 0 : i32
        %dma_wait3A_346 = tpu.memref_slice %arg4[%dma_wait3A_344, %dma_wait3A_345] : memref<327680x128xf32, #tpu.memory_space<hbm>> -> memref<128x128xf32, #tpu.memory_space<hbm>>
        %dma_wait3A_347 = arith.constant 0 : i32
        %dma_wait3A_348 = arith.constant 0 : i32
        %dma_wait3A_349 = tpu.memref_slice %arg4[%dma_wait3A_347, %dma_wait3A_348] : memref<327680x128xf32, #tpu.memory_space<hbm>> -> memref<128x128xf32, #tpu.memory_space<hbm>>
        %dma_wait3A_350 = arith.constant 0 : i32
        %dma_wait3A_351 = arith.constant 0 : i32
        %dma_wait3A_352 = tpu.memref_slice %arg6[%dma_wait3A_339, %dma_wait3A_350, %dma_wait3A_351] : memref<5x128x128xf32, #tpu.memory_space<vmem>> -> memref<1x128x128xf32, #tpu.memory_space<vmem>>
        %dma_wait3A_353 = tpu.memref_squeeze %dma_wait3A_352 : memref<1x128x128xf32, #tpu.memory_space<vmem>> -> memref<128x128xf32, #tpu.memory_space<vmem>>
        tpu.wait_dma2 semaphore(%arg15 : memref<!tpu.dma_semaphore, #tpu.memory_space<semaphore_mem>>) src(%dma_wait3A_353 : memref<128x128xf32, #tpu.memory_space<vmem>>) dst(%dma_wait3A_349 : memref<128x128xf32, #tpu.memory_space<hbm>>)
        %add3A_354 = arith.constant 3 : i32
        %add3A_355 = arith.addi %add3A_146, %add3A_354 : i32
        %add3A_356 = arith.constant 5 : i32
        %add3A_357 = arith.addi %add3A_355, %add3A_356 : i32
        %dma_start3A_358 = arith.constant 3 : i32
        %dma_start3A_359 = arith.constant 0 : i32
        %dma_start3A_360 = arith.constant 0 : i32
        %dma_start3A_361 = tpu.memref_slice %arg6[%dma_start3A_358, %dma_start3A_359, %dma_start3A_360] : memref<5x128x128xf32, #tpu.memory_space<vmem>> -> memref<1x128x128xf32, #tpu.memory_space<vmem>>
        %dma_start3A_362 = tpu.memref_squeeze %dma_start3A_361 : memref<1x128x128xf32, #tpu.memory_space<vmem>> -> memref<128x128xf32, #tpu.memory_space<vmem>>
        %dma_start3A_363 = arith.constant 0 : i32
        %dma_start3A_364 = tpu.memref_slice %arg5[%add3A_357, %dma_start3A_363] : memref<80x128xi32, #tpu.memory_space<vmem>> -> memref<1x128xi32, #tpu.memory_space<vmem>>
        %dma_start3A_365 = tpu.memref_squeeze %dma_start3A_364 : memref<1x128xi32, #tpu.memory_space<vmem>> -> memref<128xi32, #tpu.memory_space<vmem>>
        %dma_start3A_366 = arith.constant 0 : i32
        %dma_start3A_367 = arith.constant 0 : i32
        %dma_start3A_368 = tpu.memref_slice %arg2[%dma_start3A_366, %dma_start3A_367] : memref<10000x128xf32, #tpu.memory_space<hbm>> -> memref<10000x128xf32, #tpu.memory_space<hbm>>
        tpu.enqueue_indirect_dma source(%dma_start3A_368 : memref<10000x128xf32, #tpu.memory_space<hbm>>) target(%dma_start3A_362 : memref<128x128xf32, #tpu.memory_space<vmem>>) offsets(%dma_start3A_365 : memref<128xi32, #tpu.memory_space<vmem>>) semaphore(%arg10 : memref<!tpu.dma_semaphore, #tpu.memory_space<semaphore_mem>>)
      } else {
      }
      %add3A_330 = arith.constant 4 : i32
      %add3A_331 = arith.addi %add3A_146, %add3A_330 : i32
      %add3A_332 = arith.constant 5 : i32
      %add3A_333 = arith.addi %add3A_331, %add3A_332 : i32
      %lt3A_334 = arith.constant 80 : i32
      %lt3A_335 = arith.cmpi slt, %add3A_333, %lt3A_334 : i32
      %convert_element_type3A_336 = arith.extui %lt3A_335 : i1 to i32
      %cond3A_337 = arith.constant 0 : i32
      %cond3A_338 = arith.cmpi ne, %convert_element_type3A_336, %cond3A_337 : i32
      scf.if %cond3A_338 {
        %dma_wait3A_339 = arith.constant 4 : i32
        %dma_wait3A_340 = arith.constant 0 : i32
        %dma_wait3A_341 = arith.constant 0 : i32
        %dma_wait3A_342 = tpu.memref_slice %arg6[%dma_wait3A_339, %dma_wait3A_340, %dma_wait3A_341] : memref<5x128x128xf32, #tpu.memory_space<vmem>> -> memref<1x128x128xf32, #tpu.memory_space<vmem>>
        %dma_wait3A_343 = tpu.memref_squeeze %dma_wait3A_342 : memref<1x128x128xf32, #tpu.memory_space<vmem>> -> memref<128x128xf32, #tpu.memory_space<vmem>>
        %dma_wait3A_344 = arith.constant 0 : i32
        %dma_wait3A_345 = arith.constant 0 : i32
        %dma_wait3A_346 = tpu.memref_slice %arg4[%dma_wait3A_344, %dma_wait3A_345] : memref<327680x128xf32, #tpu.memory_space<hbm>> -> memref<128x128xf32, #tpu.memory_space<hbm>>
        %dma_wait3A_347 = arith.constant 0 : i32
        %dma_wait3A_348 = arith.constant 0 : i32
        %dma_wait3A_349 = tpu.memref_slice %arg4[%dma_wait3A_347, %dma_wait3A_348] : memref<327680x128xf32, #tpu.memory_space<hbm>> -> memref<128x128xf32, #tpu.memory_space<hbm>>
        %dma_wait3A_350 = arith.constant 0 : i32
        %dma_wait3A_351 = arith.constant 0 : i32
        %dma_wait3A_352 = tpu.memref_slice %arg6[%dma_wait3A_339, %dma_wait3A_350, %dma_wait3A_351] : memref<5x128x128xf32, #tpu.memory_space<vmem>> -> memref<1x128x128xf32, #tpu.memory_space<vmem>>
        %dma_wait3A_353 = tpu.memref_squeeze %dma_wait3A_352 : memref<1x128x128xf32, #tpu.memory_space<vmem>> -> memref<128x128xf32, #tpu.memory_space<vmem>>
        tpu.wait_dma2 semaphore(%arg16 : memref<!tpu.dma_semaphore, #tpu.memory_space<semaphore_mem>>) src(%dma_wait3A_353 : memref<128x128xf32, #tpu.memory_space<vmem>>) dst(%dma_wait3A_349 : memref<128x128xf32, #tpu.memory_space<hbm>>)
        %add3A_354 = arith.constant 4 : i32
        %add3A_355 = arith.addi %add3A_146, %add3A_354 : i32
        %add3A_356 = arith.constant 5 : i32
        %add3A_357 = arith.addi %add3A_355, %add3A_356 : i32
        %dma_start3A_358 = arith.constant 4 : i32
        %dma_start3A_359 = arith.constant 0 : i32
        %dma_start3A_360 = arith.constant 0 : i32
        %dma_start3A_361 = tpu.memref_slice %arg6[%dma_start3A_358, %dma_start3A_359, %dma_start3A_360] : memref<5x128x128xf32, #tpu.memory_space<vmem>> -> memref<1x128x128xf32, #tpu.memory_space<vmem>>
        %dma_start3A_362 = tpu.memref_squeeze %dma_start3A_361 : memref<1x128x128xf32, #tpu.memory_space<vmem>> -> memref<128x128xf32, #tpu.memory_space<vmem>>
        %dma_start3A_363 = arith.constant 0 : i32
        %dma_start3A_364 = tpu.memref_slice %arg5[%add3A_357, %dma_start3A_363] : memref<80x128xi32, #tpu.memory_space<vmem>> -> memref<1x128xi32, #tpu.memory_space<vmem>>
        %dma_start3A_365 = tpu.memref_squeeze %dma_start3A_364 : memref<1x128xi32, #tpu.memory_space<vmem>> -> memref<128xi32, #tpu.memory_space<vmem>>
        %dma_start3A_366 = arith.constant 0 : i32
        %dma_start3A_367 = arith.constant 0 : i32
        %dma_start3A_368 = tpu.memref_slice %arg2[%dma_start3A_366, %dma_start3A_367] : memref<10000x128xf32, #tpu.memory_space<hbm>> -> memref<10000x128xf32, #tpu.memory_space<hbm>>
        tpu.enqueue_indirect_dma source(%dma_start3A_368 : memref<10000x128xf32, #tpu.memory_space<hbm>>) target(%dma_start3A_362 : memref<128x128xf32, #tpu.memory_space<vmem>>) offsets(%dma_start3A_365 : memref<128xi32, #tpu.memory_space<vmem>>) semaphore(%arg11 : memref<!tpu.dma_semaphore, #tpu.memory_space<semaphore_mem>>)
      } else {
      }
    }
    %scan3A_67 = arith.constant 16 : i32
    %dma_wait3A = arith.constant 0 : i32
    %dma_wait3A_68 = arith.constant 0 : i32
    %dma_wait3A_69 = arith.constant 0 : i32
    %dma_wait3A_70 = tpu.memref_slice %arg6[%dma_wait3A, %dma_wait3A_68, %dma_wait3A_69] : memref<5x128x128xf32, #tpu.memory_space<vmem>> -> memref<1x128x128xf32, #tpu.memory_space<vmem>>
    %dma_wait3A_71 = tpu.memref_squeeze %dma_wait3A_70 : memref<1x128x128xf32, #tpu.memory_space<vmem>> -> memref<128x128xf32, #tpu.memory_space<vmem>>
    %dma_wait3A_72 = arith.constant 0 : i32
    %dma_wait3A_73 = arith.constant 0 : i32
    %dma_wait3A_74 = tpu.memref_slice %arg4[%dma_wait3A_72, %dma_wait3A_73] : memref<327680x128xf32, #tpu.memory_space<hbm>> -> memref<128x128xf32, #tpu.memory_space<hbm>>
    %dma_wait3A_75 = arith.constant 0 : i32
    %dma_wait3A_76 = arith.constant 0 : i32
    %dma_wait3A_77 = tpu.memref_slice %arg4[%dma_wait3A_75, %dma_wait3A_76] : memref<327680x128xf32, #tpu.memory_space<hbm>> -> memref<128x128xf32, #tpu.memory_space<hbm>>
    %dma_wait3A_78 = arith.constant 0 : i32
    %dma_wait3A_79 = arith.constant 0 : i32
    %dma_wait3A_80 = tpu.memref_slice %arg6[%dma_wait3A, %dma_wait3A_78, %dma_wait3A_79] : memref<5x128x128xf32, #tpu.memory_space<vmem>> -> memref<1x128x128xf32, #tpu.memory_space<vmem>>
    %dma_wait3A_81 = tpu.memref_squeeze %dma_wait3A_80 : memref<1x128x128xf32, #tpu.memory_space<vmem>> -> memref<128x128xf32, #tpu.memory_space<vmem>>
    tpu.wait_dma2 semaphore(%arg12 : memref<!tpu.dma_semaphore, #tpu.memory_space<semaphore_mem>>) src(%dma_wait3A_81 : memref<128x128xf32, #tpu.memory_space<vmem>>) dst(%dma_wait3A_77 : memref<128x128xf32, #tpu.memory_space<hbm>>)
    %dma_wait3A_82 = arith.constant 1 : i32
    %dma_wait3A_83 = arith.constant 0 : i32
    %dma_wait3A_84 = arith.constant 0 : i32
    %dma_wait3A_85 = tpu.memref_slice %arg6[%dma_wait3A_82, %dma_wait3A_83, %dma_wait3A_84] : memref<5x128x128xf32, #tpu.memory_space<vmem>> -> memref<1x128x128xf32, #tpu.memory_space<vmem>>
    %dma_wait3A_86 = tpu.memref_squeeze %dma_wait3A_85 : memref<1x128x128xf32, #tpu.memory_space<vmem>> -> memref<128x128xf32, #tpu.memory_space<vmem>>
    %dma_wait3A_87 = arith.constant 0 : i32
    %dma_wait3A_88 = arith.constant 0 : i32
    %dma_wait3A_89 = tpu.memref_slice %arg4[%dma_wait3A_87, %dma_wait3A_88] : memref<327680x128xf32, #tpu.memory_space<hbm>> -> memref<128x128xf32, #tpu.memory_space<hbm>>
    %dma_wait3A_90 = arith.constant 0 : i32
    %dma_wait3A_91 = arith.constant 0 : i32
    %dma_wait3A_92 = tpu.memref_slice %arg4[%dma_wait3A_90, %dma_wait3A_91] : memref<327680x128xf32, #tpu.memory_space<hbm>> -> memref<128x128xf32, #tpu.memory_space<hbm>>
    %dma_wait3A_93 = arith.constant 0 : i32
    %dma_wait3A_94 = arith.constant 0 : i32
    %dma_wait3A_95 = tpu.memref_slice %arg6[%dma_wait3A_82, %dma_wait3A_93, %dma_wait3A_94] : memref<5x128x128xf32, #tpu.memory_space<vmem>> -> memref<1x128x128xf32, #tpu.memory_space<vmem>>
    %dma_wait3A_96 = tpu.memref_squeeze %dma_wait3A_95 : memref<1x128x128xf32, #tpu.memory_space<vmem>> -> memref<128x128xf32, #tpu.memory_space<vmem>>
    tpu.wait_dma2 semaphore(%arg13 : memref<!tpu.dma_semaphore, #tpu.memory_space<semaphore_mem>>) src(%dma_wait3A_96 : memref<128x128xf32, #tpu.memory_space<vmem>>) dst(%dma_wait3A_92 : memref<128x128xf32, #tpu.memory_space<hbm>>)
    %dma_wait3A_97 = arith.constant 2 : i32
    %dma_wait3A_98 = arith.constant 0 : i32
    %dma_wait3A_99 = arith.constant 0 : i32
    %dma_wait3A_100 = tpu.memref_slice %arg6[%dma_wait3A_97, %dma_wait3A_98, %dma_wait3A_99] : memref<5x128x128xf32, #tpu.memory_space<vmem>> -> memref<1x128x128xf32, #tpu.memory_space<vmem>>
    %dma_wait3A_101 = tpu.memref_squeeze %dma_wait3A_100 : memref<1x128x128xf32, #tpu.memory_space<vmem>> -> memref<128x128xf32, #tpu.memory_space<vmem>>
    %dma_wait3A_102 = arith.constant 0 : i32
    %dma_wait3A_103 = arith.constant 0 : i32
    %dma_wait3A_104 = tpu.memref_slice %arg4[%dma_wait3A_102, %dma_wait3A_103] : memref<327680x128xf32, #tpu.memory_space<hbm>> -> memref<128x128xf32, #tpu.memory_space<hbm>>
    %dma_wait3A_105 = arith.constant 0 : i32
    %dma_wait3A_106 = arith.constant 0 : i32
    %dma_wait3A_107 = tpu.memref_slice %arg4[%dma_wait3A_105, %dma_wait3A_106] : memref<327680x128xf32, #tpu.memory_space<hbm>> -> memref<128x128xf32, #tpu.memory_space<hbm>>
    %dma_wait3A_108 = arith.constant 0 : i32
    %dma_wait3A_109 = arith.constant 0 : i32
    %dma_wait3A_110 = tpu.memref_slice %arg6[%dma_wait3A_97, %dma_wait3A_108, %dma_wait3A_109] : memref<5x128x128xf32, #tpu.memory_space<vmem>> -> memref<1x128x128xf32, #tpu.memory_space<vmem>>
    %dma_wait3A_111 = tpu.memref_squeeze %dma_wait3A_110 : memref<1x128x128xf32, #tpu.memory_space<vmem>> -> memref<128x128xf32, #tpu.memory_space<vmem>>
    tpu.wait_dma2 semaphore(%arg14 : memref<!tpu.dma_semaphore, #tpu.memory_space<semaphore_mem>>) src(%dma_wait3A_111 : memref<128x128xf32, #tpu.memory_space<vmem>>) dst(%dma_wait3A_107 : memref<128x128xf32, #tpu.memory_space<hbm>>)
    %dma_wait3A_112 = arith.constant 3 : i32
    %dma_wait3A_113 = arith.constant 0 : i32
    %dma_wait3A_114 = arith.constant 0 : i32
    %dma_wait3A_115 = tpu.memref_slice %arg6[%dma_wait3A_112, %dma_wait3A_113, %dma_wait3A_114] : memref<5x128x128xf32, #tpu.memory_space<vmem>> -> memref<1x128x128xf32, #tpu.memory_space<vmem>>
    %dma_wait3A_116 = tpu.memref_squeeze %dma_wait3A_115 : memref<1x128x128xf32, #tpu.memory_space<vmem>> -> memref<128x128xf32, #tpu.memory_space<vmem>>
    %dma_wait3A_117 = arith.constant 0 : i32
    %dma_wait3A_118 = arith.constant 0 : i32
    %dma_wait3A_119 = tpu.memref_slice %arg4[%dma_wait3A_117, %dma_wait3A_118] : memref<327680x128xf32, #tpu.memory_space<hbm>> -> memref<128x128xf32, #tpu.memory_space<hbm>>
    %dma_wait3A_120 = arith.constant 0 : i32
    %dma_wait3A_121 = arith.constant 0 : i32
    %dma_wait3A_122 = tpu.memref_slice %arg4[%dma_wait3A_120, %dma_wait3A_121] : memref<327680x128xf32, #tpu.memory_space<hbm>> -> memref<128x128xf32, #tpu.memory_space<hbm>>
    %dma_wait3A_123 = arith.constant 0 : i32
    %dma_wait3A_124 = arith.constant 0 : i32
    %dma_wait3A_125 = tpu.memref_slice %arg6[%dma_wait3A_112, %dma_wait3A_123, %dma_wait3A_124] : memref<5x128x128xf32, #tpu.memory_space<vmem>> -> memref<1x128x128xf32, #tpu.memory_space<vmem>>
    %dma_wait3A_126 = tpu.memref_squeeze %dma_wait3A_125 : memref<1x128x128xf32, #tpu.memory_space<vmem>> -> memref<128x128xf32, #tpu.memory_space<vmem>>
    tpu.wait_dma2 semaphore(%arg15 : memref<!tpu.dma_semaphore, #tpu.memory_space<semaphore_mem>>) src(%dma_wait3A_126 : memref<128x128xf32, #tpu.memory_space<vmem>>) dst(%dma_wait3A_122 : memref<128x128xf32, #tpu.memory_space<hbm>>)
    %dma_wait3A_127 = arith.constant 4 : i32
    %dma_wait3A_128 = arith.constant 0 : i32
    %dma_wait3A_129 = arith.constant 0 : i32
    %dma_wait3A_130 = tpu.memref_slice %arg6[%dma_wait3A_127, %dma_wait3A_128, %dma_wait3A_129] : memref<5x128x128xf32, #tpu.memory_space<vmem>> -> memref<1x128x128xf32, #tpu.memory_space<vmem>>
    %dma_wait3A_131 = tpu.memref_squeeze %dma_wait3A_130 : memref<1x128x128xf32, #tpu.memory_space<vmem>> -> memref<128x128xf32, #tpu.memory_space<vmem>>
    %dma_wait3A_132 = arith.constant 0 : i32
    %dma_wait3A_133 = arith.constant 0 : i32
    %dma_wait3A_134 = tpu.memref_slice %arg4[%dma_wait3A_132, %dma_wait3A_133] : memref<327680x128xf32, #tpu.memory_space<hbm>> -> memref<128x128xf32, #tpu.memory_space<hbm>>
    %dma_wait3A_135 = arith.constant 0 : i32
    %dma_wait3A_136 = arith.constant 0 : i32
    %dma_wait3A_137 = tpu.memref_slice %arg4[%dma_wait3A_135, %dma_wait3A_136] : memref<327680x128xf32, #tpu.memory_space<hbm>> -> memref<128x128xf32, #tpu.memory_space<hbm>>
    %dma_wait3A_138 = arith.constant 0 : i32
    %dma_wait3A_139 = arith.constant 0 : i32
    %dma_wait3A_140 = tpu.memref_slice %arg6[%dma_wait3A_127, %dma_wait3A_138, %dma_wait3A_139] : memref<5x128x128xf32, #tpu.memory_space<vmem>> -> memref<1x128x128xf32, #tpu.memory_space<vmem>>
    %dma_wait3A_141 = tpu.memref_squeeze %dma_wait3A_140 : memref<1x128x128xf32, #tpu.memory_space<vmem>> -> memref<128x128xf32, #tpu.memory_space<vmem>>
    tpu.wait_dma2 semaphore(%arg16 : memref<!tpu.dma_semaphore, #tpu.memory_space<semaphore_mem>>) src(%dma_wait3A_141 : memref<128x128xf32, #tpu.memory_space<vmem>>) dst(%dma_wait3A_137 : memref<128x128xf32, #tpu.memory_space<hbm>>)
    return
  }
}

#map = affine_map<(d0, d1) -> (0, 0)>
module attributes {stable_mosaic.version = 14 : i64} {
  func.func @_sc_scatter(%arg0: i32, %arg1: i32, %arg2: memref<327680x128xf32, #tpu.memory_space<hbm>>, %arg3: memref<2560x128xi32, #tpu.memory_space<hbm>>, %arg4: memref<10240x128xf32, #tpu.memory_space<hbm>>, %arg5: memref<160x128xi32, #tpu.memory_space<vmem>>, %arg6: memref<128x128xf32, #tpu.memory_space<vmem>>, %arg7: memref<128x128xf32, #tpu.memory_space<vmem>>, %arg8: memref<128x128xf32, #tpu.memory_space<vmem>>, %arg9: memref<128x128xf32, #tpu.memory_space<vmem>>, %arg10: memref<128xi32, #tpu.memory_space<vmem>>, %arg11: memref<128xi32, #tpu.memory_space<vmem>>, %arg12: memref<128xi32, #tpu.memory_space<vmem>>, %arg13: memref<128xi32, #tpu.memory_space<vmem>>, %arg14: memref<5128x128xf32, #tpu.memory_space<vmem_shared>>, %arg15: memref<!tpu.dma_semaphore, #tpu.memory_space<semaphore_mem>>, %arg16: memref<!tpu.dma_semaphore, #tpu.memory_space<semaphore_mem>>, %arg17: memref<!tpu.dma_semaphore, #tpu.memory_space<semaphore_mem>>, %arg18: memref<!tpu.dma_semaphore, #tpu.memory_space<semaphore_mem>>, %arg19: memref<!tpu.dma_semaphore, #tpu.memory_space<semaphore_mem>>) attributes {dimension_semantics = [#tpu.dimension_semantics<core_parallel>, #tpu.dimension_semantics<subcore_parallel>], iteration_bounds = array<i64: 2, 16>, scalar_prefetch = 0 : i64, scratch_operands = 15 : i64, tpu.core_type = #tpu.core_type<sc_vector_subcore>, window_params = [{transform_indices = #map}, {transform_indices = #map}, {transform_indices = #map}]} {
    %mul3A = arith.constant 5120 : i32
    %mul3A_0 = arith.muli %arg0, %mul3A : i32
    %mul3A_1 = arith.constant 320 : i32
    %mul3A_2 = arith.muli %arg1, %mul3A_1 : i32
    %dma_start3A = arith.constant 0 : i32
    %dma_start3A_3 = tpu.memref_slice %arg14[%mul3A_2, %dma_start3A] : memref<5128x128xf32, #tpu.memory_space<vmem_shared>> -> memref<320x128xf32, #tpu.memory_space<vmem_shared>>
    %dma_start3A_4 = arith.constant 320000 : i32
    %dma_start3A_5 = arith.constant 0 : i32
    %dma_start3A_6 = tpu.memref_slice %arg2[%dma_start3A_4, %dma_start3A_5] : memref<327680x128xf32, #tpu.memory_space<hbm>> -> memref<320x128xf32, #tpu.memory_space<hbm>>
    tpu.enqueue_dma source(%dma_start3A_6 : memref<320x128xf32, #tpu.memory_space<hbm>>) target(%dma_start3A_3 : memref<320x128xf32, #tpu.memory_space<vmem_shared>>) target_semaphore(%arg15 : memref<!tpu.dma_semaphore, #tpu.memory_space<semaphore_mem>>)
    %dma_wait3A = arith.constant 0 : i32
    %dma_wait3A_7 = tpu.memref_slice %arg14[%mul3A_2, %dma_wait3A] : memref<5128x128xf32, #tpu.memory_space<vmem_shared>> -> memref<320x128xf32, #tpu.memory_space<vmem_shared>>
    %dma_wait3A_8 = arith.constant 320000 : i32
    %dma_wait3A_9 = arith.constant 0 : i32
    %dma_wait3A_10 = tpu.memref_slice %arg2[%dma_wait3A_8, %dma_wait3A_9] : memref<327680x128xf32, #tpu.memory_space<hbm>> -> memref<320x128xf32, #tpu.memory_space<hbm>>
    tpu.wait_dma2 semaphore(%arg15 : memref<!tpu.dma_semaphore, #tpu.memory_space<semaphore_mem>>) src(%dma_wait3A_10 : memref<320x128xf32, #tpu.memory_space<hbm>>) dst(%dma_wait3A_7 : memref<320x128xf32, #tpu.memory_space<vmem_shared>>)
    %eq3A = arith.constant 0 : i32
    %eq3A_11 = arith.cmpi eq, %arg1, %eq3A : i32
    %convert_element_type3A = arith.extui %eq3A_11 : i1 to i32
    %cond3A = arith.constant 0 : i32
    %cond3A_12 = arith.cmpi ne, %convert_element_type3A, %cond3A : i32
    scf.if %cond3A_12 {
      %dma_start3A_61 = arith.constant 5120 : i32
      %dma_start3A_62 = arith.constant 0 : i32
      %dma_start3A_63 = tpu.memref_slice %arg14[%dma_start3A_61, %dma_start3A_62] : memref<5128x128xf32, #tpu.memory_space<vmem_shared>> -> memref<8x128xf32, #tpu.memory_space<vmem_shared>>
      %dma_start3A_64 = arith.constant 320000 : i32
      %dma_start3A_65 = arith.constant 0 : i32
      %dma_start3A_66 = tpu.memref_slice %arg2[%dma_start3A_64, %dma_start3A_65] : memref<327680x128xf32, #tpu.memory_space<hbm>> -> memref<8x128xf32, #tpu.memory_space<hbm>>
      tpu.enqueue_dma source(%dma_start3A_66 : memref<8x128xf32, #tpu.memory_space<hbm>>) target(%dma_start3A_63 : memref<8x128xf32, #tpu.memory_space<vmem_shared>>) target_semaphore(%arg15 : memref<!tpu.dma_semaphore, #tpu.memory_space<semaphore_mem>>)
      %dma_wait3A_67 = arith.constant 5120 : i32
      %dma_wait3A_68 = arith.constant 0 : i32
      %dma_wait3A_69 = tpu.memref_slice %arg14[%dma_wait3A_67, %dma_wait3A_68] : memref<5128x128xf32, #tpu.memory_space<vmem_shared>> -> memref<8x128xf32, #tpu.memory_space<vmem_shared>>
      %dma_wait3A_70 = arith.constant 320000 : i32
      %dma_wait3A_71 = arith.constant 0 : i32
      %dma_wait3A_72 = tpu.memref_slice %arg2[%dma_wait3A_70, %dma_wait3A_71] : memref<327680x128xf32, #tpu.memory_space<hbm>> -> memref<8x128xf32, #tpu.memory_space<hbm>>
      tpu.wait_dma2 semaphore(%arg15 : memref<!tpu.dma_semaphore, #tpu.memory_space<semaphore_mem>>) src(%dma_wait3A_72 : memref<8x128xf32, #tpu.memory_space<hbm>>) dst(%dma_wait3A_69 : memref<8x128xf32, #tpu.memory_space<vmem_shared>>)
    } else {
    }
    %mul3A_13 = arith.constant 2 : i32
    %mul3A_14 = arith.muli %arg1, %mul3A_13 : i32
    %mul3A_15 = arith.constant 80 : i32
    %mul3A_16 = arith.muli %mul3A_14, %mul3A_15 : i32
    %dma_start3A_17 = arith.constant 0 : i32
    %dma_start3A_18 = tpu.memref_slice %arg3[%mul3A_16, %dma_start3A_17] : memref<2560x128xi32, #tpu.memory_space<hbm>> -> memref<160x128xi32, #tpu.memory_space<hbm>>
    %dma_start3A_19 = arith.constant 0 : i32
    %dma_start3A_20 = tpu.memref_slice %arg3[%mul3A_16, %dma_start3A_19] : memref<2560x128xi32, #tpu.memory_space<hbm>> -> memref<160x128xi32, #tpu.memory_space<hbm>>
    tpu.enqueue_dma source(%dma_start3A_20 : memref<160x128xi32, #tpu.memory_space<hbm>>) target(%arg5 : memref<160x128xi32, #tpu.memory_space<vmem>>) target_semaphore(%arg15 : memref<!tpu.dma_semaphore, #tpu.memory_space<semaphore_mem>>)
    %dma_wait3A_21 = arith.constant 0 : i32
    %dma_wait3A_22 = tpu.memref_slice %arg3[%mul3A_16, %dma_wait3A_21] : memref<2560x128xi32, #tpu.memory_space<hbm>> -> memref<160x128xi32, #tpu.memory_space<hbm>>
    %dma_wait3A_23 = arith.constant 0 : i32
    %dma_wait3A_24 = tpu.memref_slice %arg3[%mul3A_16, %dma_wait3A_23] : memref<2560x128xi32, #tpu.memory_space<hbm>> -> memref<160x128xi32, #tpu.memory_space<hbm>>
    tpu.wait_dma2 semaphore(%arg15 : memref<!tpu.dma_semaphore, #tpu.memory_space<semaphore_mem>>) src(%dma_wait3A_24 : memref<160x128xi32, #tpu.memory_space<hbm>>) dst(%arg5 : memref<160x128xi32, #tpu.memory_space<vmem>>)
    %barrier3A = arith.constant 0 : index
    tpu.barrier barrier_id(%barrier3A)
    %mul3A_25 = arith.constant 2 : i32
    %mul3A_26 = arith.muli %arg1, %mul3A_25 : i32
    %add3A = arith.constant 0 : i32
    %add3A_27 = arith.addi %mul3A_26, %add3A : i32
    %mul3A_28 = arith.constant 10240 : i32
    %mul3A_29 = arith.muli %add3A_27, %mul3A_28 : i32
    %scan3A = arith.constant 0 : i32
    %scan3A_30 = arith.constant 20 : i32
    %scan3A_31 = arith.addi %scan3A, %scan3A_30 : i32
    %scan3A_32 = arith.constant 1 : i32
    scf.for %scan3A_61 = %scan3A to %scan3A_31 step %scan3A_32  : i32 {
      %mul3A_62 = arith.constant 4 : i32
      %mul3A_63 = arith.muli %scan3A_61, %mul3A_62 : i32
      %add3A_64 = arith.constant 0 : i32
      %add3A_65 = arith.addi %add3A_64, %mul3A_63 : i32
      %add3A_66 = arith.constant 0 : i32
      %add3A_67 = arith.addi %add3A_65, %add3A_66 : i32
      %mul3A_68 = arith.constant 128 : i32
      %mul3A_69 = arith.muli %add3A_67, %mul3A_68 : i32
      %add3A_70 = arith.addi %mul3A_29, %mul3A_69 : i32
      %dma_start3A_71 = arith.constant 0 : i32
      %dma_start3A_72 = tpu.memref_slice %arg2[%add3A_70, %dma_start3A_71] : memref<327680x128xf32, #tpu.memory_space<hbm>> -> memref<128x128xf32, #tpu.memory_space<hbm>>
      %dma_start3A_73 = arith.constant 0 : i32
      %dma_start3A_74 = tpu.memref_slice %arg2[%add3A_70, %dma_start3A_73] : memref<327680x128xf32, #tpu.memory_space<hbm>> -> memref<128x128xf32, #tpu.memory_space<hbm>>
      tpu.enqueue_dma source(%dma_start3A_74 : memref<128x128xf32, #tpu.memory_space<hbm>>) target(%arg6 : memref<128x128xf32, #tpu.memory_space<vmem>>) target_semaphore(%arg15 : memref<!tpu.dma_semaphore, #tpu.memory_space<semaphore_mem>>)
      %add3A_75 = arith.constant 1 : i32
      %add3A_76 = arith.addi %add3A_65, %add3A_75 : i32
      %mul3A_77 = arith.constant 128 : i32
      %mul3A_78 = arith.muli %add3A_76, %mul3A_77 : i32
      %add3A_79 = arith.addi %mul3A_29, %mul3A_78 : i32
      %dma_start3A_80 = arith.constant 0 : i32
      %dma_start3A_81 = tpu.memref_slice %arg2[%add3A_79, %dma_start3A_80] : memref<327680x128xf32, #tpu.memory_space<hbm>> -> memref<128x128xf32, #tpu.memory_space<hbm>>
      %dma_start3A_82 = arith.constant 0 : i32
      %dma_start3A_83 = tpu.memref_slice %arg2[%add3A_79, %dma_start3A_82] : memref<327680x128xf32, #tpu.memory_space<hbm>> -> memref<128x128xf32, #tpu.memory_space<hbm>>
      tpu.enqueue_dma source(%dma_start3A_83 : memref<128x128xf32, #tpu.memory_space<hbm>>) target(%arg7 : memref<128x128xf32, #tpu.memory_space<vmem>>) target_semaphore(%arg16 : memref<!tpu.dma_semaphore, #tpu.memory_space<semaphore_mem>>)
      %add3A_84 = arith.constant 2 : i32
      %add3A_85 = arith.addi %add3A_65, %add3A_84 : i32
      %mul3A_86 = arith.constant 128 : i32
      %mul3A_87 = arith.muli %add3A_85, %mul3A_86 : i32
      %add3A_88 = arith.addi %mul3A_29, %mul3A_87 : i32
      %dma_start3A_89 = arith.constant 0 : i32
      %dma_start3A_90 = tpu.memref_slice %arg2[%add3A_88, %dma_start3A_89] : memref<327680x128xf32, #tpu.memory_space<hbm>> -> memref<128x128xf32, #tpu.memory_space<hbm>>
      %dma_start3A_91 = arith.constant 0 : i32
      %dma_start3A_92 = tpu.memref_slice %arg2[%add3A_88, %dma_start3A_91] : memref<327680x128xf32, #tpu.memory_space<hbm>> -> memref<128x128xf32, #tpu.memory_space<hbm>>
      tpu.enqueue_dma source(%dma_start3A_92 : memref<128x128xf32, #tpu.memory_space<hbm>>) target(%arg8 : memref<128x128xf32, #tpu.memory_space<vmem>>) target_semaphore(%arg17 : memref<!tpu.dma_semaphore, #tpu.memory_space<semaphore_mem>>)
      %add3A_93 = arith.constant 3 : i32
      %add3A_94 = arith.addi %add3A_65, %add3A_93 : i32
      %mul3A_95 = arith.constant 128 : i32
      %mul3A_96 = arith.muli %add3A_94, %mul3A_95 : i32
      %add3A_97 = arith.addi %mul3A_29, %mul3A_96 : i32
      %dma_start3A_98 = arith.constant 0 : i32
      %dma_start3A_99 = tpu.memref_slice %arg2[%add3A_97, %dma_start3A_98] : memref<327680x128xf32, #tpu.memory_space<hbm>> -> memref<128x128xf32, #tpu.memory_space<hbm>>
      %dma_start3A_100 = arith.constant 0 : i32
      %dma_start3A_101 = tpu.memref_slice %arg2[%add3A_97, %dma_start3A_100] : memref<327680x128xf32, #tpu.memory_space<hbm>> -> memref<128x128xf32, #tpu.memory_space<hbm>>
      tpu.enqueue_dma source(%dma_start3A_101 : memref<128x128xf32, #tpu.memory_space<hbm>>) target(%arg9 : memref<128x128xf32, #tpu.memory_space<vmem>>) target_semaphore(%arg18 : memref<!tpu.dma_semaphore, #tpu.memory_space<semaphore_mem>>)
      %add3A_102 = arith.constant 0 : i32
      %add3A_103 = arith.addi %add3A_102, %add3A_65 : i32
      %add3A_104 = arith.constant 0 : i32
      %add3A_105 = arith.addi %add3A_103, %add3A_104 : i32
      %get3A = arith.index_cast %add3A_105 : i32 to index
      %get3A_106 = arith.constant 0 : index
      %get3A_107 = tpu.vector_load %arg5[%get3A, %get3A_106] {strides = array<i32>} : memref<160x128xi32, #tpu.memory_space<vmem>>, vector<1x16xi32>,
      %get3A_108 = vector.shape_cast %get3A_107 : vector<1x16xi32> to vector<16xi32>
      %sub3A = vector.broadcast %mul3A_0 : i32 to vector<16xi32>
      %sub3A_109 = arith.subi %get3A_108, %sub3A : vector<16xi32>
      %ge3A = arith.constant 0 : i32
      %ge3A_110 = vector.broadcast %ge3A : i32 to vector<16xi32>
      %ge3A_111 = arith.cmpi sge, %sub3A_109, %ge3A_110 : vector<16xi32>
      %lt3A = arith.constant 5120 : i32
      %lt3A_112 = vector.broadcast %lt3A : i32 to vector<16xi32>
      %lt3A_113 = arith.cmpi slt, %sub3A_109, %lt3A_112 : vector<16xi32>
      %and3A = arith.andi %ge3A_111, %lt3A_113 : vector<16xi1>
      %jit3A = arith.constant 5120 : i32
      %broadcast_in_dim3A = vector.broadcast %jit3A : i32 to vector<16xi32>
      %select_n3A = arith.select %and3A, %sub3A_109, %broadcast_in_dim3A : vector<16xi1>, vector<16xi32>
      %swap3A = arith.constant 0 : index
      %swap3A_114 = tpu.vector_load %arg10[%swap3A] {strides = array<i32>} : memref<128xi32, #tpu.memory_space<vmem>>, vector<16xi32>,
      %swap3A_115 = vector.shape_cast %swap3A_114 : vector<16xi32> to vector<16xi32>
      %swap3A_116 = vector.shape_cast %select_n3A : vector<16xi32> to vector<16xi32>
      tpu.vector_store %arg10[%swap3A], %swap3A_116 {strides = array<i32>} : memref<128xi32, #tpu.memory_space<vmem>>, vector<16xi32>,
      %get3A_117 = arith.index_cast %add3A_105 : i32 to index
      %get3A_118 = arith.constant 16 : index
      %get3A_119 = tpu.vector_load %arg5[%get3A_117, %get3A_118] {strides = array<i32>} : memref<160x128xi32, #tpu.memory_space<vmem>>, vector<1x16xi32>,
      %get3A_120 = vector.shape_cast %get3A_119 : vector<1x16xi32> to vector<16xi32>
      %sub3A_121 = vector.broadcast %mul3A_0 : i32 to vector<16xi32>
      %sub3A_122 = arith.subi %get3A_120, %sub3A_121 : vector<16xi32>
      %ge3A_123 = arith.constant 0 : i32
      %ge3A_124 = vector.broadcast %ge3A_123 : i32 to vector<16xi32>
      %ge3A_125 = arith.cmpi sge, %sub3A_122, %ge3A_124 : vector<16xi32>
      %lt3A_126 = arith.constant 5120 : i32
      %lt3A_127 = vector.broadcast %lt3A_126 : i32 to vector<16xi32>
      %lt3A_128 = arith.cmpi slt, %sub3A_122, %lt3A_127 : vector<16xi32>
      %and3A_129 = arith.andi %ge3A_125, %lt3A_128 : vector<16xi1>
      %jit3A_130 = arith.constant 5120 : i32
      %broadcast_in_dim3A_131 = vector.broadcast %jit3A_130 : i32 to vector<16xi32>
      %select_n3A_132 = arith.select %and3A_129, %sub3A_122, %broadcast_in_dim3A_131 : vector<16xi1>, vector<16xi32>
      %swap3A_133 = arith.constant 16 : index
      %swap3A_134 = tpu.vector_load %arg10[%swap3A_133] {strides = array<i32>} : memref<128xi32, #tpu.memory_space<vmem>>, vector<16xi32>,
      %swap3A_135 = vector.shape_cast %swap3A_134 : vector<16xi32> to vector<16xi32>
      %swap3A_136 = vector.shape_cast %select_n3A_132 : vector<16xi32> to vector<16xi32>
      tpu.vector_store %arg10[%swap3A_133], %swap3A_136 {strides = array<i32>} : memref<128xi32, #tpu.memory_space<vmem>>, vector<16xi32>,
      %get3A_137 = arith.index_cast %add3A_105 : i32 to index
      %get3A_138 = arith.constant 32 : index
      %get3A_139 = tpu.vector_load %arg5[%get3A_137, %get3A_138] {strides = array<i32>} : memref<160x128xi32, #tpu.memory_space<vmem>>, vector<1x16xi32>,
      %get3A_140 = vector.shape_cast %get3A_139 : vector<1x16xi32> to vector<16xi32>
      %sub3A_141 = vector.broadcast %mul3A_0 : i32 to vector<16xi32>
      %sub3A_142 = arith.subi %get3A_140, %sub3A_141 : vector<16xi32>
      %ge3A_143 = arith.constant 0 : i32
      %ge3A_144 = vector.broadcast %ge3A_143 : i32 to vector<16xi32>
      %ge3A_145 = arith.cmpi sge, %sub3A_142, %ge3A_144 : vector<16xi32>
      %lt3A_146 = arith.constant 5120 : i32
      %lt3A_147 = vector.broadcast %lt3A_146 : i32 to vector<16xi32>
      %lt3A_148 = arith.cmpi slt, %sub3A_142, %lt3A_147 : vector<16xi32>
      %and3A_149 = arith.andi %ge3A_145, %lt3A_148 : vector<16xi1>
      %jit3A_150 = arith.constant 5120 : i32
      %broadcast_in_dim3A_151 = vector.broadcast %jit3A_150 : i32 to vector<16xi32>
      %select_n3A_152 = arith.select %and3A_149, %sub3A_142, %broadcast_in_dim3A_151 : vector<16xi1>, vector<16xi32>
      %swap3A_153 = arith.constant 32 : index
      %swap3A_154 = tpu.vector_load %arg10[%swap3A_153] {strides = array<i32>} : memref<128xi32, #tpu.memory_space<vmem>>, vector<16xi32>,
      %swap3A_155 = vector.shape_cast %swap3A_154 : vector<16xi32> to vector<16xi32>
      %swap3A_156 = vector.shape_cast %select_n3A_152 : vector<16xi32> to vector<16xi32>
      tpu.vector_store %arg10[%swap3A_153], %swap3A_156 {strides = array<i32>} : memref<128xi32, #tpu.memory_space<vmem>>, vector<16xi32>,
      %get3A_157 = arith.index_cast %add3A_105 : i32 to index
      %get3A_158 = arith.constant 48 : index
      %get3A_159 = tpu.vector_load %arg5[%get3A_157, %get3A_158] {strides = array<i32>} : memref<160x128xi32, #tpu.memory_space<vmem>>, vector<1x16xi32>,
      %get3A_160 = vector.shape_cast %get3A_159 : vector<1x16xi32> to vector<16xi32>
      %sub3A_161 = vector.broadcast %mul3A_0 : i32 to vector<16xi32>
      %sub3A_162 = arith.subi %get3A_160, %sub3A_161 : vector<16xi32>
      %ge3A_163 = arith.constant 0 : i32
      %ge3A_164 = vector.broadcast %ge3A_163 : i32 to vector<16xi32>
      %ge3A_165 = arith.cmpi sge, %sub3A_162, %ge3A_164 : vector<16xi32>
      %lt3A_166 = arith.constant 5120 : i32
      %lt3A_167 = vector.broadcast %lt3A_166 : i32 to vector<16xi32>
      %lt3A_168 = arith.cmpi slt, %sub3A_162, %lt3A_167 : vector<16xi32>
      %and3A_169 = arith.andi %ge3A_165, %lt3A_168 : vector<16xi1>
      %jit3A_170 = arith.constant 5120 : i32
      %broadcast_in_dim3A_171 = vector.broadcast %jit3A_170 : i32 to vector<16xi32>
      %select_n3A_172 = arith.select %and3A_169, %sub3A_162, %broadcast_in_dim3A_171 : vector<16xi1>, vector<16xi32>
      %swap3A_173 = arith.constant 48 : index
      %swap3A_174 = tpu.vector_load %arg10[%swap3A_173] {strides = array<i32>} : memref<128xi32, #tpu.memory_space<vmem>>, vector<16xi32>,
      %swap3A_175 = vector.shape_cast %swap3A_174 : vector<16xi32> to vector<16xi32>
      %swap3A_176 = vector.shape_cast %select_n3A_172 : vector<16xi32> to vector<16xi32>
      tpu.vector_store %arg10[%swap3A_173], %swap3A_176 {strides = array<i32>} : memref<128xi32, #tpu.memory_space<vmem>>, vector<16xi32>,
      %get3A_177 = arith.index_cast %add3A_105 : i32 to index
      %get3A_178 = arith.constant 64 : index
      %get3A_179 = tpu.vector_load %arg5[%get3A_177, %get3A_178] {strides = array<i32>} : memref<160x128xi32, #tpu.memory_space<vmem>>, vector<1x16xi32>,
      %get3A_180 = vector.shape_cast %get3A_179 : vector<1x16xi32> to vector<16xi32>
      %sub3A_181 = vector.broadcast %mul3A_0 : i32 to vector<16xi32>
      %sub3A_182 = arith.subi %get3A_180, %sub3A_181 : vector<16xi32>
      %ge3A_183 = arith.constant 0 : i32
      %ge3A_184 = vector.broadcast %ge3A_183 : i32 to vector<16xi32>
      %ge3A_185 = arith.cmpi sge, %sub3A_182, %ge3A_184 : vector<16xi32>
      %lt3A_186 = arith.constant 5120 : i32
      %lt3A_187 = vector.broadcast %lt3A_186 : i32 to vector<16xi32>
      %lt3A_188 = arith.cmpi slt, %sub3A_182, %lt3A_187 : vector<16xi32>
      %and3A_189 = arith.andi %ge3A_185, %lt3A_188 : vector<16xi1>
      %jit3A_190 = arith.constant 5120 : i32
      %broadcast_in_dim3A_191 = vector.broadcast %jit3A_190 : i32 to vector<16xi32>
      %select_n3A_192 = arith.select %and3A_189, %sub3A_182, %broadcast_in_dim3A_191 : vector<16xi1>, vector<16xi32>
      %swap3A_193 = arith.constant 64 : index
      %swap3A_194 = tpu.vector_load %arg10[%swap3A_193] {strides = array<i32>} : memref<128xi32, #tpu.memory_space<vmem>>, vector<16xi32>,
      %swap3A_195 = vector.shape_cast %swap3A_194 : vector<16xi32> to vector<16xi32>
      %swap3A_196 = vector.shape_cast %select_n3A_192 : vector<16xi32> to vector<16xi32>
      tpu.vector_store %arg10[%swap3A_193], %swap3A_196 {strides = array<i32>} : memref<128xi32, #tpu.memory_space<vmem>>, vector<16xi32>,
      %get3A_197 = arith.index_cast %add3A_105 : i32 to index
      %get3A_198 = arith.constant 80 : index
      %get3A_199 = tpu.vector_load %arg5[%get3A_197, %get3A_198] {strides = array<i32>} : memref<160x128xi32, #tpu.memory_space<vmem>>, vector<1x16xi32>,
      %get3A_200 = vector.shape_cast %get3A_199 : vector<1x16xi32> to vector<16xi32>
      %sub3A_201 = vector.broadcast %mul3A_0 : i32 to vector<16xi32>
      %sub3A_202 = arith.subi %get3A_200, %sub3A_201 : vector<16xi32>
      %ge3A_203 = arith.constant 0 : i32
      %ge3A_204 = vector.broadcast %ge3A_203 : i32 to vector<16xi32>
      %ge3A_205 = arith.cmpi sge, %sub3A_202, %ge3A_204 : vector<16xi32>
      %lt3A_206 = arith.constant 5120 : i32
      %lt3A_207 = vector.broadcast %lt3A_206 : i32 to vector<16xi32>
      %lt3A_208 = arith.cmpi slt, %sub3A_202, %lt3A_207 : vector<16xi32>
      %and3A_209 = arith.andi %ge3A_205, %lt3A_208 : vector<16xi1>
      %jit3A_210 = arith.constant 5120 : i32
      %broadcast_in_dim3A_211 = vector.broadcast %jit3A_210 : i32 to vector<16xi32>
      %select_n3A_212 = arith.select %and3A_209, %sub3A_202, %broadcast_in_dim3A_211 : vector<16xi1>, vector<16xi32>
      %swap3A_213 = arith.constant 80 : index
      %swap3A_214 = tpu.vector_load %arg10[%swap3A_213] {strides = array<i32>} : memref<128xi32, #tpu.memory_space<vmem>>, vector<16xi32>,
      %swap3A_215 = vector.shape_cast %swap3A_214 : vector<16xi32> to vector<16xi32>
      %swap3A_216 = vector.shape_cast %select_n3A_212 : vector<16xi32> to vector<16xi32>
      tpu.vector_store %arg10[%swap3A_213], %swap3A_216 {strides = array<i32>} : memref<128xi32, #tpu.memory_space<vmem>>, vector<16xi32>,
      %get3A_217 = arith.index_cast %add3A_105 : i32 to index
      %get3A_218 = arith.constant 96 : index
      %get3A_219 = tpu.vector_load %arg5[%get3A_217, %get3A_218] {strides = array<i32>} : memref<160x128xi32, #tpu.memory_space<vmem>>, vector<1x16xi32>,
      %get3A_220 = vector.shape_cast %get3A_219 : vector<1x16xi32> to vector<16xi32>
      %sub3A_221 = vector.broadcast %mul3A_0 : i32 to vector<16xi32>
      %sub3A_222 = arith.subi %get3A_220, %sub3A_221 : vector<16xi32>
      %ge3A_223 = arith.constant 0 : i32
      %ge3A_224 = vector.broadcast %ge3A_223 : i32 to vector<16xi32>
      %ge3A_225 = arith.cmpi sge, %sub3A_222, %ge3A_224 : vector<16xi32>
      %lt3A_226 = arith.constant 5120 : i32
      %lt3A_227 = vector.broadcast %lt3A_226 : i32 to vector<16xi32>
      %lt3A_228 = arith.cmpi slt, %sub3A_222, %lt3A_227 : vector<16xi32>
      %and3A_229 = arith.andi %ge3A_225, %lt3A_228 : vector<16xi1>
      %jit3A_230 = arith.constant 5120 : i32
      %broadcast_in_dim3A_231 = vector.broadcast %jit3A_230 : i32 to vector<16xi32>
      %select_n3A_232 = arith.select %and3A_229, %sub3A_222, %broadcast_in_dim3A_231 : vector<16xi1>, vector<16xi32>
      %swap3A_233 = arith.constant 96 : index
      %swap3A_234 = tpu.vector_load %arg10[%swap3A_233] {strides = array<i32>} : memref<128xi32, #tpu.memory_space<vmem>>, vector<16xi32>,
      %swap3A_235 = vector.shape_cast %swap3A_234 : vector<16xi32> to vector<16xi32>
      %swap3A_236 = vector.shape_cast %select_n3A_232 : vector<16xi32> to vector<16xi32>
      tpu.vector_store %arg10[%swap3A_233], %swap3A_236 {strides = array<i32>} : memref<128xi32, #tpu.memory_space<vmem>>, vector<16xi32>,
      %get3A_237 = arith.index_cast %add3A_105 : i32 to index
      %get3A_238 = arith.constant 112 : index
      %get3A_239 = tpu.vector_load %arg5[%get3A_237, %get3A_238] {strides = array<i32>} : memref<160x128xi32, #tpu.memory_space<vmem>>, vector<1x16xi32>,
      %get3A_240 = vector.shape_cast %get3A_239 : vector<1x16xi32> to vector<16xi32>
      %sub3A_241 = vector.broadcast %mul3A_0 : i32 to vector<16xi32>
      %sub3A_242 = arith.subi %get3A_240, %sub3A_241 : vector<16xi32>
      %ge3A_243 = arith.constant 0 : i32
      %ge3A_244 = vector.broadcast %ge3A_243 : i32 to vector<16xi32>
      %ge3A_245 = arith.cmpi sge, %sub3A_242, %ge3A_244 : vector<16xi32>
      %lt3A_246 = arith.constant 5120 : i32
      %lt3A_247 = vector.broadcast %lt3A_246 : i32 to vector<16xi32>
      %lt3A_248 = arith.cmpi slt, %sub3A_242, %lt3A_247 : vector<16xi32>
      %and3A_249 = arith.andi %ge3A_245, %lt3A_248 : vector<16xi1>
      %jit3A_250 = arith.constant 5120 : i32
      %broadcast_in_dim3A_251 = vector.broadcast %jit3A_250 : i32 to vector<16xi32>
      %select_n3A_252 = arith.select %and3A_249, %sub3A_242, %broadcast_in_dim3A_251 : vector<16xi1>, vector<16xi32>
      %swap3A_253 = arith.constant 112 : index
      %swap3A_254 = tpu.vector_load %arg10[%swap3A_253] {strides = array<i32>} : memref<128xi32, #tpu.memory_space<vmem>>, vector<16xi32>,
      %swap3A_255 = vector.shape_cast %swap3A_254 : vector<16xi32> to vector<16xi32>
      %swap3A_256 = vector.shape_cast %select_n3A_252 : vector<16xi32> to vector<16xi32>
      tpu.vector_store %arg10[%swap3A_253], %swap3A_256 {strides = array<i32>} : memref<128xi32, #tpu.memory_space<vmem>>, vector<16xi32>,
      %dma_wait3A_257 = arith.constant 0 : i32
      %dma_wait3A_258 = tpu.memref_slice %arg2[%add3A_70, %dma_wait3A_257] : memref<327680x128xf32, #tpu.memory_space<hbm>> -> memref<128x128xf32, #tpu.memory_space<hbm>>
      %dma_wait3A_259 = arith.constant 0 : i32
      %dma_wait3A_260 = tpu.memref_slice %arg2[%add3A_70, %dma_wait3A_259] : memref<327680x128xf32, #tpu.memory_space<hbm>> -> memref<128x128xf32, #tpu.memory_space<hbm>>
      tpu.wait_dma2 semaphore(%arg15 : memref<!tpu.dma_semaphore, #tpu.memory_space<semaphore_mem>>) src(%dma_wait3A_260 : memref<128x128xf32, #tpu.memory_space<hbm>>) dst(%arg6 : memref<128x128xf32, #tpu.memory_space<vmem>>)
      "tpu.region"() ({
        %run_scoped3A = tpu.sem_alloc : memref<!tpu.dma_semaphore, #tpu.memory_space<semaphore_mem>>
        %dma_start3A_765 = arith.constant 0 : i32
        %dma_start3A_766 = arith.constant 0 : i32
        %dma_start3A_767 = tpu.memref_slice %arg14[%dma_start3A_765, %dma_start3A_766] : memref<5128x128xf32, #tpu.memory_space<vmem_shared>> -> memref<5128x128xf32, #tpu.memory_space<vmem_shared>>
        tpu.enqueue_indirect_dma source(%arg6 : memref<128x128xf32, #tpu.memory_space<vmem>>) target(%dma_start3A_767 : memref<5128x128xf32, #tpu.memory_space<vmem_shared>>) offsets(%arg10 : memref<128xi32, #tpu.memory_space<vmem>>) semaphore(%run_scoped3A : memref<!tpu.dma_semaphore, #tpu.memory_space<semaphore_mem>>) {add = true}
        %dma_wait3A_768 = arith.constant 0 : i32
        %dma_wait3A_769 = arith.constant 0 : i32
        %dma_wait3A_770 = tpu.memref_slice %arg14[%dma_wait3A_768, %dma_wait3A_769] : memref<5128x128xf32, #tpu.memory_space<vmem_shared>> -> memref<5128x128xf32, #tpu.memory_space<vmem_shared>>
        tpu.wait_indirect_dma semaphore(%run_scoped3A : memref<!tpu.dma_semaphore, #tpu.memory_space<semaphore_mem>>) src(%arg6 : memref<128x128xf32, #tpu.memory_space<vmem>>) dst(%dma_wait3A_770 : memref<5128x128xf32, #tpu.memory_space<vmem_shared>>)
        tpu.yield
      }) : () -> ()
      %add3A_261 = arith.constant 0 : i32
      %add3A_262 = arith.addi %add3A_261, %add3A_65 : i32
      %add3A_263 = arith.constant 1 : i32
      %add3A_264 = arith.addi %add3A_262, %add3A_263 : i32
      %get3A_265 = arith.index_cast %add3A_264 : i32 to index
      %get3A_266 = arith.constant 0 : index
      %get3A_267 = tpu.vector_load %arg5[%get3A_265, %get3A_266] {strides = array<i32>} : memref<160x128xi32, #tpu.memory_space<vmem>>, vector<1x16xi32>,
      %get3A_268 = vector.shape_cast %get3A_267 : vector<1x16xi32> to vector<16xi32>
      %sub3A_269 = vector.broadcast %mul3A_0 : i32 to vector<16xi32>
      %sub3A_270 = arith.subi %get3A_268, %sub3A_269 : vector<16xi32>
      %ge3A_271 = arith.constant 0 : i32
      %ge3A_272 = vector.broadcast %ge3A_271 : i32 to vector<16xi32>
      %ge3A_273 = arith.cmpi sge, %sub3A_270, %ge3A_272 : vector<16xi32>
      %lt3A_274 = arith.constant 5120 : i32
      %lt3A_275 = vector.broadcast %lt3A_274 : i32 to vector<16xi32>
      %lt3A_276 = arith.cmpi slt, %sub3A_270, %lt3A_275 : vector<16xi32>
      %and3A_277 = arith.andi %ge3A_273, %lt3A_276 : vector<16xi1>
      %jit3A_278 = arith.constant 5120 : i32
      %broadcast_in_dim3A_279 = vector.broadcast %jit3A_278 : i32 to vector<16xi32>
      %select_n3A_280 = arith.select %and3A_277, %sub3A_270, %broadcast_in_dim3A_279 : vector<16xi1>, vector<16xi32>
      %swap3A_281 = arith.constant 0 : index
      %swap3A_282 = tpu.vector_load %arg11[%swap3A_281] {strides = array<i32>} : memref<128xi32, #tpu.memory_space<vmem>>, vector<16xi32>,
      %swap3A_283 = vector.shape_cast %swap3A_282 : vector<16xi32> to vector<16xi32>
      %swap3A_284 = vector.shape_cast %select_n3A_280 : vector<16xi32> to vector<16xi32>
      tpu.vector_store %arg11[%swap3A_281], %swap3A_284 {strides = array<i32>} : memref<128xi32, #tpu.memory_space<vmem>>, vector<16xi32>,
      %get3A_285 = arith.index_cast %add3A_264 : i32 to index
      %get3A_286 = arith.constant 16 : index
      %get3A_287 = tpu.vector_load %arg5[%get3A_285, %get3A_286] {strides = array<i32>} : memref<160x128xi32, #tpu.memory_space<vmem>>, vector<1x16xi32>,
      %get3A_288 = vector.shape_cast %get3A_287 : vector<1x16xi32> to vector<16xi32>
      %sub3A_289 = vector.broadcast %mul3A_0 : i32 to vector<16xi32>
      %sub3A_290 = arith.subi %get3A_288, %sub3A_289 : vector<16xi32>
      %ge3A_291 = arith.constant 0 : i32
      %ge3A_292 = vector.broadcast %ge3A_291 : i32 to vector<16xi32>
      %ge3A_293 = arith.cmpi sge, %sub3A_290, %ge3A_292 : vector<16xi32>
      %lt3A_294 = arith.constant 5120 : i32
      %lt3A_295 = vector.broadcast %lt3A_294 : i32 to vector<16xi32>
      %lt3A_296 = arith.cmpi slt, %sub3A_290, %lt3A_295 : vector<16xi32>
      %and3A_297 = arith.andi %ge3A_293, %lt3A_296 : vector<16xi1>
      %jit3A_298 = arith.constant 5120 : i32
      %broadcast_in_dim3A_299 = vector.broadcast %jit3A_298 : i32 to vector<16xi32>
      %select_n3A_300 = arith.select %and3A_297, %sub3A_290, %broadcast_in_dim3A_299 : vector<16xi1>, vector<16xi32>
      %swap3A_301 = arith.constant 16 : index
      %swap3A_302 = tpu.vector_load %arg11[%swap3A_301] {strides = array<i32>} : memref<128xi32, #tpu.memory_space<vmem>>, vector<16xi32>,
      %swap3A_303 = vector.shape_cast %swap3A_302 : vector<16xi32> to vector<16xi32>
      %swap3A_304 = vector.shape_cast %select_n3A_300 : vector<16xi32> to vector<16xi32>
      tpu.vector_store %arg11[%swap3A_301], %swap3A_304 {strides = array<i32>} : memref<128xi32, #tpu.memory_space<vmem>>, vector<16xi32>,
      %get3A_305 = arith.index_cast %add3A_264 : i32 to index
      %get3A_306 = arith.constant 32 : index
      %get3A_307 = tpu.vector_load %arg5[%get3A_305, %get3A_306] {strides = array<i32>} : memref<160x128xi32, #tpu.memory_space<vmem>>, vector<1x16xi32>,
      %get3A_308 = vector.shape_cast %get3A_307 : vector<1x16xi32> to vector<16xi32>
      %sub3A_309 = vector.broadcast %mul3A_0 : i32 to vector<16xi32>
      %sub3A_310 = arith.subi %get3A_308, %sub3A_309 : vector<16xi32>
      %ge3A_311 = arith.constant 0 : i32
      %ge3A_312 = vector.broadcast %ge3A_311 : i32 to vector<16xi32>
      %ge3A_313 = arith.cmpi sge, %sub3A_310, %ge3A_312 : vector<16xi32>
      %lt3A_314 = arith.constant 5120 : i32
      %lt3A_315 = vector.broadcast %lt3A_314 : i32 to vector<16xi32>
      %lt3A_316 = arith.cmpi slt, %sub3A_310, %lt3A_315 : vector<16xi32>
      %and3A_317 = arith.andi %ge3A_313, %lt3A_316 : vector<16xi1>
      %jit3A_318 = arith.constant 5120 : i32
      %broadcast_in_dim3A_319 = vector.broadcast %jit3A_318 : i32 to vector<16xi32>
      %select_n3A_320 = arith.select %and3A_317, %sub3A_310, %broadcast_in_dim3A_319 : vector<16xi1>, vector<16xi32>
      %swap3A_321 = arith.constant 32 : index
      %swap3A_322 = tpu.vector_load %arg11[%swap3A_321] {strides = array<i32>} : memref<128xi32, #tpu.memory_space<vmem>>, vector<16xi32>,
      %swap3A_323 = vector.shape_cast %swap3A_322 : vector<16xi32> to vector<16xi32>
      %swap3A_324 = vector.shape_cast %select_n3A_320 : vector<16xi32> to vector<16xi32>
      tpu.vector_store %arg11[%swap3A_321], %swap3A_324 {strides = array<i32>} : memref<128xi32, #tpu.memory_space<vmem>>, vector<16xi32>,
      %get3A_325 = arith.index_cast %add3A_264 : i32 to index
      %get3A_326 = arith.constant 48 : index
      %get3A_327 = tpu.vector_load %arg5[%get3A_325, %get3A_326] {strides = array<i32>} : memref<160x128xi32, #tpu.memory_space<vmem>>, vector<1x16xi32>,
      %get3A_328 = vector.shape_cast %get3A_327 : vector<1x16xi32> to vector<16xi32>
      %sub3A_329 = vector.broadcast %mul3A_0 : i32 to vector<16xi32>
      %sub3A_330 = arith.subi %get3A_328, %sub3A_329 : vector<16xi32>
      %ge3A_331 = arith.constant 0 : i32
      %ge3A_332 = vector.broadcast %ge3A_331 : i32 to vector<16xi32>
      %ge3A_333 = arith.cmpi sge, %sub3A_330, %ge3A_332 : vector<16xi32>
      %lt3A_334 = arith.constant 5120 : i32
      %lt3A_335 = vector.broadcast %lt3A_334 : i32 to vector<16xi32>
      %lt3A_336 = arith.cmpi slt, %sub3A_330, %lt3A_335 : vector<16xi32>
      %and3A_337 = arith.andi %ge3A_333, %lt3A_336 : vector<16xi1>
      %jit3A_338 = arith.constant 5120 : i32
      %broadcast_in_dim3A_339 = vector.broadcast %jit3A_338 : i32 to vector<16xi32>
      %select_n3A_340 = arith.select %and3A_337, %sub3A_330, %broadcast_in_dim3A_339 : vector<16xi1>, vector<16xi32>
      %swap3A_341 = arith.constant 48 : index
      %swap3A_342 = tpu.vector_load %arg11[%swap3A_341] {strides = array<i32>} : memref<128xi32, #tpu.memory_space<vmem>>, vector<16xi32>,
      %swap3A_343 = vector.shape_cast %swap3A_342 : vector<16xi32> to vector<16xi32>
      %swap3A_344 = vector.shape_cast %select_n3A_340 : vector<16xi32> to vector<16xi32>
      tpu.vector_store %arg11[%swap3A_341], %swap3A_344 {strides = array<i32>} : memref<128xi32, #tpu.memory_space<vmem>>, vector<16xi32>,
      %get3A_345 = arith.index_cast %add3A_264 : i32 to index
      %get3A_346 = arith.constant 64 : index
      %get3A_347 = tpu.vector_load %arg5[%get3A_345, %get3A_346] {strides = array<i32>} : memref<160x128xi32, #tpu.memory_space<vmem>>, vector<1x16xi32>,
      %get3A_348 = vector.shape_cast %get3A_347 : vector<1x16xi32> to vector<16xi32>
      %sub3A_349 = vector.broadcast %mul3A_0 : i32 to vector<16xi32>
      %sub3A_350 = arith.subi %get3A_348, %sub3A_349 : vector<16xi32>
      %ge3A_351 = arith.constant 0 : i32
      %ge3A_352 = vector.broadcast %ge3A_351 : i32 to vector<16xi32>
      %ge3A_353 = arith.cmpi sge, %sub3A_350, %ge3A_352 : vector<16xi32>
      %lt3A_354 = arith.constant 5120 : i32
      %lt3A_355 = vector.broadcast %lt3A_354 : i32 to vector<16xi32>
      %lt3A_356 = arith.cmpi slt, %sub3A_350, %lt3A_355 : vector<16xi32>
      %and3A_357 = arith.andi %ge3A_353, %lt3A_356 : vector<16xi1>
      %jit3A_358 = arith.constant 5120 : i32
      %broadcast_in_dim3A_359 = vector.broadcast %jit3A_358 : i32 to vector<16xi32>
      %select_n3A_360 = arith.select %and3A_357, %sub3A_350, %broadcast_in_dim3A_359 : vector<16xi1>, vector<16xi32>
      %swap3A_361 = arith.constant 64 : index
      %swap3A_362 = tpu.vector_load %arg11[%swap3A_361] {strides = array<i32>} : memref<128xi32, #tpu.memory_space<vmem>>, vector<16xi32>,
      %swap3A_363 = vector.shape_cast %swap3A_362 : vector<16xi32> to vector<16xi32>
      %swap3A_364 = vector.shape_cast %select_n3A_360 : vector<16xi32> to vector<16xi32>
      tpu.vector_store %arg11[%swap3A_361], %swap3A_364 {strides = array<i32>} : memref<128xi32, #tpu.memory_space<vmem>>, vector<16xi32>,
      %get3A_365 = arith.index_cast %add3A_264 : i32 to index
      %get3A_366 = arith.constant 80 : index
      %get3A_367 = tpu.vector_load %arg5[%get3A_365, %get3A_366] {strides = array<i32>} : memref<160x128xi32, #tpu.memory_space<vmem>>, vector<1x16xi32>,
      %get3A_368 = vector.shape_cast %get3A_367 : vector<1x16xi32> to vector<16xi32>
      %sub3A_369 = vector.broadcast %mul3A_0 : i32 to vector<16xi32>
      %sub3A_370 = arith.subi %get3A_368, %sub3A_369 : vector<16xi32>
      %ge3A_371 = arith.constant 0 : i32
      %ge3A_372 = vector.broadcast %ge3A_371 : i32 to vector<16xi32>
      %ge3A_373 = arith.cmpi sge, %sub3A_370, %ge3A_372 : vector<16xi32>
      %lt3A_374 = arith.constant 5120 : i32
      %lt3A_375 = vector.broadcast %lt3A_374 : i32 to vector<16xi32>
      %lt3A_376 = arith.cmpi slt, %sub3A_370, %lt3A_375 : vector<16xi32>
      %and3A_377 = arith.andi %ge3A_373, %lt3A_376 : vector<16xi1>
      %jit3A_378 = arith.constant 5120 : i32
      %broadcast_in_dim3A_379 = vector.broadcast %jit3A_378 : i32 to vector<16xi32>
      %select_n3A_380 = arith.select %and3A_377, %sub3A_370, %broadcast_in_dim3A_379 : vector<16xi1>, vector<16xi32>
      %swap3A_381 = arith.constant 80 : index
      %swap3A_382 = tpu.vector_load %arg11[%swap3A_381] {strides = array<i32>} : memref<128xi32, #tpu.memory_space<vmem>>, vector<16xi32>,
      %swap3A_383 = vector.shape_cast %swap3A_382 : vector<16xi32> to vector<16xi32>
      %swap3A_384 = vector.shape_cast %select_n3A_380 : vector<16xi32> to vector<16xi32>
      tpu.vector_store %arg11[%swap3A_381], %swap3A_384 {strides = array<i32>} : memref<128xi32, #tpu.memory_space<vmem>>, vector<16xi32>,
      %get3A_385 = arith.index_cast %add3A_264 : i32 to index
      %get3A_386 = arith.constant 96 : index
      %get3A_387 = tpu.vector_load %arg5[%get3A_385, %get3A_386] {strides = array<i32>} : memref<160x128xi32, #tpu.memory_space<vmem>>, vector<1x16xi32>,
      %get3A_388 = vector.shape_cast %get3A_387 : vector<1x16xi32> to vector<16xi32>
      %sub3A_389 = vector.broadcast %mul3A_0 : i32 to vector<16xi32>
      %sub3A_390 = arith.subi %get3A_388, %sub3A_389 : vector<16xi32>
      %ge3A_391 = arith.constant 0 : i32
      %ge3A_392 = vector.broadcast %ge3A_391 : i32 to vector<16xi32>
      %ge3A_393 = arith.cmpi sge, %sub3A_390, %ge3A_392 : vector<16xi32>
      %lt3A_394 = arith.constant 5120 : i32
      %lt3A_395 = vector.broadcast %lt3A_394 : i32 to vector<16xi32>
      %lt3A_396 = arith.cmpi slt, %sub3A_390, %lt3A_395 : vector<16xi32>
      %and3A_397 = arith.andi %ge3A_393, %lt3A_396 : vector<16xi1>
      %jit3A_398 = arith.constant 5120 : i32
      %broadcast_in_dim3A_399 = vector.broadcast %jit3A_398 : i32 to vector<16xi32>
      %select_n3A_400 = arith.select %and3A_397, %sub3A_390, %broadcast_in_dim3A_399 : vector<16xi1>, vector<16xi32>
      %swap3A_401 = arith.constant 96 : index
      %swap3A_402 = tpu.vector_load %arg11[%swap3A_401] {strides = array<i32>} : memref<128xi32, #tpu.memory_space<vmem>>, vector<16xi32>,
      %swap3A_403 = vector.shape_cast %swap3A_402 : vector<16xi32> to vector<16xi32>
      %swap3A_404 = vector.shape_cast %select_n3A_400 : vector<16xi32> to vector<16xi32>
      tpu.vector_store %arg11[%swap3A_401], %swap3A_404 {strides = array<i32>} : memref<128xi32, #tpu.memory_space<vmem>>, vector<16xi32>,
      %get3A_405 = arith.index_cast %add3A_264 : i32 to index
      %get3A_406 = arith.constant 112 : index
      %get3A_407 = tpu.vector_load %arg5[%get3A_405, %get3A_406] {strides = array<i32>} : memref<160x128xi32, #tpu.memory_space<vmem>>, vector<1x16xi32>,
      %get3A_408 = vector.shape_cast %get3A_407 : vector<1x16xi32> to vector<16xi32>
      %sub3A_409 = vector.broadcast %mul3A_0 : i32 to vector<16xi32>
      %sub3A_410 = arith.subi %get3A_408, %sub3A_409 : vector<16xi32>
      %ge3A_411 = arith.constant 0 : i32
      %ge3A_412 = vector.broadcast %ge3A_411 : i32 to vector<16xi32>
      %ge3A_413 = arith.cmpi sge, %sub3A_410, %ge3A_412 : vector<16xi32>
      %lt3A_414 = arith.constant 5120 : i32
      %lt3A_415 = vector.broadcast %lt3A_414 : i32 to vector<16xi32>
      %lt3A_416 = arith.cmpi slt, %sub3A_410, %lt3A_415 : vector<16xi32>
      %and3A_417 = arith.andi %ge3A_413, %lt3A_416 : vector<16xi1>
      %jit3A_418 = arith.constant 5120 : i32
      %broadcast_in_dim3A_419 = vector.broadcast %jit3A_418 : i32 to vector<16xi32>
      %select_n3A_420 = arith.select %and3A_417, %sub3A_410, %broadcast_in_dim3A_419 : vector<16xi1>, vector<16xi32>
      %swap3A_421 = arith.constant 112 : index
      %swap3A_422 = tpu.vector_load %arg11[%swap3A_421] {strides = array<i32>} : memref<128xi32, #tpu.memory_space<vmem>>, vector<16xi32>,
      %swap3A_423 = vector.shape_cast %swap3A_422 : vector<16xi32> to vector<16xi32>
      %swap3A_424 = vector.shape_cast %select_n3A_420 : vector<16xi32> to vector<16xi32>
      tpu.vector_store %arg11[%swap3A_421], %swap3A_424 {strides = array<i32>} : memref<128xi32, #tpu.memory_space<vmem>>, vector<16xi32>,
      %dma_wait3A_425 = arith.constant 0 : i32
      %dma_wait3A_426 = tpu.memref_slice %arg2[%add3A_79, %dma_wait3A_425] : memref<327680x128xf32, #tpu.memory_space<hbm>> -> memref<128x128xf32, #tpu.memory_space<hbm>>
      %dma_wait3A_427 = arith.constant 0 : i32
      %dma_wait3A_428 = tpu.memref_slice %arg2[%add3A_79, %dma_wait3A_427] : memref<327680x128xf32, #tpu.memory_space<hbm>> -> memref<128x128xf32, #tpu.memory_space<hbm>>
      tpu.wait_dma2 semaphore(%arg16 : memref<!tpu.dma_semaphore, #tpu.memory_space<semaphore_mem>>) src(%dma_wait3A_428 : memref<128x128xf32, #tpu.memory_space<hbm>>) dst(%arg7 : memref<128x128xf32, #tpu.memory_space<vmem>>)
      "tpu.region"() ({
        %run_scoped3A = tpu.sem_alloc : memref<!tpu.dma_semaphore, #tpu.memory_space<semaphore_mem>>
        %dma_start3A_765 = arith.constant 0 : i32
        %dma_start3A_766 = arith.constant 0 : i32
        %dma_start3A_767 = tpu.memref_slice %arg14[%dma_start3A_765, %dma_start3A_766] : memref<5128x128xf32, #tpu.memory_space<vmem_shared>> -> memref<5128x128xf32, #tpu.memory_space<vmem_shared>>
        tpu.enqueue_indirect_dma source(%arg7 : memref<128x128xf32, #tpu.memory_space<vmem>>) target(%dma_start3A_767 : memref<5128x128xf32, #tpu.memory_space<vmem_shared>>) offsets(%arg11 : memref<128xi32, #tpu.memory_space<vmem>>) semaphore(%run_scoped3A : memref<!tpu.dma_semaphore, #tpu.memory_space<semaphore_mem>>) {add = true}
        %dma_wait3A_768 = arith.constant 0 : i32
        %dma_wait3A_769 = arith.constant 0 : i32
        %dma_wait3A_770 = tpu.memref_slice %arg14[%dma_wait3A_768, %dma_wait3A_769] : memref<5128x128xf32, #tpu.memory_space<vmem_shared>> -> memref<5128x128xf32, #tpu.memory_space<vmem_shared>>
        tpu.wait_indirect_dma semaphore(%run_scoped3A : memref<!tpu.dma_semaphore, #tpu.memory_space<semaphore_mem>>) src(%arg7 : memref<128x128xf32, #tpu.memory_space<vmem>>) dst(%dma_wait3A_770 : memref<5128x128xf32, #tpu.memory_space<vmem_shared>>)
        tpu.yield
      }) : () -> ()
      %add3A_429 = arith.constant 0 : i32
      %add3A_430 = arith.addi %add3A_429, %add3A_65 : i32
      %add3A_431 = arith.constant 2 : i32
      %add3A_432 = arith.addi %add3A_430, %add3A_431 : i32
      %get3A_433 = arith.index_cast %add3A_432 : i32 to index
      %get3A_434 = arith.constant 0 : index
      %get3A_435 = tpu.vector_load %arg5[%get3A_433, %get3A_434] {strides = array<i32>} : memref<160x128xi32, #tpu.memory_space<vmem>>, vector<1x16xi32>,
      %get3A_436 = vector.shape_cast %get3A_435 : vector<1x16xi32> to vector<16xi32>
      %sub3A_437 = vector.broadcast %mul3A_0 : i32 to vector<16xi32>
      %sub3A_438 = arith.subi %get3A_436, %sub3A_437 : vector<16xi32>
      %ge3A_439 = arith.constant 0 : i32
      %ge3A_440 = vector.broadcast %ge3A_439 : i32 to vector<16xi32>
      %ge3A_441 = arith.cmpi sge, %sub3A_438, %ge3A_440 : vector<16xi32>
      %lt3A_442 = arith.constant 5120 : i32
      %lt3A_443 = vector.broadcast %lt3A_442 : i32 to vector<16xi32>
      %lt3A_444 = arith.cmpi slt, %sub3A_438, %lt3A_443 : vector<16xi32>
      %and3A_445 = arith.andi %ge3A_441, %lt3A_444 : vector<16xi1>
      %jit3A_446 = arith.constant 5120 : i32
      %broadcast_in_dim3A_447 = vector.broadcast %jit3A_446 : i32 to vector<16xi32>
      %select_n3A_448 = arith.select %and3A_445, %sub3A_438, %broadcast_in_dim3A_447 : vector<16xi1>, vector<16xi32>
      %swap3A_449 = arith.constant 0 : index
      %swap3A_450 = tpu.vector_load %arg12[%swap3A_449] {strides = array<i32>} : memref<128xi32, #tpu.memory_space<vmem>>, vector<16xi32>,
      %swap3A_451 = vector.shape_cast %swap3A_450 : vector<16xi32> to vector<16xi32>
      %swap3A_452 = vector.shape_cast %select_n3A_448 : vector<16xi32> to vector<16xi32>
      tpu.vector_store %arg12[%swap3A_449], %swap3A_452 {strides = array<i32>} : memref<128xi32, #tpu.memory_space<vmem>>, vector<16xi32>,
      %get3A_453 = arith.index_cast %add3A_432 : i32 to index
      %get3A_454 = arith.constant 16 : index
      %get3A_455 = tpu.vector_load %arg5[%get3A_453, %get3A_454] {strides = array<i32>} : memref<160x128xi32, #tpu.memory_space<vmem>>, vector<1x16xi32>,
      %get3A_456 = vector.shape_cast %get3A_455 : vector<1x16xi32> to vector<16xi32>
      %sub3A_457 = vector.broadcast %mul3A_0 : i32 to vector<16xi32>
      %sub3A_458 = arith.subi %get3A_456, %sub3A_457 : vector<16xi32>
      %ge3A_459 = arith.constant 0 : i32
      %ge3A_460 = vector.broadcast %ge3A_459 : i32 to vector<16xi32>
      %ge3A_461 = arith.cmpi sge, %sub3A_458, %ge3A_460 : vector<16xi32>
      %lt3A_462 = arith.constant 5120 : i32
      %lt3A_463 = vector.broadcast %lt3A_462 : i32 to vector<16xi32>
      %lt3A_464 = arith.cmpi slt, %sub3A_458, %lt3A_463 : vector<16xi32>
      %and3A_465 = arith.andi %ge3A_461, %lt3A_464 : vector<16xi1>
      %jit3A_466 = arith.constant 5120 : i32
      %broadcast_in_dim3A_467 = vector.broadcast %jit3A_466 : i32 to vector<16xi32>
      %select_n3A_468 = arith.select %and3A_465, %sub3A_458, %broadcast_in_dim3A_467 : vector<16xi1>, vector<16xi32>
      %swap3A_469 = arith.constant 16 : index
      %swap3A_470 = tpu.vector_load %arg12[%swap3A_469] {strides = array<i32>} : memref<128xi32, #tpu.memory_space<vmem>>, vector<16xi32>,
      %swap3A_471 = vector.shape_cast %swap3A_470 : vector<16xi32> to vector<16xi32>
      %swap3A_472 = vector.shape_cast %select_n3A_468 : vector<16xi32> to vector<16xi32>
      tpu.vector_store %arg12[%swap3A_469], %swap3A_472 {strides = array<i32>} : memref<128xi32, #tpu.memory_space<vmem>>, vector<16xi32>,
      %get3A_473 = arith.index_cast %add3A_432 : i32 to index
      %get3A_474 = arith.constant 32 : index
      %get3A_475 = tpu.vector_load %arg5[%get3A_473, %get3A_474] {strides = array<i32>} : memref<160x128xi32, #tpu.memory_space<vmem>>, vector<1x16xi32>,
      %get3A_476 = vector.shape_cast %get3A_475 : vector<1x16xi32> to vector<16xi32>
      %sub3A_477 = vector.broadcast %mul3A_0 : i32 to vector<16xi32>
      %sub3A_478 = arith.subi %get3A_476, %sub3A_477 : vector<16xi32>
      %ge3A_479 = arith.constant 0 : i32
      %ge3A_480 = vector.broadcast %ge3A_479 : i32 to vector<16xi32>
      %ge3A_481 = arith.cmpi sge, %sub3A_478, %ge3A_480 : vector<16xi32>
      %lt3A_482 = arith.constant 5120 : i32
      %lt3A_483 = vector.broadcast %lt3A_482 : i32 to vector<16xi32>
      %lt3A_484 = arith.cmpi slt, %sub3A_478, %lt3A_483 : vector<16xi32>
      %and3A_485 = arith.andi %ge3A_481, %lt3A_484 : vector<16xi1>
      %jit3A_486 = arith.constant 5120 : i32
      %broadcast_in_dim3A_487 = vector.broadcast %jit3A_486 : i32 to vector<16xi32>
      %select_n3A_488 = arith.select %and3A_485, %sub3A_478, %broadcast_in_dim3A_487 : vector<16xi1>, vector<16xi32>
      %swap3A_489 = arith.constant 32 : index
      %swap3A_490 = tpu.vector_load %arg12[%swap3A_489] {strides = array<i32>} : memref<128xi32, #tpu.memory_space<vmem>>, vector<16xi32>,
      %swap3A_491 = vector.shape_cast %swap3A_490 : vector<16xi32> to vector<16xi32>
      %swap3A_492 = vector.shape_cast %select_n3A_488 : vector<16xi32> to vector<16xi32>
      tpu.vector_store %arg12[%swap3A_489], %swap3A_492 {strides = array<i32>} : memref<128xi32, #tpu.memory_space<vmem>>, vector<16xi32>,
      %get3A_493 = arith.index_cast %add3A_432 : i32 to index
      %get3A_494 = arith.constant 48 : index
      %get3A_495 = tpu.vector_load %arg5[%get3A_493, %get3A_494] {strides = array<i32>} : memref<160x128xi32, #tpu.memory_space<vmem>>, vector<1x16xi32>,
      %get3A_496 = vector.shape_cast %get3A_495 : vector<1x16xi32> to vector<16xi32>
      %sub3A_497 = vector.broadcast %mul3A_0 : i32 to vector<16xi32>
      %sub3A_498 = arith.subi %get3A_496, %sub3A_497 : vector<16xi32>
      %ge3A_499 = arith.constant 0 : i32
      %ge3A_500 = vector.broadcast %ge3A_499 : i32 to vector<16xi32>
      %ge3A_501 = arith.cmpi sge, %sub3A_498, %ge3A_500 : vector<16xi32>
      %lt3A_502 = arith.constant 5120 : i32
      %lt3A_503 = vector.broadcast %lt3A_502 : i32 to vector<16xi32>
      %lt3A_504 = arith.cmpi slt, %sub3A_498, %lt3A_503 : vector<16xi32>
      %and3A_505 = arith.andi %ge3A_501, %lt3A_504 : vector<16xi1>
      %jit3A_506 = arith.constant 5120 : i32
      %broadcast_in_dim3A_507 = vector.broadcast %jit3A_506 : i32 to vector<16xi32>
      %select_n3A_508 = arith.select %and3A_505, %sub3A_498, %broadcast_in_dim3A_507 : vector<16xi1>, vector<16xi32>
      %swap3A_509 = arith.constant 48 : index
      %swap3A_510 = tpu.vector_load %arg12[%swap3A_509] {strides = array<i32>} : memref<128xi32, #tpu.memory_space<vmem>>, vector<16xi32>,
      %swap3A_511 = vector.shape_cast %swap3A_510 : vector<16xi32> to vector<16xi32>
      %swap3A_512 = vector.shape_cast %select_n3A_508 : vector<16xi32> to vector<16xi32>
      tpu.vector_store %arg12[%swap3A_509], %swap3A_512 {strides = array<i32>} : memref<128xi32, #tpu.memory_space<vmem>>, vector<16xi32>,
      %get3A_513 = arith.index_cast %add3A_432 : i32 to index
      %get3A_514 = arith.constant 64 : index
      %get3A_515 = tpu.vector_load %arg5[%get3A_513, %get3A_514] {strides = array<i32>} : memref<160x128xi32, #tpu.memory_space<vmem>>, vector<1x16xi32>,
      %get3A_516 = vector.shape_cast %get3A_515 : vector<1x16xi32> to vector<16xi32>
      %sub3A_517 = vector.broadcast %mul3A_0 : i32 to vector<16xi32>
      %sub3A_518 = arith.subi %get3A_516, %sub3A_517 : vector<16xi32>
      %ge3A_519 = arith.constant 0 : i32
      %ge3A_520 = vector.broadcast %ge3A_519 : i32 to vector<16xi32>
      %ge3A_521 = arith.cmpi sge, %sub3A_518, %ge3A_520 : vector<16xi32>
      %lt3A_522 = arith.constant 5120 : i32
      %lt3A_523 = vector.broadcast %lt3A_522 : i32 to vector<16xi32>
      %lt3A_524 = arith.cmpi slt, %sub3A_518, %lt3A_523 : vector<16xi32>
      %and3A_525 = arith.andi %ge3A_521, %lt3A_524 : vector<16xi1>
      %jit3A_526 = arith.constant 5120 : i32
      %broadcast_in_dim3A_527 = vector.broadcast %jit3A_526 : i32 to vector<16xi32>
      %select_n3A_528 = arith.select %and3A_525, %sub3A_518, %broadcast_in_dim3A_527 : vector<16xi1>, vector<16xi32>
      %swap3A_529 = arith.constant 64 : index
      %swap3A_530 = tpu.vector_load %arg12[%swap3A_529] {strides = array<i32>} : memref<128xi32, #tpu.memory_space<vmem>>, vector<16xi32>,
      %swap3A_531 = vector.shape_cast %swap3A_530 : vector<16xi32> to vector<16xi32>
      %swap3A_532 = vector.shape_cast %select_n3A_528 : vector<16xi32> to vector<16xi32>
      tpu.vector_store %arg12[%swap3A_529], %swap3A_532 {strides = array<i32>} : memref<128xi32, #tpu.memory_space<vmem>>, vector<16xi32>,
      %get3A_533 = arith.index_cast %add3A_432 : i32 to index
      %get3A_534 = arith.constant 80 : index
      %get3A_535 = tpu.vector_load %arg5[%get3A_533, %get3A_534] {strides = array<i32>} : memref<160x128xi32, #tpu.memory_space<vmem>>, vector<1x16xi32>,
      %get3A_536 = vector.shape_cast %get3A_535 : vector<1x16xi32> to vector<16xi32>
      %sub3A_537 = vector.broadcast %mul3A_0 : i32 to vector<16xi32>
      %sub3A_538 = arith.subi %get3A_536, %sub3A_537 : vector<16xi32>
      %ge3A_539 = arith.constant 0 : i32
      %ge3A_540 = vector.broadcast %ge3A_539 : i32 to vector<16xi32>
      %ge3A_541 = arith.cmpi sge, %sub3A_538, %ge3A_540 : vector<16xi32>
      %lt3A_542 = arith.constant 5120 : i32
      %lt3A_543 = vector.broadcast %lt3A_542 : i32 to vector<16xi32>
      %lt3A_544 = arith.cmpi slt, %sub3A_538, %lt3A_543 : vector<16xi32>
      %and3A_545 = arith.andi %ge3A_541, %lt3A_544 : vector<16xi1>
      %jit3A_546 = arith.constant 5120 : i32
      %broadcast_in_dim3A_547 = vector.broadcast %jit3A_546 : i32 to vector<16xi32>
      %select_n3A_548 = arith.select %and3A_545, %sub3A_538, %broadcast_in_dim3A_547 : vector<16xi1>, vector<16xi32>
      %swap3A_549 = arith.constant 80 : index
      %swap3A_550 = tpu.vector_load %arg12[%swap3A_549] {strides = array<i32>} : memref<128xi32, #tpu.memory_space<vmem>>, vector<16xi32>,
      %swap3A_551 = vector.shape_cast %swap3A_550 : vector<16xi32> to vector<16xi32>
      %swap3A_552 = vector.shape_cast %select_n3A_548 : vector<16xi32> to vector<16xi32>
      tpu.vector_store %arg12[%swap3A_549], %swap3A_552 {strides = array<i32>} : memref<128xi32, #tpu.memory_space<vmem>>, vector<16xi32>,
      %get3A_553 = arith.index_cast %add3A_432 : i32 to index
      %get3A_554 = arith.constant 96 : index
      %get3A_555 = tpu.vector_load %arg5[%get3A_553, %get3A_554] {strides = array<i32>} : memref<160x128xi32, #tpu.memory_space<vmem>>, vector<1x16xi32>,
      %get3A_556 = vector.shape_cast %get3A_555 : vector<1x16xi32> to vector<16xi32>
      %sub3A_557 = vector.broadcast %mul3A_0 : i32 to vector<16xi32>
      %sub3A_558 = arith.subi %get3A_556, %sub3A_557 : vector<16xi32>
      %ge3A_559 = arith.constant 0 : i32
      %ge3A_560 = vector.broadcast %ge3A_559 : i32 to vector<16xi32>
      %ge3A_561 = arith.cmpi sge, %sub3A_558, %ge3A_560 : vector<16xi32>
      %lt3A_562 = arith.constant 5120 : i32
      %lt3A_563 = vector.broadcast %lt3A_562 : i32 to vector<16xi32>
      %lt3A_564 = arith.cmpi slt, %sub3A_558, %lt3A_563 : vector<16xi32>
      %and3A_565 = arith.andi %ge3A_561, %lt3A_564 : vector<16xi1>
      %jit3A_566 = arith.constant 5120 : i32
      %broadcast_in_dim3A_567 = vector.broadcast %jit3A_566 : i32 to vector<16xi32>
      %select_n3A_568 = arith.select %and3A_565, %sub3A_558, %broadcast_in_dim3A_567 : vector<16xi1>, vector<16xi32>
      %swap3A_569 = arith.constant 96 : index
      %swap3A_570 = tpu.vector_load %arg12[%swap3A_569] {strides = array<i32>} : memref<128xi32, #tpu.memory_space<vmem>>, vector<16xi32>,
      %swap3A_571 = vector.shape_cast %swap3A_570 : vector<16xi32> to vector<16xi32>
      %swap3A_572 = vector.shape_cast %select_n3A_568 : vector<16xi32> to vector<16xi32>
      tpu.vector_store %arg12[%swap3A_569], %swap3A_572 {strides = array<i32>} : memref<128xi32, #tpu.memory_space<vmem>>, vector<16xi32>,
      %get3A_573 = arith.index_cast %add3A_432 : i32 to index
      %get3A_574 = arith.constant 112 : index
      %get3A_575 = tpu.vector_load %arg5[%get3A_573, %get3A_574] {strides = array<i32>} : memref<160x128xi32, #tpu.memory_space<vmem>>, vector<1x16xi32>,
      %get3A_576 = vector.shape_cast %get3A_575 : vector<1x16xi32> to vector<16xi32>
      %sub3A_577 = vector.broadcast %mul3A_0 : i32 to vector<16xi32>
      %sub3A_578 = arith.subi %get3A_576, %sub3A_577 : vector<16xi32>
      %ge3A_579 = arith.constant 0 : i32
      %ge3A_580 = vector.broadcast %ge3A_579 : i32 to vector<16xi32>
      %ge3A_581 = arith.cmpi sge, %sub3A_578, %ge3A_580 : vector<16xi32>
      %lt3A_582 = arith.constant 5120 : i32
      %lt3A_583 = vector.broadcast %lt3A_582 : i32 to vector<16xi32>
      %lt3A_584 = arith.cmpi slt, %sub3A_578, %lt3A_583 : vector<16xi32>
      %and3A_585 = arith.andi %ge3A_581, %lt3A_584 : vector<16xi1>
      %jit3A_586 = arith.constant 5120 : i32
      %broadcast_in_dim3A_587 = vector.broadcast %jit3A_586 : i32 to vector<16xi32>
      %select_n3A_588 = arith.select %and3A_585, %sub3A_578, %broadcast_in_dim3A_587 : vector<16xi1>, vector<16xi32>
      %swap3A_589 = arith.constant 112 : index
      %swap3A_590 = tpu.vector_load %arg12[%swap3A_589] {strides = array<i32>} : memref<128xi32, #tpu.memory_space<vmem>>, vector<16xi32>,
      %swap3A_591 = vector.shape_cast %swap3A_590 : vector<16xi32> to vector<16xi32>
      %swap3A_592 = vector.shape_cast %select_n3A_588 : vector<16xi32> to vector<16xi32>
      tpu.vector_store %arg12[%swap3A_589], %swap3A_592 {strides = array<i32>} : memref<128xi32, #tpu.memory_space<vmem>>, vector<16xi32>,
      %dma_wait3A_593 = arith.constant 0 : i32
      %dma_wait3A_594 = tpu.memref_slice %arg2[%add3A_88, %dma_wait3A_593] : memref<327680x128xf32, #tpu.memory_space<hbm>> -> memref<128x128xf32, #tpu.memory_space<hbm>>
      %dma_wait3A_595 = arith.constant 0 : i32
      %dma_wait3A_596 = tpu.memref_slice %arg2[%add3A_88, %dma_wait3A_595] : memref<327680x128xf32, #tpu.memory_space<hbm>> -> memref<128x128xf32, #tpu.memory_space<hbm>>
      tpu.wait_dma2 semaphore(%arg17 : memref<!tpu.dma_semaphore, #tpu.memory_space<semaphore_mem>>) src(%dma_wait3A_596 : memref<128x128xf32, #tpu.memory_space<hbm>>) dst(%arg8 : memref<128x128xf32, #tpu.memory_space<vmem>>)
      "tpu.region"() ({
        %run_scoped3A = tpu.sem_alloc : memref<!tpu.dma_semaphore, #tpu.memory_space<semaphore_mem>>
        %dma_start3A_765 = arith.constant 0 : i32
        %dma_start3A_766 = arith.constant 0 : i32
        %dma_start3A_767 = tpu.memref_slice %arg14[%dma_start3A_765, %dma_start3A_766] : memref<5128x128xf32, #tpu.memory_space<vmem_shared>> -> memref<5128x128xf32, #tpu.memory_space<vmem_shared>>
        tpu.enqueue_indirect_dma source(%arg8 : memref<128x128xf32, #tpu.memory_space<vmem>>) target(%dma_start3A_767 : memref<5128x128xf32, #tpu.memory_space<vmem_shared>>) offsets(%arg12 : memref<128xi32, #tpu.memory_space<vmem>>) semaphore(%run_scoped3A : memref<!tpu.dma_semaphore, #tpu.memory_space<semaphore_mem>>) {add = true}
        %dma_wait3A_768 = arith.constant 0 : i32
        %dma_wait3A_769 = arith.constant 0 : i32
        %dma_wait3A_770 = tpu.memref_slice %arg14[%dma_wait3A_768, %dma_wait3A_769] : memref<5128x128xf32, #tpu.memory_space<vmem_shared>> -> memref<5128x128xf32, #tpu.memory_space<vmem_shared>>
        tpu.wait_indirect_dma semaphore(%run_scoped3A : memref<!tpu.dma_semaphore, #tpu.memory_space<semaphore_mem>>) src(%arg8 : memref<128x128xf32, #tpu.memory_space<vmem>>) dst(%dma_wait3A_770 : memref<5128x128xf32, #tpu.memory_space<vmem_shared>>)
        tpu.yield
      }) : () -> ()
      %add3A_597 = arith.constant 0 : i32
      %add3A_598 = arith.addi %add3A_597, %add3A_65 : i32
      %add3A_599 = arith.constant 3 : i32
      %add3A_600 = arith.addi %add3A_598, %add3A_599 : i32
      %get3A_601 = arith.index_cast %add3A_600 : i32 to index
      %get3A_602 = arith.constant 0 : index
      %get3A_603 = tpu.vector_load %arg5[%get3A_601, %get3A_602] {strides = array<i32>} : memref<160x128xi32, #tpu.memory_space<vmem>>, vector<1x16xi32>,
      %get3A_604 = vector.shape_cast %get3A_603 : vector<1x16xi32> to vector<16xi32>
      %sub3A_605 = vector.broadcast %mul3A_0 : i32 to vector<16xi32>
      %sub3A_606 = arith.subi %get3A_604, %sub3A_605 : vector<16xi32>
      %ge3A_607 = arith.constant 0 : i32
      %ge3A_608 = vector.broadcast %ge3A_607 : i32 to vector<16xi32>
      %ge3A_609 = arith.cmpi sge, %sub3A_606, %ge3A_608 : vector<16xi32>
      %lt3A_610 = arith.constant 5120 : i32
      %lt3A_611 = vector.broadcast %lt3A_610 : i32 to vector<16xi32>
      %lt3A_612 = arith.cmpi slt, %sub3A_606, %lt3A_611 : vector<16xi32>
      %and3A_613 = arith.andi %ge3A_609, %lt3A_612 : vector<16xi1>
      %jit3A_614 = arith.constant 5120 : i32
      %broadcast_in_dim3A_615 = vector.broadcast %jit3A_614 : i32 to vector<16xi32>
      %select_n3A_616 = arith.select %and3A_613, %sub3A_606, %broadcast_in_dim3A_615 : vector<16xi1>, vector<16xi32>
      %swap3A_617 = arith.constant 0 : index
      %swap3A_618 = tpu.vector_load %arg13[%swap3A_617] {strides = array<i32>} : memref<128xi32, #tpu.memory_space<vmem>>, vector<16xi32>,
      %swap3A_619 = vector.shape_cast %swap3A_618 : vector<16xi32> to vector<16xi32>
      %swap3A_620 = vector.shape_cast %select_n3A_616 : vector<16xi32> to vector<16xi32>
      tpu.vector_store %arg13[%swap3A_617], %swap3A_620 {strides = array<i32>} : memref<128xi32, #tpu.memory_space<vmem>>, vector<16xi32>,
      %get3A_621 = arith.index_cast %add3A_600 : i32 to index
      %get3A_622 = arith.constant 16 : index
      %get3A_623 = tpu.vector_load %arg5[%get3A_621, %get3A_622] {strides = array<i32>} : memref<160x128xi32, #tpu.memory_space<vmem>>, vector<1x16xi32>,
      %get3A_624 = vector.shape_cast %get3A_623 : vector<1x16xi32> to vector<16xi32>
      %sub3A_625 = vector.broadcast %mul3A_0 : i32 to vector<16xi32>
      %sub3A_626 = arith.subi %get3A_624, %sub3A_625 : vector<16xi32>
      %ge3A_627 = arith.constant 0 : i32
      %ge3A_628 = vector.broadcast %ge3A_627 : i32 to vector<16xi32>
      %ge3A_629 = arith.cmpi sge, %sub3A_626, %ge3A_628 : vector<16xi32>
      %lt3A_630 = arith.constant 5120 : i32
      %lt3A_631 = vector.broadcast %lt3A_630 : i32 to vector<16xi32>
      %lt3A_632 = arith.cmpi slt, %sub3A_626, %lt3A_631 : vector<16xi32>
      %and3A_633 = arith.andi %ge3A_629, %lt3A_632 : vector<16xi1>
      %jit3A_634 = arith.constant 5120 : i32
      %broadcast_in_dim3A_635 = vector.broadcast %jit3A_634 : i32 to vector<16xi32>
      %select_n3A_636 = arith.select %and3A_633, %sub3A_626, %broadcast_in_dim3A_635 : vector<16xi1>, vector<16xi32>
      %swap3A_637 = arith.constant 16 : index
      %swap3A_638 = tpu.vector_load %arg13[%swap3A_637] {strides = array<i32>} : memref<128xi32, #tpu.memory_space<vmem>>, vector<16xi32>,
      %swap3A_639 = vector.shape_cast %swap3A_638 : vector<16xi32> to vector<16xi32>
      %swap3A_640 = vector.shape_cast %select_n3A_636 : vector<16xi32> to vector<16xi32>
      tpu.vector_store %arg13[%swap3A_637], %swap3A_640 {strides = array<i32>} : memref<128xi32, #tpu.memory_space<vmem>>, vector<16xi32>,
      %get3A_641 = arith.index_cast %add3A_600 : i32 to index
      %get3A_642 = arith.constant 32 : index
      %get3A_643 = tpu.vector_load %arg5[%get3A_641, %get3A_642] {strides = array<i32>} : memref<160x128xi32, #tpu.memory_space<vmem>>, vector<1x16xi32>,
      %get3A_644 = vector.shape_cast %get3A_643 : vector<1x16xi32> to vector<16xi32>
      %sub3A_645 = vector.broadcast %mul3A_0 : i32 to vector<16xi32>
      %sub3A_646 = arith.subi %get3A_644, %sub3A_645 : vector<16xi32>
      %ge3A_647 = arith.constant 0 : i32
      %ge3A_648 = vector.broadcast %ge3A_647 : i32 to vector<16xi32>
      %ge3A_649 = arith.cmpi sge, %sub3A_646, %ge3A_648 : vector<16xi32>
      %lt3A_650 = arith.constant 5120 : i32
      %lt3A_651 = vector.broadcast %lt3A_650 : i32 to vector<16xi32>
      %lt3A_652 = arith.cmpi slt, %sub3A_646, %lt3A_651 : vector<16xi32>
      %and3A_653 = arith.andi %ge3A_649, %lt3A_652 : vector<16xi1>
      %jit3A_654 = arith.constant 5120 : i32
      %broadcast_in_dim3A_655 = vector.broadcast %jit3A_654 : i32 to vector<16xi32>
      %select_n3A_656 = arith.select %and3A_653, %sub3A_646, %broadcast_in_dim3A_655 : vector<16xi1>, vector<16xi32>
      %swap3A_657 = arith.constant 32 : index
      %swap3A_658 = tpu.vector_load %arg13[%swap3A_657] {strides = array<i32>} : memref<128xi32, #tpu.memory_space<vmem>>, vector<16xi32>,
      %swap3A_659 = vector.shape_cast %swap3A_658 : vector<16xi32> to vector<16xi32>
      %swap3A_660 = vector.shape_cast %select_n3A_656 : vector<16xi32> to vector<16xi32>
      tpu.vector_store %arg13[%swap3A_657], %swap3A_660 {strides = array<i32>} : memref<128xi32, #tpu.memory_space<vmem>>, vector<16xi32>,
      %get3A_661 = arith.index_cast %add3A_600 : i32 to index
      %get3A_662 = arith.constant 48 : index
      %get3A_663 = tpu.vector_load %arg5[%get3A_661, %get3A_662] {strides = array<i32>} : memref<160x128xi32, #tpu.memory_space<vmem>>, vector<1x16xi32>,
      %get3A_664 = vector.shape_cast %get3A_663 : vector<1x16xi32> to vector<16xi32>
      %sub3A_665 = vector.broadcast %mul3A_0 : i32 to vector<16xi32>
      %sub3A_666 = arith.subi %get3A_664, %sub3A_665 : vector<16xi32>
      %ge3A_667 = arith.constant 0 : i32
      %ge3A_668 = vector.broadcast %ge3A_667 : i32 to vector<16xi32>
      %ge3A_669 = arith.cmpi sge, %sub3A_666, %ge3A_668 : vector<16xi32>
      %lt3A_670 = arith.constant 5120 : i32
      %lt3A_671 = vector.broadcast %lt3A_670 : i32 to vector<16xi32>
      %lt3A_672 = arith.cmpi slt, %sub3A_666, %lt3A_671 : vector<16xi32>
      %and3A_673 = arith.andi %ge3A_669, %lt3A_672 : vector<16xi1>
      %jit3A_674 = arith.constant 5120 : i32
      %broadcast_in_dim3A_675 = vector.broadcast %jit3A_674 : i32 to vector<16xi32>
      %select_n3A_676 = arith.select %and3A_673, %sub3A_666, %broadcast_in_dim3A_675 : vector<16xi1>, vector<16xi32>
      %swap3A_677 = arith.constant 48 : index
      %swap3A_678 = tpu.vector_load %arg13[%swap3A_677] {strides = array<i32>} : memref<128xi32, #tpu.memory_space<vmem>>, vector<16xi32>,
      %swap3A_679 = vector.shape_cast %swap3A_678 : vector<16xi32> to vector<16xi32>
      %swap3A_680 = vector.shape_cast %select_n3A_676 : vector<16xi32> to vector<16xi32>
      tpu.vector_store %arg13[%swap3A_677], %swap3A_680 {strides = array<i32>} : memref<128xi32, #tpu.memory_space<vmem>>, vector<16xi32>,
      %get3A_681 = arith.index_cast %add3A_600 : i32 to index
      %get3A_682 = arith.constant 64 : index
      %get3A_683 = tpu.vector_load %arg5[%get3A_681, %get3A_682] {strides = array<i32>} : memref<160x128xi32, #tpu.memory_space<vmem>>, vector<1x16xi32>,
      %get3A_684 = vector.shape_cast %get3A_683 : vector<1x16xi32> to vector<16xi32>
      %sub3A_685 = vector.broadcast %mul3A_0 : i32 to vector<16xi32>
      %sub3A_686 = arith.subi %get3A_684, %sub3A_685 : vector<16xi32>
      %ge3A_687 = arith.constant 0 : i32
      %ge3A_688 = vector.broadcast %ge3A_687 : i32 to vector<16xi32>
      %ge3A_689 = arith.cmpi sge, %sub3A_686, %ge3A_688 : vector<16xi32>
      %lt3A_690 = arith.constant 5120 : i32
      %lt3A_691 = vector.broadcast %lt3A_690 : i32 to vector<16xi32>
      %lt3A_692 = arith.cmpi slt, %sub3A_686, %lt3A_691 : vector<16xi32>
      %and3A_693 = arith.andi %ge3A_689, %lt3A_692 : vector<16xi1>
      %jit3A_694 = arith.constant 5120 : i32
      %broadcast_in_dim3A_695 = vector.broadcast %jit3A_694 : i32 to vector<16xi32>
      %select_n3A_696 = arith.select %and3A_693, %sub3A_686, %broadcast_in_dim3A_695 : vector<16xi1>, vector<16xi32>
      %swap3A_697 = arith.constant 64 : index
      %swap3A_698 = tpu.vector_load %arg13[%swap3A_697] {strides = array<i32>} : memref<128xi32, #tpu.memory_space<vmem>>, vector<16xi32>,
      %swap3A_699 = vector.shape_cast %swap3A_698 : vector<16xi32> to vector<16xi32>
      %swap3A_700 = vector.shape_cast %select_n3A_696 : vector<16xi32> to vector<16xi32>
      tpu.vector_store %arg13[%swap3A_697], %swap3A_700 {strides = array<i32>} : memref<128xi32, #tpu.memory_space<vmem>>, vector<16xi32>,
      %get3A_701 = arith.index_cast %add3A_600 : i32 to index
      %get3A_702 = arith.constant 80 : index
      %get3A_703 = tpu.vector_load %arg5[%get3A_701, %get3A_702] {strides = array<i32>} : memref<160x128xi32, #tpu.memory_space<vmem>>, vector<1x16xi32>,
      %get3A_704 = vector.shape_cast %get3A_703 : vector<1x16xi32> to vector<16xi32>
      %sub3A_705 = vector.broadcast %mul3A_0 : i32 to vector<16xi32>
      %sub3A_706 = arith.subi %get3A_704, %sub3A_705 : vector<16xi32>
      %ge3A_707 = arith.constant 0 : i32
      %ge3A_708 = vector.broadcast %ge3A_707 : i32 to vector<16xi32>
      %ge3A_709 = arith.cmpi sge, %sub3A_706, %ge3A_708 : vector<16xi32>
      %lt3A_710 = arith.constant 5120 : i32
      %lt3A_711 = vector.broadcast %lt3A_710 : i32 to vector<16xi32>
      %lt3A_712 = arith.cmpi slt, %sub3A_706, %lt3A_711 : vector<16xi32>
      %and3A_713 = arith.andi %ge3A_709, %lt3A_712 : vector<16xi1>
      %jit3A_714 = arith.constant 5120 : i32
      %broadcast_in_dim3A_715 = vector.broadcast %jit3A_714 : i32 to vector<16xi32>
      %select_n3A_716 = arith.select %and3A_713, %sub3A_706, %broadcast_in_dim3A_715 : vector<16xi1>, vector<16xi32>
      %swap3A_717 = arith.constant 80 : index
      %swap3A_718 = tpu.vector_load %arg13[%swap3A_717] {strides = array<i32>} : memref<128xi32, #tpu.memory_space<vmem>>, vector<16xi32>,
      %swap3A_719 = vector.shape_cast %swap3A_718 : vector<16xi32> to vector<16xi32>
      %swap3A_720 = vector.shape_cast %select_n3A_716 : vector<16xi32> to vector<16xi32>
      tpu.vector_store %arg13[%swap3A_717], %swap3A_720 {strides = array<i32>} : memref<128xi32, #tpu.memory_space<vmem>>, vector<16xi32>,
      %get3A_721 = arith.index_cast %add3A_600 : i32 to index
      %get3A_722 = arith.constant 96 : index
      %get3A_723 = tpu.vector_load %arg5[%get3A_721, %get3A_722] {strides = array<i32>} : memref<160x128xi32, #tpu.memory_space<vmem>>, vector<1x16xi32>,
      %get3A_724 = vector.shape_cast %get3A_723 : vector<1x16xi32> to vector<16xi32>
      %sub3A_725 = vector.broadcast %mul3A_0 : i32 to vector<16xi32>
      %sub3A_726 = arith.subi %get3A_724, %sub3A_725 : vector<16xi32>
      %ge3A_727 = arith.constant 0 : i32
      %ge3A_728 = vector.broadcast %ge3A_727 : i32 to vector<16xi32>
      %ge3A_729 = arith.cmpi sge, %sub3A_726, %ge3A_728 : vector<16xi32>
      %lt3A_730 = arith.constant 5120 : i32
      %lt3A_731 = vector.broadcast %lt3A_730 : i32 to vector<16xi32>
      %lt3A_732 = arith.cmpi slt, %sub3A_726, %lt3A_731 : vector<16xi32>
      %and3A_733 = arith.andi %ge3A_729, %lt3A_732 : vector<16xi1>
      %jit3A_734 = arith.constant 5120 : i32
      %broadcast_in_dim3A_735 = vector.broadcast %jit3A_734 : i32 to vector<16xi32>
      %select_n3A_736 = arith.select %and3A_733, %sub3A_726, %broadcast_in_dim3A_735 : vector<16xi1>, vector<16xi32>
      %swap3A_737 = arith.constant 96 : index
      %swap3A_738 = tpu.vector_load %arg13[%swap3A_737] {strides = array<i32>} : memref<128xi32, #tpu.memory_space<vmem>>, vector<16xi32>,
      %swap3A_739 = vector.shape_cast %swap3A_738 : vector<16xi32> to vector<16xi32>
      %swap3A_740 = vector.shape_cast %select_n3A_736 : vector<16xi32> to vector<16xi32>
      tpu.vector_store %arg13[%swap3A_737], %swap3A_740 {strides = array<i32>} : memref<128xi32, #tpu.memory_space<vmem>>, vector<16xi32>,
      %get3A_741 = arith.index_cast %add3A_600 : i32 to index
      %get3A_742 = arith.constant 112 : index
      %get3A_743 = tpu.vector_load %arg5[%get3A_741, %get3A_742] {strides = array<i32>} : memref<160x128xi32, #tpu.memory_space<vmem>>, vector<1x16xi32>,
      %get3A_744 = vector.shape_cast %get3A_743 : vector<1x16xi32> to vector<16xi32>
      %sub3A_745 = vector.broadcast %mul3A_0 : i32 to vector<16xi32>
      %sub3A_746 = arith.subi %get3A_744, %sub3A_745 : vector<16xi32>
      %ge3A_747 = arith.constant 0 : i32
      %ge3A_748 = vector.broadcast %ge3A_747 : i32 to vector<16xi32>
      %ge3A_749 = arith.cmpi sge, %sub3A_746, %ge3A_748 : vector<16xi32>
      %lt3A_750 = arith.constant 5120 : i32
      %lt3A_751 = vector.broadcast %lt3A_750 : i32 to vector<16xi32>
      %lt3A_752 = arith.cmpi slt, %sub3A_746, %lt3A_751 : vector<16xi32>
      %and3A_753 = arith.andi %ge3A_749, %lt3A_752 : vector<16xi1>
      %jit3A_754 = arith.constant 5120 : i32
      %broadcast_in_dim3A_755 = vector.broadcast %jit3A_754 : i32 to vector<16xi32>
      %select_n3A_756 = arith.select %and3A_753, %sub3A_746, %broadcast_in_dim3A_755 : vector<16xi1>, vector<16xi32>
      %swap3A_757 = arith.constant 112 : index
      %swap3A_758 = tpu.vector_load %arg13[%swap3A_757] {strides = array<i32>} : memref<128xi32, #tpu.memory_space<vmem>>, vector<16xi32>,
      %swap3A_759 = vector.shape_cast %swap3A_758 : vector<16xi32> to vector<16xi32>
      %swap3A_760 = vector.shape_cast %select_n3A_756 : vector<16xi32> to vector<16xi32>
      tpu.vector_store %arg13[%swap3A_757], %swap3A_760 {strides = array<i32>} : memref<128xi32, #tpu.memory_space<vmem>>, vector<16xi32>,
      %dma_wait3A_761 = arith.constant 0 : i32
      %dma_wait3A_762 = tpu.memref_slice %arg2[%add3A_97, %dma_wait3A_761] : memref<327680x128xf32, #tpu.memory_space<hbm>> -> memref<128x128xf32, #tpu.memory_space<hbm>>
      %dma_wait3A_763 = arith.constant 0 : i32
      %dma_wait3A_764 = tpu.memref_slice %arg2[%add3A_97, %dma_wait3A_763] : memref<327680x128xf32, #tpu.memory_space<hbm>> -> memref<128x128xf32, #tpu.memory_space<hbm>>
      tpu.wait_dma2 semaphore(%arg18 : memref<!tpu.dma_semaphore, #tpu.memory_space<semaphore_mem>>) src(%dma_wait3A_764 : memref<128x128xf32, #tpu.memory_space<hbm>>) dst(%arg9 : memref<128x128xf32, #tpu.memory_space<vmem>>)
      "tpu.region"() ({
        %run_scoped3A = tpu.sem_alloc : memref<!tpu.dma_semaphore, #tpu.memory_space<semaphore_mem>>
        %dma_start3A_765 = arith.constant 0 : i32
        %dma_start3A_766 = arith.constant 0 : i32
        %dma_start3A_767 = tpu.memref_slice %arg14[%dma_start3A_765, %dma_start3A_766] : memref<5128x128xf32, #tpu.memory_space<vmem_shared>> -> memref<5128x128xf32, #tpu.memory_space<vmem_shared>>
        tpu.enqueue_indirect_dma source(%arg9 : memref<128x128xf32, #tpu.memory_space<vmem>>) target(%dma_start3A_767 : memref<5128x128xf32, #tpu.memory_space<vmem_shared>>) offsets(%arg13 : memref<128xi32, #tpu.memory_space<vmem>>) semaphore(%run_scoped3A : memref<!tpu.dma_semaphore, #tpu.memory_space<semaphore_mem>>) {add = true}
        %dma_wait3A_768 = arith.constant 0 : i32
        %dma_wait3A_769 = arith.constant 0 : i32
        %dma_wait3A_770 = tpu.memref_slice %arg14[%dma_wait3A_768, %dma_wait3A_769] : memref<5128x128xf32, #tpu.memory_space<vmem_shared>> -> memref<5128x128xf32, #tpu.memory_space<vmem_shared>>
        tpu.wait_indirect_dma semaphore(%run_scoped3A : memref<!tpu.dma_semaphore, #tpu.memory_space<semaphore_mem>>) src(%arg9 : memref<128x128xf32, #tpu.memory_space<vmem>>) dst(%dma_wait3A_770 : memref<5128x128xf32, #tpu.memory_space<vmem_shared>>)
        tpu.yield
      }) : () -> ()
    }
    %scan3A_33 = arith.constant 20 : i32
    %mul3A_34 = arith.constant 2 : i32
    %mul3A_35 = arith.muli %arg1, %mul3A_34 : i32
    %add3A_36 = arith.constant 1 : i32
    %add3A_37 = arith.addi %mul3A_35, %add3A_36 : i32
    %mul3A_38 = arith.constant 10240 : i32
    %mul3A_39 = arith.muli %add3A_37, %mul3A_38 : i32
    %scan3A_40 = arith.constant 0 : i32
    %scan3A_41 = arith.constant 20 : i32
    %scan3A_42 = arith.addi %scan3A_40, %scan3A_41 : i32
    %scan3A_43 = arith.constant 1 : i32
    scf.for %scan3A_61 = %scan3A_40 to %scan3A_42 step %scan3A_43  : i32 {
      %mul3A_62 = arith.constant 4 : i32
      %mul3A_63 = arith.muli %scan3A_61, %mul3A_62 : i32
      %add3A_64 = arith.constant 0 : i32
      %add3A_65 = arith.addi %add3A_64, %mul3A_63 : i32
      %add3A_66 = arith.constant 0 : i32
      %add3A_67 = arith.addi %add3A_65, %add3A_66 : i32
      %mul3A_68 = arith.constant 128 : i32
      %mul3A_69 = arith.muli %add3A_67, %mul3A_68 : i32
      %add3A_70 = arith.addi %mul3A_39, %mul3A_69 : i32
      %dma_start3A_71 = arith.constant 0 : i32
      %dma_start3A_72 = tpu.memref_slice %arg2[%add3A_70, %dma_start3A_71] : memref<327680x128xf32, #tpu.memory_space<hbm>> -> memref<128x128xf32, #tpu.memory_space<hbm>>
      %dma_start3A_73 = arith.constant 0 : i32
      %dma_start3A_74 = tpu.memref_slice %arg2[%add3A_70, %dma_start3A_73] : memref<327680x128xf32, #tpu.memory_space<hbm>> -> memref<128x128xf32, #tpu.memory_space<hbm>>
      tpu.enqueue_dma source(%dma_start3A_74 : memref<128x128xf32, #tpu.memory_space<hbm>>) target(%arg6 : memref<128x128xf32, #tpu.memory_space<vmem>>) target_semaphore(%arg15 : memref<!tpu.dma_semaphore, #tpu.memory_space<semaphore_mem>>)
      %add3A_75 = arith.constant 1 : i32
      %add3A_76 = arith.addi %add3A_65, %add3A_75 : i32
      %mul3A_77 = arith.constant 128 : i32
      %mul3A_78 = arith.muli %add3A_76, %mul3A_77 : i32
      %add3A_79 = arith.addi %mul3A_39, %mul3A_78 : i32
      %dma_start3A_80 = arith.constant 0 : i32
      %dma_start3A_81 = tpu.memref_slice %arg2[%add3A_79, %dma_start3A_80] : memref<327680x128xf32, #tpu.memory_space<hbm>> -> memref<128x128xf32, #tpu.memory_space<hbm>>
      %dma_start3A_82 = arith.constant 0 : i32
      %dma_start3A_83 = tpu.memref_slice %arg2[%add3A_79, %dma_start3A_82] : memref<327680x128xf32, #tpu.memory_space<hbm>> -> memref<128x128xf32, #tpu.memory_space<hbm>>
      tpu.enqueue_dma source(%dma_start3A_83 : memref<128x128xf32, #tpu.memory_space<hbm>>) target(%arg7 : memref<128x128xf32, #tpu.memory_space<vmem>>) target_semaphore(%arg16 : memref<!tpu.dma_semaphore, #tpu.memory_space<semaphore_mem>>)
      %add3A_84 = arith.constant 2 : i32
      %add3A_85 = arith.addi %add3A_65, %add3A_84 : i32
      %mul3A_86 = arith.constant 128 : i32
      %mul3A_87 = arith.muli %add3A_85, %mul3A_86 : i32
      %add3A_88 = arith.addi %mul3A_39, %mul3A_87 : i32
      %dma_start3A_89 = arith.constant 0 : i32
      %dma_start3A_90 = tpu.memref_slice %arg2[%add3A_88, %dma_start3A_89] : memref<327680x128xf32, #tpu.memory_space<hbm>> -> memref<128x128xf32, #tpu.memory_space<hbm>>
      %dma_start3A_91 = arith.constant 0 : i32
      %dma_start3A_92 = tpu.memref_slice %arg2[%add3A_88, %dma_start3A_91] : memref<327680x128xf32, #tpu.memory_space<hbm>> -> memref<128x128xf32, #tpu.memory_space<hbm>>
      tpu.enqueue_dma source(%dma_start3A_92 : memref<128x128xf32, #tpu.memory_space<hbm>>) target(%arg8 : memref<128x128xf32, #tpu.memory_space<vmem>>) target_semaphore(%arg17 : memref<!tpu.dma_semaphore, #tpu.memory_space<semaphore_mem>>)
      %add3A_93 = arith.constant 3 : i32
      %add3A_94 = arith.addi %add3A_65, %add3A_93 : i32
      %mul3A_95 = arith.constant 128 : i32
      %mul3A_96 = arith.muli %add3A_94, %mul3A_95 : i32
      %add3A_97 = arith.addi %mul3A_39, %mul3A_96 : i32
      %dma_start3A_98 = arith.constant 0 : i32
      %dma_start3A_99 = tpu.memref_slice %arg2[%add3A_97, %dma_start3A_98] : memref<327680x128xf32, #tpu.memory_space<hbm>> -> memref<128x128xf32, #tpu.memory_space<hbm>>
      %dma_start3A_100 = arith.constant 0 : i32
      %dma_start3A_101 = tpu.memref_slice %arg2[%add3A_97, %dma_start3A_100] : memref<327680x128xf32, #tpu.memory_space<hbm>> -> memref<128x128xf32, #tpu.memory_space<hbm>>
      tpu.enqueue_dma source(%dma_start3A_101 : memref<128x128xf32, #tpu.memory_space<hbm>>) target(%arg9 : memref<128x128xf32, #tpu.memory_space<vmem>>) target_semaphore(%arg18 : memref<!tpu.dma_semaphore, #tpu.memory_space<semaphore_mem>>)
      %add3A_102 = arith.constant 80 : i32
      %add3A_103 = arith.addi %add3A_102, %add3A_65 : i32
      %add3A_104 = arith.constant 0 : i32
      %add3A_105 = arith.addi %add3A_103, %add3A_104 : i32
      %get3A = arith.index_cast %add3A_105 : i32 to index
      %get3A_106 = arith.constant 0 : index
      %get3A_107 = tpu.vector_load %arg5[%get3A, %get3A_106] {strides = array<i32>} : memref<160x128xi32, #tpu.memory_space<vmem>>, vector<1x16xi32>,
      %get3A_108 = vector.shape_cast %get3A_107 : vector<1x16xi32> to vector<16xi32>
      %sub3A = vector.broadcast %mul3A_0 : i32 to vector<16xi32>
      %sub3A_109 = arith.subi %get3A_108, %sub3A : vector<16xi32>
      %ge3A = arith.constant 0 : i32
      %ge3A_110 = vector.broadcast %ge3A : i32 to vector<16xi32>
      %ge3A_111 = arith.cmpi sge, %sub3A_109, %ge3A_110 : vector<16xi32>
      %lt3A = arith.constant 5120 : i32
      %lt3A_112 = vector.broadcast %lt3A : i32 to vector<16xi32>
      %lt3A_113 = arith.cmpi slt, %sub3A_109, %lt3A_112 : vector<16xi32>
      %and3A = arith.andi %ge3A_111, %lt3A_113 : vector<16xi1>
      %jit3A = arith.constant 5120 : i32
      %broadcast_in_dim3A = vector.broadcast %jit3A : i32 to vector<16xi32>
      %select_n3A = arith.select %and3A, %sub3A_109, %broadcast_in_dim3A : vector<16xi1>, vector<16xi32>
      %swap3A = arith.constant 0 : index
      %swap3A_114 = tpu.vector_load %arg10[%swap3A] {strides = array<i32>} : memref<128xi32, #tpu.memory_space<vmem>>, vector<16xi32>,
      %swap3A_115 = vector.shape_cast %swap3A_114 : vector<16xi32> to vector<16xi32>
      %swap3A_116 = vector.shape_cast %select_n3A : vector<16xi32> to vector<16xi32>
      tpu.vector_store %arg10[%swap3A], %swap3A_116 {strides = array<i32>} : memref<128xi32, #tpu.memory_space<vmem>>, vector<16xi32>,
      %get3A_117 = arith.index_cast %add3A_105 : i32 to index
      %get3A_118 = arith.constant 16 : index
      %get3A_119 = tpu.vector_load %arg5[%get3A_117, %get3A_118] {strides = array<i32>} : memref<160x128xi32, #tpu.memory_space<vmem>>, vector<1x16xi32>,
      %get3A_120 = vector.shape_cast %get3A_119 : vector<1x16xi32> to vector<16xi32>
      %sub3A_121 = vector.broadcast %mul3A_0 : i32 to vector<16xi32>
      %sub3A_122 = arith.subi %get3A_120, %sub3A_121 : vector<16xi32>
      %ge3A_123 = arith.constant 0 : i32
      %ge3A_124 = vector.broadcast %ge3A_123 : i32 to vector<16xi32>
      %ge3A_125 = arith.cmpi sge, %sub3A_122, %ge3A_124 : vector<16xi32>
      %lt3A_126 = arith.constant 5120 : i32
      %lt3A_127 = vector.broadcast %lt3A_126 : i32 to vector<16xi32>
      %lt3A_128 = arith.cmpi slt, %sub3A_122, %lt3A_127 : vector<16xi32>
      %and3A_129 = arith.andi %ge3A_125, %lt3A_128 : vector<16xi1>
      %jit3A_130 = arith.constant 5120 : i32
      %broadcast_in_dim3A_131 = vector.broadcast %jit3A_130 : i32 to vector<16xi32>
      %select_n3A_132 = arith.select %and3A_129, %sub3A_122, %broadcast_in_dim3A_131 : vector<16xi1>, vector<16xi32>
      %swap3A_133 = arith.constant 16 : index
      %swap3A_134 = tpu.vector_load %arg10[%swap3A_133] {strides = array<i32>} : memref<128xi32, #tpu.memory_space<vmem>>, vector<16xi32>,
      %swap3A_135 = vector.shape_cast %swap3A_134 : vector<16xi32> to vector<16xi32>
      %swap3A_136 = vector.shape_cast %select_n3A_132 : vector<16xi32> to vector<16xi32>
      tpu.vector_store %arg10[%swap3A_133], %swap3A_136 {strides = array<i32>} : memref<128xi32, #tpu.memory_space<vmem>>, vector<16xi32>,
      %get3A_137 = arith.index_cast %add3A_105 : i32 to index
      %get3A_138 = arith.constant 32 : index
      %get3A_139 = tpu.vector_load %arg5[%get3A_137, %get3A_138] {strides = array<i32>} : memref<160x128xi32, #tpu.memory_space<vmem>>, vector<1x16xi32>,
      %get3A_140 = vector.shape_cast %get3A_139 : vector<1x16xi32> to vector<16xi32>
      %sub3A_141 = vector.broadcast %mul3A_0 : i32 to vector<16xi32>
      %sub3A_142 = arith.subi %get3A_140, %sub3A_141 : vector<16xi32>
      %ge3A_143 = arith.constant 0 : i32
      %ge3A_144 = vector.broadcast %ge3A_143 : i32 to vector<16xi32>
      %ge3A_145 = arith.cmpi sge, %sub3A_142, %ge3A_144 : vector<16xi32>
      %lt3A_146 = arith.constant 5120 : i32
      %lt3A_147 = vector.broadcast %lt3A_146 : i32 to vector<16xi32>
      %lt3A_148 = arith.cmpi slt, %sub3A_142, %lt3A_147 : vector<16xi32>
      %and3A_149 = arith.andi %ge3A_145, %lt3A_148 : vector<16xi1>
      %jit3A_150 = arith.constant 5120 : i32
      %broadcast_in_dim3A_151 = vector.broadcast %jit3A_150 : i32 to vector<16xi32>
      %select_n3A_152 = arith.select %and3A_149, %sub3A_142, %broadcast_in_dim3A_151 : vector<16xi1>, vector<16xi32>
      %swap3A_153 = arith.constant 32 : index
      %swap3A_154 = tpu.vector_load %arg10[%swap3A_153] {strides = array<i32>} : memref<128xi32, #tpu.memory_space<vmem>>, vector<16xi32>,
      %swap3A_155 = vector.shape_cast %swap3A_154 : vector<16xi32> to vector<16xi32>
      %swap3A_156 = vector.shape_cast %select_n3A_152 : vector<16xi32> to vector<16xi32>
      tpu.vector_store %arg10[%swap3A_153], %swap3A_156 {strides = array<i32>} : memref<128xi32, #tpu.memory_space<vmem>>, vector<16xi32>,
      %get3A_157 = arith.index_cast %add3A_105 : i32 to index
      %get3A_158 = arith.constant 48 : index
      %get3A_159 = tpu.vector_load %arg5[%get3A_157, %get3A_158] {strides = array<i32>} : memref<160x128xi32, #tpu.memory_space<vmem>>, vector<1x16xi32>,
      %get3A_160 = vector.shape_cast %get3A_159 : vector<1x16xi32> to vector<16xi32>
      %sub3A_161 = vector.broadcast %mul3A_0 : i32 to vector<16xi32>
      %sub3A_162 = arith.subi %get3A_160, %sub3A_161 : vector<16xi32>
      %ge3A_163 = arith.constant 0 : i32
      %ge3A_164 = vector.broadcast %ge3A_163 : i32 to vector<16xi32>
      %ge3A_165 = arith.cmpi sge, %sub3A_162, %ge3A_164 : vector<16xi32>
      %lt3A_166 = arith.constant 5120 : i32
      %lt3A_167 = vector.broadcast %lt3A_166 : i32 to vector<16xi32>
      %lt3A_168 = arith.cmpi slt, %sub3A_162, %lt3A_167 : vector<16xi32>
      %and3A_169 = arith.andi %ge3A_165, %lt3A_168 : vector<16xi1>
      %jit3A_170 = arith.constant 5120 : i32
      %broadcast_in_dim3A_171 = vector.broadcast %jit3A_170 : i32 to vector<16xi32>
      %select_n3A_172 = arith.select %and3A_169, %sub3A_162, %broadcast_in_dim3A_171 : vector<16xi1>, vector<16xi32>
      %swap3A_173 = arith.constant 48 : index
      %swap3A_174 = tpu.vector_load %arg10[%swap3A_173] {strides = array<i32>} : memref<128xi32, #tpu.memory_space<vmem>>, vector<16xi32>,
      %swap3A_175 = vector.shape_cast %swap3A_174 : vector<16xi32> to vector<16xi32>
      %swap3A_176 = vector.shape_cast %select_n3A_172 : vector<16xi32> to vector<16xi32>
      tpu.vector_store %arg10[%swap3A_173], %swap3A_176 {strides = array<i32>} : memref<128xi32, #tpu.memory_space<vmem>>, vector<16xi32>,
      %get3A_177 = arith.index_cast %add3A_105 : i32 to index
      %get3A_178 = arith.constant 64 : index
      %get3A_179 = tpu.vector_load %arg5[%get3A_177, %get3A_178] {strides = array<i32>} : memref<160x128xi32, #tpu.memory_space<vmem>>, vector<1x16xi32>,
      %get3A_180 = vector.shape_cast %get3A_179 : vector<1x16xi32> to vector<16xi32>
      %sub3A_181 = vector.broadcast %mul3A_0 : i32 to vector<16xi32>
      %sub3A_182 = arith.subi %get3A_180, %sub3A_181 : vector<16xi32>
      %ge3A_183 = arith.constant 0 : i32
      %ge3A_184 = vector.broadcast %ge3A_183 : i32 to vector<16xi32>
      %ge3A_185 = arith.cmpi sge, %sub3A_182, %ge3A_184 : vector<16xi32>
      %lt3A_186 = arith.constant 5120 : i32
      %lt3A_187 = vector.broadcast %lt3A_186 : i32 to vector<16xi32>
      %lt3A_188 = arith.cmpi slt, %sub3A_182, %lt3A_187 : vector<16xi32>
      %and3A_189 = arith.andi %ge3A_185, %lt3A_188 : vector<16xi1>
      %jit3A_190 = arith.constant 5120 : i32
      %broadcast_in_dim3A_191 = vector.broadcast %jit3A_190 : i32 to vector<16xi32>
      %select_n3A_192 = arith.select %and3A_189, %sub3A_182, %broadcast_in_dim3A_191 : vector<16xi1>, vector<16xi32>
      %swap3A_193 = arith.constant 64 : index
      %swap3A_194 = tpu.vector_load %arg10[%swap3A_193] {strides = array<i32>} : memref<128xi32, #tpu.memory_space<vmem>>, vector<16xi32>,
      %swap3A_195 = vector.shape_cast %swap3A_194 : vector<16xi32> to vector<16xi32>
      %swap3A_196 = vector.shape_cast %select_n3A_192 : vector<16xi32> to vector<16xi32>
      tpu.vector_store %arg10[%swap3A_193], %swap3A_196 {strides = array<i32>} : memref<128xi32, #tpu.memory_space<vmem>>, vector<16xi32>,
      %get3A_197 = arith.index_cast %add3A_105 : i32 to index
      %get3A_198 = arith.constant 80 : index
      %get3A_199 = tpu.vector_load %arg5[%get3A_197, %get3A_198] {strides = array<i32>} : memref<160x128xi32, #tpu.memory_space<vmem>>, vector<1x16xi32>,
      %get3A_200 = vector.shape_cast %get3A_199 : vector<1x16xi32> to vector<16xi32>
      %sub3A_201 = vector.broadcast %mul3A_0 : i32 to vector<16xi32>
      %sub3A_202 = arith.subi %get3A_200, %sub3A_201 : vector<16xi32>
      %ge3A_203 = arith.constant 0 : i32
      %ge3A_204 = vector.broadcast %ge3A_203 : i32 to vector<16xi32>
      %ge3A_205 = arith.cmpi sge, %sub3A_202, %ge3A_204 : vector<16xi32>
      %lt3A_206 = arith.constant 5120 : i32
      %lt3A_207 = vector.broadcast %lt3A_206 : i32 to vector<16xi32>
      %lt3A_208 = arith.cmpi slt, %sub3A_202, %lt3A_207 : vector<16xi32>
      %and3A_209 = arith.andi %ge3A_205, %lt3A_208 : vector<16xi1>
      %jit3A_210 = arith.constant 5120 : i32
      %broadcast_in_dim3A_211 = vector.broadcast %jit3A_210 : i32 to vector<16xi32>
      %select_n3A_212 = arith.select %and3A_209, %sub3A_202, %broadcast_in_dim3A_211 : vector<16xi1>, vector<16xi32>
      %swap3A_213 = arith.constant 80 : index
      %swap3A_214 = tpu.vector_load %arg10[%swap3A_213] {strides = array<i32>} : memref<128xi32, #tpu.memory_space<vmem>>, vector<16xi32>,
      %swap3A_215 = vector.shape_cast %swap3A_214 : vector<16xi32> to vector<16xi32>
      %swap3A_216 = vector.shape_cast %select_n3A_212 : vector<16xi32> to vector<16xi32>
      tpu.vector_store %arg10[%swap3A_213], %swap3A_216 {strides = array<i32>} : memref<128xi32, #tpu.memory_space<vmem>>, vector<16xi32>,
      %get3A_217 = arith.index_cast %add3A_105 : i32 to index
      %get3A_218 = arith.constant 96 : index
      %get3A_219 = tpu.vector_load %arg5[%get3A_217, %get3A_218] {strides = array<i32>} : memref<160x128xi32, #tpu.memory_space<vmem>>, vector<1x16xi32>,
      %get3A_220 = vector.shape_cast %get3A_219 : vector<1x16xi32> to vector<16xi32>
      %sub3A_221 = vector.broadcast %mul3A_0 : i32 to vector<16xi32>
      %sub3A_222 = arith.subi %get3A_220, %sub3A_221 : vector<16xi32>
      %ge3A_223 = arith.constant 0 : i32
      %ge3A_224 = vector.broadcast %ge3A_223 : i32 to vector<16xi32>
      %ge3A_225 = arith.cmpi sge, %sub3A_222, %ge3A_224 : vector<16xi32>
      %lt3A_226 = arith.constant 5120 : i32
      %lt3A_227 = vector.broadcast %lt3A_226 : i32 to vector<16xi32>
      %lt3A_228 = arith.cmpi slt, %sub3A_222, %lt3A_227 : vector<16xi32>
      %and3A_229 = arith.andi %ge3A_225, %lt3A_228 : vector<16xi1>
      %jit3A_230 = arith.constant 5120 : i32
      %broadcast_in_dim3A_231 = vector.broadcast %jit3A_230 : i32 to vector<16xi32>
      %select_n3A_232 = arith.select %and3A_229, %sub3A_222, %broadcast_in_dim3A_231 : vector<16xi1>, vector<16xi32>
      %swap3A_233 = arith.constant 96 : index
      %swap3A_234 = tpu.vector_load %arg10[%swap3A_233] {strides = array<i32>} : memref<128xi32, #tpu.memory_space<vmem>>, vector<16xi32>,
      %swap3A_235 = vector.shape_cast %swap3A_234 : vector<16xi32> to vector<16xi32>
      %swap3A_236 = vector.shape_cast %select_n3A_232 : vector<16xi32> to vector<16xi32>
      tpu.vector_store %arg10[%swap3A_233], %swap3A_236 {strides = array<i32>} : memref<128xi32, #tpu.memory_space<vmem>>, vector<16xi32>,
      %get3A_237 = arith.index_cast %add3A_105 : i32 to index
      %get3A_238 = arith.constant 112 : index
      %get3A_239 = tpu.vector_load %arg5[%get3A_237, %get3A_238] {strides = array<i32>} : memref<160x128xi32, #tpu.memory_space<vmem>>, vector<1x16xi32>,
      %get3A_240 = vector.shape_cast %get3A_239 : vector<1x16xi32> to vector<16xi32>
      %sub3A_241 = vector.broadcast %mul3A_0 : i32 to vector<16xi32>
      %sub3A_242 = arith.subi %get3A_240, %sub3A_241 : vector<16xi32>
      %ge3A_243 = arith.constant 0 : i32
      %ge3A_244 = vector.broadcast %ge3A_243 : i32 to vector<16xi32>
      %ge3A_245 = arith.cmpi sge, %sub3A_242, %ge3A_244 : vector<16xi32>
      %lt3A_246 = arith.constant 5120 : i32
      %lt3A_247 = vector.broadcast %lt3A_246 : i32 to vector<16xi32>
      %lt3A_248 = arith.cmpi slt, %sub3A_242, %lt3A_247 : vector<16xi32>
      %and3A_249 = arith.andi %ge3A_245, %lt3A_248 : vector<16xi1>
      %jit3A_250 = arith.constant 5120 : i32
      %broadcast_in_dim3A_251 = vector.broadcast %jit3A_250 : i32 to vector<16xi32>
      %select_n3A_252 = arith.select %and3A_249, %sub3A_242, %broadcast_in_dim3A_251 : vector<16xi1>, vector<16xi32>
      %swap3A_253 = arith.constant 112 : index
      %swap3A_254 = tpu.vector_load %arg10[%swap3A_253] {strides = array<i32>} : memref<128xi32, #tpu.memory_space<vmem>>, vector<16xi32>,
      %swap3A_255 = vector.shape_cast %swap3A_254 : vector<16xi32> to vector<16xi32>
      %swap3A_256 = vector.shape_cast %select_n3A_252 : vector<16xi32> to vector<16xi32>
      tpu.vector_store %arg10[%swap3A_253], %swap3A_256 {strides = array<i32>} : memref<128xi32, #tpu.memory_space<vmem>>, vector<16xi32>,
      %dma_wait3A_257 = arith.constant 0 : i32
      %dma_wait3A_258 = tpu.memref_slice %arg2[%add3A_70, %dma_wait3A_257] : memref<327680x128xf32, #tpu.memory_space<hbm>> -> memref<128x128xf32, #tpu.memory_space<hbm>>
      %dma_wait3A_259 = arith.constant 0 : i32
      %dma_wait3A_260 = tpu.memref_slice %arg2[%add3A_70, %dma_wait3A_259] : memref<327680x128xf32, #tpu.memory_space<hbm>> -> memref<128x128xf32, #tpu.memory_space<hbm>>
      tpu.wait_dma2 semaphore(%arg15 : memref<!tpu.dma_semaphore, #tpu.memory_space<semaphore_mem>>) src(%dma_wait3A_260 : memref<128x128xf32, #tpu.memory_space<hbm>>) dst(%arg6 : memref<128x128xf32, #tpu.memory_space<vmem>>)
      "tpu.region"() ({
        %run_scoped3A = tpu.sem_alloc : memref<!tpu.dma_semaphore, #tpu.memory_space<semaphore_mem>>
        %dma_start3A_765 = arith.constant 0 : i32
        %dma_start3A_766 = arith.constant 0 : i32
        %dma_start3A_767 = tpu.memref_slice %arg14[%dma_start3A_765, %dma_start3A_766] : memref<5128x128xf32, #tpu.memory_space<vmem_shared>> -> memref<5128x128xf32, #tpu.memory_space<vmem_shared>>
        tpu.enqueue_indirect_dma source(%arg6 : memref<128x128xf32, #tpu.memory_space<vmem>>) target(%dma_start3A_767 : memref<5128x128xf32, #tpu.memory_space<vmem_shared>>) offsets(%arg10 : memref<128xi32, #tpu.memory_space<vmem>>) semaphore(%run_scoped3A : memref<!tpu.dma_semaphore, #tpu.memory_space<semaphore_mem>>) {add = true}
        %dma_wait3A_768 = arith.constant 0 : i32
        %dma_wait3A_769 = arith.constant 0 : i32
        %dma_wait3A_770 = tpu.memref_slice %arg14[%dma_wait3A_768, %dma_wait3A_769] : memref<5128x128xf32, #tpu.memory_space<vmem_shared>> -> memref<5128x128xf32, #tpu.memory_space<vmem_shared>>
        tpu.wait_indirect_dma semaphore(%run_scoped3A : memref<!tpu.dma_semaphore, #tpu.memory_space<semaphore_mem>>) src(%arg6 : memref<128x128xf32, #tpu.memory_space<vmem>>) dst(%dma_wait3A_770 : memref<5128x128xf32, #tpu.memory_space<vmem_shared>>)
        tpu.yield
      }) : () -> ()
      %add3A_261 = arith.constant 80 : i32
      %add3A_262 = arith.addi %add3A_261, %add3A_65 : i32
      %add3A_263 = arith.constant 1 : i32
      %add3A_264 = arith.addi %add3A_262, %add3A_263 : i32
      %get3A_265 = arith.index_cast %add3A_264 : i32 to index
      %get3A_266 = arith.constant 0 : index
      %get3A_267 = tpu.vector_load %arg5[%get3A_265, %get3A_266] {strides = array<i32>} : memref<160x128xi32, #tpu.memory_space<vmem>>, vector<1x16xi32>,
      %get3A_268 = vector.shape_cast %get3A_267 : vector<1x16xi32> to vector<16xi32>
      %sub3A_269 = vector.broadcast %mul3A_0 : i32 to vector<16xi32>
      %sub3A_270 = arith.subi %get3A_268, %sub3A_269 : vector<16xi32>
      %ge3A_271 = arith.constant 0 : i32
      %ge3A_272 = vector.broadcast %ge3A_271 : i32 to vector<16xi32>
      %ge3A_273 = arith.cmpi sge, %sub3A_270, %ge3A_272 : vector<16xi32>
      %lt3A_274 = arith.constant 5120 : i32
      %lt3A_275 = vector.broadcast %lt3A_274 : i32 to vector<16xi32>
      %lt3A_276 = arith.cmpi slt, %sub3A_270, %lt3A_275 : vector<16xi32>
      %and3A_277 = arith.andi %ge3A_273, %lt3A_276 : vector<16xi1>
      %jit3A_278 = arith.constant 5120 : i32
      %broadcast_in_dim3A_279 = vector.broadcast %jit3A_278 : i32 to vector<16xi32>
      %select_n3A_280 = arith.select %and3A_277, %sub3A_270, %broadcast_in_dim3A_279 : vector<16xi1>, vector<16xi32>
      %swap3A_281 = arith.constant 0 : index
      %swap3A_282 = tpu.vector_load %arg11[%swap3A_281] {strides = array<i32>} : memref<128xi32, #tpu.memory_space<vmem>>, vector<16xi32>,
      %swap3A_283 = vector.shape_cast %swap3A_282 : vector<16xi32> to vector<16xi32>
      %swap3A_284 = vector.shape_cast %select_n3A_280 : vector<16xi32> to vector<16xi32>
      tpu.vector_store %arg11[%swap3A_281], %swap3A_284 {strides = array<i32>} : memref<128xi32, #tpu.memory_space<vmem>>, vector<16xi32>,
      %get3A_285 = arith.index_cast %add3A_264 : i32 to index
      %get3A_286 = arith.constant 16 : index
      %get3A_287 = tpu.vector_load %arg5[%get3A_285, %get3A_286] {strides = array<i32>} : memref<160x128xi32, #tpu.memory_space<vmem>>, vector<1x16xi32>,
      %get3A_288 = vector.shape_cast %get3A_287 : vector<1x16xi32> to vector<16xi32>
      %sub3A_289 = vector.broadcast %mul3A_0 : i32 to vector<16xi32>
      %sub3A_290 = arith.subi %get3A_288, %sub3A_289 : vector<16xi32>
      %ge3A_291 = arith.constant 0 : i32
      %ge3A_292 = vector.broadcast %ge3A_291 : i32 to vector<16xi32>
      %ge3A_293 = arith.cmpi sge, %sub3A_290, %ge3A_292 : vector<16xi32>
      %lt3A_294 = arith.constant 5120 : i32
      %lt3A_295 = vector.broadcast %lt3A_294 : i32 to vector<16xi32>
      %lt3A_296 = arith.cmpi slt, %sub3A_290, %lt3A_295 : vector<16xi32>
      %and3A_297 = arith.andi %ge3A_293, %lt3A_296 : vector<16xi1>
      %jit3A_298 = arith.constant 5120 : i32
      %broadcast_in_dim3A_299 = vector.broadcast %jit3A_298 : i32 to vector<16xi32>
      %select_n3A_300 = arith.select %and3A_297, %sub3A_290, %broadcast_in_dim3A_299 : vector<16xi1>, vector<16xi32>
      %swap3A_301 = arith.constant 16 : index
      %swap3A_302 = tpu.vector_load %arg11[%swap3A_301] {strides = array<i32>} : memref<128xi32, #tpu.memory_space<vmem>>, vector<16xi32>,
      %swap3A_303 = vector.shape_cast %swap3A_302 : vector<16xi32> to vector<16xi32>
      %swap3A_304 = vector.shape_cast %select_n3A_300 : vector<16xi32> to vector<16xi32>
      tpu.vector_store %arg11[%swap3A_301], %swap3A_304 {strides = array<i32>} : memref<128xi32, #tpu.memory_space<vmem>>, vector<16xi32>,
      %get3A_305 = arith.index_cast %add3A_264 : i32 to index
      %get3A_306 = arith.constant 32 : index
      %get3A_307 = tpu.vector_load %arg5[%get3A_305, %get3A_306] {strides = array<i32>} : memref<160x128xi32, #tpu.memory_space<vmem>>, vector<1x16xi32>,
      %get3A_308 = vector.shape_cast %get3A_307 : vector<1x16xi32> to vector<16xi32>
      %sub3A_309 = vector.broadcast %mul3A_0 : i32 to vector<16xi32>
      %sub3A_310 = arith.subi %get3A_308, %sub3A_309 : vector<16xi32>
      %ge3A_311 = arith.constant 0 : i32
      %ge3A_312 = vector.broadcast %ge3A_311 : i32 to vector<16xi32>
      %ge3A_313 = arith.cmpi sge, %sub3A_310, %ge3A_312 : vector<16xi32>
      %lt3A_314 = arith.constant 5120 : i32
      %lt3A_315 = vector.broadcast %lt3A_314 : i32 to vector<16xi32>
      %lt3A_316 = arith.cmpi slt, %sub3A_310, %lt3A_315 : vector<16xi32>
      %and3A_317 = arith.andi %ge3A_313, %lt3A_316 : vector<16xi1>
      %jit3A_318 = arith.constant 5120 : i32
      %broadcast_in_dim3A_319 = vector.broadcast %jit3A_318 : i32 to vector<16xi32>
      %select_n3A_320 = arith.select %and3A_317, %sub3A_310, %broadcast_in_dim3A_319 : vector<16xi1>, vector<16xi32>
      %swap3A_321 = arith.constant 32 : index
      %swap3A_322 = tpu.vector_load %arg11[%swap3A_321] {strides = array<i32>} : memref<128xi32, #tpu.memory_space<vmem>>, vector<16xi32>,
      %swap3A_323 = vector.shape_cast %swap3A_322 : vector<16xi32> to vector<16xi32>
      %swap3A_324 = vector.shape_cast %select_n3A_320 : vector<16xi32> to vector<16xi32>
      tpu.vector_store %arg11[%swap3A_321], %swap3A_324 {strides = array<i32>} : memref<128xi32, #tpu.memory_space<vmem>>, vector<16xi32>,
      %get3A_325 = arith.index_cast %add3A_264 : i32 to index
      %get3A_326 = arith.constant 48 : index
      %get3A_327 = tpu.vector_load %arg5[%get3A_325, %get3A_326] {strides = array<i32>} : memref<160x128xi32, #tpu.memory_space<vmem>>, vector<1x16xi32>,
      %get3A_328 = vector.shape_cast %get3A_327 : vector<1x16xi32> to vector<16xi32>
      %sub3A_329 = vector.broadcast %mul3A_0 : i32 to vector<16xi32>
      %sub3A_330 = arith.subi %get3A_328, %sub3A_329 : vector<16xi32>
      %ge3A_331 = arith.constant 0 : i32
      %ge3A_332 = vector.broadcast %ge3A_331 : i32 to vector<16xi32>
      %ge3A_333 = arith.cmpi sge, %sub3A_330, %ge3A_332 : vector<16xi32>
      %lt3A_334 = arith.constant 5120 : i32
      %lt3A_335 = vector.broadcast %lt3A_334 : i32 to vector<16xi32>
      %lt3A_336 = arith.cmpi slt, %sub3A_330, %lt3A_335 : vector<16xi32>
      %and3A_337 = arith.andi %ge3A_333, %lt3A_336 : vector<16xi1>
      %jit3A_338 = arith.constant 5120 : i32
      %broadcast_in_dim3A_339 = vector.broadcast %jit3A_338 : i32 to vector<16xi32>
      %select_n3A_340 = arith.select %and3A_337, %sub3A_330, %broadcast_in_dim3A_339 : vector<16xi1>, vector<16xi32>
      %swap3A_341 = arith.constant 48 : index
      %swap3A_342 = tpu.vector_load %arg11[%swap3A_341] {strides = array<i32>} : memref<128xi32, #tpu.memory_space<vmem>>, vector<16xi32>,
      %swap3A_343 = vector.shape_cast %swap3A_342 : vector<16xi32> to vector<16xi32>
      %swap3A_344 = vector.shape_cast %select_n3A_340 : vector<16xi32> to vector<16xi32>
      tpu.vector_store %arg11[%swap3A_341], %swap3A_344 {strides = array<i32>} : memref<128xi32, #tpu.memory_space<vmem>>, vector<16xi32>,
      %get3A_345 = arith.index_cast %add3A_264 : i32 to index
      %get3A_346 = arith.constant 64 : index
      %get3A_347 = tpu.vector_load %arg5[%get3A_345, %get3A_346] {strides = array<i32>} : memref<160x128xi32, #tpu.memory_space<vmem>>, vector<1x16xi32>,
      %get3A_348 = vector.shape_cast %get3A_347 : vector<1x16xi32> to vector<16xi32>
      %sub3A_349 = vector.broadcast %mul3A_0 : i32 to vector<16xi32>
      %sub3A_350 = arith.subi %get3A_348, %sub3A_349 : vector<16xi32>
      %ge3A_351 = arith.constant 0 : i32
      %ge3A_352 = vector.broadcast %ge3A_351 : i32 to vector<16xi32>
      %ge3A_353 = arith.cmpi sge, %sub3A_350, %ge3A_352 : vector<16xi32>
      %lt3A_354 = arith.constant 5120 : i32
      %lt3A_355 = vector.broadcast %lt3A_354 : i32 to vector<16xi32>
      %lt3A_356 = arith.cmpi slt, %sub3A_350, %lt3A_355 : vector<16xi32>
      %and3A_357 = arith.andi %ge3A_353, %lt3A_356 : vector<16xi1>
      %jit3A_358 = arith.constant 5120 : i32
      %broadcast_in_dim3A_359 = vector.broadcast %jit3A_358 : i32 to vector<16xi32>
      %select_n3A_360 = arith.select %and3A_357, %sub3A_350, %broadcast_in_dim3A_359 : vector<16xi1>, vector<16xi32>
      %swap3A_361 = arith.constant 64 : index
      %swap3A_362 = tpu.vector_load %arg11[%swap3A_361] {strides = array<i32>} : memref<128xi32, #tpu.memory_space<vmem>>, vector<16xi32>,
      %swap3A_363 = vector.shape_cast %swap3A_362 : vector<16xi32> to vector<16xi32>
      %swap3A_364 = vector.shape_cast %select_n3A_360 : vector<16xi32> to vector<16xi32>
      tpu.vector_store %arg11[%swap3A_361], %swap3A_364 {strides = array<i32>} : memref<128xi32, #tpu.memory_space<vmem>>, vector<16xi32>,
      %get3A_365 = arith.index_cast %add3A_264 : i32 to index
      %get3A_366 = arith.constant 80 : index
      %get3A_367 = tpu.vector_load %arg5[%get3A_365, %get3A_366] {strides = array<i32>} : memref<160x128xi32, #tpu.memory_space<vmem>>, vector<1x16xi32>,
      %get3A_368 = vector.shape_cast %get3A_367 : vector<1x16xi32> to vector<16xi32>
      %sub3A_369 = vector.broadcast %mul3A_0 : i32 to vector<16xi32>
      %sub3A_370 = arith.subi %get3A_368, %sub3A_369 : vector<16xi32>
      %ge3A_371 = arith.constant 0 : i32
      %ge3A_372 = vector.broadcast %ge3A_371 : i32 to vector<16xi32>
      %ge3A_373 = arith.cmpi sge, %sub3A_370, %ge3A_372 : vector<16xi32>
      %lt3A_374 = arith.constant 5120 : i32
      %lt3A_375 = vector.broadcast %lt3A_374 : i32 to vector<16xi32>
      %lt3A_376 = arith.cmpi slt, %sub3A_370, %lt3A_375 : vector<16xi32>
      %and3A_377 = arith.andi %ge3A_373, %lt3A_376 : vector<16xi1>
      %jit3A_378 = arith.constant 5120 : i32
      %broadcast_in_dim3A_379 = vector.broadcast %jit3A_378 : i32 to vector<16xi32>
      %select_n3A_380 = arith.select %and3A_377, %sub3A_370, %broadcast_in_dim3A_379 : vector<16xi1>, vector<16xi32>
      %swap3A_381 = arith.constant 80 : index
      %swap3A_382 = tpu.vector_load %arg11[%swap3A_381] {strides = array<i32>} : memref<128xi32, #tpu.memory_space<vmem>>, vector<16xi32>,
      %swap3A_383 = vector.shape_cast %swap3A_382 : vector<16xi32> to vector<16xi32>
      %swap3A_384 = vector.shape_cast %select_n3A_380 : vector<16xi32> to vector<16xi32>
      tpu.vector_store %arg11[%swap3A_381], %swap3A_384 {strides = array<i32>} : memref<128xi32, #tpu.memory_space<vmem>>, vector<16xi32>,
      %get3A_385 = arith.index_cast %add3A_264 : i32 to index
      %get3A_386 = arith.constant 96 : index
      %get3A_387 = tpu.vector_load %arg5[%get3A_385, %get3A_386] {strides = array<i32>} : memref<160x128xi32, #tpu.memory_space<vmem>>, vector<1x16xi32>,
      %get3A_388 = vector.shape_cast %get3A_387 : vector<1x16xi32> to vector<16xi32>
      %sub3A_389 = vector.broadcast %mul3A_0 : i32 to vector<16xi32>
      %sub3A_390 = arith.subi %get3A_388, %sub3A_389 : vector<16xi32>
      %ge3A_391 = arith.constant 0 : i32
      %ge3A_392 = vector.broadcast %ge3A_391 : i32 to vector<16xi32>
      %ge3A_393 = arith.cmpi sge, %sub3A_390, %ge3A_392 : vector<16xi32>
      %lt3A_394 = arith.constant 5120 : i32
      %lt3A_395 = vector.broadcast %lt3A_394 : i32 to vector<16xi32>
      %lt3A_396 = arith.cmpi slt, %sub3A_390, %lt3A_395 : vector<16xi32>
      %and3A_397 = arith.andi %ge3A_393, %lt3A_396 : vector<16xi1>
      %jit3A_398 = arith.constant 5120 : i32
      %broadcast_in_dim3A_399 = vector.broadcast %jit3A_398 : i32 to vector<16xi32>
      %select_n3A_400 = arith.select %and3A_397, %sub3A_390, %broadcast_in_dim3A_399 : vector<16xi1>, vector<16xi32>
      %swap3A_401 = arith.constant 96 : index
      %swap3A_402 = tpu.vector_load %arg11[%swap3A_401] {strides = array<i32>} : memref<128xi32, #tpu.memory_space<vmem>>, vector<16xi32>,
      %swap3A_403 = vector.shape_cast %swap3A_402 : vector<16xi32> to vector<16xi32>
      %swap3A_404 = vector.shape_cast %select_n3A_400 : vector<16xi32> to vector<16xi32>
      tpu.vector_store %arg11[%swap3A_401], %swap3A_404 {strides = array<i32>} : memref<128xi32, #tpu.memory_space<vmem>>, vector<16xi32>,
      %get3A_405 = arith.index_cast %add3A_264 : i32 to index
      %get3A_406 = arith.constant 112 : index
      %get3A_407 = tpu.vector_load %arg5[%get3A_405, %get3A_406] {strides = array<i32>} : memref<160x128xi32, #tpu.memory_space<vmem>>, vector<1x16xi32>,
      %get3A_408 = vector.shape_cast %get3A_407 : vector<1x16xi32> to vector<16xi32>
      %sub3A_409 = vector.broadcast %mul3A_0 : i32 to vector<16xi32>
      %sub3A_410 = arith.subi %get3A_408, %sub3A_409 : vector<16xi32>
      %ge3A_411 = arith.constant 0 : i32
      %ge3A_412 = vector.broadcast %ge3A_411 : i32 to vector<16xi32>
      %ge3A_413 = arith.cmpi sge, %sub3A_410, %ge3A_412 : vector<16xi32>
      %lt3A_414 = arith.constant 5120 : i32
      %lt3A_415 = vector.broadcast %lt3A_414 : i32 to vector<16xi32>
      %lt3A_416 = arith.cmpi slt, %sub3A_410, %lt3A_415 : vector<16xi32>
      %and3A_417 = arith.andi %ge3A_413, %lt3A_416 : vector<16xi1>
      %jit3A_418 = arith.constant 5120 : i32
      %broadcast_in_dim3A_419 = vector.broadcast %jit3A_418 : i32 to vector<16xi32>
      %select_n3A_420 = arith.select %and3A_417, %sub3A_410, %broadcast_in_dim3A_419 : vector<16xi1>, vector<16xi32>
      %swap3A_421 = arith.constant 112 : index
      %swap3A_422 = tpu.vector_load %arg11[%swap3A_421] {strides = array<i32>} : memref<128xi32, #tpu.memory_space<vmem>>, vector<16xi32>,
      %swap3A_423 = vector.shape_cast %swap3A_422 : vector<16xi32> to vector<16xi32>
      %swap3A_424 = vector.shape_cast %select_n3A_420 : vector<16xi32> to vector<16xi32>
      tpu.vector_store %arg11[%swap3A_421], %swap3A_424 {strides = array<i32>} : memref<128xi32, #tpu.memory_space<vmem>>, vector<16xi32>,
      %dma_wait3A_425 = arith.constant 0 : i32
      %dma_wait3A_426 = tpu.memref_slice %arg2[%add3A_79, %dma_wait3A_425] : memref<327680x128xf32, #tpu.memory_space<hbm>> -> memref<128x128xf32, #tpu.memory_space<hbm>>
      %dma_wait3A_427 = arith.constant 0 : i32
      %dma_wait3A_428 = tpu.memref_slice %arg2[%add3A_79, %dma_wait3A_427] : memref<327680x128xf32, #tpu.memory_space<hbm>> -> memref<128x128xf32, #tpu.memory_space<hbm>>
      tpu.wait_dma2 semaphore(%arg16 : memref<!tpu.dma_semaphore, #tpu.memory_space<semaphore_mem>>) src(%dma_wait3A_428 : memref<128x128xf32, #tpu.memory_space<hbm>>) dst(%arg7 : memref<128x128xf32, #tpu.memory_space<vmem>>)
      "tpu.region"() ({
        %run_scoped3A = tpu.sem_alloc : memref<!tpu.dma_semaphore, #tpu.memory_space<semaphore_mem>>
        %dma_start3A_765 = arith.constant 0 : i32
        %dma_start3A_766 = arith.constant 0 : i32
        %dma_start3A_767 = tpu.memref_slice %arg14[%dma_start3A_765, %dma_start3A_766] : memref<5128x128xf32, #tpu.memory_space<vmem_shared>> -> memref<5128x128xf32, #tpu.memory_space<vmem_shared>>
        tpu.enqueue_indirect_dma source(%arg7 : memref<128x128xf32, #tpu.memory_space<vmem>>) target(%dma_start3A_767 : memref<5128x128xf32, #tpu.memory_space<vmem_shared>>) offsets(%arg11 : memref<128xi32, #tpu.memory_space<vmem>>) semaphore(%run_scoped3A : memref<!tpu.dma_semaphore, #tpu.memory_space<semaphore_mem>>) {add = true}
        %dma_wait3A_768 = arith.constant 0 : i32
        %dma_wait3A_769 = arith.constant 0 : i32
        %dma_wait3A_770 = tpu.memref_slice %arg14[%dma_wait3A_768, %dma_wait3A_769] : memref<5128x128xf32, #tpu.memory_space<vmem_shared>> -> memref<5128x128xf32, #tpu.memory_space<vmem_shared>>
        tpu.wait_indirect_dma semaphore(%run_scoped3A : memref<!tpu.dma_semaphore, #tpu.memory_space<semaphore_mem>>) src(%arg7 : memref<128x128xf32, #tpu.memory_space<vmem>>) dst(%dma_wait3A_770 : memref<5128x128xf32, #tpu.memory_space<vmem_shared>>)
        tpu.yield
      }) : () -> ()
      %add3A_429 = arith.constant 80 : i32
      %add3A_430 = arith.addi %add3A_429, %add3A_65 : i32
      %add3A_431 = arith.constant 2 : i32
      %add3A_432 = arith.addi %add3A_430, %add3A_431 : i32
      %get3A_433 = arith.index_cast %add3A_432 : i32 to index
      %get3A_434 = arith.constant 0 : index
      %get3A_435 = tpu.vector_load %arg5[%get3A_433, %get3A_434] {strides = array<i32>} : memref<160x128xi32, #tpu.memory_space<vmem>>, vector<1x16xi32>,
      %get3A_436 = vector.shape_cast %get3A_435 : vector<1x16xi32> to vector<16xi32>
      %sub3A_437 = vector.broadcast %mul3A_0 : i32 to vector<16xi32>
      %sub3A_438 = arith.subi %get3A_436, %sub3A_437 : vector<16xi32>
      %ge3A_439 = arith.constant 0 : i32
      %ge3A_440 = vector.broadcast %ge3A_439 : i32 to vector<16xi32>
      %ge3A_441 = arith.cmpi sge, %sub3A_438, %ge3A_440 : vector<16xi32>
      %lt3A_442 = arith.constant 5120 : i32
      %lt3A_443 = vector.broadcast %lt3A_442 : i32 to vector<16xi32>
      %lt3A_444 = arith.cmpi slt, %sub3A_438, %lt3A_443 : vector<16xi32>
      %and3A_445 = arith.andi %ge3A_441, %lt3A_444 : vector<16xi1>
      %jit3A_446 = arith.constant 5120 : i32
      %broadcast_in_dim3A_447 = vector.broadcast %jit3A_446 : i32 to vector<16xi32>
      %select_n3A_448 = arith.select %and3A_445, %sub3A_438, %broadcast_in_dim3A_447 : vector<16xi1>, vector<16xi32>
      %swap3A_449 = arith.constant 0 : index
      %swap3A_450 = tpu.vector_load %arg12[%swap3A_449] {strides = array<i32>} : memref<128xi32, #tpu.memory_space<vmem>>, vector<16xi32>,
      %swap3A_451 = vector.shape_cast %swap3A_450 : vector<16xi32> to vector<16xi32>
      %swap3A_452 = vector.shape_cast %select_n3A_448 : vector<16xi32> to vector<16xi32>
      tpu.vector_store %arg12[%swap3A_449], %swap3A_452 {strides = array<i32>} : memref<128xi32, #tpu.memory_space<vmem>>, vector<16xi32>,
      %get3A_453 = arith.index_cast %add3A_432 : i32 to index
      %get3A_454 = arith.constant 16 : index
      %get3A_455 = tpu.vector_load %arg5[%get3A_453, %get3A_454] {strides = array<i32>} : memref<160x128xi32, #tpu.memory_space<vmem>>, vector<1x16xi32>,
      %get3A_456 = vector.shape_cast %get3A_455 : vector<1x16xi32> to vector<16xi32>
      %sub3A_457 = vector.broadcast %mul3A_0 : i32 to vector<16xi32>
      %sub3A_458 = arith.subi %get3A_456, %sub3A_457 : vector<16xi32>
      %ge3A_459 = arith.constant 0 : i32
      %ge3A_460 = vector.broadcast %ge3A_459 : i32 to vector<16xi32>
      %ge3A_461 = arith.cmpi sge, %sub3A_458, %ge3A_460 : vector<16xi32>
      %lt3A_462 = arith.constant 5120 : i32
      %lt3A_463 = vector.broadcast %lt3A_462 : i32 to vector<16xi32>
      %lt3A_464 = arith.cmpi slt, %sub3A_458, %lt3A_463 : vector<16xi32>
      %and3A_465 = arith.andi %ge3A_461, %lt3A_464 : vector<16xi1>
      %jit3A_466 = arith.constant 5120 : i32
      %broadcast_in_dim3A_467 = vector.broadcast %jit3A_466 : i32 to vector<16xi32>
      %select_n3A_468 = arith.select %and3A_465, %sub3A_458, %broadcast_in_dim3A_467 : vector<16xi1>, vector<16xi32>
      %swap3A_469 = arith.constant 16 : index
      %swap3A_470 = tpu.vector_load %arg12[%swap3A_469] {strides = array<i32>} : memref<128xi32, #tpu.memory_space<vmem>>, vector<16xi32>,
      %swap3A_471 = vector.shape_cast %swap3A_470 : vector<16xi32> to vector<16xi32>
      %swap3A_472 = vector.shape_cast %select_n3A_468 : vector<16xi32> to vector<16xi32>
      tpu.vector_store %arg12[%swap3A_469], %swap3A_472 {strides = array<i32>} : memref<128xi32, #tpu.memory_space<vmem>>, vector<16xi32>,
      %get3A_473 = arith.index_cast %add3A_432 : i32 to index
      %get3A_474 = arith.constant 32 : index
      %get3A_475 = tpu.vector_load %arg5[%get3A_473, %get3A_474] {strides = array<i32>} : memref<160x128xi32, #tpu.memory_space<vmem>>, vector<1x16xi32>,
      %get3A_476 = vector.shape_cast %get3A_475 : vector<1x16xi32> to vector<16xi32>
      %sub3A_477 = vector.broadcast %mul3A_0 : i32 to vector<16xi32>
      %sub3A_478 = arith.subi %get3A_476, %sub3A_477 : vector<16xi32>
      %ge3A_479 = arith.constant 0 : i32
      %ge3A_480 = vector.broadcast %ge3A_479 : i32 to vector<16xi32>
      %ge3A_481 = arith.cmpi sge, %sub3A_478, %ge3A_480 : vector<16xi32>
      %lt3A_482 = arith.constant 5120 : i32
      %lt3A_483 = vector.broadcast %lt3A_482 : i32 to vector<16xi32>
      %lt3A_484 = arith.cmpi slt, %sub3A_478, %lt3A_483 : vector<16xi32>
      %and3A_485 = arith.andi %ge3A_481, %lt3A_484 : vector<16xi1>
      %jit3A_486 = arith.constant 5120 : i32
      %broadcast_in_dim3A_487 = vector.broadcast %jit3A_486 : i32 to vector<16xi32>
      %select_n3A_488 = arith.select %and3A_485, %sub3A_478, %broadcast_in_dim3A_487 : vector<16xi1>, vector<16xi32>
      %swap3A_489 = arith.constant 32 : index
      %swap3A_490 = tpu.vector_load %arg12[%swap3A_489] {strides = array<i32>} : memref<128xi32, #tpu.memory_space<vmem>>, vector<16xi32>,
      %swap3A_491 = vector.shape_cast %swap3A_490 : vector<16xi32> to vector<16xi32>
      %swap3A_492 = vector.shape_cast %select_n3A_488 : vector<16xi32> to vector<16xi32>
      tpu.vector_store %arg12[%swap3A_489], %swap3A_492 {strides = array<i32>} : memref<128xi32, #tpu.memory_space<vmem>>, vector<16xi32>,
      %get3A_493 = arith.index_cast %add3A_432 : i32 to index
      %get3A_494 = arith.constant 48 : index
      %get3A_495 = tpu.vector_load %arg5[%get3A_493, %get3A_494] {strides = array<i32>} : memref<160x128xi32, #tpu.memory_space<vmem>>, vector<1x16xi32>,
      %get3A_496 = vector.shape_cast %get3A_495 : vector<1x16xi32> to vector<16xi32>
      %sub3A_497 = vector.broadcast %mul3A_0 : i32 to vector<16xi32>
      %sub3A_498 = arith.subi %get3A_496, %sub3A_497 : vector<16xi32>
      %ge3A_499 = arith.constant 0 : i32
      %ge3A_500 = vector.broadcast %ge3A_499 : i32 to vector<16xi32>
      %ge3A_501 = arith.cmpi sge, %sub3A_498, %ge3A_500 : vector<16xi32>
      %lt3A_502 = arith.constant 5120 : i32
      %lt3A_503 = vector.broadcast %lt3A_502 : i32 to vector<16xi32>
      %lt3A_504 = arith.cmpi slt, %sub3A_498, %lt3A_503 : vector<16xi32>
      %and3A_505 = arith.andi %ge3A_501, %lt3A_504 : vector<16xi1>
      %jit3A_506 = arith.constant 5120 : i32
      %broadcast_in_dim3A_507 = vector.broadcast %jit3A_506 : i32 to vector<16xi32>
      %select_n3A_508 = arith.select %and3A_505, %sub3A_498, %broadcast_in_dim3A_507 : vector<16xi1>, vector<16xi32>
      %swap3A_509 = arith.constant 48 : index
      %swap3A_510 = tpu.vector_load %arg12[%swap3A_509] {strides = array<i32>} : memref<128xi32, #tpu.memory_space<vmem>>, vector<16xi32>,
      %swap3A_511 = vector.shape_cast %swap3A_510 : vector<16xi32> to vector<16xi32>
      %swap3A_512 = vector.shape_cast %select_n3A_508 : vector<16xi32> to vector<16xi32>
      tpu.vector_store %arg12[%swap3A_509], %swap3A_512 {strides = array<i32>} : memref<128xi32, #tpu.memory_space<vmem>>, vector<16xi32>,
      %get3A_513 = arith.index_cast %add3A_432 : i32 to index
      %get3A_514 = arith.constant 64 : index
      %get3A_515 = tpu.vector_load %arg5[%get3A_513, %get3A_514] {strides = array<i32>} : memref<160x128xi32, #tpu.memory_space<vmem>>, vector<1x16xi32>,
      %get3A_516 = vector.shape_cast %get3A_515 : vector<1x16xi32> to vector<16xi32>
      %sub3A_517 = vector.broadcast %mul3A_0 : i32 to vector<16xi32>
      %sub3A_518 = arith.subi %get3A_516, %sub3A_517 : vector<16xi32>
      %ge3A_519 = arith.constant 0 : i32
      %ge3A_520 = vector.broadcast %ge3A_519 : i32 to vector<16xi32>
      %ge3A_521 = arith.cmpi sge, %sub3A_518, %ge3A_520 : vector<16xi32>
      %lt3A_522 = arith.constant 5120 : i32
      %lt3A_523 = vector.broadcast %lt3A_522 : i32 to vector<16xi32>
      %lt3A_524 = arith.cmpi slt, %sub3A_518, %lt3A_523 : vector<16xi32>
      %and3A_525 = arith.andi %ge3A_521, %lt3A_524 : vector<16xi1>
      %jit3A_526 = arith.constant 5120 : i32
      %broadcast_in_dim3A_527 = vector.broadcast %jit3A_526 : i32 to vector<16xi32>
      %select_n3A_528 = arith.select %and3A_525, %sub3A_518, %broadcast_in_dim3A_527 : vector<16xi1>, vector<16xi32>
      %swap3A_529 = arith.constant 64 : index
      %swap3A_530 = tpu.vector_load %arg12[%swap3A_529] {strides = array<i32>} : memref<128xi32, #tpu.memory_space<vmem>>, vector<16xi32>,
      %swap3A_531 = vector.shape_cast %swap3A_530 : vector<16xi32> to vector<16xi32>
      %swap3A_532 = vector.shape_cast %select_n3A_528 : vector<16xi32> to vector<16xi32>
      tpu.vector_store %arg12[%swap3A_529], %swap3A_532 {strides = array<i32>} : memref<128xi32, #tpu.memory_space<vmem>>, vector<16xi32>,
      %get3A_533 = arith.index_cast %add3A_432 : i32 to index
      %get3A_534 = arith.constant 80 : index
      %get3A_535 = tpu.vector_load %arg5[%get3A_533, %get3A_534] {strides = array<i32>} : memref<160x128xi32, #tpu.memory_space<vmem>>, vector<1x16xi32>,
      %get3A_536 = vector.shape_cast %get3A_535 : vector<1x16xi32> to vector<16xi32>
      %sub3A_537 = vector.broadcast %mul3A_0 : i32 to vector<16xi32>
      %sub3A_538 = arith.subi %get3A_536, %sub3A_537 : vector<16xi32>
      %ge3A_539 = arith.constant 0 : i32
      %ge3A_540 = vector.broadcast %ge3A_539 : i32 to vector<16xi32>
      %ge3A_541 = arith.cmpi sge, %sub3A_538, %ge3A_540 : vector<16xi32>
      %lt3A_542 = arith.constant 5120 : i32
      %lt3A_543 = vector.broadcast %lt3A_542 : i32 to vector<16xi32>
      %lt3A_544 = arith.cmpi slt, %sub3A_538, %lt3A_543 : vector<16xi32>
      %and3A_545 = arith.andi %ge3A_541, %lt3A_544 : vector<16xi1>
      %jit3A_546 = arith.constant 5120 : i32
      %broadcast_in_dim3A_547 = vector.broadcast %jit3A_546 : i32 to vector<16xi32>
      %select_n3A_548 = arith.select %and3A_545, %sub3A_538, %broadcast_in_dim3A_547 : vector<16xi1>, vector<16xi32>
      %swap3A_549 = arith.constant 80 : index
      %swap3A_550 = tpu.vector_load %arg12[%swap3A_549] {strides = array<i32>} : memref<128xi32, #tpu.memory_space<vmem>>, vector<16xi32>,
      %swap3A_551 = vector.shape_cast %swap3A_550 : vector<16xi32> to vector<16xi32>
      %swap3A_552 = vector.shape_cast %select_n3A_548 : vector<16xi32> to vector<16xi32>
      tpu.vector_store %arg12[%swap3A_549], %swap3A_552 {strides = array<i32>} : memref<128xi32, #tpu.memory_space<vmem>>, vector<16xi32>,
      %get3A_553 = arith.index_cast %add3A_432 : i32 to index
      %get3A_554 = arith.constant 96 : index
      %get3A_555 = tpu.vector_load %arg5[%get3A_553, %get3A_554] {strides = array<i32>} : memref<160x128xi32, #tpu.memory_space<vmem>>, vector<1x16xi32>,
      %get3A_556 = vector.shape_cast %get3A_555 : vector<1x16xi32> to vector<16xi32>
      %sub3A_557 = vector.broadcast %mul3A_0 : i32 to vector<16xi32>
      %sub3A_558 = arith.subi %get3A_556, %sub3A_557 : vector<16xi32>
      %ge3A_559 = arith.constant 0 : i32
      %ge3A_560 = vector.broadcast %ge3A_559 : i32 to vector<16xi32>
      %ge3A_561 = arith.cmpi sge, %sub3A_558, %ge3A_560 : vector<16xi32>
      %lt3A_562 = arith.constant 5120 : i32
      %lt3A_563 = vector.broadcast %lt3A_562 : i32 to vector<16xi32>
      %lt3A_564 = arith.cmpi slt, %sub3A_558, %lt3A_563 : vector<16xi32>
      %and3A_565 = arith.andi %ge3A_561, %lt3A_564 : vector<16xi1>
      %jit3A_566 = arith.constant 5120 : i32
      %broadcast_in_dim3A_567 = vector.broadcast %jit3A_566 : i32 to vector<16xi32>
      %select_n3A_568 = arith.select %and3A_565, %sub3A_558, %broadcast_in_dim3A_567 : vector<16xi1>, vector<16xi32>
      %swap3A_569 = arith.constant 96 : index
      %swap3A_570 = tpu.vector_load %arg12[%swap3A_569] {strides = array<i32>} : memref<128xi32, #tpu.memory_space<vmem>>, vector<16xi32>,
      %swap3A_571 = vector.shape_cast %swap3A_570 : vector<16xi32> to vector<16xi32>
      %swap3A_572 = vector.shape_cast %select_n3A_568 : vector<16xi32> to vector<16xi32>
      tpu.vector_store %arg12[%swap3A_569], %swap3A_572 {strides = array<i32>} : memref<128xi32, #tpu.memory_space<vmem>>, vector<16xi32>,
      %get3A_573 = arith.index_cast %add3A_432 : i32 to index
      %get3A_574 = arith.constant 112 : index
      %get3A_575 = tpu.vector_load %arg5[%get3A_573, %get3A_574] {strides = array<i32>} : memref<160x128xi32, #tpu.memory_space<vmem>>, vector<1x16xi32>,
      %get3A_576 = vector.shape_cast %get3A_575 : vector<1x16xi32> to vector<16xi32>
      %sub3A_577 = vector.broadcast %mul3A_0 : i32 to vector<16xi32>
      %sub3A_578 = arith.subi %get3A_576, %sub3A_577 : vector<16xi32>
      %ge3A_579 = arith.constant 0 : i32
      %ge3A_580 = vector.broadcast %ge3A_579 : i32 to vector<16xi32>
      %ge3A_581 = arith.cmpi sge, %sub3A_578, %ge3A_580 : vector<16xi32>
      %lt3A_582 = arith.constant 5120 : i32
      %lt3A_583 = vector.broadcast %lt3A_582 : i32 to vector<16xi32>
      %lt3A_584 = arith.cmpi slt, %sub3A_578, %lt3A_583 : vector<16xi32>
      %and3A_585 = arith.andi %ge3A_581, %lt3A_584 : vector<16xi1>
      %jit3A_586 = arith.constant 5120 : i32
      %broadcast_in_dim3A_587 = vector.broadcast %jit3A_586 : i32 to vector<16xi32>
      %select_n3A_588 = arith.select %and3A_585, %sub3A_578, %broadcast_in_dim3A_587 : vector<16xi1>, vector<16xi32>
      %swap3A_589 = arith.constant 112 : index
      %swap3A_590 = tpu.vector_load %arg12[%swap3A_589] {strides = array<i32>} : memref<128xi32, #tpu.memory_space<vmem>>, vector<16xi32>,
      %swap3A_591 = vector.shape_cast %swap3A_590 : vector<16xi32> to vector<16xi32>
      %swap3A_592 = vector.shape_cast %select_n3A_588 : vector<16xi32> to vector<16xi32>
      tpu.vector_store %arg12[%swap3A_589], %swap3A_592 {strides = array<i32>} : memref<128xi32, #tpu.memory_space<vmem>>, vector<16xi32>,
      %dma_wait3A_593 = arith.constant 0 : i32
      %dma_wait3A_594 = tpu.memref_slice %arg2[%add3A_88, %dma_wait3A_593] : memref<327680x128xf32, #tpu.memory_space<hbm>> -> memref<128x128xf32, #tpu.memory_space<hbm>>
      %dma_wait3A_595 = arith.constant 0 : i32
      %dma_wait3A_596 = tpu.memref_slice %arg2[%add3A_88, %dma_wait3A_595] : memref<327680x128xf32, #tpu.memory_space<hbm>> -> memref<128x128xf32, #tpu.memory_space<hbm>>
      tpu.wait_dma2 semaphore(%arg17 : memref<!tpu.dma_semaphore, #tpu.memory_space<semaphore_mem>>) src(%dma_wait3A_596 : memref<128x128xf32, #tpu.memory_space<hbm>>) dst(%arg8 : memref<128x128xf32, #tpu.memory_space<vmem>>)
      "tpu.region"() ({
        %run_scoped3A = tpu.sem_alloc : memref<!tpu.dma_semaphore, #tpu.memory_space<semaphore_mem>>
        %dma_start3A_765 = arith.constant 0 : i32
        %dma_start3A_766 = arith.constant 0 : i32
        %dma_start3A_767 = tpu.memref_slice %arg14[%dma_start3A_765, %dma_start3A_766] : memref<5128x128xf32, #tpu.memory_space<vmem_shared>> -> memref<5128x128xf32, #tpu.memory_space<vmem_shared>>
        tpu.enqueue_indirect_dma source(%arg8 : memref<128x128xf32, #tpu.memory_space<vmem>>) target(%dma_start3A_767 : memref<5128x128xf32, #tpu.memory_space<vmem_shared>>) offsets(%arg12 : memref<128xi32, #tpu.memory_space<vmem>>) semaphore(%run_scoped3A : memref<!tpu.dma_semaphore, #tpu.memory_space<semaphore_mem>>) {add = true}
        %dma_wait3A_768 = arith.constant 0 : i32
        %dma_wait3A_769 = arith.constant 0 : i32
        %dma_wait3A_770 = tpu.memref_slice %arg14[%dma_wait3A_768, %dma_wait3A_769] : memref<5128x128xf32, #tpu.memory_space<vmem_shared>> -> memref<5128x128xf32, #tpu.memory_space<vmem_shared>>
        tpu.wait_indirect_dma semaphore(%run_scoped3A : memref<!tpu.dma_semaphore, #tpu.memory_space<semaphore_mem>>) src(%arg8 : memref<128x128xf32, #tpu.memory_space<vmem>>) dst(%dma_wait3A_770 : memref<5128x128xf32, #tpu.memory_space<vmem_shared>>)
        tpu.yield
      }) : () -> ()
      %add3A_597 = arith.constant 80 : i32
      %add3A_598 = arith.addi %add3A_597, %add3A_65 : i32
      %add3A_599 = arith.constant 3 : i32
      %add3A_600 = arith.addi %add3A_598, %add3A_599 : i32
      %get3A_601 = arith.index_cast %add3A_600 : i32 to index
      %get3A_602 = arith.constant 0 : index
      %get3A_603 = tpu.vector_load %arg5[%get3A_601, %get3A_602] {strides = array<i32>} : memref<160x128xi32, #tpu.memory_space<vmem>>, vector<1x16xi32>,
      %get3A_604 = vector.shape_cast %get3A_603 : vector<1x16xi32> to vector<16xi32>
      %sub3A_605 = vector.broadcast %mul3A_0 : i32 to vector<16xi32>
      %sub3A_606 = arith.subi %get3A_604, %sub3A_605 : vector<16xi32>
      %ge3A_607 = arith.constant 0 : i32
      %ge3A_608 = vector.broadcast %ge3A_607 : i32 to vector<16xi32>
      %ge3A_609 = arith.cmpi sge, %sub3A_606, %ge3A_608 : vector<16xi32>
      %lt3A_610 = arith.constant 5120 : i32
      %lt3A_611 = vector.broadcast %lt3A_610 : i32 to vector<16xi32>
      %lt3A_612 = arith.cmpi slt, %sub3A_606, %lt3A_611 : vector<16xi32>
      %and3A_613 = arith.andi %ge3A_609, %lt3A_612 : vector<16xi1>
      %jit3A_614 = arith.constant 5120 : i32
      %broadcast_in_dim3A_615 = vector.broadcast %jit3A_614 : i32 to vector<16xi32>
      %select_n3A_616 = arith.select %and3A_613, %sub3A_606, %broadcast_in_dim3A_615 : vector<16xi1>, vector<16xi32>
      %swap3A_617 = arith.constant 0 : index
      %swap3A_618 = tpu.vector_load %arg13[%swap3A_617] {strides = array<i32>} : memref<128xi32, #tpu.memory_space<vmem>>, vector<16xi32>,
      %swap3A_619 = vector.shape_cast %swap3A_618 : vector<16xi32> to vector<16xi32>
      %swap3A_620 = vector.shape_cast %select_n3A_616 : vector<16xi32> to vector<16xi32>
      tpu.vector_store %arg13[%swap3A_617], %swap3A_620 {strides = array<i32>} : memref<128xi32, #tpu.memory_space<vmem>>, vector<16xi32>,
      %get3A_621 = arith.index_cast %add3A_600 : i32 to index
      %get3A_622 = arith.constant 16 : index
      %get3A_623 = tpu.vector_load %arg5[%get3A_621, %get3A_622] {strides = array<i32>} : memref<160x128xi32, #tpu.memory_space<vmem>>, vector<1x16xi32>,
      %get3A_624 = vector.shape_cast %get3A_623 : vector<1x16xi32> to vector<16xi32>
      %sub3A_625 = vector.broadcast %mul3A_0 : i32 to vector<16xi32>
      %sub3A_626 = arith.subi %get3A_624, %sub3A_625 : vector<16xi32>
      %ge3A_627 = arith.constant 0 : i32
      %ge3A_628 = vector.broadcast %ge3A_627 : i32 to vector<16xi32>
      %ge3A_629 = arith.cmpi sge, %sub3A_626, %ge3A_628 : vector<16xi32>
      %lt3A_630 = arith.constant 5120 : i32
      %lt3A_631 = vector.broadcast %lt3A_630 : i32 to vector<16xi32>
      %lt3A_632 = arith.cmpi slt, %sub3A_626, %lt3A_631 : vector<16xi32>
      %and3A_633 = arith.andi %ge3A_629, %lt3A_632 : vector<16xi1>
      %jit3A_634 = arith.constant 5120 : i32
      %broadcast_in_dim3A_635 = vector.broadcast %jit3A_634 : i32 to vector<16xi32>
      %select_n3A_636 = arith.select %and3A_633, %sub3A_626, %broadcast_in_dim3A_635 : vector<16xi1>, vector<16xi32>
      %swap3A_637 = arith.constant 16 : index
      %swap3A_638 = tpu.vector_load %arg13[%swap3A_637] {strides = array<i32>} : memref<128xi32, #tpu.memory_space<vmem>>, vector<16xi32>,
      %swap3A_639 = vector.shape_cast %swap3A_638 : vector<16xi32> to vector<16xi32>
      %swap3A_640 = vector.shape_cast %select_n3A_636 : vector<16xi32> to vector<16xi32>
      tpu.vector_store %arg13[%swap3A_637], %swap3A_640 {strides = array<i32>} : memref<128xi32, #tpu.memory_space<vmem>>, vector<16xi32>,
      %get3A_641 = arith.index_cast %add3A_600 : i32 to index
      %get3A_642 = arith.constant 32 : index
      %get3A_643 = tpu.vector_load %arg5[%get3A_641, %get3A_642] {strides = array<i32>} : memref<160x128xi32, #tpu.memory_space<vmem>>, vector<1x16xi32>,
      %get3A_644 = vector.shape_cast %get3A_643 : vector<1x16xi32> to vector<16xi32>
      %sub3A_645 = vector.broadcast %mul3A_0 : i32 to vector<16xi32>
      %sub3A_646 = arith.subi %get3A_644, %sub3A_645 : vector<16xi32>
      %ge3A_647 = arith.constant 0 : i32
      %ge3A_648 = vector.broadcast %ge3A_647 : i32 to vector<16xi32>
      %ge3A_649 = arith.cmpi sge, %sub3A_646, %ge3A_648 : vector<16xi32>
      %lt3A_650 = arith.constant 5120 : i32
      %lt3A_651 = vector.broadcast %lt3A_650 : i32 to vector<16xi32>
      %lt3A_652 = arith.cmpi slt, %sub3A_646, %lt3A_651 : vector<16xi32>
      %and3A_653 = arith.andi %ge3A_649, %lt3A_652 : vector<16xi1>
      %jit3A_654 = arith.constant 5120 : i32
      %broadcast_in_dim3A_655 = vector.broadcast %jit3A_654 : i32 to vector<16xi32>
      %select_n3A_656 = arith.select %and3A_653, %sub3A_646, %broadcast_in_dim3A_655 : vector<16xi1>, vector<16xi32>
      %swap3A_657 = arith.constant 32 : index
      %swap3A_658 = tpu.vector_load %arg13[%swap3A_657] {strides = array<i32>} : memref<128xi32, #tpu.memory_space<vmem>>, vector<16xi32>,
      %swap3A_659 = vector.shape_cast %swap3A_658 : vector<16xi32> to vector<16xi32>
      %swap3A_660 = vector.shape_cast %select_n3A_656 : vector<16xi32> to vector<16xi32>
      tpu.vector_store %arg13[%swap3A_657], %swap3A_660 {strides = array<i32>} : memref<128xi32, #tpu.memory_space<vmem>>, vector<16xi32>,
      %get3A_661 = arith.index_cast %add3A_600 : i32 to index
      %get3A_662 = arith.constant 48 : index
      %get3A_663 = tpu.vector_load %arg5[%get3A_661, %get3A_662] {strides = array<i32>} : memref<160x128xi32, #tpu.memory_space<vmem>>, vector<1x16xi32>,
      %get3A_664 = vector.shape_cast %get3A_663 : vector<1x16xi32> to vector<16xi32>
      %sub3A_665 = vector.broadcast %mul3A_0 : i32 to vector<16xi32>
      %sub3A_666 = arith.subi %get3A_664, %sub3A_665 : vector<16xi32>
      %ge3A_667 = arith.constant 0 : i32
      %ge3A_668 = vector.broadcast %ge3A_667 : i32 to vector<16xi32>
      %ge3A_669 = arith.cmpi sge, %sub3A_666, %ge3A_668 : vector<16xi32>
      %lt3A_670 = arith.constant 5120 : i32
      %lt3A_671 = vector.broadcast %lt3A_670 : i32 to vector<16xi32>
      %lt3A_672 = arith.cmpi slt, %sub3A_666, %lt3A_671 : vector<16xi32>
      %and3A_673 = arith.andi %ge3A_669, %lt3A_672 : vector<16xi1>
      %jit3A_674 = arith.constant 5120 : i32
      %broadcast_in_dim3A_675 = vector.broadcast %jit3A_674 : i32 to vector<16xi32>
      %select_n3A_676 = arith.select %and3A_673, %sub3A_666, %broadcast_in_dim3A_675 : vector<16xi1>, vector<16xi32>
      %swap3A_677 = arith.constant 48 : index
      %swap3A_678 = tpu.vector_load %arg13[%swap3A_677] {strides = array<i32>} : memref<128xi32, #tpu.memory_space<vmem>>, vector<16xi32>,
      %swap3A_679 = vector.shape_cast %swap3A_678 : vector<16xi32> to vector<16xi32>
      %swap3A_680 = vector.shape_cast %select_n3A_676 : vector<16xi32> to vector<16xi32>
      tpu.vector_store %arg13[%swap3A_677], %swap3A_680 {strides = array<i32>} : memref<128xi32, #tpu.memory_space<vmem>>, vector<16xi32>,
      %get3A_681 = arith.index_cast %add3A_600 : i32 to index
      %get3A_682 = arith.constant 64 : index
      %get3A_683 = tpu.vector_load %arg5[%get3A_681, %get3A_682] {strides = array<i32>} : memref<160x128xi32, #tpu.memory_space<vmem>>, vector<1x16xi32>,
      %get3A_684 = vector.shape_cast %get3A_683 : vector<1x16xi32> to vector<16xi32>
      %sub3A_685 = vector.broadcast %mul3A_0 : i32 to vector<16xi32>
      %sub3A_686 = arith.subi %get3A_684, %sub3A_685 : vector<16xi32>
      %ge3A_687 = arith.constant 0 : i32
      %ge3A_688 = vector.broadcast %ge3A_687 : i32 to vector<16xi32>
      %ge3A_689 = arith.cmpi sge, %sub3A_686, %ge3A_688 : vector<16xi32>
      %lt3A_690 = arith.constant 5120 : i32
      %lt3A_691 = vector.broadcast %lt3A_690 : i32 to vector<16xi32>
      %lt3A_692 = arith.cmpi slt, %sub3A_686, %lt3A_691 : vector<16xi32>
      %and3A_693 = arith.andi %ge3A_689, %lt3A_692 : vector<16xi1>
      %jit3A_694 = arith.constant 5120 : i32
      %broadcast_in_dim3A_695 = vector.broadcast %jit3A_694 : i32 to vector<16xi32>
      %select_n3A_696 = arith.select %and3A_693, %sub3A_686, %broadcast_in_dim3A_695 : vector<16xi1>, vector<16xi32>
      %swap3A_697 = arith.constant 64 : index
      %swap3A_698 = tpu.vector_load %arg13[%swap3A_697] {strides = array<i32>} : memref<128xi32, #tpu.memory_space<vmem>>, vector<16xi32>,
      %swap3A_699 = vector.shape_cast %swap3A_698 : vector<16xi32> to vector<16xi32>
      %swap3A_700 = vector.shape_cast %select_n3A_696 : vector<16xi32> to vector<16xi32>
      tpu.vector_store %arg13[%swap3A_697], %swap3A_700 {strides = array<i32>} : memref<128xi32, #tpu.memory_space<vmem>>, vector<16xi32>,
      %get3A_701 = arith.index_cast %add3A_600 : i32 to index
      %get3A_702 = arith.constant 80 : index
      %get3A_703 = tpu.vector_load %arg5[%get3A_701, %get3A_702] {strides = array<i32>} : memref<160x128xi32, #tpu.memory_space<vmem>>, vector<1x16xi32>,
      %get3A_704 = vector.shape_cast %get3A_703 : vector<1x16xi32> to vector<16xi32>
      %sub3A_705 = vector.broadcast %mul3A_0 : i32 to vector<16xi32>
      %sub3A_706 = arith.subi %get3A_704, %sub3A_705 : vector<16xi32>
      %ge3A_707 = arith.constant 0 : i32
      %ge3A_708 = vector.broadcast %ge3A_707 : i32 to vector<16xi32>
      %ge3A_709 = arith.cmpi sge, %sub3A_706, %ge3A_708 : vector<16xi32>
      %lt3A_710 = arith.constant 5120 : i32
      %lt3A_711 = vector.broadcast %lt3A_710 : i32 to vector<16xi32>
      %lt3A_712 = arith.cmpi slt, %sub3A_706, %lt3A_711 : vector<16xi32>
      %and3A_713 = arith.andi %ge3A_709, %lt3A_712 : vector<16xi1>
      %jit3A_714 = arith.constant 5120 : i32
      %broadcast_in_dim3A_715 = vector.broadcast %jit3A_714 : i32 to vector<16xi32>
      %select_n3A_716 = arith.select %and3A_713, %sub3A_706, %broadcast_in_dim3A_715 : vector<16xi1>, vector<16xi32>
      %swap3A_717 = arith.constant 80 : index
      %swap3A_718 = tpu.vector_load %arg13[%swap3A_717] {strides = array<i32>} : memref<128xi32, #tpu.memory_space<vmem>>, vector<16xi32>,
      %swap3A_719 = vector.shape_cast %swap3A_718 : vector<16xi32> to vector<16xi32>
      %swap3A_720 = vector.shape_cast %select_n3A_716 : vector<16xi32> to vector<16xi32>
      tpu.vector_store %arg13[%swap3A_717], %swap3A_720 {strides = array<i32>} : memref<128xi32, #tpu.memory_space<vmem>>, vector<16xi32>,
      %get3A_721 = arith.index_cast %add3A_600 : i32 to index
      %get3A_722 = arith.constant 96 : index
      %get3A_723 = tpu.vector_load %arg5[%get3A_721, %get3A_722] {strides = array<i32>} : memref<160x128xi32, #tpu.memory_space<vmem>>, vector<1x16xi32>,
      %get3A_724 = vector.shape_cast %get3A_723 : vector<1x16xi32> to vector<16xi32>
      %sub3A_725 = vector.broadcast %mul3A_0 : i32 to vector<16xi32>
      %sub3A_726 = arith.subi %get3A_724, %sub3A_725 : vector<16xi32>
      %ge3A_727 = arith.constant 0 : i32
      %ge3A_728 = vector.broadcast %ge3A_727 : i32 to vector<16xi32>
      %ge3A_729 = arith.cmpi sge, %sub3A_726, %ge3A_728 : vector<16xi32>
      %lt3A_730 = arith.constant 5120 : i32
      %lt3A_731 = vector.broadcast %lt3A_730 : i32 to vector<16xi32>
      %lt3A_732 = arith.cmpi slt, %sub3A_726, %lt3A_731 : vector<16xi32>
      %and3A_733 = arith.andi %ge3A_729, %lt3A_732 : vector<16xi1>
      %jit3A_734 = arith.constant 5120 : i32
      %broadcast_in_dim3A_735 = vector.broadcast %jit3A_734 : i32 to vector<16xi32>
      %select_n3A_736 = arith.select %and3A_733, %sub3A_726, %broadcast_in_dim3A_735 : vector<16xi1>, vector<16xi32>
      %swap3A_737 = arith.constant 96 : index
      %swap3A_738 = tpu.vector_load %arg13[%swap3A_737] {strides = array<i32>} : memref<128xi32, #tpu.memory_space<vmem>>, vector<16xi32>,
      %swap3A_739 = vector.shape_cast %swap3A_738 : vector<16xi32> to vector<16xi32>
      %swap3A_740 = vector.shape_cast %select_n3A_736 : vector<16xi32> to vector<16xi32>
      tpu.vector_store %arg13[%swap3A_737], %swap3A_740 {strides = array<i32>} : memref<128xi32, #tpu.memory_space<vmem>>, vector<16xi32>,
      %get3A_741 = arith.index_cast %add3A_600 : i32 to index
      %get3A_742 = arith.constant 112 : index
      %get3A_743 = tpu.vector_load %arg5[%get3A_741, %get3A_742] {strides = array<i32>} : memref<160x128xi32, #tpu.memory_space<vmem>>, vector<1x16xi32>,
      %get3A_744 = vector.shape_cast %get3A_743 : vector<1x16xi32> to vector<16xi32>
      %sub3A_745 = vector.broadcast %mul3A_0 : i32 to vector<16xi32>
      %sub3A_746 = arith.subi %get3A_744, %sub3A_745 : vector<16xi32>
      %ge3A_747 = arith.constant 0 : i32
      %ge3A_748 = vector.broadcast %ge3A_747 : i32 to vector<16xi32>
      %ge3A_749 = arith.cmpi sge, %sub3A_746, %ge3A_748 : vector<16xi32>
      %lt3A_750 = arith.constant 5120 : i32
      %lt3A_751 = vector.broadcast %lt3A_750 : i32 to vector<16xi32>
      %lt3A_752 = arith.cmpi slt, %sub3A_746, %lt3A_751 : vector<16xi32>
      %and3A_753 = arith.andi %ge3A_749, %lt3A_752 : vector<16xi1>
      %jit3A_754 = arith.constant 5120 : i32
      %broadcast_in_dim3A_755 = vector.broadcast %jit3A_754 : i32 to vector<16xi32>
      %select_n3A_756 = arith.select %and3A_753, %sub3A_746, %broadcast_in_dim3A_755 : vector<16xi1>, vector<16xi32>
      %swap3A_757 = arith.constant 112 : index
      %swap3A_758 = tpu.vector_load %arg13[%swap3A_757] {strides = array<i32>} : memref<128xi32, #tpu.memory_space<vmem>>, vector<16xi32>,
      %swap3A_759 = vector.shape_cast %swap3A_758 : vector<16xi32> to vector<16xi32>
      %swap3A_760 = vector.shape_cast %select_n3A_756 : vector<16xi32> to vector<16xi32>
      tpu.vector_store %arg13[%swap3A_757], %swap3A_760 {strides = array<i32>} : memref<128xi32, #tpu.memory_space<vmem>>, vector<16xi32>,
      %dma_wait3A_761 = arith.constant 0 : i32
      %dma_wait3A_762 = tpu.memref_slice %arg2[%add3A_97, %dma_wait3A_761] : memref<327680x128xf32, #tpu.memory_space<hbm>> -> memref<128x128xf32, #tpu.memory_space<hbm>>
      %dma_wait3A_763 = arith.constant 0 : i32
      %dma_wait3A_764 = tpu.memref_slice %arg2[%add3A_97, %dma_wait3A_763] : memref<327680x128xf32, #tpu.memory_space<hbm>> -> memref<128x128xf32, #tpu.memory_space<hbm>>
      tpu.wait_dma2 semaphore(%arg18 : memref<!tpu.dma_semaphore, #tpu.memory_space<semaphore_mem>>) src(%dma_wait3A_764 : memref<128x128xf32, #tpu.memory_space<hbm>>) dst(%arg9 : memref<128x128xf32, #tpu.memory_space<vmem>>)
      "tpu.region"() ({
        %run_scoped3A = tpu.sem_alloc : memref<!tpu.dma_semaphore, #tpu.memory_space<semaphore_mem>>
        %dma_start3A_765 = arith.constant 0 : i32
        %dma_start3A_766 = arith.constant 0 : i32
        %dma_start3A_767 = tpu.memref_slice %arg14[%dma_start3A_765, %dma_start3A_766] : memref<5128x128xf32, #tpu.memory_space<vmem_shared>> -> memref<5128x128xf32, #tpu.memory_space<vmem_shared>>
        tpu.enqueue_indirect_dma source(%arg9 : memref<128x128xf32, #tpu.memory_space<vmem>>) target(%dma_start3A_767 : memref<5128x128xf32, #tpu.memory_space<vmem_shared>>) offsets(%arg13 : memref<128xi32, #tpu.memory_space<vmem>>) semaphore(%run_scoped3A : memref<!tpu.dma_semaphore, #tpu.memory_space<semaphore_mem>>) {add = true}
        %dma_wait3A_768 = arith.constant 0 : i32
        %dma_wait3A_769 = arith.constant 0 : i32
        %dma_wait3A_770 = tpu.memref_slice %arg14[%dma_wait3A_768, %dma_wait3A_769] : memref<5128x128xf32, #tpu.memory_space<vmem_shared>> -> memref<5128x128xf32, #tpu.memory_space<vmem_shared>>
        tpu.wait_indirect_dma semaphore(%run_scoped3A : memref<!tpu.dma_semaphore, #tpu.memory_space<semaphore_mem>>) src(%arg9 : memref<128x128xf32, #tpu.memory_space<vmem>>) dst(%dma_wait3A_770 : memref<5128x128xf32, #tpu.memory_space<vmem_shared>>)
        tpu.yield
      }) : () -> ()
    }
    %scan3A_44 = arith.constant 20 : i32
    %barrier3A_45 = arith.constant 0 : index
    tpu.barrier barrier_id(%barrier3A_45)
    %mul3A_46 = arith.constant 320 : i32
    %mul3A_47 = arith.muli %arg1, %mul3A_46 : i32
    %mul3A_48 = arith.constant 5120 : i32
    %mul3A_49 = arith.muli %arg0, %mul3A_48 : i32
    %mul3A_50 = arith.constant 320 : i32
    %mul3A_51 = arith.muli %arg1, %mul3A_50 : i32
    %add3A_52 = arith.addi %mul3A_49, %mul3A_51 : i32
    %dma_start3A_53 = arith.constant 0 : i32
    %dma_start3A_54 = tpu.memref_slice %arg4[%add3A_52, %dma_start3A_53] : memref<10240x128xf32, #tpu.memory_space<hbm>> -> memref<320x128xf32, #tpu.memory_space<hbm>>
    %dma_start3A_55 = arith.constant 0 : i32
    %dma_start3A_56 = tpu.memref_slice %arg14[%mul3A_47, %dma_start3A_55] : memref<5128x128xf32, #tpu.memory_space<vmem_shared>> -> memref<320x128xf32, #tpu.memory_space<vmem_shared>>
    tpu.enqueue_dma source(%dma_start3A_56 : memref<320x128xf32, #tpu.memory_space<vmem_shared>>) target(%dma_start3A_54 : memref<320x128xf32, #tpu.memory_space<hbm>>) target_semaphore(%arg15 : memref<!tpu.dma_semaphore, #tpu.memory_space<semaphore_mem>>)
    %dma_wait3A_57 = arith.constant 0 : i32
    %dma_wait3A_58 = tpu.memref_slice %arg4[%add3A_52, %dma_wait3A_57] : memref<10240x128xf32, #tpu.memory_space<hbm>> -> memref<320x128xf32, #tpu.memory_space<hbm>>
    %dma_wait3A_59 = arith.constant 0 : i32
    %dma_wait3A_60 = tpu.memref_slice %arg14[%mul3A_47, %dma_wait3A_59] : memref<5128x128xf32, #tpu.memory_space<vmem_shared>> -> memref<320x128xf32, #tpu.memory_space<vmem_shared>>
    tpu.wait_dma2 semaphore(%arg15 : memref<!tpu.dma_semaphore, #tpu.memory_space<semaphore_mem>>) src(%dma_wait3A_60 : memref<320x128xf32, #tpu.memory_space<vmem_shared>>) dst(%dma_wait3A_58 : memref<320x128xf32, #tpu.memory_space<hbm>>)
    return
  }
}

module attributes {stable_mosaic.version = 14 : i64} {
  func.func @_stage_a_body(%arg0: i32, %arg1: memref<1000x128xf32, #tpu.memory_space<vmem>>, %arg2: memref<128x128xf32, #tpu.memory_space<vmem>>, %arg3: memref<1x128xf32, #tpu.memory_space<vmem>>, %arg4: memref<128x128xf32, #tpu.memory_space<vmem>>, %arg5: memref<1000x128xf32, #tpu.memory_space<vmem>>, %arg6: memref<1000x128xf32, #tpu.memory_space<vmem>>) attributes {dimension_semantics = [#tpu.dimension_semantics<arbitrary>], iteration_bounds = array<i64: 10>, scalar_prefetch = 0 : i64, scratch_operands = 0 : i64, tpu.core_type = #tpu.core_type<tc>, window_params = [{transform_indices = @transform_0, window_bounds = array<i64: 1000, 128>}, {pipeline_mode = #tpu.pipeline_mode<synchronous>, transform_indices = @transform_1, window_bounds = array<i64: 128, 128>}, {pipeline_mode = #tpu.pipeline_mode<synchronous>, transform_indices = @transform_2, window_bounds = array<i64: 1, 128>}, {pipeline_mode = #tpu.pipeline_mode<synchronous>, transform_indices = @transform_3, window_bounds = array<i64: 128, 128>}, {transform_indices = @transform_4, window_bounds = array<i64: 1000, 128>}, {transform_indices = @transform_5, window_bounds = array<i64: 1000, 128>}]} {
    %get3A = arith.constant 0 : index
    %get3A_0 = arith.constant 0 : index
    %get3A_1 = vector.load %arg1[%get3A, %get3A_0] : memref<1000x128xf32, #tpu.memory_space<vmem>>, vector<1000x128xf32>
    %get3A_2 = arith.constant 0 : index
    %get3A_3 = arith.constant 0 : index
    %get3A_4 = vector.load %arg2[%get3A_2, %get3A_3] : memref<128x128xf32, #tpu.memory_space<vmem>>, vector<128x128xf32>
    %dot_general3A = arith.constant dense<0.000000e+00> : vector<1000x128xf32>
    %dot_general3A_5 = tpu.matmul %get3A_1, %get3A_4, %dot_general3A {dimension_numbers = #tpu.dot_dimension_numbers<[1], [0], [0], [1], [0, 0, 1, 1], [], []>, transpose_lhs_hint = false} : vector<1000x128xf32>, vector<128x128xf32>, vector<1000x128xf32> -> vector<1000x128xf32>
    %get3A_6 = arith.constant 0 : index
    %get3A_7 = arith.constant 0 : index
    %get3A_8 = vector.load %arg3[%get3A_6, %get3A_7] : memref<1x128xf32, #tpu.memory_space<vmem>>, vector<1x128xf32>
    %add3A = vector.broadcast %get3A_8 : vector<1x128xf32> to vector<1000x128xf32>
    %add3A_9 = arith.addf %dot_general3A_5, %add3A : vector<1000x128xf32>
    %integer_pow3A = arith.mulf %add3A_9, %add3A_9 : vector<1000x128xf32>
    %integer_pow3A_10 = arith.mulf %add3A_9, %integer_pow3A : vector<1000x128xf32>
    %mul3A = arith.constant 4.471500e-02 : f32
    %mul3A_11 = vector.broadcast %mul3A : f32 to vector<1000x128xf32>
    %mul3A_12 = arith.mulf %mul3A_11, %integer_pow3A_10 : vector<1000x128xf32>
    %add3A_13 = arith.addf %add3A_9, %mul3A_12 : vector<1000x128xf32>
    %mul3A_14 = arith.constant 0.797884583 : f32
    %mul3A_15 = vector.broadcast %mul3A_14 : f32 to vector<1000x128xf32>
    %mul3A_16 = arith.mulf %mul3A_15, %add3A_13 : vector<1000x128xf32>
    %tanh3A = math.tanh %mul3A_16 : vector<1000x128xf32>
    %add3A_17 = arith.constant 1.000000e+00 : f32
    %add3A_18 = vector.broadcast %add3A_17 : f32 to vector<1000x128xf32>
    %add3A_19 = arith.addf %add3A_18, %tanh3A : vector<1000x128xf32>
    %mul3A_20 = arith.constant 5.000000e-01 : f32
    %mul3A_21 = vector.broadcast %mul3A_20 : f32 to vector<1000x128xf32>
    %mul3A_22 = arith.mulf %mul3A_21, %add3A_19 : vector<1000x128xf32>
    %mul3A_23 = arith.mulf %add3A_9, %mul3A_22 : vector<1000x128xf32>
    %swap3A = arith.constant 0 : index
    %swap3A_24 = arith.constant 0 : index
    %swap3A_25 = vector.load %arg5[%swap3A, %swap3A_24] : memref<1000x128xf32, #tpu.memory_space<vmem>>, vector<1000x128xf32>
    tpu.vector_store %arg5[%swap3A, %swap3A_24], %mul3A_23 {strides = array<i32>} : memref<1000x128xf32, #tpu.memory_space<vmem>>, vector<1000x128xf32>,
    %get3A_26 = arith.constant 0 : index
    %get3A_27 = arith.constant 0 : index
    %get3A_28 = vector.load %arg4[%get3A_26, %get3A_27] : memref<128x128xf32, #tpu.memory_space<vmem>>, vector<128x128xf32>
    %dot_general3A_29 = arith.constant dense<0.000000e+00> : vector<1000x128xf32>
    %dot_general3A_30 = tpu.matmul %mul3A_23, %get3A_28, %dot_general3A_29 {dimension_numbers = #tpu.dot_dimension_numbers<[1], [0], [0], [1], [0, 0, 1, 1], [], []>, transpose_lhs_hint = false} : vector<1000x128xf32>, vector<128x128xf32>, vector<1000x128xf32> -> vector<1000x128xf32>
    %swap3A_31 = arith.constant 0 : index
    %swap3A_32 = arith.constant 0 : index
    %swap3A_33 = vector.load %arg6[%swap3A_31, %swap3A_32] : memref<1000x128xf32, #tpu.memory_space<vmem>>, vector<1000x128xf32>
    tpu.vector_store %arg6[%swap3A_31, %swap3A_32], %dot_general3A_30 {strides = array<i32>} : memref<1000x128xf32, #tpu.memory_space<vmem>>, vector<1000x128xf32>,
    return
  }
  func.func @transform_0(%arg0: i32) -> (i32, i32) {
    %c0_i32 = arith.constant 0 : i32
    %c0_i32_0 = arith.constant 0 : i32
    return %arg0, %c0_i32 : i32, i32
  }
  func.func @transform_1(%arg0: i32) -> (i32, i32) {
    %c0_i32 = arith.constant 0 : i32
    %c0_i32_0 = arith.constant 0 : i32
    %c0_i32_1 = arith.constant 0 : i32
    return %c0_i32, %c0_i32_0 : i32, i32
  }
  func.func @transform_2(%arg0: i32) -> (i32, i32) {
    %c0_i32 = arith.constant 0 : i32
    %c0_i32_0 = arith.constant 0 : i32
    %c0_i32_1 = arith.constant 0 : i32
    return %c0_i32, %c0_i32_0 : i32, i32
  }
  func.func @transform_3(%arg0: i32) -> (i32, i32) {
    %c0_i32 = arith.constant 0 : i32
    %c0_i32_0 = arith.constant 0 : i32
    %c0_i32_1 = arith.constant 0 : i32
    return %c0_i32, %c0_i32_0 : i32, i32
  }
  func.func @transform_4(%arg0: i32) -> (i32, i32) {
    %c0_i32 = arith.constant 0 : i32
    %c0_i32_0 = arith.constant 0 : i32
    return %arg0, %c0_i32 : i32, i32
  }
  func.func @transform_5(%arg0: i32) -> (i32, i32) {
    %c0_i32 = arith.constant 0 : i32
    %c0_i32_0 = arith.constant 0 : i32
    return %arg0, %c0_i32 : i32, i32
  }
}

module attributes {stable_mosaic.version = 14 : i64} {
  func.func @_stage_b_body(%arg0: i32, %arg1: memref<2560x128xf32, #tpu.memory_space<vmem>>, %arg2: memref<2560x16xf32, #tpu.memory_space<vmem>>, %arg3: memref<16x128xf32, #tpu.memory_space<vmem>>, %arg4: memref<1x128xf32, #tpu.memory_space<vmem>>, %arg5: memref<2560x128xf32, #tpu.memory_space<vmem>>) attributes {dimension_semantics = [#tpu.dimension_semantics<arbitrary>], iteration_bounds = array<i64: 128>, scalar_prefetch = 0 : i64, scratch_operands = 0 : i64, tpu.core_type = #tpu.core_type<tc>, window_params = [{transform_indices = @transform_0, window_bounds = array<i64: 2560, 128>}, {transform_indices = @transform_1, window_bounds = array<i64: 2560, 16>}, {pipeline_mode = #tpu.pipeline_mode<synchronous>, transform_indices = @transform_2, window_bounds = array<i64: 16, 128>}, {pipeline_mode = #tpu.pipeline_mode<synchronous>, transform_indices = @transform_3, window_bounds = array<i64: 1, 128>}, {transform_indices = @transform_4, window_bounds = array<i64: 2560, 128>}]} {
    %get3A = arith.constant 0 : index
    %get3A_0 = arith.constant 0 : index
    %get3A_1 = vector.load %arg2[%get3A, %get3A_0] : memref<2560x16xf32, #tpu.memory_space<vmem>>, vector<2560x16xf32>
    %get3A_2 = arith.constant 0 : index
    %get3A_3 = arith.constant 0 : index
    %get3A_4 = vector.load %arg3[%get3A_2, %get3A_3] : memref<16x128xf32, #tpu.memory_space<vmem>>, vector<16x128xf32>
    %dot_general3A = arith.constant dense<0.000000e+00> : vector<2560x128xf32>
    %dot_general3A_5 = tpu.matmul %get3A_1, %get3A_4, %dot_general3A {dimension_numbers = #tpu.dot_dimension_numbers<[1], [0], [0], [1], [0, 0, 1, 1], [], []>, transpose_lhs_hint = false} : vector<2560x16xf32>, vector<16x128xf32>, vector<2560x128xf32> -> vector<2560x128xf32>
    %get3A_6 = arith.constant 0 : index
    %get3A_7 = arith.constant 0 : index
    %get3A_8 = vector.load %arg4[%get3A_6, %get3A_7] : memref<1x128xf32, #tpu.memory_space<vmem>>, vector<1x128xf32>
    %add3A = vector.broadcast %get3A_8 : vector<1x128xf32> to vector<2560x128xf32>
    %add3A_9 = arith.addf %dot_general3A_5, %add3A : vector<2560x128xf32>
    %get3A_10 = arith.constant 0 : index
    %get3A_11 = arith.constant 0 : index
    %get3A_12 = vector.load %arg1[%get3A_10, %get3A_11] : memref<2560x128xf32, #tpu.memory_space<vmem>>, vector<2560x128xf32>
    %add3A_13 = arith.addf %get3A_12, %add3A_9 : vector<2560x128xf32>
    %integer_pow3A = arith.mulf %add3A_13, %add3A_13 : vector<2560x128xf32>
    %integer_pow3A_14 = arith.mulf %add3A_13, %integer_pow3A : vector<2560x128xf32>
    %mul3A = arith.constant 4.471500e-02 : f32
    %mul3A_15 = vector.broadcast %mul3A : f32 to vector<2560x128xf32>
    %mul3A_16 = arith.mulf %mul3A_15, %integer_pow3A_14 : vector<2560x128xf32>
    %add3A_17 = arith.addf %add3A_13, %mul3A_16 : vector<2560x128xf32>
    %mul3A_18 = arith.constant 0.797884583 : f32
    %mul3A_19 = vector.broadcast %mul3A_18 : f32 to vector<2560x128xf32>
    %mul3A_20 = arith.mulf %mul3A_19, %add3A_17 : vector<2560x128xf32>
    %tanh3A = math.tanh %mul3A_20 : vector<2560x128xf32>
    %add3A_21 = arith.constant 1.000000e+00 : f32
    %add3A_22 = vector.broadcast %add3A_21 : f32 to vector<2560x128xf32>
    %add3A_23 = arith.addf %add3A_22, %tanh3A : vector<2560x128xf32>
    %mul3A_24 = arith.constant 5.000000e-01 : f32
    %mul3A_25 = vector.broadcast %mul3A_24 : f32 to vector<2560x128xf32>
    %mul3A_26 = arith.mulf %mul3A_25, %add3A_23 : vector<2560x128xf32>
    %mul3A_27 = arith.mulf %add3A_13, %mul3A_26 : vector<2560x128xf32>
    %lt3A = arith.constant 125 : i32
    %lt3A_28 = arith.cmpi slt, %arg0, %lt3A : i32
    %jit3A = arith.constant 0.000000e+00 : f32
    %broadcast_in_dim3A = vector.broadcast %jit3A : f32 to vector<2560x128xf32>
    %select_n3A = arith.select %lt3A_28, %mul3A_27, %broadcast_in_dim3A : vector<2560x128xf32>
    %swap3A = arith.constant 0 : index
    %swap3A_29 = arith.constant 0 : index
    %swap3A_30 = vector.load %arg5[%swap3A, %swap3A_29] : memref<2560x128xf32, #tpu.memory_space<vmem>>, vector<2560x128xf32>
    tpu.vector_store %arg5[%swap3A, %swap3A_29], %select_n3A {strides = array<i32>} : memref<2560x128xf32, #tpu.memory_space<vmem>>, vector<2560x128xf32>,
    return
  }
  func.func @transform_0(%arg0: i32) -> (i32, i32) {
    %c0_i32 = arith.constant 0 : i32
    %c0_i32_0 = arith.constant 0 : i32
    return %arg0, %c0_i32 : i32, i32
  }
  func.func @transform_1(%arg0: i32) -> (i32, i32) {
    %c0_i32 = arith.constant 0 : i32
    %c0_i32_0 = arith.constant 0 : i32
    return %arg0, %c0_i32 : i32, i32
  }
  func.func @transform_2(%arg0: i32) -> (i32, i32) {
    %c0_i32 = arith.constant 0 : i32
    %c0_i32_0 = arith.constant 0 : i32
    %c0_i32_1 = arith.constant 0 : i32
    return %c0_i32, %c0_i32_0 : i32, i32
  }
  func.func @transform_3(%arg0: i32) -> (i32, i32) {
    %c0_i32 = arith.constant 0 : i32
    %c0_i32_0 = arith.constant 0 : i32
    %c0_i32_1 = arith.constant 0 : i32
    return %c0_i32, %c0_i32_0 : i32, i32
  }
  func.func @transform_4(%arg0: i32) -> (i32, i32) {
    %c0_i32 = arith.constant 0 : i32
    %c0_i32_0 = arith.constant 0 : i32
    return %arg0, %c0_i32 : i32, i32
  }
}

module attributes {stable_mosaic.version = 14 : i64} {
  func.func @_stage_c1_body(%arg0: i32, %arg1: memref<1000x128xf32, #tpu.memory_space<vmem>>, %arg2: memref<1000x128xf32, #tpu.memory_space<vmem>>, %arg3: memref<128x128xf32, #tpu.memory_space<vmem>>, %arg4: memref<1000x128xf32, #tpu.memory_space<vmem>>, %arg5: memref<1000x128xf32, #tpu.memory_space<vmem>>) attributes {dimension_semantics = [#tpu.dimension_semantics<arbitrary>], iteration_bounds = array<i64: 10>, scalar_prefetch = 0 : i64, scratch_operands = 0 : i64, tpu.core_type = #tpu.core_type<tc>, window_params = [{transform_indices = @transform_0, window_bounds = array<i64: 1000, 128>}, {transform_indices = @transform_1, window_bounds = array<i64: 1000, 128>}, {pipeline_mode = #tpu.pipeline_mode<synchronous>, transform_indices = @transform_2, window_bounds = array<i64: 128, 128>}, {transform_indices = @transform_3, window_bounds = array<i64: 1000, 128>}, {transform_indices = @transform_4, window_bounds = array<i64: 1000, 128>}]} {
    %get3A = arith.constant 0 : index
    %get3A_0 = arith.constant 0 : index
    %get3A_1 = vector.load %arg1[%get3A, %get3A_0] : memref<1000x128xf32, #tpu.memory_space<vmem>>, vector<1000x128xf32>
    %get3A_2 = arith.constant 0 : index
    %get3A_3 = arith.constant 0 : index
    %get3A_4 = vector.load %arg2[%get3A_2, %get3A_3] : memref<1000x128xf32, #tpu.memory_space<vmem>>, vector<1000x128xf32>
    %add3A = arith.addf %get3A_1, %get3A_4 : vector<1000x128xf32>
    %swap3A = arith.constant 0 : index
    %swap3A_5 = arith.constant 0 : index
    %swap3A_6 = vector.load %arg4[%swap3A, %swap3A_5] : memref<1000x128xf32, #tpu.memory_space<vmem>>, vector<1000x128xf32>
    tpu.vector_store %arg4[%swap3A, %swap3A_5], %add3A {strides = array<i32>} : memref<1000x128xf32, #tpu.memory_space<vmem>>, vector<1000x128xf32>,
    %get3A_7 = arith.constant 0 : index
    %get3A_8 = arith.constant 0 : index
    %get3A_9 = vector.load %arg3[%get3A_7, %get3A_8] : memref<128x128xf32, #tpu.memory_space<vmem>>, vector<128x128xf32>
    %dot_general3A = arith.constant dense<0.000000e+00> : vector<1000x128xf32>
    %dot_general3A_10 = tpu.matmul %add3A, %get3A_9, %dot_general3A {dimension_numbers = #tpu.dot_dimension_numbers<[1], [0], [0], [1], [0, 0, 1, 1], [], []>, transpose_lhs_hint = false} : vector<1000x128xf32>, vector<128x128xf32>, vector<1000x128xf32> -> vector<1000x128xf32>
    %swap3A_11 = arith.constant 0 : index
    %swap3A_12 = arith.constant 0 : index
    %swap3A_13 = vector.load %arg5[%swap3A_11, %swap3A_12] : memref<1000x128xf32, #tpu.memory_space<vmem>>, vector<1000x128xf32>
    tpu.vector_store %arg5[%swap3A_11, %swap3A_12], %dot_general3A_10 {strides = array<i32>} : memref<1000x128xf32, #tpu.memory_space<vmem>>, vector<1000x128xf32>,
    return
  }
  func.func @transform_0(%arg0: i32) -> (i32, i32) {
    %c0_i32 = arith.constant 0 : i32
    %c0_i32_0 = arith.constant 0 : i32
    return %arg0, %c0_i32 : i32, i32
  }
  func.func @transform_1(%arg0: i32) -> (i32, i32) {
    %c0_i32 = arith.constant 0 : i32
    %c0_i32_0 = arith.constant 0 : i32
    return %arg0, %c0_i32 : i32, i32
  }
  func.func @transform_2(%arg0: i32) -> (i32, i32) {
    %c0_i32 = arith.constant 0 : i32
    %c0_i32_0 = arith.constant 0 : i32
    %c0_i32_1 = arith.constant 0 : i32
    return %c0_i32, %c0_i32_0 : i32, i32
  }
  func.func @transform_3(%arg0: i32) -> (i32, i32) {
    %c0_i32 = arith.constant 0 : i32
    %c0_i32_0 = arith.constant 0 : i32
    return %arg0, %c0_i32 : i32, i32
  }
  func.func @transform_4(%arg0: i32) -> (i32, i32) {
    %c0_i32 = arith.constant 0 : i32
    %c0_i32_0 = arith.constant 0 : i32
    return %arg0, %c0_i32 : i32, i32
  }
}

module attributes {stable_mosaic.version = 14 : i64} {
  func.func @_stage_c2_body(%arg0: i32, %arg1: memref<1000x128xf32, #tpu.memory_space<vmem>>, %arg2: memref<1000x128xf32, #tpu.memory_space<vmem>>, %arg3: memref<1000x128xf32, #tpu.memory_space<vmem>>, %arg4: memref<128x128xf32, #tpu.memory_space<vmem>>, %arg5: memref<1x128xf32, #tpu.memory_space<vmem>>, %arg6: memref<1000x128xf32, #tpu.memory_space<vmem>>) attributes {dimension_semantics = [#tpu.dimension_semantics<arbitrary>], iteration_bounds = array<i64: 10>, scalar_prefetch = 0 : i64, scratch_operands = 0 : i64, tpu.core_type = #tpu.core_type<tc>, window_params = [{transform_indices = @transform_0, window_bounds = array<i64: 1000, 128>}, {transform_indices = @transform_1, window_bounds = array<i64: 1000, 128>}, {transform_indices = @transform_2, window_bounds = array<i64: 1000, 128>}, {pipeline_mode = #tpu.pipeline_mode<synchronous>, transform_indices = @transform_3, window_bounds = array<i64: 128, 128>}, {pipeline_mode = #tpu.pipeline_mode<synchronous>, transform_indices = @transform_4, window_bounds = array<i64: 1, 128>}, {transform_indices = @transform_5, window_bounds = array<i64: 1000, 128>}]} {
    %get3A = arith.constant 0 : index
    %get3A_0 = arith.constant 0 : index
    %get3A_1 = vector.load %arg2[%get3A, %get3A_0] : memref<1000x128xf32, #tpu.memory_space<vmem>>, vector<1000x128xf32>
    %get3A_2 = arith.constant 0 : index
    %get3A_3 = arith.constant 0 : index
    %get3A_4 = vector.load %arg3[%get3A_2, %get3A_3] : memref<1000x128xf32, #tpu.memory_space<vmem>>, vector<1000x128xf32>
    %add3A = arith.addf %get3A_1, %get3A_4 : vector<1000x128xf32>
    %get3A_5 = arith.constant 0 : index
    %get3A_6 = arith.constant 0 : index
    %get3A_7 = vector.load %arg1[%get3A_5, %get3A_6] : memref<1000x128xf32, #tpu.memory_space<vmem>>, vector<1000x128xf32>
    %get3A_8 = arith.constant 0 : index
    %get3A_9 = arith.constant 0 : index
    %get3A_10 = vector.load %arg4[%get3A_8, %get3A_9] : memref<128x128xf32, #tpu.memory_space<vmem>>, vector<128x128xf32>
    %dot_general3A = arith.constant dense<0.000000e+00> : vector<1000x128xf32>
    %dot_general3A_11 = tpu.matmul %add3A, %get3A_10, %dot_general3A {dimension_numbers = #tpu.dot_dimension_numbers<[1], [0], [0], [1], [0, 0, 1, 1], [], []>, transpose_lhs_hint = false} : vector<1000x128xf32>, vector<128x128xf32>, vector<1000x128xf32> -> vector<1000x128xf32>
    %add3A_12 = arith.addf %get3A_7, %dot_general3A_11 : vector<1000x128xf32>
    %get3A_13 = arith.constant 0 : index
    %get3A_14 = arith.constant 0 : index
    %get3A_15 = vector.load %arg5[%get3A_13, %get3A_14] : memref<1x128xf32, #tpu.memory_space<vmem>>, vector<1x128xf32>
    %add3A_16 = vector.broadcast %get3A_15 : vector<1x128xf32> to vector<1000x128xf32>
    %add3A_17 = arith.addf %add3A_12, %add3A_16 : vector<1000x128xf32>
    %swap3A = arith.constant 0 : index
    %swap3A_18 = arith.constant 0 : index
    %swap3A_19 = vector.load %arg6[%swap3A, %swap3A_18] : memref<1000x128xf32, #tpu.memory_space<vmem>>, vector<1000x128xf32>
    tpu.vector_store %arg6[%swap3A, %swap3A_18], %add3A_17 {strides = array<i32>} : memref<1000x128xf32, #tpu.memory_space<vmem>>, vector<1000x128xf32>,
    return
  }
  func.func @transform_0(%arg0: i32) -> (i32, i32) {
    %c0_i32 = arith.constant 0 : i32
    %c0_i32_0 = arith.constant 0 : i32
    return %arg0, %c0_i32 : i32, i32
  }
  func.func @transform_1(%arg0: i32) -> (i32, i32) {
    %c0_i32 = arith.constant 0 : i32
    %c0_i32_0 = arith.constant 0 : i32
    return %arg0, %c0_i32 : i32, i32
  }
  func.func @transform_2(%arg0: i32) -> (i32, i32) {
    %c0_i32 = arith.constant 0 : i32
    %c0_i32_0 = arith.constant 0 : i32
    return %arg0, %c0_i32 : i32, i32
  }
  func.func @transform_3(%arg0: i32) -> (i32, i32) {
    %c0_i32 = arith.constant 0 : i32
    %c0_i32_0 = arith.constant 0 : i32
    %c0_i32_1 = arith.constant 0 : i32
    return %c0_i32, %c0_i32_0 : i32, i32
  }
  func.func @transform_4(%arg0: i32) -> (i32, i32) {
    %c0_i32 = arith.constant 0 : i32
    %c0_i32_0 = arith.constant 0 : i32
    %c0_i32_1 = arith.constant 0 : i32
    return %c0_i32, %c0_i32_0 : i32, i32
  }
  func.func @transform_5(%arg0: i32) -> (i32, i32) {
    %c0_i32 = arith.constant 0 : i32
    %c0_i32_0 = arith.constant 0 : i32
    return %arg0, %c0_i32 : i32, i32
  }
}

</mosaic_0001>

<sc_bundles>
// kernel: kernel.11.cloned.1.call-start
scs
__scs_entry_jumppad:
0x0: {  	(pc) =	sbr.rel $0x88, $3  }
0x1: {  	(tag) =	ssettag $0x0;
	lr =	simm.s32 $0x1  }
0x2: {  	[smem:$0x3F96] =	sst lr;
	_ =	strace $0xD0000000  }
0x3: {  	_ = 	snop  }
0x4: {  	_ = 	snop  }
0x5: {  	_ = 	snop  }
0x6: {  	_ = 	snop  }
0x7: {  	_ = 	snop  }
__scs_overlays_trampoline_lowered:
0x8: {  	[smem:$0x3FA5] =	sst s0  }
0x9: {  	[smem:$0x3FA6] =	sst s1  }
0xa: {  	[smem:$0x3FA7] =	sst s2  }
0xb: {  	[smem:$0x3FA8] =	sst s3  }
0xc: {  	[smem:$0x3FA9] =	sst s4  }
0xd: {  	[smem:$0x3FAA] =	sst s5  }
0xe: {  	[smem:$0x3FAB] =	sst s6  }
0xf: {  	[smem:$0x3FAC] =	sst s7  }
0x10: {  	[smem:$0x3FAD] =	sst s8  }
0x11: {  	[smem:$0x3FAE] =	sst s9;
	s0 =	simm.s32 @!p0 $0x0  }
0x12: {  	s1 =	sld [smem:$0x3F94];
	s0 =	simm.s32 @p0 $0x1  }
0x13: {  	[smem:$0x3FAF] =	sst s0;
	s0 =	simm.s32 @!p1 $0x0  }
0x14: {  	s2 =	sld [smem:$0x3F93];
	s0 =	simm.s32 @p1 $0x1  }
0x15: {  	[smem:$0x3FB0] =	sst s0;
	s0 =	simm.s32 @!p2 $0x0  }
0x16: {  	s3 =	sld [smem:$0x3FDB];
	s0 =	simm.s32 @p2 $0x1  }
0x17: {  	s4 =	simm.s32 $0x1BF5;
	[smem:$0x3FB2] =	sst s0  }
0x18: {  	s0 =	sld [smem:$0x3F95];
	_ =	swait.ge [sflag:s4], $0x0  }
0x19: {  	s7 =	sld [smem:$0x3F96]  }
0x1a: {  	s8 =	sadd.s32 $0xFFFFE003, lr  }
0x1b: {  	s9 =	sadd.s32 $0xFFFFFEF7, lr;
	s5 =	simm.s32 $0xFFFFFFFF;
	p2 =	slt.u32 s8, $0xFFFFF086  }
0x1c: {  	p1 =	slt.u32 s9, $0xF7A;
	s5 =	simm.s32 @!p2 $0x0  }
0x1d: {  	s5 =	simm.s32 @p1 $0x1;
	p0 =	seq.s32 s7, s2  }
0x1e: {  	s7 =	smul.u32 @!p0 $0xF7A, s2;
	p2 =	seq.s32 @!p0 s5, $0x0  }
0x1f: {  	s9 =	smul.u32 $0xF7A, s1;
	s8 =	simm.s32 @!p0 $0x1BF5;
	p2 =	por !p2, p0  }
0x20: {  	[sflag:s8] =	ssyncset.s32 @!p0 $0xFFFFF086;
	s6 =	sadd.s32 @!p0 s3, s7;
	s7 =	simm.s32 @!p0 $0x108  }
0x21: {  	s3 =	sadd.s32 s3, s9;
	s6 =	sadd.s32 @!p0 $0x88, s6;
	s7 =	simm.s32 @p2 $0x1082  }
0x22: {  	[simem:s7], [sflag:s8] =	dma.local @!p0 [hbm:s6], $0xF7A  }
0x23: {  	s9 =	sor.u32 $0xD0000000, s2;
	s6 =	simm.s32 $0x108;
	_ =	swait.ge @!p0 [sflag:s8], $0x0  }
0x24: {  	s3 =	sadd.s32 $0x88, s3;
	s6 =	simm.s32 @!p1 $0x1082;
	[sflag:s4] =	ssyncset.s32 $0xFFFFF086  }
0x25: {  	[simem:s6], [sflag:s4] =	dma.local [hbm:s3], $0xF7A  }
0x26: {  	[smem:$0x3F96] =	sst s1;
	(tag) =	ssettag s2;
	_ =	strace s9  }
0x27: {  	s1 =	sld [smem:$0x3FA6]  }
0x28: {  	s2 =	sld [smem:$0x3FA7]  }
0x29: {  	s4 =	sld [smem:$0x3FA9]  }
0x2a: {  	p0 =	seq.s32 s5, $0x0;
	s5 =	sld [smem:$0x3FAA]  }
0x2b: {  	s6 =	sld [smem:$0x3FAB]  }
0x2c: {  	s7 =	sld [smem:$0x3FAC]  }
0x2d: {  	s3 =	simm.s32 $0x108;
	s8 =	sld [smem:$0x3FAD]  }
0x2e: {  	s3 =	simm.s32 @!p0 $0x1082;
	s9 =	sld [smem:$0x3FAE]  }
0x2f: {  	lr =	sadd.s32 s0, s3;
	s0 =	sld [smem:$0x3FA5]  }
0x30: {  	s3 =	sld [smem:$0x3FA8]  }
0x31: {  	[smem:$0x3FB1] =	sst s10  }
0x32: {  	s10 =	sld [smem:$0x3FAF];
	_ =	sdelay $0x3  }
0x33: {  	p0 =	seq.s32 s10, $0x1;
	s10 =	sld [smem:$0x3FB1];
	_ =	sdelay $0x3  }
0x34: {  	[smem:$0x3FB1] =	sst s10  }
0x35: {  	s10 =	sld [smem:$0x3FB0];
	_ =	sdelay $0x3  }
0x36: {  	p1 =	seq.s32 s10, $0x1;
	s10 =	sld [smem:$0x3FB1];
	_ =	sdelay $0x3  }
0x37: {  	[smem:$0x3FB1] =	sst s10  }
0x38: {  	s10 =	sld [smem:$0x3FB2]  }
0x39: {  	_ = 	snop;
	(pc) =	sbr.ind lr, $3  }
0x3a: {  	_ = 	snop  }
0x3b: {  	_ = 	snop  }
0x3c: {  	p2 =	seq.s32 s10, $0x1;
	s10 =	sld [smem:$0x3FB1]  }
0x3d: {  	_ =	shalt  }
0x3e: {  	_ =	shalt  }
0x3f: {  	_ =	shalt  }
0x40: {  	_ =	shalt  }
0x41: {  	_ =	shalt  }
0x42: {  	_ =	shalt  }
0x43: {  	_ =	shalt  }
0x44: {  	_ =	shalt  }
0x45: {  	_ =	shalt  }
0x46: {  	_ =	shalt  }
0x47: {  	_ =	shalt  }
0x48: {  	_ =	shalt  }
0x49: {  	_ =	shalt  }
0x4a: {  	_ =	shalt  }
0x4b: {  	_ =	shalt  }
0x4c: {  	_ =	shalt  }
0x4d: {  	_ =	shalt  }
0x4e: {  	_ =	shalt  }
0x4f: {  	_ =	shalt  }
0x50: {  	_ =	shalt  }
0x51: {  	_ =	shalt  }
0x52: {  	_ =	shalt  }
0x53: {  	_ =	shalt  }
0x54: {  	_ =	shalt  }
0x55: {  	_ =	shalt  }
0x56: {  	_ =	shalt  }
0x57: {  	_ =	shalt  }
0x58: {  	_ =	shalt  }
0x59: {  	_ =	shalt  }
0x5a: {  	_ =	shalt  }
0x5b: {  	_ =	shalt  }
0x5c: {  	_ =	shalt  }
0x5d: {  	_ =	shalt  }
0x5e: {  	_ =	shalt  }
0x5f: {  	_ =	shalt  }
0x60: {  	_ =	shalt  }
0x61: {  	_ =	shalt  }
0x62: {  	_ =	shalt  }
0x63: {  	_ =	shalt  }
0x64: {  	_ =	shalt  }
0x65: {  	_ =	shalt  }
0x66: {  	_ =	shalt  }
0x67: {  	_ =	shalt  }
0x68: {  	_ =	shalt  }
0x69: {  	_ =	shalt  }
0x6a: {  	_ =	shalt  }
0x6b: {  	_ =	shalt  }
0x6c: {  	_ =	shalt  }
0x6d: {  	_ =	shalt  }
0x6e: {  	_ =	shalt  }
0x6f: {  	_ =	shalt  }
0x70: {  	_ =	shalt  }
0x71: {  	_ =	shalt  }
0x72: {  	_ =	shalt  }
0x73: {  	_ =	shalt  }
0x74: {  	_ =	shalt  }
0x75: {  	_ =	shalt  }
0x76: {  	_ =	shalt  }
0x77: {  	_ =	shalt  }
0x78: {  	_ =	shalt  }
0x79: {  	_ =	shalt  }
0x7a: {  	_ =	shalt  }
0x7b: {  	_ =	shalt  }
0x7c: {  	_ =	shalt  }
0x7d: {  	_ =	shalt  }
0x7e: {  	_ =	shalt  }
0x7f: {  	_ =	shalt  }
0x80: {  	_ =	shalt  }
0x81: {  	_ =	shalt  }
0x82: {  	_ =	shalt  }
0x83: {  	_ =	shalt  }
0x84: {  	_ =	shalt  }
0x85: {  	_ =	shalt  }
0x86: {  	_ =	shalt  }
0x87: {  	_ =	shalt  }
.Lfunc_end0:
.L_simem_size_0:
called_computation_lowered:
.L_overlay_start_0:
0x88: {  	s2 =	sld [smem:$0x3FD9]  }
0x89: {  	s3 =	sld [smem:$0x3FFE];
	_ =	sdelay $0x1  }
0x8a: {  	s1 =	srdreg.scid  }
0x8b: {  	s0 =	sand.u32 $0x1, s1  }
0x8c: {  	s16 =	sshll.u32 s0, $0xA;
	s2 =	sadd.s32 s3, s2  }
0x8d: {  	s2 =	sadd.s32 s2, s16  }
0x8e: {  	[smem:$0x3FBD] =	sst s2  }
0x8f: {  	_ = 	snop  }
0x90: {  	(tm) =	ssettm $0x1  }
0x91: {  	s17 =	sld [smem:$0x3FFB];
	_ =	sdelay $0x3  }
0x92: {  	_ =	strace s17  }
0x93: {  	s2 =	sld [smem:$0x3FFC];
	_ =	sdelay $0x3  }
0x94: {  	_ =	strace s2  }
0x95: {  	s2 =	sld [smem:$0x3FFD];
	_ =	sdelay $0x3  }
0x96: {  	_ =	strace s2  }
0x97: {  	_ =	strace $0x8FFFFFFF  }
0x98: {  	s18 =	sld [smem:$0x3FDB];
	_ =	sdelay $0x1  }
0x99: {  	s19 =	simm.s32 $_scs_section_size  }
0x9a: {  	s4 =	simm.s32 $_size__tile_overlayer_lowered;
	s5 =	simm.s32 $_tile_overlayer_lowered  }
0x9b: {  	s22 =	simm.s32 $0x1BFF;
	s21 =	sshll.u32 s5, $0x1;
	s2 =	sadd.s32 s19, s18  }
0x9c: {  	s6 =	simm.s32 $0x0;
	s20 =	sshll.u32 s4, $0x1;
	s4 =	sadd.s32 s21, s2  }
0x9d: {  	[timem:s6], [sflag:s22] =	dma.local [hbm:s4], s20  }
0x9e: {  	_ =	swait.ge [sflag:s22], s20  }
0x9f: {  	s3 =	ssub.s32 $0x0, s20;
	[sflag:s22] =	ssyncset.done $0x0  }
0xa0: {  	[sflag:s22] =	ssyncadd.s32 s3;
	_ =	sdelay $0x1  }
0xa1: {  	s23 =	simm.s32 $0x1B8B  }
0xa2: {  	_ =	swait.ge [sflag:s23], $0x1  }
0xa3: {  	[sflag:s23] =	ssyncset.done $0x0  }
0xa4: {  	s25 =	simm.s32 $0x1B8E;
	s24 =	sld [smem:$0x3FFE];
	[sflag:s23] =	ssyncadd.s32 $0xFFFFFFFF  }
0xa5: {  	s26 =	simm.s32 $execute0_lowered;
	[smem:$0x3FD2] =	sst s25  }
0xa6: {  	s4 =	sshll.u32 s26, $0x1;
	_ =	strace $0x80000046;
	[dreg:$0x1] =	wrdreg $0xFFFFFFFF  }
0xa7: {  	s28 =	simm.s32 $_size_execute0_lowered;
	s2 =	sadd.s32 s2, s4;
	[dreg:$0x0] =	wrdreg $0x0  }
0xa8: {  	s4 =	sshll.u32 s28, $0x1;
	[dreg:$0x2] =	wrdreg s2  }
0xa9: {  	[dreg:$0x3] =	wrdreg s4  }
0xaa: {  	[dreg:$0x4] =	wrdreg $0xC0  }
0xab: {  	_ =	task [dreg:s6], $0x5FFFF  }
0xac: {  	[dreg:$0x1] =	wrdreg $0xFFFFFFFF  }
0xad: {  	[dreg:$0x0] =	wrdreg $0x60  }
0xae: {  	[dreg:$0x2] =	wrdreg s24  }
0xaf: {  	[dreg:$0x3] =	wrdreg $0x9  }
0xb0: {  	_ =	task.clear_ibuf [dreg:s6], $0x4FFFF;
	_ =	strace $0x90000046  }
0xb1: {  	s29 =	simm.s32 $0x9;
	_ =	strace $0x80000048  }
0xb2: {  	_ =	swait.ge [sflag:s29], $0x1  }
0xb3: {  	[sflag:s29] =	ssyncadd.s32 $0xFFFFFFFF  }
0xb4: {  	_ =	strace $0x90000048  }
0xb5: {  	_ =	sfence  }
0xb6: {  	s30 =	sld [smem:$0x0];
	_ =	sdelay $0x2  }
0xb7: {  	s31 =	sshll.u32 s1, $0xD;
	s1 =	sshrl.u32 s1, $0x2  }
0xb8: {  	s3 =	sand.u32 $0x4000, s31;
	s1 =	sadd.s32 s1, s30  }
0xb9: {  	s0 =	sor.u32 s3, s0;
	s1 =	sshll.u32 s1, $0x11  }
0xba: {  	s0 =	sor.u32 s1, s0  }
0xbb: {  	s0 =	sadd.s32 $0x8F2B, s0  }
0xbc: {  	[sflag:s0] =	ssyncadd.remote.s32 $0x1  }
0xbd: {  	_ =	sfence.sel $0xFFFF  }
0xbe: {  	[dreg:$0x0] =	wrdreg $0xFFFFFFFF;
	(pc) =	sbr.abs _section_cstart, $3  }
0xbf: {  	[dreg:$0x1] =	wrdreg $0xFFFFFFFF  }
0xc0: {  	_ =	task.clear_ibuf [dreg:s6], $0x2FFFF;
	_ =	strace $0x9FFFFFFF  }
0xc1: {  	(tm) =	ssettm $0x7FFFFFFF  }
tec
execute0_lowered:
.L_overlay_start_1:
0x0: {  	(tag) =	ssettag $0x1  }
0x1: {  	s1 =	srdreg.scid;
	s0 =	stileid.u32  }
0x2: {  	s4 =	rddreg [dreg:$0x0];
	s2 =	simm.s32 $0x0;
	s10 =	simm.s32 $0x6800  }
0x3: {  	s11 =	simm.s32 $0x100;
	s12 =	simm.s32 $0xA800;
	s13 =	simm.s32 $0x180  }
0x4: {  	s14 =	simm.s32 $0xE800;
	s15 =	simm.s32 $0x200;
	s16 =	simm.s32 $0x12800  }
0x5: {  	s17 =	simm.s32 $0x1;
	s18 =	simm.s32 $0x2;
	s19 =	simm.s32 $0x3  }
0x6: {  	s20 =	simm.s32 $0x4;
	s21 =	simm.s32 $0x5;
	s22 =	simm.s32 $0x6  }
0x7: {  	s23 =	simm.s32 $0x7;
	s24 =	simm.s32 $0x8;
	s25 =	simm.s32 $0x9  }
0x8: {  	s26 =	simm.s32 $0xA;
	s28 =	simm.s32 $0x0;
	s3 =	sand.u32 $0x1, s1  }
0x9: {  	s30 =	sshll.u32 s0, $0x1;
	[smem:$0x7FF] =	sst s2;
	s6 =	smul.u32 $0x50000, s0  }
0xa: {  	s5 =	sor.u32 s3, s30;
	_ =	strace $0x80000047;
	s8 =	smul.u32 $0x28000, s3  }
.Ltmp0:
0xb: {  	s7 =	ssub.s32 $0x2, s3;
	s3 =	sadd.s32 $0x17600, s4;
	(pc) =	sbr.rel .LBB2_1-.Ltmp0, $4  }
0xc: {  	s5 =	smul.u32 $0x500, s5;
	s6 =	sadd.s32 s6, s4;
	s9 =	sshrl.u32 s7, $0x1  }
0xd: {  	s31 =	ssub.s32 s7, s9;
	s6 =	sadd.s32 s8, s6;
	s7 =	simm.s32 $0xB  }
0xe: {  	s8 =	simm.s32 $0x80;
	s9 =	simm.s32 $0x2800;
	s4 =	sadd.s32 s5, s4  }
0xf: {  	s5 =	smax.u32 s31, $0x1;
	s6 =	sadd.s32 $0x40800, s6;
	s4 =	sadd.s32 $0x3600, s4  }
.LBB2_4:
0x10: {  	_ =	swait.ge [sflag:s23], $0x4000  }
0x11: {  	[sflag:s23] =	ssyncset.done $0x0  }
0x12: {  	[sflag:s23] =	ssyncadd.s32 $0xFFFFC000  }
0x13: {  	_ =	swait.ge [sflag:s24], $0x4000  }
0x14: {  	[sflag:s24] =	ssyncset.done $0x0  }
0x15: {  	s28 =	sadd.s32 $0x1, s28;
	[sflag:s24] =	ssyncadd.s32 $0xFFFFC000  }
0x16: {  	p0 =	sne.s32 s28, s5;
	_ =	swait.ge [sflag:s25], $0x4000  }
.Ltmp1:
0x17: {  	[sflag:s25] =	ssyncset.done $0x0;
	(pc) =	sbr.rel @!p0 .LBB2_5-.Ltmp1, $4  }
0x18: {  	[sflag:s25] =	ssyncadd.s32 $0xFFFFC000  }
0x19: {  	_ =	swait.ge [sflag:s26], $0x4000  }
0x1a: {  	[sflag:s26] =	ssyncset.done $0x0  }
0x1b: {  	[sflag:s26] =	ssyncadd.s32 $0xFFFFC000  }
.LBB2_1:
0x1c: {  	[tilespmem:s2], [sflag:$0xB] =	stream.linear.gather [hbm4b:s4+s2], $0x2800, $0x38;
	[tilespmem:$0x16800] =	vst v63  }
0x1d: {  	_ =	swait.ge [sflag:s7], $0x2800  }
0x1e: {  	[sflag:s7] =	ssyncset.done $0x0  }
0x1f: {  	[sflag:s7] =	ssyncadd.s32 $0xFFFFD800  }
0x20: {  	[tilespmem:s9], [sflag:$0x1] =	stream.indirect.gather [hbm4b:s3+s8], $0x80, s2, s8, $0xb8;
	[tilespmem:$0x16800] =	vst v63  }
0x21: {  	_ = 	snop  }
0x22: {  	[tilespmem:s10], [sflag:$0x2] =	stream.indirect.gather [hbm4b:s3+s8], $0x80, s8, s8, $0xb8;
	[tilespmem:$0x16800] =	vst v63  }
0x23: {  	_ = 	snop  }
0x24: {  	[tilespmem:s12], [sflag:$0x3] =	stream.indirect.gather [hbm4b:s3+s8], $0x80, s11, s8, $0xb8;
	[tilespmem:$0x16800] =	vst v63  }
0x25: {  	_ = 	snop  }
0x26: {  	[tilespmem:s14], [sflag:$0x4] =	stream.indirect.gather [hbm4b:s3+s8], $0x80, s13, s8, $0xb8;
	[tilespmem:$0x16800] =	vst v63  }
0x27: {  	s29 =	smov.u32 s6;
	s30 =	simm.s32 $0x0  }
0x28: {  	[tilespmem:s16], [sflag:$0x5] =	stream.indirect.gather [hbm4b:s3+s8], $0x80, s15, s8, $0xb8;
	[tilespmem:$0x16800] =	vst v63  }
.LBB2_2:
0x29: {  	_ =	swait.ge [sflag:s17], $0x4000  }
0x2a: {  	[sflag:s17] =	ssyncset.done $0x0  }
0x2b: {  	s31 =	sadd.s32 $0xFFFFE000, s29;
	[sflag:s17] =	ssyncadd.s32 $0xFFFFC000  }
0x2c: {  	[hbm4b:s31+s2] =	stream.linear.scatter [tilespmem:s9], [sflag:$0x6], $0x4000, $0x38;
	[tilespmem:$0x16800] =	vst v63  }
0x2d: {  	_ =	swait.ge [sflag:s18], $0x4000  }
0x2e: {  	[sflag:s18] =	ssyncset.done $0x0  }
0x2f: {  	s1 =	sadd.s32 $0xFFFFE800, s29;
	[sflag:s18] =	ssyncadd.s32 $0xFFFFC000  }
0x30: {  	[hbm4b:s1+s2] =	stream.linear.scatter [tilespmem:s10], [sflag:$0x7], $0x4000, $0x38;
	[tilespmem:$0x16800] =	vst v63  }
0x31: {  	_ =	swait.ge [sflag:s19], $0x4000  }
0x32: {  	[sflag:s19] =	ssyncset.done $0x0  }
0x33: {  	s1 =	sadd.s32 $0xFFFFF000, s29;
	[sflag:s19] =	ssyncadd.s32 $0xFFFFC000  }
0x34: {  	[hbm4b:s1+s2] =	stream.linear.scatter [tilespmem:s12], [sflag:$0x8], $0x4000, $0x38;
	[tilespmem:$0x16800] =	vst v63  }
0x35: {  	_ =	swait.ge [sflag:s20], $0x4000  }
0x36: {  	[sflag:s20] =	ssyncset.done $0x0  }
0x37: {  	s1 =	sadd.s32 $0xFFFFF800, s29;
	[sflag:s20] =	ssyncadd.s32 $0xFFFFC000  }
0x38: {  	[hbm4b:s1+s2] =	stream.linear.scatter [tilespmem:s14], [sflag:$0x9], $0x4000, $0x38;
	[tilespmem:$0x16800] =	vst v63  }
0x39: {  	_ =	swait.ge [sflag:s21], $0x4000  }
0x3a: {  	p0 =	seq.s32 s30, $0x9600;
	[sflag:s21] =	ssyncset.done $0x0  }
.Ltmp2:
0x3b: {  	[sflag:s21] =	ssyncadd.s32 $0xFFFFC000;
	(pc) =	sbr.rel @p0 .LBB2_4-.Ltmp2, $4  }
0x3c: {  	[hbm4b:s29+s2] =	stream.linear.scatter [tilespmem:s16], [sflag:$0xA], $0x4000, $0x38;
	[tilespmem:$0x16800] =	vst v63  }
0x3d: {  	_ =	swait.ge [sflag:s22], $0x4000  }
0x3e: {  	[sflag:s22] =	ssyncset.done $0x0  }
0x3f: {  	[sflag:s22] =	ssyncadd.s32 $0xFFFFC000  }
0x40: {  	s31 =	sshra.s32 s30, $0x2  }
0x41: {  	s1 =	sadd.s32 $0x280, s31  }
0x42: {  	[tilespmem:s9], [sflag:$0x1] =	stream.indirect.gather [hbm4b:s3+s8], $0x80, s1, s8, $0xb8;
	[tilespmem:$0x16800] =	vst v63  }
0x43: {  	_ =	swait.ge [sflag:s23], $0x4000  }
0x44: {  	[sflag:s23] =	ssyncset.done $0x0  }
0x45: {  	s1 =	sadd.s32 $0x300, s31;
	[sflag:s23] =	ssyncadd.s32 $0xFFFFC000  }
0x46: {  	[tilespmem:s10], [sflag:$0x2] =	stream.indirect.gather [hbm4b:s3+s8], $0x80, s1, s8, $0xb8;
	[tilespmem:$0x16800] =	vst v63  }
0x47: {  	_ =	swait.ge [sflag:s24], $0x4000  }
0x48: {  	[sflag:s24] =	ssyncset.done $0x0  }
0x49: {  	s1 =	sadd.s32 $0x380, s31;
	[sflag:s24] =	ssyncadd.s32 $0xFFFFC000  }
0x4a: {  	[tilespmem:s12], [sflag:$0x3] =	stream.indirect.gather [hbm4b:s3+s8], $0x80, s1, s8, $0xb8;
	[tilespmem:$0x16800] =	vst v63  }
0x4b: {  	_ =	swait.ge [sflag:s25], $0x4000  }
0x4c: {  	[sflag:s25] =	ssyncset.done $0x0  }
0x4d: {  	s1 =	sadd.s32 $0x400, s31;
	[sflag:s25] =	ssyncadd.s32 $0xFFFFC000  }
0x4e: {  	[tilespmem:s14], [sflag:$0x4] =	stream.indirect.gather [hbm4b:s3+s8], $0x80, s1, s8, $0xb8;
	[tilespmem:$0x16800] =	vst v63  }
.Ltmp3:
0x4f: {  	_ = 	snop;
	(pc) =	sbr.rel .LBB2_2-.Ltmp3, $4  }
0x50: {  	_ =	swait.ge [sflag:s26], $0x4000  }
0x51: {  	s30 =	sadd.s32 $0xA00, s30;
	[sflag:s26] =	ssyncset.done $0x0  }
0x52: {  	s29 =	sadd.s32 $0x2800, s29;
	s31 =	sadd.s32 $0x480, s31;
	[sflag:s26] =	ssyncadd.s32 $0xFFFFC000  }
0x53: {  	[tilespmem:s16], [sflag:$0x5] =	stream.indirect.gather [hbm4b:s3+s8], $0x80, s31, s8, $0xb8;
	[tilespmem:$0x16800] =	vst v63  }
.LBB2_5:
0x54: {  	_ =	sfence.sel $0x180000  }
0x55: {  	[bflag:$0x0] =	sbarrier.arrive $0xFFFF  }
0x56: {  	_ =	strace $0x90000047  }
0x57: {  	[bflag:$0x2] =	sbarrier.arrive $0xFFFF  }
0x58: {  	p0 =	sne.s32 s0, $0x0;
	s0 =	rddreg [dreg:$0x1]  }
0x59: {  	s0 =	sadd.s32 @!p0 $0x100000, s0  }
0x5a: {  	[sflag:s0] =	ssyncadd.tile.s32 @!p0 $0x1;
	_ =	shalt  }
.Lfunc_end2:
_tile_overlayer_lowered:
.L_overlay_start_2:
0x5b: {  	(tag) =	ssettag $0x2  }
0x5c: {  	s0 =	rddreg [dreg:$0x0];
	s2 =	stileid.u32  }
0x5d: {  	s1 =	rddreg [dreg:$0x1];
	p0 =	sne.s32 s2, $0x0  }
0x5e: {  	s3 =	rddreg [dreg:$0x2];
	[bflag:$0x3] =	sbarrier.arrive $0xFFFF;
	s2 =	simm.s32 @!p0 $0x1C0B  }
0x5f: {  	[timem:s3], [sflag:s2] =	dma.local @!p0 [hbm:s0], s1  }
0x60: {  	s0 =	simm.s32 @!p0 $0xB  }
0x61: {  	_ =	swait.ge @!p0 [sflag:s0], s1  }
0x62: {  	s1 =	ssub.s32 @!p0 $0x0, s1;
	[sflag:s0] =	ssyncset.done @!p0 $0x0  }
0x63: {  	[sflag:s0] =	ssyncadd.s32 @!p0 s1  }
0x64: {  	[bflag:$0x3] =	sbarrier.arrive $0xFFFF  }
0x65: {  	_ =	shalt  }

// kernel: kernel.14.cloned.1.call-start
scs
__scs_entry_jumppad:
0x0: {  	(pc) =	sbr.rel $0x88, $3  }
0x1: {  	(tag) =	ssettag $0x0;
	lr =	simm.s32 $0x1  }
0x2: {  	[smem:$0x3F96] =	sst lr;
	_ =	strace $0xD0000000  }
0x3: {  	_ = 	snop  }
0x4: {  	_ = 	snop  }
0x5: {  	_ = 	snop  }
0x6: {  	_ = 	snop  }
0x7: {  	_ = 	snop  }
__scs_overlays_trampoline_lowered:
0x8: {  	[smem:$0x3FA5] =	sst s0  }
0x9: {  	[smem:$0x3FA6] =	sst s1  }
0xa: {  	[smem:$0x3FA7] =	sst s2  }
0xb: {  	[smem:$0x3FA8] =	sst s3  }
0xc: {  	[smem:$0x3FA9] =	sst s4  }
0xd: {  	[smem:$0x3FAA] =	sst s5  }
0xe: {  	[smem:$0x3FAB] =	sst s6  }
0xf: {  	[smem:$0x3FAC] =	sst s7  }
0x10: {  	[smem:$0x3FAD] =	sst s8  }
0x11: {  	[smem:$0x3FAE] =	sst s9;
	s0 =	simm.s32 @!p0 $0x0  }
0x12: {  	s1 =	sld [smem:$0x3F94];
	s0 =	simm.s32 @p0 $0x1  }
0x13: {  	[smem:$0x3FAF] =	sst s0;
	s0 =	simm.s32 @!p1 $0x0  }
0x14: {  	s2 =	sld [smem:$0x3F93];
	s0 =	simm.s32 @p1 $0x1  }
0x15: {  	[smem:$0x3FB0] =	sst s0;
	s0 =	simm.s32 @!p2 $0x0  }
0x16: {  	s3 =	sld [smem:$0x3FDB];
	s0 =	simm.s32 @p2 $0x1  }
0x17: {  	s4 =	simm.s32 $0x1BF5;
	[smem:$0x3FB2] =	sst s0  }
0x18: {  	s0 =	sld [smem:$0x3F95];
	_ =	swait.ge [sflag:s4], $0x0  }
0x19: {  	s7 =	sld [smem:$0x3F96]  }
0x1a: {  	s8 =	sadd.s32 $0xFFFFE003, lr  }
0x1b: {  	s9 =	sadd.s32 $0xFFFFFEF7, lr;
	s5 =	simm.s32 $0xFFFFFFFF;
	p2 =	slt.u32 s8, $0xFFFFF086  }
0x1c: {  	p1 =	slt.u32 s9, $0xF7A;
	s5 =	simm.s32 @!p2 $0x0  }
0x1d: {  	s5 =	simm.s32 @p1 $0x1;
	p0 =	seq.s32 s7, s2  }
0x1e: {  	s7 =	smul.u32 @!p0 $0xF7A, s2;
	p2 =	seq.s32 @!p0 s5, $0x0  }
0x1f: {  	s9 =	smul.u32 $0xF7A, s1;
	s8 =	simm.s32 @!p0 $0x1BF5;
	p2 =	por !p2, p0  }
0x20: {  	[sflag:s8] =	ssyncset.s32 @!p0 $0xFFFFF086;
	s6 =	sadd.s32 @!p0 s3, s7;
	s7 =	simm.s32 @!p0 $0x108  }
0x21: {  	s3 =	sadd.s32 s3, s9;
	s6 =	sadd.s32 @!p0 $0x88, s6;
	s7 =	simm.s32 @p2 $0x1082  }
0x22: {  	[simem:s7], [sflag:s8] =	dma.local @!p0 [hbm:s6], $0xF7A  }
0x23: {  	s9 =	sor.u32 $0xD0000000, s2;
	s6 =	simm.s32 $0x108;
	_ =	swait.ge @!p0 [sflag:s8], $0x0  }
0x24: {  	s3 =	sadd.s32 $0x88, s3;
	s6 =	simm.s32 @!p1 $0x1082;
	[sflag:s4] =	ssyncset.s32 $0xFFFFF086  }
0x25: {  	[simem:s6], [sflag:s4] =	dma.local [hbm:s3], $0xF7A  }
0x26: {  	[smem:$0x3F96] =	sst s1;
	(tag) =	ssettag s2;
	_ =	strace s9  }
0x27: {  	s1 =	sld [smem:$0x3FA6]  }
0x28: {  	s2 =	sld [smem:$0x3FA7]  }
0x29: {  	s4 =	sld [smem:$0x3FA9]  }
0x2a: {  	p0 =	seq.s32 s5, $0x0;
	s5 =	sld [smem:$0x3FAA]  }
0x2b: {  	s6 =	sld [smem:$0x3FAB]  }
0x2c: {  	s7 =	sld [smem:$0x3FAC]  }
0x2d: {  	s3 =	simm.s32 $0x108;
	s8 =	sld [smem:$0x3FAD]  }
0x2e: {  	s3 =	simm.s32 @!p0 $0x1082;
	s9 =	sld [smem:$0x3FAE]  }
0x2f: {  	lr =	sadd.s32 s0, s3;
	s0 =	sld [smem:$0x3FA5]  }
0x30: {  	s3 =	sld [smem:$0x3FA8]  }
0x31: {  	[smem:$0x3FB1] =	sst s10  }
0x32: {  	s10 =	sld [smem:$0x3FAF];
	_ =	sdelay $0x3  }
0x33: {  	p0 =	seq.s32 s10, $0x1;
	s10 =	sld [smem:$0x3FB1];
	_ =	sdelay $0x3  }
0x34: {  	[smem:$0x3FB1] =	sst s10  }
0x35: {  	s10 =	sld [smem:$0x3FB0];
	_ =	sdelay $0x3  }
0x36: {  	p1 =	seq.s32 s10, $0x1;
	s10 =	sld [smem:$0x3FB1];
	_ =	sdelay $0x3  }
0x37: {  	[smem:$0x3FB1] =	sst s10  }
0x38: {  	s10 =	sld [smem:$0x3FB2]  }
0x39: {  	_ = 	snop;
	(pc) =	sbr.ind lr, $3  }
0x3a: {  	_ = 	snop  }
0x3b: {  	_ = 	snop  }
0x3c: {  	p2 =	seq.s32 s10, $0x1;
	s10 =	sld [smem:$0x3FB1]  }
0x3d: {  	_ =	shalt  }
0x3e: {  	_ =	shalt  }
0x3f: {  	_ =	shalt  }
0x40: {  	_ =	shalt  }
0x41: {  	_ =	shalt  }
0x42: {  	_ =	shalt  }
0x43: {  	_ =	shalt  }
0x44: {  	_ =	shalt  }
0x45: {  	_ =	shalt  }
0x46: {  	_ =	shalt  }
0x47: {  	_ =	shalt  }
0x48: {  	_ =	shalt  }
0x49: {  	_ =	shalt  }
0x4a: {  	_ =	shalt  }
0x4b: {  	_ =	shalt  }
0x4c: {  	_ =	shalt  }
0x4d: {  	_ =	shalt  }
0x4e: {  	_ =	shalt  }
0x4f: {  	_ =	shalt  }
0x50: {  	_ =	shalt  }
0x51: {  	_ =	shalt  }
0x52: {  	_ =	shalt  }
0x53: {  	_ =	shalt  }
0x54: {  	_ =	shalt  }
0x55: {  	_ =	shalt  }
0x56: {  	_ =	shalt  }
0x57: {  	_ =	shalt  }
0x58: {  	_ =	shalt  }
0x59: {  	_ =	shalt  }
0x5a: {  	_ =	shalt  }
0x5b: {  	_ =	shalt  }
0x5c: {  	_ =	shalt  }
0x5d: {  	_ =	shalt  }
0x5e: {  	_ =	shalt  }
0x5f: {  	_ =	shalt  }
0x60: {  	_ =	shalt  }
0x61: {  	_ =	shalt  }
0x62: {  	_ =	shalt  }
0x63: {  	_ =	shalt  }
0x64: {  	_ =	shalt  }
0x65: {  	_ =	shalt  }
0x66: {  	_ =	shalt  }
0x67: {  	_ =	shalt  }
0x68: {  	_ =	shalt  }
0x69: {  	_ =	shalt  }
0x6a: {  	_ =	shalt  }
0x6b: {  	_ =	shalt  }
0x6c: {  	_ =	shalt  }
0x6d: {  	_ =	shalt  }
0x6e: {  	_ =	shalt  }
0x6f: {  	_ =	shalt  }
0x70: {  	_ =	shalt  }
0x71: {  	_ =	shalt  }
0x72: {  	_ =	shalt  }
0x73: {  	_ =	shalt  }
0x74: {  	_ =	shalt  }
0x75: {  	_ =	shalt  }
0x76: {  	_ =	shalt  }
0x77: {  	_ =	shalt  }
0x78: {  	_ =	shalt  }
0x79: {  	_ =	shalt  }
0x7a: {  	_ =	shalt  }
0x7b: {  	_ =	shalt  }
0x7c: {  	_ =	shalt  }
0x7d: {  	_ =	shalt  }
0x7e: {  	_ =	shalt  }
0x7f: {  	_ =	shalt  }
0x80: {  	_ =	shalt  }
0x81: {  	_ =	shalt  }
0x82: {  	_ =	shalt  }
0x83: {  	_ =	shalt  }
0x84: {  	_ =	shalt  }
0x85: {  	_ =	shalt  }
0x86: {  	_ =	shalt  }
0x87: {  	_ =	shalt  }
.Lfunc_end0:
.L_simem_size_0:
called_computation.1_lowered:
.L_overlay_start_0:
0x88: {  	s2 =	sld [smem:$0x3FD9]  }
0x89: {  	s3 =	sld [smem:$0x3FFE];
	_ =	sdelay $0x1  }
0x8a: {  	s1 =	srdreg.scid  }
0x8b: {  	s0 =	sand.u32 $0x1, s1  }
0x8c: {  	s16 =	sshll.u32 s0, $0xA;
	s2 =	sadd.s32 s3, s2  }
0x8d: {  	s2 =	sadd.s32 s2, s16  }
0x8e: {  	[smem:$0x3FBD] =	sst s2  }
0x8f: {  	_ = 	snop  }
0x90: {  	(tm) =	ssettm $0x1  }
0x91: {  	s17 =	sld [smem:$0x3FFB];
	_ =	sdelay $0x3  }
0x92: {  	_ =	strace s17  }
0x93: {  	s2 =	sld [smem:$0x3FFC];
	_ =	sdelay $0x3  }
0x94: {  	_ =	strace s2  }
0x95: {  	s2 =	sld [smem:$0x3FFD];
	_ =	sdelay $0x3  }
0x96: {  	_ =	strace s2  }
0x97: {  	_ =	strace $0x8FFFFFFF  }
0x98: {  	s18 =	sld [smem:$0x3FDB];
	_ =	sdelay $0x1  }
0x99: {  	s19 =	simm.s32 $_scs_section_size  }
0x9a: {  	s4 =	simm.s32 $_size__tile_overlayer_lowered;
	s5 =	simm.s32 $_tile_overlayer_lowered  }
0x9b: {  	s22 =	simm.s32 $0x1BFF;
	s21 =	sshll.u32 s5, $0x1;
	s2 =	sadd.s32 s19, s18  }
0x9c: {  	s6 =	simm.s32 $0x0;
	s20 =	sshll.u32 s4, $0x1;
	s4 =	sadd.s32 s21, s2  }
0x9d: {  	[timem:s6], [sflag:s22] =	dma.local [hbm:s4], s20  }
0x9e: {  	_ =	swait.ge [sflag:s22], s20  }
0x9f: {  	s3 =	ssub.s32 $0x0, s20;
	[sflag:s22] =	ssyncset.done $0x0  }
0xa0: {  	[sflag:s22] =	ssyncadd.s32 s3;
	_ =	sdelay $0x1  }
0xa1: {  	s23 =	simm.s32 $0x1B8B  }
0xa2: {  	_ =	swait.ge [sflag:s23], $0x1  }
0xa3: {  	[sflag:s23] =	ssyncset.done $0x0  }
0xa4: {  	s25 =	simm.s32 $0x1B8E;
	s24 =	sld [smem:$0x3FFE];
	[sflag:s23] =	ssyncadd.s32 $0xFFFFFFFF  }
0xa5: {  	s26 =	simm.s32 $execute0_lowered;
	[smem:$0x3FD2] =	sst s25  }
0xa6: {  	s4 =	sshll.u32 s26, $0x1;
	_ =	strace $0x80000049;
	[dreg:$0x1] =	wrdreg $0xFFFFFFFF  }
0xa7: {  	s28 =	simm.s32 $_size_execute0_lowered;
	s2 =	sadd.s32 s2, s4;
	[dreg:$0x0] =	wrdreg $0x0  }
0xa8: {  	s4 =	sshll.u32 s28, $0x1;
	[dreg:$0x2] =	wrdreg s2  }
0xa9: {  	[dreg:$0x3] =	wrdreg s4  }
0xaa: {  	[dreg:$0x4] =	wrdreg $0xC0  }
0xab: {  	_ =	task [dreg:s6], $0x5FFFF  }
0xac: {  	[dreg:$0x1] =	wrdreg $0xFFFFFFFF  }
0xad: {  	[dreg:$0x0] =	wrdreg $0x60  }
0xae: {  	[dreg:$0x2] =	wrdreg s24  }
0xaf: {  	[dreg:$0x3] =	wrdreg $0x152000  }
0xb0: {  	[dreg:$0x4] =	wrdreg $0x9  }
0xb1: {  	_ =	task.clear_ibuf [dreg:s6], $0x5FFFF;
	_ =	strace $0x90000049  }
0xb2: {  	s29 =	simm.s32 $0x9;
	_ =	strace $0x8000004B  }
0xb3: {  	_ =	swait.ge [sflag:s29], $0x1  }
0xb4: {  	[sflag:s29] =	ssyncadd.s32 $0xFFFFFFFF  }
0xb5: {  	_ =	strace $0x9000004B  }
0xb6: {  	_ =	sfence  }
0xb7: {  	s30 =	sld [smem:$0x0];
	_ =	sdelay $0x2  }
0xb8: {  	s31 =	sshll.u32 s1, $0xD;
	s1 =	sshrl.u32 s1, $0x2  }
0xb9: {  	s3 =	sand.u32 $0x4000, s31;
	s1 =	sadd.s32 s1, s30  }
0xba: {  	s0 =	sor.u32 s3, s0;
	s1 =	sshll.u32 s1, $0x11  }
0xbb: {  	s0 =	sor.u32 s1, s0  }
0xbc: {  	s0 =	sadd.s32 $0x8F2B, s0  }
0xbd: {  	[sflag:s0] =	ssyncadd.remote.s32 $0x1  }
0xbe: {  	_ =	sfence.sel $0xFFFF  }
0xbf: {  	[dreg:$0x0] =	wrdreg $0xFFFFFFFF;
	(pc) =	sbr.abs _section_cstart, $3  }
0xc0: {  	[dreg:$0x1] =	wrdreg $0xFFFFFFFF  }
0xc1: {  	_ =	task.clear_ibuf [dreg:s6], $0x2FFFF;
	_ =	strace $0x9FFFFFFF  }
0xc2: {  	(tm) =	ssettm $0x7FFFFFFF  }
0xc3: {  	_ =	shalt  }
tec
execute0_lowered:
.L_overlay_start_1:
0x0: {  	(tag) =	ssettag $0x1  }
0x1: {  	s3 =	rddreg [dreg:$0x0];
	s9 =	stileid.u32  }
0x2: {  	s0 =	srdreg.scid;
	s1 =	rddreg [dreg:$0x1];
	s2 =	simm.s32 $0x0  }
0x3: {  	s15 =	simm.s32 $0x11000;
	s16 =	simm.s32 $0x80;
	s17 =	simm.s32 $0x15000  }
0x4: {  	s18 =	simm.s32 $0x5;
	s19 =	simm.s32 $0x2;
	s20 =	simm.s32 $0x15080  }
0x5: {  	s21 =	simm.s32 $0x3;
	s22 =	simm.s32 $0x15100;
	s4 =	smul.u32 $0x50000, s9  }
0x6: {  	s24 =	simm.s32 $0x15180;
	s25 =	simm.s32 $0x0;
	s6 =	smul.u32 $0x140, s9  }
0x7: {  	s5 =	sand.u32 $0x1, s0;
	s0 =	rddreg [dreg:$0x2];
	s26 =	smul.u32 $0xA00, s9  }
0x8: {  	[smem:$0x7FF] =	sst s2;
	s7 =	smul.u32 $0x28000, s9;
	s31 =	sshll.u32 s9, $0x6  }
0x9: {  	s14 =	sadd.s32 $0xA0000, s1;
	p0 =	sne.s32 s9, $0x0;
	s23 =	smul.u32 $0x1400, s5  }
0xa: {  	_ =	strace $0x8000004A;
	s5 =	ssub.s32 $0x2, s5;
	s8 =	sadd.s32 s4, s3  }
0xb: {  	s10 =	sadd.s32 s26, s3;
	s29 =	sshrl.u32 s5, $0x1;
	s30 =	sshrl.u32 s7, $0x2  }
0xc: {  	s4 =	sor.u32 $0x1C01, s31;
	s6 =	sadd.s32 s6, s23;
	s12 =	ssub.s32 s5, s29  }
0xd: {  	s13 =	sadd.s32 s30, s1;
	s5 =	sadd.s32 $0xD600, s10;
	s8 =	sadd.s32 $0xF20800, s8  }
0xe: {  	s10 =	simm.s32 $0x1;
	v0 =	vmov s23;
	s23 =	simm.s32 $0x4;
	s28 =	sshll.u32 s6, $0x4  }
0xf: {  	s7 =	smax.u32 s12, $0x1;
	s9 =	sshrl.u32 s13, $0x3;
	s12 =	simm.s32 $0x5000  }
0x10: {  	s13 =	simm.s32 $0x9000;
	s11 =	sadd.s32 s28, s3;
	s3 =	sadd.s32 $0x1402800, s3  }
0x11: {  	s6 =	sadd.s32 $0x17600, s11;
	s11 =	sshrl.u32 @!p0 s14, $0x3;
	s14 =	simm.s32 $0xD000  }
.LBB2_1:
0x12: {  	[spmem:s9], [sflag:s4] =	dma.local [hbm:s3], $0x1400  }
0x13: {  	_ =	swait.ge [sflag:s10], $0x1400  }
0x14: {  	[sflag:s10] =	ssyncset.done $0x0  }
0x15: {  	s26 =	simm.s32 @!p0 $0x1;
	[sflag:s10] =	ssyncadd.s32 $0xFFFFEC00  }
0x16: {  	[spmem:s11], [sflag:s4] =	dma.local @!p0 [hbm:s3], $0x80  }
0x17: {  	_ =	swait.ge @!p0 [sflag:s26], $0x80  }
0x18: {  	[sflag:s26] =	ssyncset.done @!p0 $0x0  }
0x19: {  	[sflag:s26] =	ssyncadd.s32 @!p0 $0xFFFFFF80  }
0x1a: {  	[tilespmem:s2], [sflag:$0x1] =	stream.linear.gather [hbm4b:s5+s2], $0x5000, $0x38;
	[tilespmem:$0x1F240] =	vst v63  }
0x1b: {  	_ =	swait.ge [sflag:s10], $0x5000  }
0x1c: {  	[sflag:s10] =	ssyncset.done $0x0  }
0x1d: {  	[sflag:s10] =	ssyncadd.s32 $0xFFFFB000  }
0x1e: {  	s28 =	simm.s32 $0x100;
	s29 =	simm.s32 $0x0;
	[bflag:$0x0] =	sbarrier.arrive $0xFFFF  }
.LBB2_2:
0x1f: {  	s30 =	sadd.s32 s29, s8;
	s26 =	simm.s32 $0x0  }
0x20: {  	[tilespmem:s12], [sflag:$0x1] =	stream.linear.gather [hbm4b:s30+s26], $0x4000, $0x38;
	[tilespmem:$0x1F240] =	vst v63  }
0x21: {  	s31 =	sadd.s32 $0x800, s30  }
0x22: {  	[tilespmem:s13], [sflag:$0x2] =	stream.linear.gather [hbm4b:s31+s26], $0x4000, $0x38;
	[tilespmem:$0x1F240] =	vst v63  }
0x23: {  	s31 =	sadd.s32 $0x1000, s30  }
0x24: {  	[tilespmem:s14], [sflag:$0x3] =	stream.linear.gather [hbm4b:s31+s26], $0x4000, $0x38;
	[tilespmem:$0x1F240] =	vst v63  }
0x25: {  	s30 =	sadd.s32 $0x1800, s30  }
0x26: {  	[tilespmem:s15], [sflag:$0x4] =	stream.linear.gather [hbm4b:s30+s26], $0x4000, $0x38;
	[tilespmem:$0x1F240] =	vst v63  }
0x27: {  	v1 =	vld [tilespmem:s28+$0xFFFFFF00];
	_ =	sdelay $0x4  }
0x28: {  	v1 =	vsub.s32 v1, v0  }
0x29: {  	v1 =	vmin.u32 v1, $0x1400  }
0x2a: {  	[tilespmem:$0x15000] =	vst v1  }
0x2b: {  	v1 =	vld [tilespmem:s28+$0xFFFFFF10];
	_ =	sdelay $0x4  }
0x2c: {  	v1 =	vsub.s32 v1, v0  }
0x2d: {  	v1 =	vmin.u32 v1, $0x1400  }
0x2e: {  	[tilespmem:$0x15010] =	vst v1  }
0x2f: {  	v1 =	vld [tilespmem:s28+$0xFFFFFF20];
	_ =	sdelay $0x4  }
0x30: {  	v1 =	vsub.s32 v1, v0  }
0x31: {  	v1 =	vmin.u32 v1, $0x1400  }
0x32: {  	[tilespmem:$0x15020] =	vst v1  }
0x33: {  	v1 =	vld [tilespmem:s28+$0xFFFFFF30];
	_ =	sdelay $0x4  }
0x34: {  	v1 =	vsub.s32 v1, v0  }
0x35: {  	v1 =	vmin.u32 v1, $0x1400  }
0x36: {  	[tilespmem:$0x15030] =	vst v1  }
0x37: {  	v1 =	vld [tilespmem:s28+$0xFFFFFF40];
	_ =	sdelay $0x4  }
0x38: {  	v1 =	vsub.s32 v1, v0  }
0x39: {  	v1 =	vmin.u32 v1, $0x1400  }
0x3a: {  	[tilespmem:$0x15040] =	vst v1  }
0x3b: {  	v1 =	vld [tilespmem:s28+$0xFFFFFF50];
	_ =	sdelay $0x4  }
0x3c: {  	v1 =	vsub.s32 v1, v0  }
0x3d: {  	v1 =	vmin.u32 v1, $0x1400  }
0x3e: {  	[tilespmem:$0x15050] =	vst v1  }
0x3f: {  	v1 =	vld [tilespmem:s28+$0xFFFFFF60];
	_ =	sdelay $0x4  }
0x40: {  	v1 =	vsub.s32 v1, v0  }
0x41: {  	v1 =	vmin.u32 v1, $0x1400  }
0x42: {  	[tilespmem:$0x15060] =	vst v1  }
0x43: {  	v1 =	vld [tilespmem:s28+$0xFFFFFF70];
	_ =	sdelay $0x4  }
0x44: {  	v1 =	vsub.s32 v1, v0  }
0x45: {  	v1 =	vmin.u32 v1, $0x1400  }
0x46: {  	[tilespmem:$0x15070] =	vst v1  }
0x47: {  	_ =	swait.ge [sflag:s10], $0x4000  }
0x48: {  	[sflag:s10] =	ssyncset.done $0x0  }
0x49: {  	[sflag:s10] =	ssyncadd.s32 $0xFFFFC000  }
0x4a: {  	[spmem:s1] =	stream.indirect.scatter.add.f32 [tilespmem:s12], [sflag:$0x5], $0x80, s17, s16, $0xb8;
	[tilespmem:$0x1F240] =	vst v63  }
0x4b: {  	_ =	swait.ge [sflag:s18], $0x4000  }
0x4c: {  	[sflag:s18] =	ssyncset.done $0x0  }
0x4d: {  	[sflag:s18] =	ssyncadd.s32 $0xFFFFC000  }
0x4e: {  	v1 =	vld [tilespmem:s28+$0xFFFFFF80];
	_ =	sdelay $0x4  }
0x4f: {  	v1 =	vsub.s32 v1, v0  }
0x50: {  	v1 =	vmin.u32 v1, $0x1400  }
0x51: {  	[tilespmem:$0x15080] =	vst v1  }
0x52: {  	v1 =	vld [tilespmem:s28+$0xFFFFFF90];
	_ =	sdelay $0x4  }
0x53: {  	v1 =	vsub.s32 v1, v0  }
0x54: {  	v1 =	vmin.u32 v1, $0x1400  }
0x55: {  	[tilespmem:$0x15090] =	vst v1  }
0x56: {  	v1 =	vld [tilespmem:s28+$0xFFFFFFA0];
	_ =	sdelay $0x4  }
0x57: {  	v1 =	vsub.s32 v1, v0  }
0x58: {  	v1 =	vmin.u32 v1, $0x1400  }
0x59: {  	[tilespmem:$0x150A0] =	vst v1  }
0x5a: {  	v1 =	vld [tilespmem:s28+$0xFFFFFFB0];
	_ =	sdelay $0x4  }
0x5b: {  	v1 =	vsub.s32 v1, v0  }
0x5c: {  	v1 =	vmin.u32 v1, $0x1400  }
0x5d: {  	[tilespmem:$0x150B0] =	vst v1  }
0x5e: {  	v1 =	vld [tilespmem:s28+$0xFFFFFFC0];
	_ =	sdelay $0x4  }
0x5f: {  	v1 =	vsub.s32 v1, v0  }
0x60: {  	v1 =	vmin.u32 v1, $0x1400  }
0x61: {  	[tilespmem:$0x150C0] =	vst v1  }
0x62: {  	v1 =	vld [tilespmem:s28+$0xFFFFFFD0];
	_ =	sdelay $0x4  }
0x63: {  	v1 =	vsub.s32 v1, v0  }
0x64: {  	v1 =	vmin.u32 v1, $0x1400  }
0x65: {  	[tilespmem:$0x150D0] =	vst v1  }
0x66: {  	v1 =	vld [tilespmem:s28+$0xFFFFFFE0];
	_ =	sdelay $0x4  }
0x67: {  	v1 =	vsub.s32 v1, v0  }
0x68: {  	v1 =	vmin.u32 v1, $0x1400  }
0x69: {  	[tilespmem:$0x150E0] =	vst v1  }
0x6a: {  	v1 =	vld [tilespmem:s28+$0xFFFFFFF0];
	_ =	sdelay $0x4  }
0x6b: {  	v1 =	vsub.s32 v1, v0  }
0x6c: {  	v1 =	vmin.u32 v1, $0x1400  }
0x6d: {  	[tilespmem:$0x150F0] =	vst v1  }
0x6e: {  	_ =	swait.ge [sflag:s19], $0x4000  }
0x6f: {  	[sflag:s19] =	ssyncset.done $0x0  }
0x70: {  	[sflag:s19] =	ssyncadd.s32 $0xFFFFC000  }
0x71: {  	[spmem:s1] =	stream.indirect.scatter.add.f32 [tilespmem:s13], [sflag:$0x5], $0x80, s20, s16, $0xb8;
	[tilespmem:$0x1F240] =	vst v63  }
0x72: {  	_ =	swait.ge [sflag:s18], $0x4000  }
0x73: {  	[sflag:s18] =	ssyncset.done $0x0  }
0x74: {  	[sflag:s18] =	ssyncadd.s32 $0xFFFFC000  }
0x75: {  	v1 =	vld [tilespmem:s28+$0x0];
	_ =	sdelay $0x4  }
0x76: {  	v1 =	vsub.s32 v1, v0  }
0x77: {  	v1 =	vmin.u32 v1, $0x1400  }
0x78: {  	[tilespmem:$0x15100] =	vst v1  }
0x79: {  	v1 =	vld [tilespmem:s28+$0x10];
	_ =	sdelay $0x4  }
0x7a: {  	v1 =	vsub.s32 v1, v0  }
0x7b: {  	v1 =	vmin.u32 v1, $0x1400  }
0x7c: {  	[tilespmem:$0x15110] =	vst v1  }
0x7d: {  	v1 =	vld [tilespmem:s28+$0x20];
	_ =	sdelay $0x4  }
0x7e: {  	v1 =	vsub.s32 v1, v0  }
0x7f: {  	v1 =	vmin.u32 v1, $0x1400  }
0x80: {  	[tilespmem:$0x15120] =	vst v1  }
0x81: {  	v1 =	vld [tilespmem:s28+$0x30];
	_ =	sdelay $0x4  }
0x82: {  	v1 =	vsub.s32 v1, v0  }
0x83: {  	v1 =	vmin.u32 v1, $0x1400  }
0x84: {  	[tilespmem:$0x15130] =	vst v1  }
0x85: {  	v1 =	vld [tilespmem:s28+$0x40];
	_ =	sdelay $0x4  }
0x86: {  	v1 =	vsub.s32 v1, v0  }
0x87: {  	v1 =	vmin.u32 v1, $0x1400  }
0x88: {  	[tilespmem:$0x15140] =	vst v1  }
0x89: {  	v1 =	vld [tilespmem:s28+$0x50];
	_ =	sdelay $0x4  }
0x8a: {  	v1 =	vsub.s32 v1, v0  }
0x8b: {  	v1 =	vmin.u32 v1, $0x1400  }
0x8c: {  	[tilespmem:$0x15150] =	vst v1  }
0x8d: {  	v1 =	vld [tilespmem:s28+$0x60];
	_ =	sdelay $0x4  }
0x8e: {  	v1 =	vsub.s32 v1, v0  }
0x8f: {  	v1 =	vmin.u32 v1, $0x1400  }
0x90: {  	[tilespmem:$0x15160] =	vst v1  }
0x91: {  	v1 =	vld [tilespmem:s28+$0x70];
	_ =	sdelay $0x4  }
0x92: {  	v1 =	vsub.s32 v1, v0  }
0x93: {  	v1 =	vmin.u32 v1, $0x1400  }
0x94: {  	[tilespmem:$0x15170] =	vst v1  }
0x95: {  	_ =	swait.ge [sflag:s21], $0x4000  }
0x96: {  	[sflag:s21] =	ssyncset.done $0x0  }
0x97: {  	[sflag:s21] =	ssyncadd.s32 $0xFFFFC000  }
0x98: {  	[spmem:s1] =	stream.indirect.scatter.add.f32 [tilespmem:s14], [sflag:$0x5], $0x80, s22, s16, $0xb8;
	[tilespmem:$0x1F240] =	vst v63  }
0x99: {  	_ =	swait.ge [sflag:s18], $0x4000  }
0x9a: {  	[sflag:s18] =	ssyncset.done $0x0  }
0x9b: {  	[sflag:s18] =	ssyncadd.s32 $0xFFFFC000  }
0x9c: {  	v1 =	vld [tilespmem:s28+$0x80];
	_ =	sdelay $0x4  }
0x9d: {  	v1 =	vsub.s32 v1, v0  }
0x9e: {  	v1 =	vmin.u32 v1, $0x1400  }
0x9f: {  	[tilespmem:$0x15180] =	vst v1  }
0xa0: {  	v1 =	vld [tilespmem:s28+$0x90];
	_ =	sdelay $0x4  }
0xa1: {  	v1 =	vsub.s32 v1, v0  }
0xa2: {  	v1 =	vmin.u32 v1, $0x1400  }
0xa3: {  	[tilespmem:$0x15190] =	vst v1  }
0xa4: {  	v1 =	vld [tilespmem:s28+$0xA0];
	_ =	sdelay $0x4  }
0xa5: {  	v1 =	vsub.s32 v1, v0  }
0xa6: {  	v1 =	vmin.u32 v1, $0x1400  }
0xa7: {  	[tilespmem:$0x151A0] =	vst v1  }
0xa8: {  	v1 =	vld [tilespmem:s28+$0xB0];
	_ =	sdelay $0x4  }
0xa9: {  	v1 =	vsub.s32 v1, v0  }
0xaa: {  	v1 =	vmin.u32 v1, $0x1400  }
0xab: {  	[tilespmem:$0x151B0] =	vst v1  }
0xac: {  	v1 =	vld [tilespmem:s28+$0xC0];
	_ =	sdelay $0x4  }
0xad: {  	v1 =	vsub.s32 v1, v0  }
0xae: {  	v1 =	vmin.u32 v1, $0x1400  }
0xaf: {  	[tilespmem:$0x151C0] =	vst v1  }
0xb0: {  	v1 =	vld [tilespmem:s28+$0xD0];
	_ =	sdelay $0x4  }
0xb1: {  	v1 =	vsub.s32 v1, v0  }
0xb2: {  	v1 =	vmin.u32 v1, $0x1400  }
0xb3: {  	[tilespmem:$0x151D0] =	vst v1  }
0xb4: {  	v1 =	vld [tilespmem:s28+$0xE0];
	_ =	sdelay $0x4  }
0xb5: {  	v1 =	vsub.s32 v1, v0  }
0xb6: {  	v1 =	vmin.u32 v1, $0x1400  }
0xb7: {  	[tilespmem:$0x151E0] =	vst v1  }
0xb8: {  	v1 =	vld [tilespmem:s28+$0xF0];
	_ =	sdelay $0x4  }
0xb9: {  	v1 =	vsub.s32 v1, v0  }
0xba: {  	v1 =	vmin.u32 v1, $0x1400  }
0xbb: {  	[tilespmem:$0x151F0] =	vst v1  }
0xbc: {  	_ =	swait.ge [sflag:s23], $0x4000  }
0xbd: {  	p1 =	sne.s32 s29, $0x26000;
	[sflag:s23] =	ssyncset.done $0x0  }
.Ltmp0:
0xbe: {  	[sflag:s23] =	ssyncadd.s32 $0xFFFFC000;
	(pc) =	sbr.rel @p1 .LBB2_2-.Ltmp0, $4  }
0xbf: {  	[spmem:s1] =	stream.indirect.scatter.add.f32 [tilespmem:s15], [sflag:$0x5], $0x80, s24, s16, $0xb8;
	[tilespmem:$0x1F240] =	vst v63  }
0xc0: {  	_ =	swait.ge [sflag:s18], $0x4000  }
0xc1: {  	[sflag:s18] =	ssyncset.done $0x0  }
0xc2: {  	s29 =	sadd.s32 $0x2000, s29;
	s28 =	sadd.s32 $0x200, s28;
	[sflag:s18] =	ssyncadd.s32 $0xFFFFC000  }
0xc3: {  	s28 =	simm.s32 $0x29F0  }
.LBB2_4:
0xc4: {  	s29 =	sadd.s32 s26, s8  }
0xc5: {  	s30 =	sadd.s32 $0x28000, s29  }
0xc6: {  	[tilespmem:s12], [sflag:$0x1] =	stream.linear.gather [hbm4b:s30+s2], $0x4000, $0x38;
	[tilespmem:$0x1F240] =	vst v63  }
0xc7: {  	s31 =	sadd.s32 $0x28800, s29  }
0xc8: {  	[tilespmem:s13], [sflag:$0x2] =	stream.linear.gather [hbm4b:s31+s2], $0x4000, $0x38;
	[tilespmem:$0x1F240] =	vst v63  }
0xc9: {  	s31 =	sadd.s32 $0x29000, s29  }
0xca: {  	[tilespmem:s14], [sflag:$0x3] =	stream.linear.gather [hbm4b:s31+s2], $0x4000, $0x38;
	[tilespmem:$0x1F240] =	vst v63  }
0xcb: {  	s29 =	sadd.s32 $0x29800, s29  }
0xcc: {  	[tilespmem:s15], [sflag:$0x4] =	stream.linear.gather [hbm4b:s29+s2], $0x4000, $0x38;
	[tilespmem:$0x1F240] =	vst v63  }
0xcd: {  	v1 =	vld [tilespmem:s28+$0xFFFFFE10];
	_ =	sdelay $0x4  }
0xce: {  	v1 =	vsub.s32 v1, v0  }
0xcf: {  	v1 =	vmin.u32 v1, $0x1400  }
0xd0: {  	[tilespmem:$0x15000] =	vst v1  }
0xd1: {  	v1 =	vld [tilespmem:s28+$0xFFFFFE20];
	_ =	sdelay $0x4  }
0xd2: {  	v1 =	vsub.s32 v1, v0  }
0xd3: {  	v1 =	vmin.u32 v1, $0x1400  }
0xd4: {  	[tilespmem:$0x15010] =	vst v1  }
0xd5: {  	v1 =	vld [tilespmem:s28+$0xFFFFFE30];
	_ =	sdelay $0x4  }
0xd6: {  	v1 =	vsub.s32 v1, v0  }
0xd7: {  	v1 =	vmin.u32 v1, $0x1400  }
0xd8: {  	[tilespmem:$0x15020] =	vst v1  }
0xd9: {  	v1 =	vld [tilespmem:s28+$0xFFFFFE40];
	_ =	sdelay $0x4  }
0xda: {  	v1 =	vsub.s32 v1, v0  }
0xdb: {  	v1 =	vmin.u32 v1, $0x1400  }
0xdc: {  	[tilespmem:$0x15030] =	vst v1  }
0xdd: {  	v1 =	vld [tilespmem:s28+$0xFFFFFE50];
	_ =	sdelay $0x4  }
0xde: {  	v1 =	vsub.s32 v1, v0  }
0xdf: {  	v1 =	vmin.u32 v1, $0x1400  }
0xe0: {  	[tilespmem:$0x15040] =	vst v1  }
0xe1: {  	v1 =	vld [tilespmem:s28+$0xFFFFFE60];
	_ =	sdelay $0x4  }
0xe2: {  	v1 =	vsub.s32 v1, v0  }
0xe3: {  	v1 =	vmin.u32 v1, $0x1400  }
0xe4: {  	[tilespmem:$0x15050] =	vst v1  }
0xe5: {  	v1 =	vld [tilespmem:s28+$0xFFFFFE70];
	_ =	sdelay $0x4  }
0xe6: {  	v1 =	vsub.s32 v1, v0  }
0xe7: {  	v1 =	vmin.u32 v1, $0x1400  }
0xe8: {  	[tilespmem:$0x15060] =	vst v1  }
0xe9: {  	v1 =	vld [tilespmem:s28+$0xFFFFFE80];
	_ =	sdelay $0x4  }
0xea: {  	v1 =	vsub.s32 v1, v0  }
0xeb: {  	v1 =	vmin.u32 v1, $0x1400  }
0xec: {  	[tilespmem:$0x15070] =	vst v1  }
0xed: {  	_ =	swait.ge [sflag:s10], $0x4000  }
0xee: {  	[sflag:s10] =	ssyncset.done $0x0  }
0xef: {  	[sflag:s10] =	ssyncadd.s32 $0xFFFFC000  }
0xf0: {  	[spmem:s1] =	stream.indirect.scatter.add.f32 [tilespmem:s12], [sflag:$0x5], $0x80, s17, s16, $0xb8;
	[tilespmem:$0x1F240] =	vst v63  }
0xf1: {  	_ =	swait.ge [sflag:s18], $0x4000  }
0xf2: {  	[sflag:s18] =	ssyncset.done $0x0  }
0xf3: {  	[sflag:s18] =	ssyncadd.s32 $0xFFFFC000  }
0xf4: {  	v1 =	vld [tilespmem:s28+$0xFFFFFE90];
	_ =	sdelay $0x4  }
0xf5: {  	v1 =	vsub.s32 v1, v0  }
0xf6: {  	v1 =	vmin.u32 v1, $0x1400  }
0xf7: {  	[tilespmem:$0x15080] =	vst v1  }
0xf8: {  	v1 =	vld [tilespmem:s28+$0xFFFFFEA0];
	_ =	sdelay $0x4  }
0xf9: {  	v1 =	vsub.s32 v1, v0  }
0xfa: {  	v1 =	vmin.u32 v1, $0x1400  }
0xfb: {  	[tilespmem:$0x15090] =	vst v1  }
0xfc: {  	v1 =	vld [tilespmem:s28+$0xFFFFFEB0];
	_ =	sdelay $0x4  }
0xfd: {  	v1 =	vsub.s32 v1, v0  }
0xfe: {  	v1 =	vmin.u32 v1, $0x1400  }
0xff: {  	[tilespmem:$0x150A0] =	vst v1  }
0x100: {  	v1 =	vld [tilespmem:s28+$0xFFFFFEC0];
	_ =	sdelay $0x4  }
0x101: {  	v1 =	vsub.s32 v1, v0  }
0x102: {  	v1 =	vmin.u32 v1, $0x1400  }
0x103: {  	[tilespmem:$0x150B0] =	vst v1  }
0x104: {  	v1 =	vld [tilespmem:s28+$0xFFFFFED0];
	_ =	sdelay $0x4  }
0x105: {  	v1 =	vsub.s32 v1, v0  }
0x106: {  	v1 =	vmin.u32 v1, $0x1400  }
0x107: {  	[tilespmem:$0x150C0] =	vst v1  }
0x108: {  	v1 =	vld [tilespmem:s28+$0xFFFFFEE0];
	_ =	sdelay $0x4  }
0x109: {  	v1 =	vsub.s32 v1, v0  }
0x10a: {  	v1 =	vmin.u32 v1, $0x1400  }
0x10b: {  	[tilespmem:$0x150D0] =	vst v1  }
0x10c: {  	v1 =	vld [tilespmem:s28+$0xFFFFFEF0];
	_ =	sdelay $0x4  }
0x10d: {  	v1 =	vsub.s32 v1, v0  }
0x10e: {  	v1 =	vmin.u32 v1, $0x1400  }
0x10f: {  	[tilespmem:$0x150E0] =	vst v1  }
0x110: {  	v1 =	vld [tilespmem:s28+$0xFFFFFF00];
	_ =	sdelay $0x4  }
0x111: {  	v1 =	vsub.s32 v1, v0  }
0x112: {  	v1 =	vmin.u32 v1, $0x1400  }
0x113: {  	[tilespmem:$0x150F0] =	vst v1  }
0x114: {  	_ =	swait.ge [sflag:s19], $0x4000  }
0x115: {  	[sflag:s19] =	ssyncset.done $0x0  }
0x116: {  	[sflag:s19] =	ssyncadd.s32 $0xFFFFC000  }
0x117: {  	[spmem:s1] =	stream.indirect.scatter.add.f32 [tilespmem:s13], [sflag:$0x5], $0x80, s20, s16, $0xb8;
	[tilespmem:$0x1F240] =	vst v63  }
0x118: {  	_ =	swait.ge [sflag:s18], $0x4000  }
0x119: {  	[sflag:s18] =	ssyncset.done $0x0  }
0x11a: {  	[sflag:s18] =	ssyncadd.s32 $0xFFFFC000  }
0x11b: {  	v1 =	vld [tilespmem:s28+$0xFFFFFF10];
	_ =	sdelay $0x4  }
0x11c: {  	v1 =	vsub.s32 v1, v0  }
0x11d: {  	v1 =	vmin.u32 v1, $0x1400  }
0x11e: {  	[tilespmem:$0x15100] =	vst v1  }
0x11f: {  	v1 =	vld [tilespmem:s28+$0xFFFFFF20];
	_ =	sdelay $0x4  }
0x120: {  	v1 =	vsub.s32 v1, v0  }
0x121: {  	v1 =	vmin.u32 v1, $0x1400  }
0x122: {  	[tilespmem:$0x15110] =	vst v1  }
0x123: {  	v1 =	vld [tilespmem:s28+$0xFFFFFF30];
	_ =	sdelay $0x4  }
0x124: {  	v1 =	vsub.s32 v1, v0  }
0x125: {  	v1 =	vmin.u32 v1, $0x1400  }
0x126: {  	[tilespmem:$0x15120] =	vst v1  }
0x127: {  	v1 =	vld [tilespmem:s28+$0xFFFFFF40];
	_ =	sdelay $0x4  }
0x128: {  	v1 =	vsub.s32 v1, v0  }
0x129: {  	v1 =	vmin.u32 v1, $0x1400  }
0x12a: {  	[tilespmem:$0x15130] =	vst v1  }
0x12b: {  	v1 =	vld [tilespmem:s28+$0xFFFFFF50];
	_ =	sdelay $0x4  }
0x12c: {  	v1 =	vsub.s32 v1, v0  }
0x12d: {  	v1 =	vmin.u32 v1, $0x1400  }
0x12e: {  	[tilespmem:$0x15140] =	vst v1  }
0x12f: {  	v1 =	vld [tilespmem:s28+$0xFFFFFF60];
	_ =	sdelay $0x4  }
0x130: {  	v1 =	vsub.s32 v1, v0  }
0x131: {  	v1 =	vmin.u32 v1, $0x1400  }
0x132: {  	[tilespmem:$0x15150] =	vst v1  }
0x133: {  	v1 =	vld [tilespmem:s28+$0xFFFFFF70];
	_ =	sdelay $0x4  }
0x134: {  	v1 =	vsub.s32 v1, v0  }
0x135: {  	v1 =	vmin.u32 v1, $0x1400  }
0x136: {  	[tilespmem:$0x15160] =	vst v1  }
0x137: {  	v1 =	vld [tilespmem:s28+$0xFFFFFF80];
	_ =	sdelay $0x4  }
0x138: {  	v1 =	vsub.s32 v1, v0  }
0x139: {  	v1 =	vmin.u32 v1, $0x1400  }
0x13a: {  	[tilespmem:$0x15170] =	vst v1  }
0x13b: {  	_ =	swait.ge [sflag:s21], $0x4000  }
0x13c: {  	[sflag:s21] =	ssyncset.done $0x0  }
0x13d: {  	[sflag:s21] =	ssyncadd.s32 $0xFFFFC000  }
0x13e: {  	[spmem:s1] =	stream.indirect.scatter.add.f32 [tilespmem:s14], [sflag:$0x5], $0x80, s22, s16, $0xb8;
	[tilespmem:$0x1F240] =	vst v63  }
0x13f: {  	_ =	swait.ge [sflag:s18], $0x4000  }
0x140: {  	[sflag:s18] =	ssyncset.done $0x0  }
0x141: {  	[sflag:s18] =	ssyncadd.s32 $0xFFFFC000  }
0x142: {  	v1 =	vld [tilespmem:s28+$0xFFFFFF90];
	_ =	sdelay $0x4  }
0x143: {  	v1 =	vsub.s32 v1, v0  }
0x144: {  	v1 =	vmin.u32 v1, $0x1400  }
0x145: {  	[tilespmem:$0x15180] =	vst v1  }
0x146: {  	v1 =	vld [tilespmem:s28+$0xFFFFFFA0];
	_ =	sdelay $0x4  }
0x147: {  	v1 =	vsub.s32 v1, v0  }
0x148: {  	v1 =	vmin.u32 v1, $0x1400  }
0x149: {  	[tilespmem:$0x15190] =	vst v1  }
0x14a: {  	v1 =	vld [tilespmem:s28+$0xFFFFFFB0];
	_ =	sdelay $0x4  }
0x14b: {  	v1 =	vsub.s32 v1, v0  }
0x14c: {  	v1 =	vmin.u32 v1, $0x1400  }
0x14d: {  	[tilespmem:$0x151A0] =	vst v1  }
0x14e: {  	v1 =	vld [tilespmem:s28+$0xFFFFFFC0];
	_ =	sdelay $0x4  }
0x14f: {  	v1 =	vsub.s32 v1, v0  }
0x150: {  	v1 =	vmin.u32 v1, $0x1400  }
0x151: {  	[tilespmem:$0x151B0] =	vst v1  }
0x152: {  	v1 =	vld [tilespmem:s28+$0xFFFFFFD0];
	_ =	sdelay $0x4  }
0x153: {  	v1 =	vsub.s32 v1, v0  }
0x154: {  	v1 =	vmin.u32 v1, $0x1400  }
0x155: {  	[tilespmem:$0x151C0] =	vst v1  }
0x156: {  	v1 =	vld [tilespmem:s28+$0xFFFFFFE0];
	_ =	sdelay $0x4  }
0x157: {  	v1 =	vsub.s32 v1, v0  }
0x158: {  	v1 =	vmin.u32 v1, $0x1400  }
0x159: {  	[tilespmem:$0x151D0] =	vst v1  }
0x15a: {  	v1 =	vld [tilespmem:s28+$0xFFFFFFF0];
	_ =	sdelay $0x4  }
0x15b: {  	v1 =	vsub.s32 v1, v0  }
0x15c: {  	v1 =	vmin.u32 v1, $0x1400  }
0x15d: {  	[tilespmem:$0x151E0] =	vst v1  }
0x15e: {  	v1 =	vld [tilespmem:s28+$0x0];
	_ =	sdelay $0x4  }
0x15f: {  	v1 =	vsub.s32 v1, v0  }
0x160: {  	v1 =	vmin.u32 v1, $0x1400  }
0x161: {  	[tilespmem:$0x151F0] =	vst v1  }
0x162: {  	_ =	swait.ge [sflag:s23], $0x4000  }
0x163: {  	p1 =	sne.s32 s26, $0x26000;
	[sflag:s23] =	ssyncset.done $0x0  }
.Ltmp1:
0x164: {  	[sflag:s23] =	ssyncadd.s32 $0xFFFFC000;
	(pc) =	sbr.rel @p1 .LBB2_4-.Ltmp1, $4  }
0x165: {  	[spmem:s1] =	stream.indirect.scatter.add.f32 [tilespmem:s15], [sflag:$0x5], $0x80, s24, s16, $0xb8;
	[tilespmem:$0x1F240] =	vst v63  }
0x166: {  	_ =	swait.ge [sflag:s18], $0x4000  }
0x167: {  	[sflag:s18] =	ssyncset.done $0x0  }
0x168: {  	s26 =	sadd.s32 $0x2000, s26;
	s28 =	sadd.s32 $0x200, s28;
	[sflag:s18] =	ssyncadd.s32 $0xFFFFC000  }
0x169: {  	s25 =	sadd.s32 $0x1, s25  }
0x16a: {  	p1 =	sne.s32 s25, s7  }
.Ltmp2:
0x16b: {  	[bflag:$0x0] =	sbarrier.arrive $0xFFFF;
	(pc) =	sbr.rel @p1 .LBB2_1-.Ltmp2, $4  }
0x16c: {  	[hbm:s6], [sflag:s4] =	dma.local [spmem:s9], $0x1400  }
0x16d: {  	_ =	swait.ge [sflag:s10], $0x1400  }
0x16e: {  	[sflag:s10] =	ssyncset.done $0x0  }
0x16f: {  	[sflag:s10] =	ssyncadd.s32 $0xFFFFEC00  }
0x170: {  	_ =	sfence.sel $0x180000  }
0x171: {  	[bflag:$0x0] =	sbarrier.arrive $0xFFFF  }
0x172: {  	_ =	strace $0x9000004A  }
0x173: {  	s0 =	sadd.s32 @!p0 $0x100000, s0;
	[bflag:$0x2] =	sbarrier.arrive $0xFFFF  }
0x174: {  	[sflag:s0] =	ssyncadd.tile.s32 @!p0 $0x1;
	_ =	shalt  }
.Lfunc_end2:
_tile_overlayer_lowered:
.L_overlay_start_2:
0x175: {  	(tag) =	ssettag $0x2  }
0x176: {  	s0 =	rddreg [dreg:$0x0];
	s2 =	stileid.u32  }
0x177: {  	s1 =	rddreg [dreg:$0x1];
	p0 =	sne.s32 s2, $0x0  }
0x178: {  	s3 =	rddreg [dreg:$0x2];
	[bflag:$0x3] =	sbarrier.arrive $0xFFFF;
	s2 =	simm.s32 @!p0 $0x1C05  }
0x179: {  	[timem:s3], [sflag:s2] =	dma.local @!p0 [hbm:s0], s1  }
0x17a: {  	s0 =	simm.s32 @!p0 $0x5  }
0x17b: {  	_ =	swait.ge @!p0 [sflag:s0], s1  }
0x17c: {  	s1 =	ssub.s32 @!p0 $0x0, s1;
	[sflag:s0] =	ssyncset.done @!p0 $0x0  }
0x17d: {  	[sflag:s0] =	ssyncadd.s32 @!p0 s1  }
0x17e: {  	[bflag:$0x3] =	sbarrier.arrive $0xFFFF  }
0x17f: {  	_ =	shalt  }

// kernel: kernel.17.cloned.1.call-start
scs
__scs_entry_jumppad:
0x0: {  	(pc) =	sbr.rel $0x88, $3  }
0x1: {  	(tag) =	ssettag $0x0;
	lr =	simm.s32 $0x1  }
0x2: {  	[smem:$0x3F96] =	sst lr;
	_ =	strace $0xD0000000  }
0x3: {  	_ = 	snop  }
0x4: {  	_ = 	snop  }
0x5: {  	_ = 	snop  }
0x6: {  	_ = 	snop  }
0x7: {  	_ = 	snop  }
__scs_overlays_trampoline_lowered:
0x8: {  	[smem:$0x3FA5] =	sst s0  }
0x9: {  	[smem:$0x3FA6] =	sst s1  }
0xa: {  	[smem:$0x3FA7] =	sst s2  }
0xb: {  	[smem:$0x3FA8] =	sst s3  }
0xc: {  	[smem:$0x3FA9] =	sst s4  }
0xd: {  	[smem:$0x3FAA] =	sst s5  }
0xe: {  	[smem:$0x3FAB] =	sst s6  }
0xf: {  	[smem:$0x3FAC] =	sst s7  }
0x10: {  	[smem:$0x3FAD] =	sst s8  }
0x11: {  	[smem:$0x3FAE] =	sst s9;
	s0 =	simm.s32 @!p0 $0x0  }
0x12: {  	s1 =	sld [smem:$0x3F94];
	s0 =	simm.s32 @p0 $0x1  }
0x13: {  	[smem:$0x3FAF] =	sst s0;
	s0 =	simm.s32 @!p1 $0x0  }
0x14: {  	s2 =	sld [smem:$0x3F93];
	s0 =	simm.s32 @p1 $0x1  }
0x15: {  	[smem:$0x3FB0] =	sst s0;
	s0 =	simm.s32 @!p2 $0x0  }
0x16: {  	s3 =	sld [smem:$0x3FDB];
	s0 =	simm.s32 @p2 $0x1  }
0x17: {  	s4 =	simm.s32 $0x1BF5;
	[smem:$0x3FB2] =	sst s0  }
0x18: {  	s0 =	sld [smem:$0x3F95];
	_ =	swait.ge [sflag:s4], $0x0  }
0x19: {  	s7 =	sld [smem:$0x3F96]  }
0x1a: {  	s8 =	sadd.s32 $0xFFFFE003, lr  }
0x1b: {  	s9 =	sadd.s32 $0xFFFFFEF7, lr;
	s5 =	simm.s32 $0xFFFFFFFF;
	p2 =	slt.u32 s8, $0xFFFFF086  }
0x1c: {  	p1 =	slt.u32 s9, $0xF7A;
	s5 =	simm.s32 @!p2 $0x0  }
0x1d: {  	s5 =	simm.s32 @p1 $0x1;
	p0 =	seq.s32 s7, s2  }
0x1e: {  	s7 =	smul.u32 @!p0 $0xF7A, s2;
	p2 =	seq.s32 @!p0 s5, $0x0  }
0x1f: {  	s9 =	smul.u32 $0xF7A, s1;
	s8 =	simm.s32 @!p0 $0x1BF5;
	p2 =	por !p2, p0  }
0x20: {  	[sflag:s8] =	ssyncset.s32 @!p0 $0xFFFFF086;
	s6 =	sadd.s32 @!p0 s3, s7;
	s7 =	simm.s32 @!p0 $0x108  }
0x21: {  	s3 =	sadd.s32 s3, s9;
	s6 =	sadd.s32 @!p0 $0x88, s6;
	s7 =	simm.s32 @p2 $0x1082  }
0x22: {  	[simem:s7], [sflag:s8] =	dma.local @!p0 [hbm:s6], $0xF7A  }
0x23: {  	s9 =	sor.u32 $0xD0000000, s2;
	s6 =	simm.s32 $0x108;
	_ =	swait.ge @!p0 [sflag:s8], $0x0  }
0x24: {  	s3 =	sadd.s32 $0x88, s3;
	s6 =	simm.s32 @!p1 $0x1082;
	[sflag:s4] =	ssyncset.s32 $0xFFFFF086  }
0x25: {  	[simem:s6], [sflag:s4] =	dma.local [hbm:s3], $0xF7A  }
0x26: {  	[smem:$0x3F96] =	sst s1;
	(tag) =	ssettag s2;
	_ =	strace s9  }
0x27: {  	s1 =	sld [smem:$0x3FA6]  }
0x28: {  	s2 =	sld [smem:$0x3FA7]  }
0x29: {  	s4 =	sld [smem:$0x3FA9]  }
0x2a: {  	p0 =	seq.s32 s5, $0x0;
	s5 =	sld [smem:$0x3FAA]  }
0x2b: {  	s6 =	sld [smem:$0x3FAB]  }
0x2c: {  	s7 =	sld [smem:$0x3FAC]  }
0x2d: {  	s3 =	simm.s32 $0x108;
	s8 =	sld [smem:$0x3FAD]  }
0x2e: {  	s3 =	simm.s32 @!p0 $0x1082;
	s9 =	sld [smem:$0x3FAE]  }
0x2f: {  	lr =	sadd.s32 s0, s3;
	s0 =	sld [smem:$0x3FA5]  }
0x30: {  	s3 =	sld [smem:$0x3FA8]  }
0x31: {  	[smem:$0x3FB1] =	sst s10  }
0x32: {  	s10 =	sld [smem:$0x3FAF];
	_ =	sdelay $0x3  }
0x33: {  	p0 =	seq.s32 s10, $0x1;
	s10 =	sld [smem:$0x3FB1];
	_ =	sdelay $0x3  }
0x34: {  	[smem:$0x3FB1] =	sst s10  }
0x35: {  	s10 =	sld [smem:$0x3FB0];
	_ =	sdelay $0x3  }
0x36: {  	p1 =	seq.s32 s10, $0x1;
	s10 =	sld [smem:$0x3FB1];
	_ =	sdelay $0x3  }
0x37: {  	[smem:$0x3FB1] =	sst s10  }
0x38: {  	s10 =	sld [smem:$0x3FB2]  }
0x39: {  	_ = 	snop;
	(pc) =	sbr.ind lr, $3  }
0x3a: {  	_ = 	snop  }
0x3b: {  	_ = 	snop  }
0x3c: {  	p2 =	seq.s32 s10, $0x1;
	s10 =	sld [smem:$0x3FB1]  }
0x3d: {  	_ =	shalt  }
0x3e: {  	_ =	shalt  }
0x3f: {  	_ =	shalt  }
0x40: {  	_ =	shalt  }
0x41: {  	_ =	shalt  }
0x42: {  	_ =	shalt  }
0x43: {  	_ =	shalt  }
0x44: {  	_ =	shalt  }
0x45: {  	_ =	shalt  }
0x46: {  	_ =	shalt  }
0x47: {  	_ =	shalt  }
0x48: {  	_ =	shalt  }
0x49: {  	_ =	shalt  }
0x4a: {  	_ =	shalt  }
0x4b: {  	_ =	shalt  }
0x4c: {  	_ =	shalt  }
0x4d: {  	_ =	shalt  }
0x4e: {  	_ =	shalt  }
0x4f: {  	_ =	shalt  }
0x50: {  	_ =	shalt  }
0x51: {  	_ =	shalt  }
0x52: {  	_ =	shalt  }
0x53: {  	_ =	shalt  }
0x54: {  	_ =	shalt  }
0x55: {  	_ =	shalt  }
0x56: {  	_ =	shalt  }
0x57: {  	_ =	shalt  }
0x58: {  	_ =	shalt  }
0x59: {  	_ =	shalt  }
0x5a: {  	_ =	shalt  }
0x5b: {  	_ =	shalt  }
0x5c: {  	_ =	shalt  }
0x5d: {  	_ =	shalt  }
0x5e: {  	_ =	shalt  }
0x5f: {  	_ =	shalt  }
0x60: {  	_ =	shalt  }
0x61: {  	_ =	shalt  }
0x62: {  	_ =	shalt  }
0x63: {  	_ =	shalt  }
0x64: {  	_ =	shalt  }
0x65: {  	_ =	shalt  }
0x66: {  	_ =	shalt  }
0x67: {  	_ =	shalt  }
0x68: {  	_ =	shalt  }
0x69: {  	_ =	shalt  }
0x6a: {  	_ =	shalt  }
0x6b: {  	_ =	shalt  }
0x6c: {  	_ =	shalt  }
0x6d: {  	_ =	shalt  }
0x6e: {  	_ =	shalt  }
0x6f: {  	_ =	shalt  }
0x70: {  	_ =	shalt  }
0x71: {  	_ =	shalt  }
0x72: {  	_ =	shalt  }
0x73: {  	_ =	shalt  }
0x74: {  	_ =	shalt  }
0x75: {  	_ =	shalt  }
0x76: {  	_ =	shalt  }
0x77: {  	_ =	shalt  }
0x78: {  	_ =	shalt  }
0x79: {  	_ =	shalt  }
0x7a: {  	_ =	shalt  }
0x7b: {  	_ =	shalt  }
0x7c: {  	_ =	shalt  }
0x7d: {  	_ =	shalt  }
0x7e: {  	_ =	shalt  }
0x7f: {  	_ =	shalt  }
0x80: {  	_ =	shalt  }
0x81: {  	_ =	shalt  }
0x82: {  	_ =	shalt  }
0x83: {  	_ =	shalt  }
0x84: {  	_ =	shalt  }
0x85: {  	_ =	shalt  }
0x86: {  	_ =	shalt  }
0x87: {  	_ =	shalt  }
.Lfunc_end0:
.L_simem_size_0:
called_computation.2_lowered:
.L_overlay_start_0:
0x88: {  	s2 =	sld [smem:$0x3FD9]  }
0x89: {  	s3 =	sld [smem:$0x3FFE];
	_ =	sdelay $0x1  }
0x8a: {  	s1 =	srdreg.scid  }
0x8b: {  	s0 =	sand.u32 $0x1, s1  }
0x8c: {  	s16 =	sshll.u32 s0, $0xA;
	s2 =	sadd.s32 s3, s2  }
0x8d: {  	s2 =	sadd.s32 s2, s16  }
0x8e: {  	[smem:$0x3FBD] =	sst s2  }
0x8f: {  	_ = 	snop  }
0x90: {  	(tm) =	ssettm $0x1  }
0x91: {  	s17 =	sld [smem:$0x3FFB];
	_ =	sdelay $0x3  }
0x92: {  	_ =	strace s17  }
0x93: {  	s2 =	sld [smem:$0x3FFC];
	_ =	sdelay $0x3  }
0x94: {  	_ =	strace s2  }
0x95: {  	s2 =	sld [smem:$0x3FFD];
	_ =	sdelay $0x3  }
0x96: {  	_ =	strace s2  }
0x97: {  	_ =	strace $0x8FFFFFFF  }
0x98: {  	s18 =	sld [smem:$0x3FDB];
	_ =	sdelay $0x1  }
0x99: {  	s19 =	simm.s32 $_scs_section_size  }
0x9a: {  	s4 =	simm.s32 $_size__tile_overlayer_lowered;
	s5 =	simm.s32 $_tile_overlayer_lowered  }
0x9b: {  	s22 =	simm.s32 $0x1BFF;
	s21 =	sshll.u32 s5, $0x1;
	s2 =	sadd.s32 s19, s18  }
0x9c: {  	s6 =	simm.s32 $0x0;
	s20 =	sshll.u32 s4, $0x1;
	s4 =	sadd.s32 s21, s2  }
0x9d: {  	[timem:s6], [sflag:s22] =	dma.local [hbm:s4], s20  }
0x9e: {  	_ =	swait.ge [sflag:s22], s20  }
0x9f: {  	s3 =	ssub.s32 $0x0, s20;
	[sflag:s22] =	ssyncset.done $0x0  }
0xa0: {  	[sflag:s22] =	ssyncadd.s32 s3;
	_ =	sdelay $0x1  }
0xa1: {  	s23 =	simm.s32 $0x1B8B  }
0xa2: {  	_ =	swait.ge [sflag:s23], $0x1  }
0xa3: {  	[sflag:s23] =	ssyncset.done $0x0  }
0xa4: {  	s25 =	simm.s32 $0x1B8E;
	s24 =	sld [smem:$0x3FFE];
	[sflag:s23] =	ssyncadd.s32 $0xFFFFFFFF  }
0xa5: {  	s26 =	simm.s32 $execute0_lowered;
	[smem:$0x3FD2] =	sst s25  }
0xa6: {  	s4 =	sshll.u32 s26, $0x1;
	_ =	strace $0x8000004C;
	[dreg:$0x1] =	wrdreg $0xFFFFFFFF  }
0xa7: {  	s28 =	simm.s32 $_size_execute0_lowered;
	s2 =	sadd.s32 s2, s4;
	[dreg:$0x0] =	wrdreg $0x0  }
0xa8: {  	s4 =	sshll.u32 s28, $0x1;
	[dreg:$0x2] =	wrdreg s2  }
0xa9: {  	[dreg:$0x3] =	wrdreg s4  }
0xaa: {  	[dreg:$0x4] =	wrdreg $0xC0  }
0xab: {  	_ =	task [dreg:s6], $0x5FFFF  }
0xac: {  	[dreg:$0x1] =	wrdreg $0xFFFFFFFF  }
0xad: {  	[dreg:$0x0] =	wrdreg $0x60  }
0xae: {  	[dreg:$0x2] =	wrdreg s24  }
0xaf: {  	[dreg:$0x3] =	wrdreg $0x9  }
0xb0: {  	_ =	task.clear_ibuf [dreg:s6], $0x4FFFF;
	_ =	strace $0x9000004C  }
0xb1: {  	s29 =	simm.s32 $0x9;
	_ =	strace $0x8000004E  }
0xb2: {  	_ =	swait.ge [sflag:s29], $0x1  }
0xb3: {  	[sflag:s29] =	ssyncadd.s32 $0xFFFFFFFF  }
0xb4: {  	_ =	strace $0x9000004E  }
0xb5: {  	_ =	sfence  }
0xb6: {  	s30 =	sld [smem:$0x0];
	_ =	sdelay $0x2  }
0xb7: {  	s31 =	sshll.u32 s1, $0xD;
	s1 =	sshrl.u32 s1, $0x2  }
0xb8: {  	s3 =	sand.u32 $0x4000, s31;
	s1 =	sadd.s32 s1, s30  }
0xb9: {  	s0 =	sor.u32 s3, s0;
	s1 =	sshll.u32 s1, $0x11  }
0xba: {  	s0 =	sor.u32 s1, s0  }
0xbb: {  	s0 =	sadd.s32 $0x8F2B, s0  }
0xbc: {  	[sflag:s0] =	ssyncadd.remote.s32 $0x1  }
0xbd: {  	_ =	sfence.sel $0xFFFF  }
0xbe: {  	[dreg:$0x0] =	wrdreg $0xFFFFFFFF;
	(pc) =	sbr.abs _section_cstart, $3  }
0xbf: {  	[dreg:$0x1] =	wrdreg $0xFFFFFFFF  }
0xc0: {  	_ =	task.clear_ibuf [dreg:s6], $0x2FFFF;
	_ =	strace $0x9FFFFFFF  }
0xc1: {  	(tm) =	ssettm $0x7FFFFFFF  }
tec
execute0_lowered:
.L_overlay_start_1:
0x0: {  	(tag) =	ssettag $0x1  }
0x1: {  	s1 =	srdreg.scid;
	s0 =	stileid.u32  }
0x2: {  	s4 =	rddreg [dreg:$0x0];
	s2 =	simm.s32 $0x0;
	s10 =	simm.s32 $0x6800  }
0x3: {  	s11 =	simm.s32 $0x100;
	s12 =	simm.s32 $0xA800;
	s13 =	simm.s32 $0x180  }
0x4: {  	s14 =	simm.s32 $0xE800;
	s15 =	simm.s32 $0x200;
	s16 =	simm.s32 $0x12800  }
0x5: {  	s17 =	simm.s32 $0x1;
	s18 =	simm.s32 $0x2;
	s19 =	simm.s32 $0x3  }
0x6: {  	s20 =	simm.s32 $0x4;
	s21 =	simm.s32 $0x5;
	s22 =	simm.s32 $0x6  }
0x7: {  	s23 =	simm.s32 $0x7;
	s24 =	simm.s32 $0x8;
	s25 =	simm.s32 $0x9  }
0x8: {  	s26 =	simm.s32 $0xA;
	s28 =	simm.s32 $0x0;
	s3 =	sand.u32 $0x1, s1  }
0x9: {  	s30 =	sshll.u32 s0, $0x1;
	[smem:$0x7FF] =	sst s2;
	s6 =	smul.u32 $0x50000, s0  }
0xa: {  	s5 =	sor.u32 s3, s30;
	_ =	strace $0x8000004D;
	s8 =	smul.u32 $0x28000, s3  }
.Ltmp0:
0xb: {  	s7 =	ssub.s32 $0x2, s3;
	s3 =	sadd.s32 $0x17600, s4;
	(pc) =	sbr.rel .LBB2_1-.Ltmp0, $4  }
0xc: {  	s5 =	smul.u32 $0x500, s5;
	s6 =	sadd.s32 s6, s4;
	s9 =	sshrl.u32 s7, $0x1  }
0xd: {  	s31 =	ssub.s32 s7, s9;
	s6 =	sadd.s32 s8, s6;
	s7 =	simm.s32 $0xB  }
0xe: {  	s8 =	simm.s32 $0x80;
	s9 =	simm.s32 $0x2800;
	s4 =	sadd.s32 s5, s4  }
0xf: {  	s5 =	smax.u32 s31, $0x1;
	s6 =	sadd.s32 $0x40800, s6;
	s4 =	sadd.s32 $0x3600, s4  }
.LBB2_4:
0x10: {  	_ =	swait.ge [sflag:s23], $0x4000  }
0x11: {  	[sflag:s23] =	ssyncset.done $0x0  }
0x12: {  	[sflag:s23] =	ssyncadd.s32 $0xFFFFC000  }
0x13: {  	_ =	swait.ge [sflag:s24], $0x4000  }
0x14: {  	[sflag:s24] =	ssyncset.done $0x0  }
0x15: {  	s28 =	sadd.s32 $0x1, s28;
	[sflag:s24] =	ssyncadd.s32 $0xFFFFC000  }
0x16: {  	p0 =	sne.s32 s28, s5;
	_ =	swait.ge [sflag:s25], $0x4000  }
.Ltmp1:
0x17: {  	[sflag:s25] =	ssyncset.done $0x0;
	(pc) =	sbr.rel @!p0 .LBB2_5-.Ltmp1, $4  }
0x18: {  	[sflag:s25] =	ssyncadd.s32 $0xFFFFC000  }
0x19: {  	_ =	swait.ge [sflag:s26], $0x4000  }
0x1a: {  	[sflag:s26] =	ssyncset.done $0x0  }
0x1b: {  	[sflag:s26] =	ssyncadd.s32 $0xFFFFC000  }
.LBB2_1:
0x1c: {  	[tilespmem:s2], [sflag:$0xB] =	stream.linear.gather [hbm4b:s4+s2], $0x2800, $0x38;
	[tilespmem:$0x16800] =	vst v63  }
0x1d: {  	_ =	swait.ge [sflag:s7], $0x2800  }
0x1e: {  	[sflag:s7] =	ssyncset.done $0x0  }
0x1f: {  	[sflag:s7] =	ssyncadd.s32 $0xFFFFD800  }
0x20: {  	[tilespmem:s9], [sflag:$0x1] =	stream.indirect.gather [hbm4b:s3+s8], $0x80, s2, s8, $0xb8;
	[tilespmem:$0x16800] =	vst v63  }
0x21: {  	_ = 	snop  }
0x22: {  	[tilespmem:s10], [sflag:$0x2] =	stream.indirect.gather [hbm4b:s3+s8], $0x80, s8, s8, $0xb8;
	[tilespmem:$0x16800] =	vst v63  }
0x23: {  	_ = 	snop  }
0x24: {  	[tilespmem:s12], [sflag:$0x3] =	stream.indirect.gather [hbm4b:s3+s8], $0x80, s11, s8, $0xb8;
	[tilespmem:$0x16800] =	vst v63  }
0x25: {  	_ = 	snop  }
0x26: {  	[tilespmem:s14], [sflag:$0x4] =	stream.indirect.gather [hbm4b:s3+s8], $0x80, s13, s8, $0xb8;
	[tilespmem:$0x16800] =	vst v63  }
0x27: {  	s29 =	smov.u32 s6;
	s30 =	simm.s32 $0x0  }
0x28: {  	[tilespmem:s16], [sflag:$0x5] =	stream.indirect.gather [hbm4b:s3+s8], $0x80, s15, s8, $0xb8;
	[tilespmem:$0x16800] =	vst v63  }
.LBB2_2:
0x29: {  	_ =	swait.ge [sflag:s17], $0x4000  }
0x2a: {  	[sflag:s17] =	ssyncset.done $0x0  }
0x2b: {  	s31 =	sadd.s32 $0xFFFFE000, s29;
	[sflag:s17] =	ssyncadd.s32 $0xFFFFC000  }
0x2c: {  	[hbm4b:s31+s2] =	stream.linear.scatter [tilespmem:s9], [sflag:$0x6], $0x4000, $0x38;
	[tilespmem:$0x16800] =	vst v63  }
0x2d: {  	_ =	swait.ge [sflag:s18], $0x4000  }
0x2e: {  	[sflag:s18] =	ssyncset.done $0x0  }
0x2f: {  	s1 =	sadd.s32 $0xFFFFE800, s29;
	[sflag:s18] =	ssyncadd.s32 $0xFFFFC000  }
0x30: {  	[hbm4b:s1+s2] =	stream.linear.scatter [tilespmem:s10], [sflag:$0x7], $0x4000, $0x38;
	[tilespmem:$0x16800] =	vst v63  }
0x31: {  	_ =	swait.ge [sflag:s19], $0x4000  }
0x32: {  	[sflag:s19] =	ssyncset.done $0x0  }
0x33: {  	s1 =	sadd.s32 $0xFFFFF000, s29;
	[sflag:s19] =	ssyncadd.s32 $0xFFFFC000  }
0x34: {  	[hbm4b:s1+s2] =	stream.linear.scatter [tilespmem:s12], [sflag:$0x8], $0x4000, $0x38;
	[tilespmem:$0x16800] =	vst v63  }
0x35: {  	_ =	swait.ge [sflag:s20], $0x4000  }
0x36: {  	[sflag:s20] =	ssyncset.done $0x0  }
0x37: {  	s1 =	sadd.s32 $0xFFFFF800, s29;
	[sflag:s20] =	ssyncadd.s32 $0xFFFFC000  }
0x38: {  	[hbm4b:s1+s2] =	stream.linear.scatter [tilespmem:s14], [sflag:$0x9], $0x4000, $0x38;
	[tilespmem:$0x16800] =	vst v63  }
0x39: {  	_ =	swait.ge [sflag:s21], $0x4000  }
0x3a: {  	p0 =	seq.s32 s30, $0x9600;
	[sflag:s21] =	ssyncset.done $0x0  }
.Ltmp2:
0x3b: {  	[sflag:s21] =	ssyncadd.s32 $0xFFFFC000;
	(pc) =	sbr.rel @p0 .LBB2_4-.Ltmp2, $4  }
0x3c: {  	[hbm4b:s29+s2] =	stream.linear.scatter [tilespmem:s16], [sflag:$0xA], $0x4000, $0x38;
	[tilespmem:$0x16800] =	vst v63  }
0x3d: {  	_ =	swait.ge [sflag:s22], $0x4000  }
0x3e: {  	[sflag:s22] =	ssyncset.done $0x0  }
0x3f: {  	[sflag:s22] =	ssyncadd.s32 $0xFFFFC000  }
0x40: {  	s31 =	sshra.s32 s30, $0x2  }
0x41: {  	s1 =	sadd.s32 $0x280, s31  }
0x42: {  	[tilespmem:s9], [sflag:$0x1] =	stream.indirect.gather [hbm4b:s3+s8], $0x80, s1, s8, $0xb8;
	[tilespmem:$0x16800] =	vst v63  }
0x43: {  	_ =	swait.ge [sflag:s23], $0x4000  }
0x44: {  	[sflag:s23] =	ssyncset.done $0x0  }
0x45: {  	s1 =	sadd.s32 $0x300, s31;
	[sflag:s23] =	ssyncadd.s32 $0xFFFFC000  }
0x46: {  	[tilespmem:s10], [sflag:$0x2] =	stream.indirect.gather [hbm4b:s3+s8], $0x80, s1, s8, $0xb8;
	[tilespmem:$0x16800] =	vst v63  }
0x47: {  	_ =	swait.ge [sflag:s24], $0x4000  }
0x48: {  	[sflag:s24] =	ssyncset.done $0x0  }
0x49: {  	s1 =	sadd.s32 $0x380, s31;
	[sflag:s24] =	ssyncadd.s32 $0xFFFFC000  }
0x4a: {  	[tilespmem:s12], [sflag:$0x3] =	stream.indirect.gather [hbm4b:s3+s8], $0x80, s1, s8, $0xb8;
	[tilespmem:$0x16800] =	vst v63  }
0x4b: {  	_ =	swait.ge [sflag:s25], $0x4000  }
0x4c: {  	[sflag:s25] =	ssyncset.done $0x0  }
0x4d: {  	s1 =	sadd.s32 $0x400, s31;
	[sflag:s25] =	ssyncadd.s32 $0xFFFFC000  }
0x4e: {  	[tilespmem:s14], [sflag:$0x4] =	stream.indirect.gather [hbm4b:s3+s8], $0x80, s1, s8, $0xb8;
	[tilespmem:$0x16800] =	vst v63  }
.Ltmp3:
0x4f: {  	_ = 	snop;
	(pc) =	sbr.rel .LBB2_2-.Ltmp3, $4  }
0x50: {  	_ =	swait.ge [sflag:s26], $0x4000  }
0x51: {  	s30 =	sadd.s32 $0xA00, s30;
	[sflag:s26] =	ssyncset.done $0x0  }
0x52: {  	s29 =	sadd.s32 $0x2800, s29;
	s31 =	sadd.s32 $0x480, s31;
	[sflag:s26] =	ssyncadd.s32 $0xFFFFC000  }
0x53: {  	[tilespmem:s16], [sflag:$0x5] =	stream.indirect.gather [hbm4b:s3+s8], $0x80, s31, s8, $0xb8;
	[tilespmem:$0x16800] =	vst v63  }
.LBB2_5:
0x54: {  	_ =	sfence.sel $0x180000  }
0x55: {  	[bflag:$0x0] =	sbarrier.arrive $0xFFFF  }
0x56: {  	_ =	strace $0x9000004D  }
0x57: {  	[bflag:$0x2] =	sbarrier.arrive $0xFFFF  }
0x58: {  	p0 =	sne.s32 s0, $0x0;
	s0 =	rddreg [dreg:$0x1]  }
0x59: {  	s0 =	sadd.s32 @!p0 $0x100000, s0  }
0x5a: {  	[sflag:s0] =	ssyncadd.tile.s32 @!p0 $0x1;
	_ =	shalt  }
.Lfunc_end2:
_tile_overlayer_lowered:
.L_overlay_start_2:
0x5b: {  	(tag) =	ssettag $0x2  }
0x5c: {  	s0 =	rddreg [dreg:$0x0];
	s2 =	stileid.u32  }
0x5d: {  	s1 =	rddreg [dreg:$0x1];
	p0 =	sne.s32 s2, $0x0  }
0x5e: {  	s3 =	rddreg [dreg:$0x2];
	[bflag:$0x3] =	sbarrier.arrive $0xFFFF;
	s2 =	simm.s32 @!p0 $0x1C0B  }
0x5f: {  	[timem:s3], [sflag:s2] =	dma.local @!p0 [hbm:s0], s1  }
0x60: {  	s0 =	simm.s32 @!p0 $0xB  }
0x61: {  	_ =	swait.ge @!p0 [sflag:s0], s1  }
0x62: {  	s1 =	ssub.s32 @!p0 $0x0, s1;
	[sflag:s0] =	ssyncset.done @!p0 $0x0  }
0x63: {  	[sflag:s0] =	ssyncadd.s32 @!p0 s1  }
0x64: {  	[bflag:$0x3] =	sbarrier.arrive $0xFFFF  }
0x65: {  	_ =	shalt  }

// kernel: kernel.20.cloned.1.call-start
scs
__scs_entry_jumppad:
0x0: {  	(pc) =	sbr.rel $0x88, $3  }
0x1: {  	(tag) =	ssettag $0x0;
	lr =	simm.s32 $0x1  }
0x2: {  	[smem:$0x3F96] =	sst lr;
	_ =	strace $0xD0000000  }
0x3: {  	_ = 	snop  }
0x4: {  	_ = 	snop  }
0x5: {  	_ = 	snop  }
0x6: {  	_ = 	snop  }
0x7: {  	_ = 	snop  }
__scs_overlays_trampoline_lowered:
0x8: {  	[smem:$0x3FA5] =	sst s0  }
0x9: {  	[smem:$0x3FA6] =	sst s1  }
0xa: {  	[smem:$0x3FA7] =	sst s2  }
0xb: {  	[smem:$0x3FA8] =	sst s3  }
0xc: {  	[smem:$0x3FA9] =	sst s4  }
0xd: {  	[smem:$0x3FAA] =	sst s5  }
0xe: {  	[smem:$0x3FAB] =	sst s6  }
0xf: {  	[smem:$0x3FAC] =	sst s7  }
0x10: {  	[smem:$0x3FAD] =	sst s8  }
0x11: {  	[smem:$0x3FAE] =	sst s9;
	s0 =	simm.s32 @!p0 $0x0  }
0x12: {  	s1 =	sld [smem:$0x3F94];
	s0 =	simm.s32 @p0 $0x1  }
0x13: {  	[smem:$0x3FAF] =	sst s0;
	s0 =	simm.s32 @!p1 $0x0  }
0x14: {  	s2 =	sld [smem:$0x3F93];
	s0 =	simm.s32 @p1 $0x1  }
0x15: {  	[smem:$0x3FB0] =	sst s0;
	s0 =	simm.s32 @!p2 $0x0  }
0x16: {  	s3 =	sld [smem:$0x3FDB];
	s0 =	simm.s32 @p2 $0x1  }
0x17: {  	s4 =	simm.s32 $0x1BF5;
	[smem:$0x3FB2] =	sst s0  }
0x18: {  	s0 =	sld [smem:$0x3F95];
	_ =	swait.ge [sflag:s4], $0x0  }
0x19: {  	s7 =	sld [smem:$0x3F96]  }
0x1a: {  	s8 =	sadd.s32 $0xFFFFE003, lr  }
0x1b: {  	s9 =	sadd.s32 $0xFFFFFEF7, lr;
	s5 =	simm.s32 $0xFFFFFFFF;
	p2 =	slt.u32 s8, $0xFFFFF086  }
0x1c: {  	p1 =	slt.u32 s9, $0xF7A;
	s5 =	simm.s32 @!p2 $0x0  }
0x1d: {  	s5 =	simm.s32 @p1 $0x1;
	p0 =	seq.s32 s7, s2  }
0x1e: {  	s7 =	smul.u32 @!p0 $0xF7A, s2;
	p2 =	seq.s32 @!p0 s5, $0x0  }
0x1f: {  	s9 =	smul.u32 $0xF7A, s1;
	s8 =	simm.s32 @!p0 $0x1BF5;
	p2 =	por !p2, p0  }
0x20: {  	[sflag:s8] =	ssyncset.s32 @!p0 $0xFFFFF086;
	s6 =	sadd.s32 @!p0 s3, s7;
	s7 =	simm.s32 @!p0 $0x108  }
0x21: {  	s3 =	sadd.s32 s3, s9;
	s6 =	sadd.s32 @!p0 $0x88, s6;
	s7 =	simm.s32 @p2 $0x1082  }
0x22: {  	[simem:s7], [sflag:s8] =	dma.local @!p0 [hbm:s6], $0xF7A  }
0x23: {  	s9 =	sor.u32 $0xD0000000, s2;
	s6 =	simm.s32 $0x108;
	_ =	swait.ge @!p0 [sflag:s8], $0x0  }
0x24: {  	s3 =	sadd.s32 $0x88, s3;
	s6 =	simm.s32 @!p1 $0x1082;
	[sflag:s4] =	ssyncset.s32 $0xFFFFF086  }
0x25: {  	[simem:s6], [sflag:s4] =	dma.local [hbm:s3], $0xF7A  }
0x26: {  	[smem:$0x3F96] =	sst s1;
	(tag) =	ssettag s2;
	_ =	strace s9  }
0x27: {  	s1 =	sld [smem:$0x3FA6]  }
0x28: {  	s2 =	sld [smem:$0x3FA7]  }
0x29: {  	s4 =	sld [smem:$0x3FA9]  }
0x2a: {  	p0 =	seq.s32 s5, $0x0;
	s5 =	sld [smem:$0x3FAA]  }
0x2b: {  	s6 =	sld [smem:$0x3FAB]  }
0x2c: {  	s7 =	sld [smem:$0x3FAC]  }
0x2d: {  	s3 =	simm.s32 $0x108;
	s8 =	sld [smem:$0x3FAD]  }
0x2e: {  	s3 =	simm.s32 @!p0 $0x1082;
	s9 =	sld [smem:$0x3FAE]  }
0x2f: {  	lr =	sadd.s32 s0, s3;
	s0 =	sld [smem:$0x3FA5]  }
0x30: {  	s3 =	sld [smem:$0x3FA8]  }
0x31: {  	[smem:$0x3FB1] =	sst s10  }
0x32: {  	s10 =	sld [smem:$0x3FAF];
	_ =	sdelay $0x3  }
0x33: {  	p0 =	seq.s32 s10, $0x1;
	s10 =	sld [smem:$0x3FB1];
	_ =	sdelay $0x3  }
0x34: {  	[smem:$0x3FB1] =	sst s10  }
0x35: {  	s10 =	sld [smem:$0x3FB0];
	_ =	sdelay $0x3  }
0x36: {  	p1 =	seq.s32 s10, $0x1;
	s10 =	sld [smem:$0x3FB1];
	_ =	sdelay $0x3  }
0x37: {  	[smem:$0x3FB1] =	sst s10  }
0x38: {  	s10 =	sld [smem:$0x3FB2]  }
0x39: {  	_ = 	snop;
	(pc) =	sbr.ind lr, $3  }
0x3a: {  	_ = 	snop  }
0x3b: {  	_ = 	snop  }
0x3c: {  	p2 =	seq.s32 s10, $0x1;
	s10 =	sld [smem:$0x3FB1]  }
0x3d: {  	_ =	shalt  }
0x3e: {  	_ =	shalt  }
0x3f: {  	_ =	shalt  }
0x40: {  	_ =	shalt  }
0x41: {  	_ =	shalt  }
0x42: {  	_ =	shalt  }
0x43: {  	_ =	shalt  }
0x44: {  	_ =	shalt  }
0x45: {  	_ =	shalt  }
0x46: {  	_ =	shalt  }
0x47: {  	_ =	shalt  }
0x48: {  	_ =	shalt  }
0x49: {  	_ =	shalt  }
0x4a: {  	_ =	shalt  }
0x4b: {  	_ =	shalt  }
0x4c: {  	_ =	shalt  }
0x4d: {  	_ =	shalt  }
0x4e: {  	_ =	shalt  }
0x4f: {  	_ =	shalt  }
0x50: {  	_ =	shalt  }
0x51: {  	_ =	shalt  }
0x52: {  	_ =	shalt  }
0x53: {  	_ =	shalt  }
0x54: {  	_ =	shalt  }
0x55: {  	_ =	shalt  }
0x56: {  	_ =	shalt  }
0x57: {  	_ =	shalt  }
0x58: {  	_ =	shalt  }
0x59: {  	_ =	shalt  }
0x5a: {  	_ =	shalt  }
0x5b: {  	_ =	shalt  }
0x5c: {  	_ =	shalt  }
0x5d: {  	_ =	shalt  }
0x5e: {  	_ =	shalt  }
0x5f: {  	_ =	shalt  }
0x60: {  	_ =	shalt  }
0x61: {  	_ =	shalt  }
0x62: {  	_ =	shalt  }
0x63: {  	_ =	shalt  }
0x64: {  	_ =	shalt  }
0x65: {  	_ =	shalt  }
0x66: {  	_ =	shalt  }
0x67: {  	_ =	shalt  }
0x68: {  	_ =	shalt  }
0x69: {  	_ =	shalt  }
0x6a: {  	_ =	shalt  }
0x6b: {  	_ =	shalt  }
0x6c: {  	_ =	shalt  }
0x6d: {  	_ =	shalt  }
0x6e: {  	_ =	shalt  }
0x6f: {  	_ =	shalt  }
0x70: {  	_ =	shalt  }
0x71: {  	_ =	shalt  }
0x72: {  	_ =	shalt  }
0x73: {  	_ =	shalt  }
0x74: {  	_ =	shalt  }
0x75: {  	_ =	shalt  }
0x76: {  	_ =	shalt  }
0x77: {  	_ =	shalt  }
0x78: {  	_ =	shalt  }
0x79: {  	_ =	shalt  }
0x7a: {  	_ =	shalt  }
0x7b: {  	_ =	shalt  }
0x7c: {  	_ =	shalt  }
0x7d: {  	_ =	shalt  }
0x7e: {  	_ =	shalt  }
0x7f: {  	_ =	shalt  }
0x80: {  	_ =	shalt  }
0x81: {  	_ =	shalt  }
0x82: {  	_ =	shalt  }
0x83: {  	_ =	shalt  }
0x84: {  	_ =	shalt  }
0x85: {  	_ =	shalt  }
0x86: {  	_ =	shalt  }
0x87: {  	_ =	shalt  }
.Lfunc_end0:
.L_simem_size_0:
called_computation.3_lowered:
.L_overlay_start_0:
0x88: {  	s2 =	sld [smem:$0x3FD9]  }
0x89: {  	s3 =	sld [smem:$0x3FFE];
	_ =	sdelay $0x1  }
0x8a: {  	s1 =	srdreg.scid  }
0x8b: {  	s0 =	sand.u32 $0x1, s1  }
0x8c: {  	s16 =	sshll.u32 s0, $0xA;
	s2 =	sadd.s32 s3, s2  }
0x8d: {  	s2 =	sadd.s32 s2, s16  }
0x8e: {  	[smem:$0x3FBD] =	sst s2  }
0x8f: {  	_ = 	snop  }
0x90: {  	(tm) =	ssettm $0x1  }
0x91: {  	s17 =	sld [smem:$0x3FFB];
	_ =	sdelay $0x3  }
0x92: {  	_ =	strace s17  }
0x93: {  	s2 =	sld [smem:$0x3FFC];
	_ =	sdelay $0x3  }
0x94: {  	_ =	strace s2  }
0x95: {  	s2 =	sld [smem:$0x3FFD];
	_ =	sdelay $0x3  }
0x96: {  	_ =	strace s2  }
0x97: {  	_ =	strace $0x8FFFFFFF  }
0x98: {  	s18 =	sld [smem:$0x3FDB];
	_ =	sdelay $0x1  }
0x99: {  	s19 =	simm.s32 $_scs_section_size  }
0x9a: {  	s4 =	simm.s32 $_size__tile_overlayer_lowered;
	s5 =	simm.s32 $_tile_overlayer_lowered  }
0x9b: {  	s22 =	simm.s32 $0x1BFF;
	s21 =	sshll.u32 s5, $0x1;
	s2 =	sadd.s32 s19, s18  }
0x9c: {  	s6 =	simm.s32 $0x0;
	s20 =	sshll.u32 s4, $0x1;
	s4 =	sadd.s32 s21, s2  }
0x9d: {  	[timem:s6], [sflag:s22] =	dma.local [hbm:s4], s20  }
0x9e: {  	_ =	swait.ge [sflag:s22], s20  }
0x9f: {  	s3 =	ssub.s32 $0x0, s20;
	[sflag:s22] =	ssyncset.done $0x0  }
0xa0: {  	[sflag:s22] =	ssyncadd.s32 s3;
	_ =	sdelay $0x1  }
0xa1: {  	s23 =	simm.s32 $0x1B8B  }
0xa2: {  	_ =	swait.ge [sflag:s23], $0x1  }
0xa3: {  	[sflag:s23] =	ssyncset.done $0x0  }
0xa4: {  	s25 =	simm.s32 $0x1B8E;
	s24 =	sld [smem:$0x3FFE];
	[sflag:s23] =	ssyncadd.s32 $0xFFFFFFFF  }
0xa5: {  	s26 =	simm.s32 $execute0_lowered;
	[smem:$0x3FD2] =	sst s25  }
0xa6: {  	s4 =	sshll.u32 s26, $0x1;
	_ =	strace $0x8000004F;
	[dreg:$0x1] =	wrdreg $0xFFFFFFFF  }
0xa7: {  	s28 =	simm.s32 $_size_execute0_lowered;
	s2 =	sadd.s32 s2, s4;
	[dreg:$0x0] =	wrdreg $0x0  }
0xa8: {  	s4 =	sshll.u32 s28, $0x1;
	[dreg:$0x2] =	wrdreg s2  }
0xa9: {  	[dreg:$0x3] =	wrdreg s4  }
0xaa: {  	[dreg:$0x4] =	wrdreg $0xC0  }
0xab: {  	_ =	task [dreg:s6], $0x5FFFF  }
0xac: {  	[dreg:$0x1] =	wrdreg $0xFFFFFFFF  }
0xad: {  	[dreg:$0x0] =	wrdreg $0x60  }
0xae: {  	[dreg:$0x2] =	wrdreg s24  }
0xaf: {  	[dreg:$0x3] =	wrdreg $0x152000  }
0xb0: {  	[dreg:$0x4] =	wrdreg $0x9  }
0xb1: {  	_ =	task.clear_ibuf [dreg:s6], $0x5FFFF;
	_ =	strace $0x9000004F  }
0xb2: {  	s29 =	simm.s32 $0x9;
	_ =	strace $0x80000051  }
0xb3: {  	_ =	swait.ge [sflag:s29], $0x1  }
0xb4: {  	[sflag:s29] =	ssyncadd.s32 $0xFFFFFFFF  }
0xb5: {  	_ =	strace $0x90000051  }
0xb6: {  	_ =	sfence  }
0xb7: {  	s30 =	sld [smem:$0x0];
	_ =	sdelay $0x2  }
0xb8: {  	s31 =	sshll.u32 s1, $0xD;
	s1 =	sshrl.u32 s1, $0x2  }
0xb9: {  	s3 =	sand.u32 $0x4000, s31;
	s1 =	sadd.s32 s1, s30  }
0xba: {  	s0 =	sor.u32 s3, s0;
	s1 =	sshll.u32 s1, $0x11  }
0xbb: {  	s0 =	sor.u32 s1, s0  }
0xbc: {  	s0 =	sadd.s32 $0x8F2B, s0  }
0xbd: {  	[sflag:s0] =	ssyncadd.remote.s32 $0x1  }
0xbe: {  	_ =	sfence.sel $0xFFFF  }
0xbf: {  	[dreg:$0x0] =	wrdreg $0xFFFFFFFF;
	(pc) =	sbr.abs _section_cstart, $3  }
0xc0: {  	[dreg:$0x1] =	wrdreg $0xFFFFFFFF  }
0xc1: {  	_ =	task.clear_ibuf [dreg:s6], $0x2FFFF;
	_ =	strace $0x9FFFFFFF  }
0xc2: {  	(tm) =	ssettm $0x7FFFFFFF  }
0xc3: {  	_ =	shalt  }
tec
execute0_lowered:
.L_overlay_start_1:
0x0: {  	(tag) =	ssettag $0x1  }
0x1: {  	s3 =	rddreg [dreg:$0x0];
	s9 =	stileid.u32  }
0x2: {  	s0 =	srdreg.scid;
	s1 =	rddreg [dreg:$0x1];
	s2 =	simm.s32 $0x0  }
0x3: {  	s15 =	simm.s32 $0x11000;
	s16 =	simm.s32 $0x80;
	s17 =	simm.s32 $0x15000  }
0x4: {  	s18 =	simm.s32 $0x5;
	s19 =	simm.s32 $0x2;
	s20 =	simm.s32 $0x15080  }
0x5: {  	s21 =	simm.s32 $0x3;
	s22 =	simm.s32 $0x15100;
	s4 =	smul.u32 $0x50000, s9  }
0x6: {  	s24 =	simm.s32 $0x15180;
	s25 =	simm.s32 $0x0;
	s6 =	smul.u32 $0x140, s9  }
0x7: {  	s5 =	sand.u32 $0x1, s0;
	s0 =	rddreg [dreg:$0x2];
	s26 =	smul.u32 $0xA00, s9  }
0x8: {  	[smem:$0x7FF] =	sst s2;
	s7 =	smul.u32 $0x28000, s9;
	s31 =	sshll.u32 s9, $0x6  }
0x9: {  	s14 =	sadd.s32 $0xA0000, s1;
	p0 =	sne.s32 s9, $0x0;
	s23 =	smul.u32 $0x1400, s5  }
0xa: {  	_ =	strace $0x80000050;
	s5 =	ssub.s32 $0x2, s5;
	s8 =	sadd.s32 s4, s3  }
0xb: {  	s10 =	sadd.s32 s26, s3;
	s29 =	sshrl.u32 s5, $0x1;
	s30 =	sshrl.u32 s7, $0x2  }
0xc: {  	s4 =	sor.u32 $0x1C01, s31;
	s6 =	sadd.s32 s6, s23;
	s12 =	ssub.s32 s5, s29  }
0xd: {  	s13 =	sadd.s32 s30, s1;
	s5 =	sadd.s32 $0xD600, s10;
	s8 =	sadd.s32 $0xF20800, s8  }
0xe: {  	s10 =	simm.s32 $0x1;
	v0 =	vmov s23;
	s23 =	simm.s32 $0x4;
	s28 =	sshll.u32 s6, $0x4  }
0xf: {  	s7 =	smax.u32 s12, $0x1;
	s9 =	sshrl.u32 s13, $0x3;
	s12 =	simm.s32 $0x5000  }
0x10: {  	s13 =	simm.s32 $0x9000;
	s11 =	sadd.s32 s28, s3;
	s3 =	sadd.s32 $0x1402800, s3  }
0x11: {  	s6 =	sadd.s32 $0x17600, s11;
	s11 =	sshrl.u32 @!p0 s14, $0x3;
	s14 =	simm.s32 $0xD000  }
.LBB2_1:
0x12: {  	[spmem:s9], [sflag:s4] =	dma.local [hbm:s3], $0x1400  }
0x13: {  	_ =	swait.ge [sflag:s10], $0x1400  }
0x14: {  	[sflag:s10] =	ssyncset.done $0x0  }
0x15: {  	s26 =	simm.s32 @!p0 $0x1;
	[sflag:s10] =	ssyncadd.s32 $0xFFFFEC00  }
0x16: {  	[spmem:s11], [sflag:s4] =	dma.local @!p0 [hbm:s3], $0x80  }
0x17: {  	_ =	swait.ge @!p0 [sflag:s26], $0x80  }
0x18: {  	[sflag:s26] =	ssyncset.done @!p0 $0x0  }
0x19: {  	[sflag:s26] =	ssyncadd.s32 @!p0 $0xFFFFFF80  }
0x1a: {  	[tilespmem:s2], [sflag:$0x1] =	stream.linear.gather [hbm4b:s5+s2], $0x5000, $0x38;
	[tilespmem:$0x1F240] =	vst v63  }
0x1b: {  	_ =	swait.ge [sflag:s10], $0x5000  }
0x1c: {  	[sflag:s10] =	ssyncset.done $0x0  }
0x1d: {  	[sflag:s10] =	ssyncadd.s32 $0xFFFFB000  }
0x1e: {  	s28 =	simm.s32 $0x100;
	s29 =	simm.s32 $0x0;
	[bflag:$0x0] =	sbarrier.arrive $0xFFFF  }
.LBB2_2:
0x1f: {  	s30 =	sadd.s32 s29, s8;
	s26 =	simm.s32 $0x0  }
0x20: {  	[tilespmem:s12], [sflag:$0x1] =	stream.linear.gather [hbm4b:s30+s26], $0x4000, $0x38;
	[tilespmem:$0x1F240] =	vst v63  }
0x21: {  	s31 =	sadd.s32 $0x800, s30  }
0x22: {  	[tilespmem:s13], [sflag:$0x2] =	stream.linear.gather [hbm4b:s31+s26], $0x4000, $0x38;
	[tilespmem:$0x1F240] =	vst v63  }
0x23: {  	s31 =	sadd.s32 $0x1000, s30  }
0x24: {  	[tilespmem:s14], [sflag:$0x3] =	stream.linear.gather [hbm4b:s31+s26], $0x4000, $0x38;
	[tilespmem:$0x1F240] =	vst v63  }
0x25: {  	s30 =	sadd.s32 $0x1800, s30  }
0x26: {  	[tilespmem:s15], [sflag:$0x4] =	stream.linear.gather [hbm4b:s30+s26], $0x4000, $0x38;
	[tilespmem:$0x1F240] =	vst v63  }
0x27: {  	v1 =	vld [tilespmem:s28+$0xFFFFFF00];
	_ =	sdelay $0x4  }
0x28: {  	v1 =	vsub.s32 v1, v0  }
0x29: {  	v1 =	vmin.u32 v1, $0x1400  }
0x2a: {  	[tilespmem:$0x15000] =	vst v1  }
0x2b: {  	v1 =	vld [tilespmem:s28+$0xFFFFFF10];
	_ =	sdelay $0x4  }
0x2c: {  	v1 =	vsub.s32 v1, v0  }
0x2d: {  	v1 =	vmin.u32 v1, $0x1400  }
0x2e: {  	[tilespmem:$0x15010] =	vst v1  }
0x2f: {  	v1 =	vld [tilespmem:s28+$0xFFFFFF20];
	_ =	sdelay $0x4  }
0x30: {  	v1 =	vsub.s32 v1, v0  }
0x31: {  	v1 =	vmin.u32 v1, $0x1400  }
0x32: {  	[tilespmem:$0x15020] =	vst v1  }
0x33: {  	v1 =	vld [tilespmem:s28+$0xFFFFFF30];
	_ =	sdelay $0x4  }
0x34: {  	v1 =	vsub.s32 v1, v0  }
0x35: {  	v1 =	vmin.u32 v1, $0x1400  }
0x36: {  	[tilespmem:$0x15030] =	vst v1  }
0x37: {  	v1 =	vld [tilespmem:s28+$0xFFFFFF40];
	_ =	sdelay $0x4  }
0x38: {  	v1 =	vsub.s32 v1, v0  }
0x39: {  	v1 =	vmin.u32 v1, $0x1400  }
0x3a: {  	[tilespmem:$0x15040] =	vst v1  }
0x3b: {  	v1 =	vld [tilespmem:s28+$0xFFFFFF50];
	_ =	sdelay $0x4  }
0x3c: {  	v1 =	vsub.s32 v1, v0  }
0x3d: {  	v1 =	vmin.u32 v1, $0x1400  }
0x3e: {  	[tilespmem:$0x15050] =	vst v1  }
0x3f: {  	v1 =	vld [tilespmem:s28+$0xFFFFFF60];
	_ =	sdelay $0x4  }
0x40: {  	v1 =	vsub.s32 v1, v0  }
0x41: {  	v1 =	vmin.u32 v1, $0x1400  }
0x42: {  	[tilespmem:$0x15060] =	vst v1  }
0x43: {  	v1 =	vld [tilespmem:s28+$0xFFFFFF70];
	_ =	sdelay $0x4  }
0x44: {  	v1 =	vsub.s32 v1, v0  }
0x45: {  	v1 =	vmin.u32 v1, $0x1400  }
0x46: {  	[tilespmem:$0x15070] =	vst v1  }
0x47: {  	_ =	swait.ge [sflag:s10], $0x4000  }
0x48: {  	[sflag:s10] =	ssyncset.done $0x0  }
0x49: {  	[sflag:s10] =	ssyncadd.s32 $0xFFFFC000  }
0x4a: {  	[spmem:s1] =	stream.indirect.scatter.add.f32 [tilespmem:s12], [sflag:$0x5], $0x80, s17, s16, $0xb8;
	[tilespmem:$0x1F240] =	vst v63  }
0x4b: {  	_ =	swait.ge [sflag:s18], $0x4000  }
0x4c: {  	[sflag:s18] =	ssyncset.done $0x0  }
0x4d: {  	[sflag:s18] =	ssyncadd.s32 $0xFFFFC000  }
0x4e: {  	v1 =	vld [tilespmem:s28+$0xFFFFFF80];
	_ =	sdelay $0x4  }
0x4f: {  	v1 =	vsub.s32 v1, v0  }
0x50: {  	v1 =	vmin.u32 v1, $0x1400  }
0x51: {  	[tilespmem:$0x15080] =	vst v1  }
0x52: {  	v1 =	vld [tilespmem:s28+$0xFFFFFF90];
	_ =	sdelay $0x4  }
0x53: {  	v1 =	vsub.s32 v1, v0  }
0x54: {  	v1 =	vmin.u32 v1, $0x1400  }
0x55: {  	[tilespmem:$0x15090] =	vst v1  }
0x56: {  	v1 =	vld [tilespmem:s28+$0xFFFFFFA0];
	_ =	sdelay $0x4  }
0x57: {  	v1 =	vsub.s32 v1, v0  }
0x58: {  	v1 =	vmin.u32 v1, $0x1400  }
0x59: {  	[tilespmem:$0x150A0] =	vst v1  }
0x5a: {  	v1 =	vld [tilespmem:s28+$0xFFFFFFB0];
	_ =	sdelay $0x4  }
0x5b: {  	v1 =	vsub.s32 v1, v0  }
0x5c: {  	v1 =	vmin.u32 v1, $0x1400  }
0x5d: {  	[tilespmem:$0x150B0] =	vst v1  }
0x5e: {  	v1 =	vld [tilespmem:s28+$0xFFFFFFC0];
	_ =	sdelay $0x4  }
0x5f: {  	v1 =	vsub.s32 v1, v0  }
0x60: {  	v1 =	vmin.u32 v1, $0x1400  }
0x61: {  	[tilespmem:$0x150C0] =	vst v1  }
0x62: {  	v1 =	vld [tilespmem:s28+$0xFFFFFFD0];
	_ =	sdelay $0x4  }
0x63: {  	v1 =	vsub.s32 v1, v0  }
0x64: {  	v1 =	vmin.u32 v1, $0x1400  }
0x65: {  	[tilespmem:$0x150D0] =	vst v1  }
0x66: {  	v1 =	vld [tilespmem:s28+$0xFFFFFFE0];
	_ =	sdelay $0x4  }
0x67: {  	v1 =	vsub.s32 v1, v0  }
0x68: {  	v1 =	vmin.u32 v1, $0x1400  }
0x69: {  	[tilespmem:$0x150E0] =	vst v1  }
0x6a: {  	v1 =	vld [tilespmem:s28+$0xFFFFFFF0];
	_ =	sdelay $0x4  }
0x6b: {  	v1 =	vsub.s32 v1, v0  }
0x6c: {  	v1 =	vmin.u32 v1, $0x1400  }
0x6d: {  	[tilespmem:$0x150F0] =	vst v1  }
0x6e: {  	_ =	swait.ge [sflag:s19], $0x4000  }
0x6f: {  	[sflag:s19] =	ssyncset.done $0x0  }
0x70: {  	[sflag:s19] =	ssyncadd.s32 $0xFFFFC000  }
0x71: {  	[spmem:s1] =	stream.indirect.scatter.add.f32 [tilespmem:s13], [sflag:$0x5], $0x80, s20, s16, $0xb8;
	[tilespmem:$0x1F240] =	vst v63  }
0x72: {  	_ =	swait.ge [sflag:s18], $0x4000  }
0x73: {  	[sflag:s18] =	ssyncset.done $0x0  }
0x74: {  	[sflag:s18] =	ssyncadd.s32 $0xFFFFC000  }
0x75: {  	v1 =	vld [tilespmem:s28+$0x0];
	_ =	sdelay $0x4  }
0x76: {  	v1 =	vsub.s32 v1, v0  }
0x77: {  	v1 =	vmin.u32 v1, $0x1400  }
0x78: {  	[tilespmem:$0x15100] =	vst v1  }
0x79: {  	v1 =	vld [tilespmem:s28+$0x10];
	_ =	sdelay $0x4  }
0x7a: {  	v1 =	vsub.s32 v1, v0  }
0x7b: {  	v1 =	vmin.u32 v1, $0x1400  }
0x7c: {  	[tilespmem:$0x15110] =	vst v1  }
0x7d: {  	v1 =	vld [tilespmem:s28+$0x20];
	_ =	sdelay $0x4  }
0x7e: {  	v1 =	vsub.s32 v1, v0  }
0x7f: {  	v1 =	vmin.u32 v1, $0x1400  }
0x80: {  	[tilespmem:$0x15120] =	vst v1  }
0x81: {  	v1 =	vld [tilespmem:s28+$0x30];
	_ =	sdelay $0x4  }
0x82: {  	v1 =	vsub.s32 v1, v0  }
0x83: {  	v1 =	vmin.u32 v1, $0x1400  }
0x84: {  	[tilespmem:$0x15130] =	vst v1  }
0x85: {  	v1 =	vld [tilespmem:s28+$0x40];
	_ =	sdelay $0x4  }
0x86: {  	v1 =	vsub.s32 v1, v0  }
0x87: {  	v1 =	vmin.u32 v1, $0x1400  }
0x88: {  	[tilespmem:$0x15140] =	vst v1  }
0x89: {  	v1 =	vld [tilespmem:s28+$0x50];
	_ =	sdelay $0x4  }
0x8a: {  	v1 =	vsub.s32 v1, v0  }
0x8b: {  	v1 =	vmin.u32 v1, $0x1400  }
0x8c: {  	[tilespmem:$0x15150] =	vst v1  }
0x8d: {  	v1 =	vld [tilespmem:s28+$0x60];
	_ =	sdelay $0x4  }
0x8e: {  	v1 =	vsub.s32 v1, v0  }
0x8f: {  	v1 =	vmin.u32 v1, $0x1400  }
0x90: {  	[tilespmem:$0x15160] =	vst v1  }
0x91: {  	v1 =	vld [tilespmem:s28+$0x70];
	_ =	sdelay $0x4  }
0x92: {  	v1 =	vsub.s32 v1, v0  }
0x93: {  	v1 =	vmin.u32 v1, $0x1400  }
0x94: {  	[tilespmem:$0x15170] =	vst v1  }
0x95: {  	_ =	swait.ge [sflag:s21], $0x4000  }
0x96: {  	[sflag:s21] =	ssyncset.done $0x0  }
0x97: {  	[sflag:s21] =	ssyncadd.s32 $0xFFFFC000  }
0x98: {  	[spmem:s1] =	stream.indirect.scatter.add.f32 [tilespmem:s14], [sflag:$0x5], $0x80, s22, s16, $0xb8;
	[tilespmem:$0x1F240] =	vst v63  }
0x99: {  	_ =	swait.ge [sflag:s18], $0x4000  }
0x9a: {  	[sflag:s18] =	ssyncset.done $0x0  }
0x9b: {  	[sflag:s18] =	ssyncadd.s32 $0xFFFFC000  }
0x9c: {  	v1 =	vld [tilespmem:s28+$0x80];
	_ =	sdelay $0x4  }
0x9d: {  	v1 =	vsub.s32 v1, v0  }
0x9e: {  	v1 =	vmin.u32 v1, $0x1400  }
0x9f: {  	[tilespmem:$0x15180] =	vst v1  }
0xa0: {  	v1 =	vld [tilespmem:s28+$0x90];
	_ =	sdelay $0x4  }
0xa1: {  	v1 =	vsub.s32 v1, v0  }
0xa2: {  	v1 =	vmin.u32 v1, $0x1400  }
0xa3: {  	[tilespmem:$0x15190] =	vst v1  }
0xa4: {  	v1 =	vld [tilespmem:s28+$0xA0];
	_ =	sdelay $0x4  }
0xa5: {  	v1 =	vsub.s32 v1, v0  }
0xa6: {  	v1 =	vmin.u32 v1, $0x1400  }
0xa7: {  	[tilespmem:$0x151A0] =	vst v1  }
0xa8: {  	v1 =	vld [tilespmem:s28+$0xB0];
	_ =	sdelay $0x4  }
0xa9: {  	v1 =	vsub.s32 v1, v0  }
0xaa: {  	v1 =	vmin.u32 v1, $0x1400  }
0xab: {  	[tilespmem:$0x151B0] =	vst v1  }
0xac: {  	v1 =	vld [tilespmem:s28+$0xC0];
	_ =	sdelay $0x4  }
0xad: {  	v1 =	vsub.s32 v1, v0  }
0xae: {  	v1 =	vmin.u32 v1, $0x1400  }
0xaf: {  	[tilespmem:$0x151C0] =	vst v1  }
0xb0: {  	v1 =	vld [tilespmem:s28+$0xD0];
	_ =	sdelay $0x4  }
0xb1: {  	v1 =	vsub.s32 v1, v0  }
0xb2: {  	v1 =	vmin.u32 v1, $0x1400  }
0xb3: {  	[tilespmem:$0x151D0] =	vst v1  }
0xb4: {  	v1 =	vld [tilespmem:s28+$0xE0];
	_ =	sdelay $0x4  }
0xb5: {  	v1 =	vsub.s32 v1, v0  }
0xb6: {  	v1 =	vmin.u32 v1, $0x1400  }
0xb7: {  	[tilespmem:$0x151E0] =	vst v1  }
0xb8: {  	v1 =	vld [tilespmem:s28+$0xF0];
	_ =	sdelay $0x4  }
0xb9: {  	v1 =	vsub.s32 v1, v0  }
0xba: {  	v1 =	vmin.u32 v1, $0x1400  }
0xbb: {  	[tilespmem:$0x151F0] =	vst v1  }
0xbc: {  	_ =	swait.ge [sflag:s23], $0x4000  }
0xbd: {  	p1 =	sne.s32 s29, $0x26000;
	[sflag:s23] =	ssyncset.done $0x0  }
.Ltmp0:
0xbe: {  	[sflag:s23] =	ssyncadd.s32 $0xFFFFC000;
	(pc) =	sbr.rel @p1 .LBB2_2-.Ltmp0, $4  }
0xbf: {  	[spmem:s1] =	stream.indirect.scatter.add.f32 [tilespmem:s15], [sflag:$0x5], $0x80, s24, s16, $0xb8;
	[tilespmem:$0x1F240] =	vst v63  }
0xc0: {  	_ =	swait.ge [sflag:s18], $0x4000  }
0xc1: {  	[sflag:s18] =	ssyncset.done $0x0  }
0xc2: {  	s29 =	sadd.s32 $0x2000, s29;
	s28 =	sadd.s32 $0x200, s28;
	[sflag:s18] =	ssyncadd.s32 $0xFFFFC000  }
0xc3: {  	s28 =	simm.s32 $0x29F0  }
.LBB2_4:
0xc4: {  	s29 =	sadd.s32 s26, s8  }
0xc5: {  	s30 =	sadd.s32 $0x28000, s29  }
0xc6: {  	[tilespmem:s12], [sflag:$0x1] =	stream.linear.gather [hbm4b:s30+s2], $0x4000, $0x38;
	[tilespmem:$0x1F240] =	vst v63  }
0xc7: {  	s31 =	sadd.s32 $0x28800, s29  }
0xc8: {  	[tilespmem:s13], [sflag:$0x2] =	stream.linear.gather [hbm4b:s31+s2], $0x4000, $0x38;
	[tilespmem:$0x1F240] =	vst v63  }
0xc9: {  	s31 =	sadd.s32 $0x29000, s29  }
0xca: {  	[tilespmem:s14], [sflag:$0x3] =	stream.linear.gather [hbm4b:s31+s2], $0x4000, $0x38;
	[tilespmem:$0x1F240] =	vst v63  }
0xcb: {  	s29 =	sadd.s32 $0x29800, s29  }
0xcc: {  	[tilespmem:s15], [sflag:$0x4] =	stream.linear.gather [hbm4b:s29+s2], $0x4000, $0x38;
	[tilespmem:$0x1F240] =	vst v63  }
0xcd: {  	v1 =	vld [tilespmem:s28+$0xFFFFFE10];
	_ =	sdelay $0x4  }
0xce: {  	v1 =	vsub.s32 v1, v0  }
0xcf: {  	v1 =	vmin.u32 v1, $0x1400  }
0xd0: {  	[tilespmem:$0x15000] =	vst v1  }
0xd1: {  	v1 =	vld [tilespmem:s28+$0xFFFFFE20];
	_ =	sdelay $0x4  }
0xd2: {  	v1 =	vsub.s32 v1, v0  }
0xd3: {  	v1 =	vmin.u32 v1, $0x1400  }
0xd4: {  	[tilespmem:$0x15010] =	vst v1  }
0xd5: {  	v1 =	vld [tilespmem:s28+$0xFFFFFE30];
	_ =	sdelay $0x4  }
0xd6: {  	v1 =	vsub.s32 v1, v0  }
0xd7: {  	v1 =	vmin.u32 v1, $0x1400  }
0xd8: {  	[tilespmem:$0x15020] =	vst v1  }
0xd9: {  	v1 =	vld [tilespmem:s28+$0xFFFFFE40];
	_ =	sdelay $0x4  }
0xda: {  	v1 =	vsub.s32 v1, v0  }
0xdb: {  	v1 =	vmin.u32 v1, $0x1400  }
0xdc: {  	[tilespmem:$0x15030] =	vst v1  }
0xdd: {  	v1 =	vld [tilespmem:s28+$0xFFFFFE50];
	_ =	sdelay $0x4  }
0xde: {  	v1 =	vsub.s32 v1, v0  }
0xdf: {  	v1 =	vmin.u32 v1, $0x1400  }
0xe0: {  	[tilespmem:$0x15040] =	vst v1  }
0xe1: {  	v1 =	vld [tilespmem:s28+$0xFFFFFE60];
	_ =	sdelay $0x4  }
0xe2: {  	v1 =	vsub.s32 v1, v0  }
0xe3: {  	v1 =	vmin.u32 v1, $0x1400  }
0xe4: {  	[tilespmem:$0x15050] =	vst v1  }
0xe5: {  	v1 =	vld [tilespmem:s28+$0xFFFFFE70];
	_ =	sdelay $0x4  }
0xe6: {  	v1 =	vsub.s32 v1, v0  }
0xe7: {  	v1 =	vmin.u32 v1, $0x1400  }
0xe8: {  	[tilespmem:$0x15060] =	vst v1  }
0xe9: {  	v1 =	vld [tilespmem:s28+$0xFFFFFE80];
	_ =	sdelay $0x4  }
0xea: {  	v1 =	vsub.s32 v1, v0  }
0xeb: {  	v1 =	vmin.u32 v1, $0x1400  }
0xec: {  	[tilespmem:$0x15070] =	vst v1  }
0xed: {  	_ =	swait.ge [sflag:s10], $0x4000  }
0xee: {  	[sflag:s10] =	ssyncset.done $0x0  }
0xef: {  	[sflag:s10] =	ssyncadd.s32 $0xFFFFC000  }
0xf0: {  	[spmem:s1] =	stream.indirect.scatter.add.f32 [tilespmem:s12], [sflag:$0x5], $0x80, s17, s16, $0xb8;
	[tilespmem:$0x1F240] =	vst v63  }
0xf1: {  	_ =	swait.ge [sflag:s18], $0x4000  }
0xf2: {  	[sflag:s18] =	ssyncset.done $0x0  }
0xf3: {  	[sflag:s18] =	ssyncadd.s32 $0xFFFFC000  }
0xf4: {  	v1 =	vld [tilespmem:s28+$0xFFFFFE90];
	_ =	sdelay $0x4  }
0xf5: {  	v1 =	vsub.s32 v1, v0  }
0xf6: {  	v1 =	vmin.u32 v1, $0x1400  }
0xf7: {  	[tilespmem:$0x15080] =	vst v1  }
0xf8: {  	v1 =	vld [tilespmem:s28+$0xFFFFFEA0];
	_ =	sdelay $0x4  }
0xf9: {  	v1 =	vsub.s32 v1, v0  }
0xfa: {  	v1 =	vmin.u32 v1, $0x1400  }
0xfb: {  	[tilespmem:$0x15090] =	vst v1  }
0xfc: {  	v1 =	vld [tilespmem:s28+$0xFFFFFEB0];
	_ =	sdelay $0x4  }
0xfd: {  	v1 =	vsub.s32 v1, v0  }
0xfe: {  	v1 =	vmin.u32 v1, $0x1400  }
0xff: {  	[tilespmem:$0x150A0] =	vst v1  }
0x100: {  	v1 =	vld [tilespmem:s28+$0xFFFFFEC0];
	_ =	sdelay $0x4  }
0x101: {  	v1 =	vsub.s32 v1, v0  }
0x102: {  	v1 =	vmin.u32 v1, $0x1400  }
0x103: {  	[tilespmem:$0x150B0] =	vst v1  }
0x104: {  	v1 =	vld [tilespmem:s28+$0xFFFFFED0];
	_ =	sdelay $0x4  }
0x105: {  	v1 =	vsub.s32 v1, v0  }
0x106: {  	v1 =	vmin.u32 v1, $0x1400  }
0x107: {  	[tilespmem:$0x150C0] =	vst v1  }
0x108: {  	v1 =	vld [tilespmem:s28+$0xFFFFFEE0];
	_ =	sdelay $0x4  }
0x109: {  	v1 =	vsub.s32 v1, v0  }
0x10a: {  	v1 =	vmin.u32 v1, $0x1400  }
0x10b: {  	[tilespmem:$0x150D0] =	vst v1  }
0x10c: {  	v1 =	vld [tilespmem:s28+$0xFFFFFEF0];
	_ =	sdelay $0x4  }
0x10d: {  	v1 =	vsub.s32 v1, v0  }
0x10e: {  	v1 =	vmin.u32 v1, $0x1400  }
0x10f: {  	[tilespmem:$0x150E0] =	vst v1  }
0x110: {  	v1 =	vld [tilespmem:s28+$0xFFFFFF00];
	_ =	sdelay $0x4  }
0x111: {  	v1 =	vsub.s32 v1, v0  }
0x112: {  	v1 =	vmin.u32 v1, $0x1400  }
0x113: {  	[tilespmem:$0x150F0] =	vst v1  }
0x114: {  	_ =	swait.ge [sflag:s19], $0x4000  }
0x115: {  	[sflag:s19] =	ssyncset.done $0x0  }
0x116: {  	[sflag:s19] =	ssyncadd.s32 $0xFFFFC000  }
0x117: {  	[spmem:s1] =	stream.indirect.scatter.add.f32 [tilespmem:s13], [sflag:$0x5], $0x80, s20, s16, $0xb8;
	[tilespmem:$0x1F240] =	vst v63  }
0x118: {  	_ =	swait.ge [sflag:s18], $0x4000  }
0x119: {  	[sflag:s18] =	ssyncset.done $0x0  }
0x11a: {  	[sflag:s18] =	ssyncadd.s32 $0xFFFFC000  }
0x11b: {  	v1 =	vld [tilespmem:s28+$0xFFFFFF10];
	_ =	sdelay $0x4  }
0x11c: {  	v1 =	vsub.s32 v1, v0  }
0x11d: {  	v1 =	vmin.u32 v1, $0x1400  }
0x11e: {  	[tilespmem:$0x15100] =	vst v1  }
0x11f: {  	v1 =	vld [tilespmem:s28+$0xFFFFFF20];
	_ =	sdelay $0x4  }
0x120: {  	v1 =	vsub.s32 v1, v0  }
0x121: {  	v1 =	vmin.u32 v1, $0x1400  }
0x122: {  	[tilespmem:$0x15110] =	vst v1  }
0x123: {  	v1 =	vld [tilespmem:s28+$0xFFFFFF30];
	_ =	sdelay $0x4  }
0x124: {  	v1 =	vsub.s32 v1, v0  }
0x125: {  	v1 =	vmin.u32 v1, $0x1400  }
0x126: {  	[tilespmem:$0x15120] =	vst v1  }
0x127: {  	v1 =	vld [tilespmem:s28+$0xFFFFFF40];
	_ =	sdelay $0x4  }
0x128: {  	v1 =	vsub.s32 v1, v0  }
0x129: {  	v1 =	vmin.u32 v1, $0x1400  }
0x12a: {  	[tilespmem:$0x15130] =	vst v1  }
0x12b: {  	v1 =	vld [tilespmem:s28+$0xFFFFFF50];
	_ =	sdelay $0x4  }
0x12c: {  	v1 =	vsub.s32 v1, v0  }
0x12d: {  	v1 =	vmin.u32 v1, $0x1400  }
0x12e: {  	[tilespmem:$0x15140] =	vst v1  }
0x12f: {  	v1 =	vld [tilespmem:s28+$0xFFFFFF60];
	_ =	sdelay $0x4  }
0x130: {  	v1 =	vsub.s32 v1, v0  }
0x131: {  	v1 =	vmin.u32 v1, $0x1400  }
0x132: {  	[tilespmem:$0x15150] =	vst v1  }
0x133: {  	v1 =	vld [tilespmem:s28+$0xFFFFFF70];
	_ =	sdelay $0x4  }
0x134: {  	v1 =	vsub.s32 v1, v0  }
0x135: {  	v1 =	vmin.u32 v1, $0x1400  }
0x136: {  	[tilespmem:$0x15160] =	vst v1  }
0x137: {  	v1 =	vld [tilespmem:s28+$0xFFFFFF80];
	_ =	sdelay $0x4  }
0x138: {  	v1 =	vsub.s32 v1, v0  }
0x139: {  	v1 =	vmin.u32 v1, $0x1400  }
0x13a: {  	[tilespmem:$0x15170] =	vst v1  }
0x13b: {  	_ =	swait.ge [sflag:s21], $0x4000  }
0x13c: {  	[sflag:s21] =	ssyncset.done $0x0  }
0x13d: {  	[sflag:s21] =	ssyncadd.s32 $0xFFFFC000  }
0x13e: {  	[spmem:s1] =	stream.indirect.scatter.add.f32 [tilespmem:s14], [sflag:$0x5], $0x80, s22, s16, $0xb8;
	[tilespmem:$0x1F240] =	vst v63  }
0x13f: {  	_ =	swait.ge [sflag:s18], $0x4000  }
0x140: {  	[sflag:s18] =	ssyncset.done $0x0  }
0x141: {  	[sflag:s18] =	ssyncadd.s32 $0xFFFFC000  }
0x142: {  	v1 =	vld [tilespmem:s28+$0xFFFFFF90];
	_ =	sdelay $0x4  }
0x143: {  	v1 =	vsub.s32 v1, v0  }
0x144: {  	v1 =	vmin.u32 v1, $0x1400  }
0x145: {  	[tilespmem:$0x15180] =	vst v1  }
0x146: {  	v1 =	vld [tilespmem:s28+$0xFFFFFFA0];
	_ =	sdelay $0x4  }
0x147: {  	v1 =	vsub.s32 v1, v0  }
0x148: {  	v1 =	vmin.u32 v1, $0x1400  }
0x149: {  	[tilespmem:$0x15190] =	vst v1  }
0x14a: {  	v1 =	vld [tilespmem:s28+$0xFFFFFFB0];
	_ =	sdelay $0x4  }
0x14b: {  	v1 =	vsub.s32 v1, v0  }
0x14c: {  	v1 =	vmin.u32 v1, $0x1400  }
0x14d: {  	[tilespmem:$0x151A0] =	vst v1  }
0x14e: {  	v1 =	vld [tilespmem:s28+$0xFFFFFFC0];
	_ =	sdelay $0x4  }
0x14f: {  	v1 =	vsub.s32 v1, v0  }
0x150: {  	v1 =	vmin.u32 v1, $0x1400  }
0x151: {  	[tilespmem:$0x151B0] =	vst v1  }
0x152: {  	v1 =	vld [tilespmem:s28+$0xFFFFFFD0];
	_ =	sdelay $0x4  }
0x153: {  	v1 =	vsub.s32 v1, v0  }
0x154: {  	v1 =	vmin.u32 v1, $0x1400  }
0x155: {  	[tilespmem:$0x151C0] =	vst v1  }
0x156: {  	v1 =	vld [tilespmem:s28+$0xFFFFFFE0];
	_ =	sdelay $0x4  }
0x157: {  	v1 =	vsub.s32 v1, v0  }
0x158: {  	v1 =	vmin.u32 v1, $0x1400  }
0x159: {  	[tilespmem:$0x151D0] =	vst v1  }
0x15a: {  	v1 =	vld [tilespmem:s28+$0xFFFFFFF0];
	_ =	sdelay $0x4  }
0x15b: {  	v1 =	vsub.s32 v1, v0  }
0x15c: {  	v1 =	vmin.u32 v1, $0x1400  }
0x15d: {  	[tilespmem:$0x151E0] =	vst v1  }
0x15e: {  	v1 =	vld [tilespmem:s28+$0x0];
	_ =	sdelay $0x4  }
0x15f: {  	v1 =	vsub.s32 v1, v0  }
0x160: {  	v1 =	vmin.u32 v1, $0x1400  }
0x161: {  	[tilespmem:$0x151F0] =	vst v1  }
0x162: {  	_ =	swait.ge [sflag:s23], $0x4000  }
0x163: {  	p1 =	sne.s32 s26, $0x26000;
	[sflag:s23] =	ssyncset.done $0x0  }
.Ltmp1:
0x164: {  	[sflag:s23] =	ssyncadd.s32 $0xFFFFC000;
	(pc) =	sbr.rel @p1 .LBB2_4-.Ltmp1, $4  }
0x165: {  	[spmem:s1] =	stream.indirect.scatter.add.f32 [tilespmem:s15], [sflag:$0x5], $0x80, s24, s16, $0xb8;
	[tilespmem:$0x1F240] =	vst v63  }
0x166: {  	_ =	swait.ge [sflag:s18], $0x4000  }
0x167: {  	[sflag:s18] =	ssyncset.done $0x0  }
0x168: {  	s26 =	sadd.s32 $0x2000, s26;
	s28 =	sadd.s32 $0x200, s28;
	[sflag:s18] =	ssyncadd.s32 $0xFFFFC000  }
0x169: {  	s25 =	sadd.s32 $0x1, s25  }
0x16a: {  	p1 =	sne.s32 s25, s7  }
.Ltmp2:
0x16b: {  	[bflag:$0x0] =	sbarrier.arrive $0xFFFF;
	(pc) =	sbr.rel @p1 .LBB2_1-.Ltmp2, $4  }
0x16c: {  	[hbm:s6], [sflag:s4] =	dma.local [spmem:s9], $0x1400  }
0x16d: {  	_ =	swait.ge [sflag:s10], $0x1400  }
0x16e: {  	[sflag:s10] =	ssyncset.done $0x0  }
0x16f: {  	[sflag:s10] =	ssyncadd.s32 $0xFFFFEC00  }
0x170: {  	_ =	sfence.sel $0x180000  }
0x171: {  	[bflag:$0x0] =	sbarrier.arrive $0xFFFF  }
0x172: {  	_ =	strace $0x90000050  }
0x173: {  	s0 =	sadd.s32 @!p0 $0x100000, s0;
	[bflag:$0x2] =	sbarrier.arrive $0xFFFF  }
0x174: {  	[sflag:s0] =	ssyncadd.tile.s32 @!p0 $0x1;
	_ =	shalt  }
.Lfunc_end2:
_tile_overlayer_lowered:
.L_overlay_start_2:
0x175: {  	(tag) =	ssettag $0x2  }
0x176: {  	s0 =	rddreg [dreg:$0x0];
	s2 =	stileid.u32  }
0x177: {  	s1 =	rddreg [dreg:$0x1];
	p0 =	sne.s32 s2, $0x0  }
0x178: {  	s3 =	rddreg [dreg:$0x2];
	[bflag:$0x3] =	sbarrier.arrive $0xFFFF;
	s2 =	simm.s32 @!p0 $0x1C05  }
0x179: {  	[timem:s3], [sflag:s2] =	dma.local @!p0 [hbm:s0], s1  }
0x17a: {  	s0 =	simm.s32 @!p0 $0x5  }
0x17b: {  	_ =	swait.ge @!p0 [sflag:s0], s1  }
0x17c: {  	s1 =	ssub.s32 @!p0 $0x0, s1;
	[sflag:s0] =	ssyncset.done @!p0 $0x0  }
0x17d: {  	[sflag:s0] =	ssyncadd.s32 @!p0 s1  }
0x17e: {  	[bflag:$0x3] =	sbarrier.arrive $0xFFFF  }
0x17f: {  	_ =	shalt  }

</sc_bundles>
